<compile_context>
chip_gen: v7x
topology: tpu7x:2x2x1
jax: 0.10.2.dev20260603
libtpu: 0.0.44.dev20260713+nightly
codegen_flags: <defaults>
</compile_context>

<pallas_src>
import functools

import jax
import jax.numpy as jnp
from jax import lax
from jax.experimental import pallas as pl
from jax.experimental.pallas import tpu as pltpu
from jax.experimental.pallas import tpu_sc as plsc

D = 128
M = 50000
KNBR = 4
B = 80
NBLK = M // B
NPAIR = KNBR // 2
NTASK = NPAIR * NBLK
NC = 2
NS = 16
NW = NC * NS
NTPW = -(-NTASK // NW)
H = D // 2

_mesh = plsc.VectorSubcoreMesh(core_axis_name="c", subcore_axis_name="s")


@functools.partial(
    pl.kernel,
    out_type=jax.ShapeDtypeStruct((2 * M, KNBR * H), jnp.float32),
    mesh=_mesh,
    compiler_params=pltpu.CompilerParams(
        use_tc_tiling_on_sc=True, needs_layout_passes=False
    ),
    scratch_types=[
        pltpu.VMEM((2 * NTPW * D,), jnp.int32),
        pltpu.VMEM((B, D), jnp.float32),
        pltpu.VMEM((B, D), jnp.float32),
        pltpu.VMEM((B, D), jnp.float32),
        pltpu.VMEM((B, D), jnp.float32),
        pltpu.VMEM((B, 2 * D), jnp.float32),
        pltpu.VMEM((B, 2 * D), jnp.float32),
        pltpu.SemaphoreType.DMA,
        pltpu.SemaphoreType.DMA,
        pltpu.SemaphoreType.DMA,
        pltpu.SemaphoreType.DMA,
    ],
)
def _gather_deinterleave(yd_hbm, idxw_hbm, out_hbm,
                         idx_all, ra0, rb0, ra1, rb1, de0, de1,
                         semr0, semr1, semt0, semt1):
    wid = lax.axis_index("s") * NC + lax.axis_index("c")
    last = jnp.where(wid < NTASK - (NTPW - 1) * NW, NTPW - 1, NTPW - 2)
    viota = lax.iota(jnp.int32, 16)
    sidx = [[(viota & 1) * D + x * H + 8 * u + (viota >> 1)
             for u in range(D // 16)] for x in range(2)]
    rows = ((ra0, rb0), (ra1, rb1))
    des = (de0, de1)
    semr = (semr0, semr1)
    semt = (semt0, semt1)

    pltpu.sync_copy(
        idxw_hbm.at[pl.ds(wid * 2 * NTPW * D, 2 * NTPW * D)], idx_all
    )

    def start_gather(li, p):
        r2 = 2 * jnp.minimum(li, last)
        for x in range(2):
            pltpu.async_copy(
                yd_hbm.at[idx_all.at[pl.ds((r2 + x) * D, B)]],
                rows[p][x], semr[p],
            )

    def wait_rows(p):
        for x in range(2):
            pltpu.make_async_copy(
                yd_hbm.at[pl.ds(0, B)], rows[p][x], semr[p]
            ).wait()

    def wait_out(p):
        for s in range(2):
            pltpu.make_async_copy(
                des[p].at[:, pl.ds(s * D, D)],
                out_hbm.at[pl.ds(s * M, B), pl.ds(0, D)],
                semt[p],
            ).wait()

    def deinterleave(p):
        @plsc.parallel_loop(0, B, 1, unroll=2)
        def _row(c):
            rc = jnp.full((16,), c, jnp.int32)
            for x in range(2):
                src = rows[p][x]
                for u in range(D // 16):
                    v = src[c, pl.ds(16 * u, 16)]
                    plsc.store_scatter(des[p], [rc, sidx[x][u]], v)

    def start_out(li, p):
        t = wid + jnp.minimum(li, last) * NW
        q = t // NBLK
        mm0 = (t % NBLK) * B
        for s in range(2):
            pltpu.async_copy(
                des[p].at[:, pl.ds(s * D, D)],
                out_hbm.at[pl.ds(s * M + mm0, B), pl.ds(q * D, D)],
                semt[p],
            )

    def step(li, p, start_next=True, wait_t=True):
        if start_next:
            start_gather(li + 1, 1 - p)
        if wait_t:
            wait_out(p)
        wait_rows(p)
        deinterleave(p)
        start_out(li, p)

    start_gather(0, 0)
    step(0, 0, wait_t=False)
    step(1, 1, wait_t=False)

    @pl.loop(2, NTPW - 2, step=2)
    def _main(i):
        step(i, 0)
        step(i + 1, 1)

    step(NTPW - 2, 0)
    step(NTPW - 1, 1, start_next=False)
    wait_out(0)
    wait_out(1)


def kernel(y_patch, yd_patch, idx_k):
    del y_patch
    idxt = jnp.transpose(idx_k[0].astype(jnp.int32), (1, 0))
    blocks = idxt.reshape(NPAIR, 2, NBLK, B)
    tasks = jnp.transpose(blocks, (0, 2, 1, 3)).reshape(NTASK, 2, B)
    tasks = jnp.pad(tasks, ((0, NW * NTPW - NTASK), (0, 0), (0, D - B)))
    idxw = jnp.transpose(tasks.reshape(NTPW, NW, 2, D), (1, 0, 2, 3))
    idxw = idxw.reshape(NW * 2 * NTPW * D)
    p_out = _gather_deinterleave(yd_patch, idxw)
    return jnp.transpose(p_out, (1, 0))[None]

# --- scband reference (transcript-rebuilt; emitter-appended) ---
"""Pipeline reference for scband-graph-aggregation-spatial-74285754351630 (READ-ONLY COPY).

The authoritative reference and input builder live on the scoring server;
editing this copy changes nothing except your own understanding.
"""

import jax, jax.numpy as jnp
import numpy as np

SCALE = 2
K = 4

def setup_inputs(seed: int = 0) -> dict:
    key = jax.random.key(seed)
    k1, k2, k3 = jax.random.split(key, 3)
    y_patch = jax.random.normal(k1, (50000, 64), dtype=jnp.float32)
    yd_patch = jax.random.normal(k2, (50000, 128), dtype=jnp.float32)
    idx_k = jax.random.randint(k3, (1, 50000, K), 0, 50000, dtype=jnp.int64)
    return {"y_patch": y_patch, "yd_patch": yd_patch, "idx_k": idx_k}

def reference(y_patch, yd_patch, idx_k):
    scale = SCALE
    k = K
    y = y_patch[None]                                  # [1, m, Fy]
    yd = yd_patch[None].reshape(1, y.shape[1], -1)     # [1, n=m, f]
    b, n, f = yd.shape
    m = y.shape[1]
    # aggregation: yd -> [b, f, n]; gather neighbors along n for each query
    ydt = jnp.transpose(yd[0], (1, 0))                 # [f, n]
    z = jnp.take(ydt, idx_k[0], axis=1)                # [f, m, k]
    z = jnp.transpose(z, (1, 0, 2))[None]              # [1, m, f, k] (gather output)
    z = jnp.transpose(z, (0, 3, 2, 1))                 # [1, k, f, m]
    z_sr = z.reshape(b, k, f // scale, scale, m)
    z_sr = z_sr.reshape(b, k * (f // scale), m * scale)
    return z_sr

if __name__ == "__main__":
    import jax
    _d = setup_inputs()
    print(jax.jit(kernel)(*tuple(_d.values())))

</pallas_src>

<mosaic_0001>
#map = affine_map<(d0, d1) -> (0, 0)>
#map1 = affine_map<(d0, d1) -> (0)>
module attributes {stable_mosaic.version = 14 : i64} {
  func.func @_gather_deinterleave(%arg0: i32, %arg1: i32, %arg2: memref<50000x128xf32, #tpu.memory_space<hbm>>, %arg3: memref<327680xi32, #tpu.memory_space<hbm>>, %arg4: memref<100000x256xf32, #tpu.memory_space<hbm>>, %arg5: memref<10240xi32, #tpu.memory_space<vmem>>, %arg6: memref<80x128xf32, #tpu.memory_space<vmem>>, %arg7: memref<80x128xf32, #tpu.memory_space<vmem>>, %arg8: memref<80x128xf32, #tpu.memory_space<vmem>>, %arg9: memref<80x128xf32, #tpu.memory_space<vmem>>, %arg10: memref<80x256xf32, #tpu.memory_space<vmem>>, %arg11: memref<80x256xf32, #tpu.memory_space<vmem>>, %arg12: memref<!tpu.dma_semaphore, #tpu.memory_space<semaphore_mem>>, %arg13: memref<!tpu.dma_semaphore, #tpu.memory_space<semaphore_mem>>, %arg14: memref<!tpu.dma_semaphore, #tpu.memory_space<semaphore_mem>>, %arg15: memref<!tpu.dma_semaphore, #tpu.memory_space<semaphore_mem>>) attributes {dimension_semantics = [#tpu.dimension_semantics<core_parallel>, #tpu.dimension_semantics<subcore_parallel>], iteration_bounds = array<i64: 2, 16>, scalar_prefetch = 0 : i64, scratch_operands = 11 : i64, tpu.core_type = #tpu.core_type<sc_vector_subcore>, window_params = [{transform_indices = #map}, {transform_indices = #map1}, {transform_indices = #map}]} {
    %mul3A = arith.constant 2 : i32
    %mul3A_0 = arith.muli %arg1, %mul3A : i32
    %add3A = arith.addi %mul3A_0, %arg0 : i32
    %lt3A = arith.constant 2 : i32
    %lt3A_1 = arith.cmpi slt, %add3A, %lt3A : i32
    %jit3A = arith.constant 39 : i32
    %jit3A_2 = arith.constant 38 : i32
    %select_n3A = arith.select %lt3A_1, %jit3A, %jit3A_2 : i32
    %iota3A = tpu.iota {dimensions = array<i32: 0>} : vector<16xi32>
    %and3A = arith.constant 1 : i32
    %and3A_3 = vector.broadcast %and3A : i32 to vector<16xi32>
    %and3A_4 = arith.andi %iota3A, %and3A_3 : vector<16xi32>
    %mul3A_5 = arith.constant 128 : i32
    %mul3A_6 = vector.broadcast %mul3A_5 : i32 to vector<16xi32>
    %mul3A_7 = arith.muli %and3A_4, %mul3A_6 : vector<16xi32>
    %add3A_8 = arith.constant 0 : i32
    %add3A_9 = vector.broadcast %add3A_8 : i32 to vector<16xi32>
    %add3A_10 = arith.addi %mul3A_7, %add3A_9 : vector<16xi32>
    %add3A_11 = arith.constant 0 : i32
    %add3A_12 = vector.broadcast %add3A_11 : i32 to vector<16xi32>
    %add3A_13 = arith.addi %add3A_10, %add3A_12 : vector<16xi32>
    %shift_right_arithmetic3A = arith.constant 1 : i32
    %shift_right_arithmetic3A_14 = vector.broadcast %shift_right_arithmetic3A : i32 to vector<16xi32>
    %shift_right_arithmetic3A_15 = arith.shrsi %iota3A, %shift_right_arithmetic3A_14 : vector<16xi32>
    %add3A_16 = arith.addi %add3A_13, %shift_right_arithmetic3A_15 : vector<16xi32>
    %and3A_17 = arith.constant 1 : i32
    %and3A_18 = vector.broadcast %and3A_17 : i32 to vector<16xi32>
    %and3A_19 = arith.andi %iota3A, %and3A_18 : vector<16xi32>
    %mul3A_20 = arith.constant 128 : i32
    %mul3A_21 = vector.broadcast %mul3A_20 : i32 to vector<16xi32>
    %mul3A_22 = arith.muli %and3A_19, %mul3A_21 : vector<16xi32>
    %add3A_23 = arith.constant 0 : i32
    %add3A_24 = vector.broadcast %add3A_23 : i32 to vector<16xi32>
    %add3A_25 = arith.addi %mul3A_22, %add3A_24 : vector<16xi32>
    %add3A_26 = arith.constant 8 : i32
    %add3A_27 = vector.broadcast %add3A_26 : i32 to vector<16xi32>
    %add3A_28 = arith.addi %add3A_25, %add3A_27 : vector<16xi32>
    %shift_right_arithmetic3A_29 = arith.constant 1 : i32
    %shift_right_arithmetic3A_30 = vector.broadcast %shift_right_arithmetic3A_29 : i32 to vector<16xi32>
    %shift_right_arithmetic3A_31 = arith.shrsi %iota3A, %shift_right_arithmetic3A_30 : vector<16xi32>
    %add3A_32 = arith.addi %add3A_28, %shift_right_arithmetic3A_31 : vector<16xi32>
    %and3A_33 = arith.constant 1 : i32
    %and3A_34 = vector.broadcast %and3A_33 : i32 to vector<16xi32>
    %and3A_35 = arith.andi %iota3A, %and3A_34 : vector<16xi32>
    %mul3A_36 = arith.constant 128 : i32
    %mul3A_37 = vector.broadcast %mul3A_36 : i32 to vector<16xi32>
    %mul3A_38 = arith.muli %and3A_35, %mul3A_37 : vector<16xi32>
    %add3A_39 = arith.constant 0 : i32
    %add3A_40 = vector.broadcast %add3A_39 : i32 to vector<16xi32>
    %add3A_41 = arith.addi %mul3A_38, %add3A_40 : vector<16xi32>
    %add3A_42 = arith.constant 16 : i32
    %add3A_43 = vector.broadcast %add3A_42 : i32 to vector<16xi32>
    %add3A_44 = arith.addi %add3A_41, %add3A_43 : vector<16xi32>
    %shift_right_arithmetic3A_45 = arith.constant 1 : i32
    %shift_right_arithmetic3A_46 = vector.broadcast %shift_right_arithmetic3A_45 : i32 to vector<16xi32>
    %shift_right_arithmetic3A_47 = arith.shrsi %iota3A, %shift_right_arithmetic3A_46 : vector<16xi32>
    %add3A_48 = arith.addi %add3A_44, %shift_right_arithmetic3A_47 : vector<16xi32>
    %and3A_49 = arith.constant 1 : i32
    %and3A_50 = vector.broadcast %and3A_49 : i32 to vector<16xi32>
    %and3A_51 = arith.andi %iota3A, %and3A_50 : vector<16xi32>
    %mul3A_52 = arith.constant 128 : i32
    %mul3A_53 = vector.broadcast %mul3A_52 : i32 to vector<16xi32>
    %mul3A_54 = arith.muli %and3A_51, %mul3A_53 : vector<16xi32>
    %add3A_55 = arith.constant 0 : i32
    %add3A_56 = vector.broadcast %add3A_55 : i32 to vector<16xi32>
    %add3A_57 = arith.addi %mul3A_54, %add3A_56 : vector<16xi32>
    %add3A_58 = arith.constant 24 : i32
    %add3A_59 = vector.broadcast %add3A_58 : i32 to vector<16xi32>
    %add3A_60 = arith.addi %add3A_57, %add3A_59 : vector<16xi32>
    %shift_right_arithmetic3A_61 = arith.constant 1 : i32
    %shift_right_arithmetic3A_62 = vector.broadcast %shift_right_arithmetic3A_61 : i32 to vector<16xi32>
    %shift_right_arithmetic3A_63 = arith.shrsi %iota3A, %shift_right_arithmetic3A_62 : vector<16xi32>
    %add3A_64 = arith.addi %add3A_60, %shift_right_arithmetic3A_63 : vector<16xi32>
    %and3A_65 = arith.constant 1 : i32
    %and3A_66 = vector.broadcast %and3A_65 : i32 to vector<16xi32>
    %and3A_67 = arith.andi %iota3A, %and3A_66 : vector<16xi32>
    %mul3A_68 = arith.constant 128 : i32
    %mul3A_69 = vector.broadcast %mul3A_68 : i32 to vector<16xi32>
    %mul3A_70 = arith.muli %and3A_67, %mul3A_69 : vector<16xi32>
    %add3A_71 = arith.constant 0 : i32
    %add3A_72 = vector.broadcast %add3A_71 : i32 to vector<16xi32>
    %add3A_73 = arith.addi %mul3A_70, %add3A_72 : vector<16xi32>
    %add3A_74 = arith.constant 32 : i32
    %add3A_75 = vector.broadcast %add3A_74 : i32 to vector<16xi32>
    %add3A_76 = arith.addi %add3A_73, %add3A_75 : vector<16xi32>
    %shift_right_arithmetic3A_77 = arith.constant 1 : i32
    %shift_right_arithmetic3A_78 = vector.broadcast %shift_right_arithmetic3A_77 : i32 to vector<16xi32>
    %shift_right_arithmetic3A_79 = arith.shrsi %iota3A, %shift_right_arithmetic3A_78 : vector<16xi32>
    %add3A_80 = arith.addi %add3A_76, %shift_right_arithmetic3A_79 : vector<16xi32>
    %and3A_81 = arith.constant 1 : i32
    %and3A_82 = vector.broadcast %and3A_81 : i32 to vector<16xi32>
    %and3A_83 = arith.andi %iota3A, %and3A_82 : vector<16xi32>
    %mul3A_84 = arith.constant 128 : i32
    %mul3A_85 = vector.broadcast %mul3A_84 : i32 to vector<16xi32>
    %mul3A_86 = arith.muli %and3A_83, %mul3A_85 : vector<16xi32>
    %add3A_87 = arith.constant 0 : i32
    %add3A_88 = vector.broadcast %add3A_87 : i32 to vector<16xi32>
    %add3A_89 = arith.addi %mul3A_86, %add3A_88 : vector<16xi32>
    %add3A_90 = arith.constant 40 : i32
    %add3A_91 = vector.broadcast %add3A_90 : i32 to vector<16xi32>
    %add3A_92 = arith.addi %add3A_89, %add3A_91 : vector<16xi32>
    %shift_right_arithmetic3A_93 = arith.constant 1 : i32
    %shift_right_arithmetic3A_94 = vector.broadcast %shift_right_arithmetic3A_93 : i32 to vector<16xi32>
    %shift_right_arithmetic3A_95 = arith.shrsi %iota3A, %shift_right_arithmetic3A_94 : vector<16xi32>
    %add3A_96 = arith.addi %add3A_92, %shift_right_arithmetic3A_95 : vector<16xi32>
    %and3A_97 = arith.constant 1 : i32
    %and3A_98 = vector.broadcast %and3A_97 : i32 to vector<16xi32>
    %and3A_99 = arith.andi %iota3A, %and3A_98 : vector<16xi32>
    %mul3A_100 = arith.constant 128 : i32
    %mul3A_101 = vector.broadcast %mul3A_100 : i32 to vector<16xi32>
    %mul3A_102 = arith.muli %and3A_99, %mul3A_101 : vector<16xi32>
    %add3A_103 = arith.constant 0 : i32
    %add3A_104 = vector.broadcast %add3A_103 : i32 to vector<16xi32>
    %add3A_105 = arith.addi %mul3A_102, %add3A_104 : vector<16xi32>
    %add3A_106 = arith.constant 48 : i32
    %add3A_107 = vector.broadcast %add3A_106 : i32 to vector<16xi32>
    %add3A_108 = arith.addi %add3A_105, %add3A_107 : vector<16xi32>
    %shift_right_arithmetic3A_109 = arith.constant 1 : i32
    %shift_right_arithmetic3A_110 = vector.broadcast %shift_right_arithmetic3A_109 : i32 to vector<16xi32>
    %shift_right_arithmetic3A_111 = arith.shrsi %iota3A, %shift_right_arithmetic3A_110 : vector<16xi32>
    %add3A_112 = arith.addi %add3A_108, %shift_right_arithmetic3A_111 : vector<16xi32>
    %and3A_113 = arith.constant 1 : i32
    %and3A_114 = vector.broadcast %and3A_113 : i32 to vector<16xi32>
    %and3A_115 = arith.andi %iota3A, %and3A_114 : vector<16xi32>
    %mul3A_116 = arith.constant 128 : i32
    %mul3A_117 = vector.broadcast %mul3A_116 : i32 to vector<16xi32>
    %mul3A_118 = arith.muli %and3A_115, %mul3A_117 : vector<16xi32>
    %add3A_119 = arith.constant 0 : i32
    %add3A_120 = vector.broadcast %add3A_119 : i32 to vector<16xi32>
    %add3A_121 = arith.addi %mul3A_118, %add3A_120 : vector<16xi32>
    %add3A_122 = arith.constant 56 : i32
    %add3A_123 = vector.broadcast %add3A_122 : i32 to vector<16xi32>
    %add3A_124 = arith.addi %add3A_121, %add3A_123 : vector<16xi32>
    %shift_right_arithmetic3A_125 = arith.constant 1 : i32
    %shift_right_arithmetic3A_126 = vector.broadcast %shift_right_arithmetic3A_125 : i32 to vector<16xi32>
    %shift_right_arithmetic3A_127 = arith.shrsi %iota3A, %shift_right_arithmetic3A_126 : vector<16xi32>
    %add3A_128 = arith.addi %add3A_124, %shift_right_arithmetic3A_127 : vector<16xi32>
    %and3A_129 = arith.constant 1 : i32
    %and3A_130 = vector.broadcast %and3A_129 : i32 to vector<16xi32>
    %and3A_131 = arith.andi %iota3A, %and3A_130 : vector<16xi32>
    %mul3A_132 = arith.constant 128 : i32
    %mul3A_133 = vector.broadcast %mul3A_132 : i32 to vector<16xi32>
    %mul3A_134 = arith.muli %and3A_131, %mul3A_133 : vector<16xi32>
    %add3A_135 = arith.constant 64 : i32
    %add3A_136 = vector.broadcast %add3A_135 : i32 to vector<16xi32>
    %add3A_137 = arith.addi %mul3A_134, %add3A_136 : vector<16xi32>
    %add3A_138 = arith.constant 0 : i32
    %add3A_139 = vector.broadcast %add3A_138 : i32 to vector<16xi32>
    %add3A_140 = arith.addi %add3A_137, %add3A_139 : vector<16xi32>
    %shift_right_arithmetic3A_141 = arith.constant 1 : i32
    %shift_right_arithmetic3A_142 = vector.broadcast %shift_right_arithmetic3A_141 : i32 to vector<16xi32>
    %shift_right_arithmetic3A_143 = arith.shrsi %iota3A, %shift_right_arithmetic3A_142 : vector<16xi32>
    %add3A_144 = arith.addi %add3A_140, %shift_right_arithmetic3A_143 : vector<16xi32>
    %and3A_145 = arith.constant 1 : i32
    %and3A_146 = vector.broadcast %and3A_145 : i32 to vector<16xi32>
    %and3A_147 = arith.andi %iota3A, %and3A_146 : vector<16xi32>
    %mul3A_148 = arith.constant 128 : i32
    %mul3A_149 = vector.broadcast %mul3A_148 : i32 to vector<16xi32>
    %mul3A_150 = arith.muli %and3A_147, %mul3A_149 : vector<16xi32>
    %add3A_151 = arith.constant 64 : i32
    %add3A_152 = vector.broadcast %add3A_151 : i32 to vector<16xi32>
    %add3A_153 = arith.addi %mul3A_150, %add3A_152 : vector<16xi32>
    %add3A_154 = arith.constant 8 : i32
    %add3A_155 = vector.broadcast %add3A_154 : i32 to vector<16xi32>
    %add3A_156 = arith.addi %add3A_153, %add3A_155 : vector<16xi32>
    %shift_right_arithmetic3A_157 = arith.constant 1 : i32
    %shift_right_arithmetic3A_158 = vector.broadcast %shift_right_arithmetic3A_157 : i32 to vector<16xi32>
    %shift_right_arithmetic3A_159 = arith.shrsi %iota3A, %shift_right_arithmetic3A_158 : vector<16xi32>
    %add3A_160 = arith.addi %add3A_156, %shift_right_arithmetic3A_159 : vector<16xi32>
    %and3A_161 = arith.constant 1 : i32
    %and3A_162 = vector.broadcast %and3A_161 : i32 to vector<16xi32>
    %and3A_163 = arith.andi %iota3A, %and3A_162 : vector<16xi32>
    %mul3A_164 = arith.constant 128 : i32
    %mul3A_165 = vector.broadcast %mul3A_164 : i32 to vector<16xi32>
    %mul3A_166 = arith.muli %and3A_163, %mul3A_165 : vector<16xi32>
    %add3A_167 = arith.constant 64 : i32
    %add3A_168 = vector.broadcast %add3A_167 : i32 to vector<16xi32>
    %add3A_169 = arith.addi %mul3A_166, %add3A_168 : vector<16xi32>
    %add3A_170 = arith.constant 16 : i32
    %add3A_171 = vector.broadcast %add3A_170 : i32 to vector<16xi32>
    %add3A_172 = arith.addi %add3A_169, %add3A_171 : vector<16xi32>
    %shift_right_arithmetic3A_173 = arith.constant 1 : i32
    %shift_right_arithmetic3A_174 = vector.broadcast %shift_right_arithmetic3A_173 : i32 to vector<16xi32>
    %shift_right_arithmetic3A_175 = arith.shrsi %iota3A, %shift_right_arithmetic3A_174 : vector<16xi32>
    %add3A_176 = arith.addi %add3A_172, %shift_right_arithmetic3A_175 : vector<16xi32>
    %and3A_177 = arith.constant 1 : i32
    %and3A_178 = vector.broadcast %and3A_177 : i32 to vector<16xi32>
    %and3A_179 = arith.andi %iota3A, %and3A_178 : vector<16xi32>
    %mul3A_180 = arith.constant 128 : i32
    %mul3A_181 = vector.broadcast %mul3A_180 : i32 to vector<16xi32>
    %mul3A_182 = arith.muli %and3A_179, %mul3A_181 : vector<16xi32>
    %add3A_183 = arith.constant 64 : i32
    %add3A_184 = vector.broadcast %add3A_183 : i32 to vector<16xi32>
    %add3A_185 = arith.addi %mul3A_182, %add3A_184 : vector<16xi32>
    %add3A_186 = arith.constant 24 : i32
    %add3A_187 = vector.broadcast %add3A_186 : i32 to vector<16xi32>
    %add3A_188 = arith.addi %add3A_185, %add3A_187 : vector<16xi32>
    %shift_right_arithmetic3A_189 = arith.constant 1 : i32
    %shift_right_arithmetic3A_190 = vector.broadcast %shift_right_arithmetic3A_189 : i32 to vector<16xi32>
    %shift_right_arithmetic3A_191 = arith.shrsi %iota3A, %shift_right_arithmetic3A_190 : vector<16xi32>
    %add3A_192 = arith.addi %add3A_188, %shift_right_arithmetic3A_191 : vector<16xi32>
    %and3A_193 = arith.constant 1 : i32
    %and3A_194 = vector.broadcast %and3A_193 : i32 to vector<16xi32>
    %and3A_195 = arith.andi %iota3A, %and3A_194 : vector<16xi32>
    %mul3A_196 = arith.constant 128 : i32
    %mul3A_197 = vector.broadcast %mul3A_196 : i32 to vector<16xi32>
    %mul3A_198 = arith.muli %and3A_195, %mul3A_197 : vector<16xi32>
    %add3A_199 = arith.constant 64 : i32
    %add3A_200 = vector.broadcast %add3A_199 : i32 to vector<16xi32>
    %add3A_201 = arith.addi %mul3A_198, %add3A_200 : vector<16xi32>
    %add3A_202 = arith.constant 32 : i32
    %add3A_203 = vector.broadcast %add3A_202 : i32 to vector<16xi32>
    %add3A_204 = arith.addi %add3A_201, %add3A_203 : vector<16xi32>
    %shift_right_arithmetic3A_205 = arith.constant 1 : i32
    %shift_right_arithmetic3A_206 = vector.broadcast %shift_right_arithmetic3A_205 : i32 to vector<16xi32>
    %shift_right_arithmetic3A_207 = arith.shrsi %iota3A, %shift_right_arithmetic3A_206 : vector<16xi32>
    %add3A_208 = arith.addi %add3A_204, %shift_right_arithmetic3A_207 : vector<16xi32>
    %and3A_209 = arith.constant 1 : i32
    %and3A_210 = vector.broadcast %and3A_209 : i32 to vector<16xi32>
    %and3A_211 = arith.andi %iota3A, %and3A_210 : vector<16xi32>
    %mul3A_212 = arith.constant 128 : i32
    %mul3A_213 = vector.broadcast %mul3A_212 : i32 to vector<16xi32>
    %mul3A_214 = arith.muli %and3A_211, %mul3A_213 : vector<16xi32>
    %add3A_215 = arith.constant 64 : i32
    %add3A_216 = vector.broadcast %add3A_215 : i32 to vector<16xi32>
    %add3A_217 = arith.addi %mul3A_214, %add3A_216 : vector<16xi32>
    %add3A_218 = arith.constant 40 : i32
    %add3A_219 = vector.broadcast %add3A_218 : i32 to vector<16xi32>
    %add3A_220 = arith.addi %add3A_217, %add3A_219 : vector<16xi32>
    %shift_right_arithmetic3A_221 = arith.constant 1 : i32
    %shift_right_arithmetic3A_222 = vector.broadcast %shift_right_arithmetic3A_221 : i32 to vector<16xi32>
    %shift_right_arithmetic3A_223 = arith.shrsi %iota3A, %shift_right_arithmetic3A_222 : vector<16xi32>
    %add3A_224 = arith.addi %add3A_220, %shift_right_arithmetic3A_223 : vector<16xi32>
    %and3A_225 = arith.constant 1 : i32
    %and3A_226 = vector.broadcast %and3A_225 : i32 to vector<16xi32>
    %and3A_227 = arith.andi %iota3A, %and3A_226 : vector<16xi32>
    %mul3A_228 = arith.constant 128 : i32
    %mul3A_229 = vector.broadcast %mul3A_228 : i32 to vector<16xi32>
    %mul3A_230 = arith.muli %and3A_227, %mul3A_229 : vector<16xi32>
    %add3A_231 = arith.constant 64 : i32
    %add3A_232 = vector.broadcast %add3A_231 : i32 to vector<16xi32>
    %add3A_233 = arith.addi %mul3A_230, %add3A_232 : vector<16xi32>
    %add3A_234 = arith.constant 48 : i32
    %add3A_235 = vector.broadcast %add3A_234 : i32 to vector<16xi32>
    %add3A_236 = arith.addi %add3A_233, %add3A_235 : vector<16xi32>
    %shift_right_arithmetic3A_237 = arith.constant 1 : i32
    %shift_right_arithmetic3A_238 = vector.broadcast %shift_right_arithmetic3A_237 : i32 to vector<16xi32>
    %shift_right_arithmetic3A_239 = arith.shrsi %iota3A, %shift_right_arithmetic3A_238 : vector<16xi32>
    %add3A_240 = arith.addi %add3A_236, %shift_right_arithmetic3A_239 : vector<16xi32>
    %and3A_241 = arith.constant 1 : i32
    %and3A_242 = vector.broadcast %and3A_241 : i32 to vector<16xi32>
    %and3A_243 = arith.andi %iota3A, %and3A_242 : vector<16xi32>
    %mul3A_244 = arith.constant 128 : i32
    %mul3A_245 = vector.broadcast %mul3A_244 : i32 to vector<16xi32>
    %mul3A_246 = arith.muli %and3A_243, %mul3A_245 : vector<16xi32>
    %add3A_247 = arith.constant 64 : i32
    %add3A_248 = vector.broadcast %add3A_247 : i32 to vector<16xi32>
    %add3A_249 = arith.addi %mul3A_246, %add3A_248 : vector<16xi32>
    %add3A_250 = arith.constant 56 : i32
    %add3A_251 = vector.broadcast %add3A_250 : i32 to vector<16xi32>
    %add3A_252 = arith.addi %add3A_249, %add3A_251 : vector<16xi32>
    %shift_right_arithmetic3A_253 = arith.constant 1 : i32
    %shift_right_arithmetic3A_254 = vector.broadcast %shift_right_arithmetic3A_253 : i32 to vector<16xi32>
    %shift_right_arithmetic3A_255 = arith.shrsi %iota3A, %shift_right_arithmetic3A_254 : vector<16xi32>
    %add3A_256 = arith.addi %add3A_252, %shift_right_arithmetic3A_255 : vector<16xi32>
    %mul3A_257 = arith.constant 2 : i32
    %mul3A_258 = arith.muli %add3A, %mul3A_257 : i32
    %mul3A_259 = arith.constant 40 : i32
    %mul3A_260 = arith.muli %mul3A_258, %mul3A_259 : i32
    %mul3A_261 = arith.constant 128 : i32
    %mul3A_262 = arith.muli %mul3A_260, %mul3A_261 : i32
    "tpu.region"() ({
      %run_scoped3A = tpu.sem_alloc : memref<!tpu.dma_semaphore, #tpu.memory_space<semaphore_mem>>
      %dma_start3A_777 = tpu.memref_slice %arg3[%mul3A_262] : memref<327680xi32, #tpu.memory_space<hbm>> -> memref<10240xi32, #tpu.memory_space<hbm>>
      %dma_start3A_778 = tpu.memref_slice %arg3[%mul3A_262] : memref<327680xi32, #tpu.memory_space<hbm>> -> memref<10240xi32, #tpu.memory_space<hbm>>
      tpu.enqueue_dma source(%dma_start3A_778 : memref<10240xi32, #tpu.memory_space<hbm>>) target(%arg5 : memref<10240xi32, #tpu.memory_space<vmem>>) target_semaphore(%run_scoped3A : memref<!tpu.dma_semaphore, #tpu.memory_space<semaphore_mem>>)
      %dma_wait3A_779 = tpu.memref_slice %arg3[%mul3A_262] : memref<327680xi32, #tpu.memory_space<hbm>> -> memref<10240xi32, #tpu.memory_space<hbm>>
      %dma_wait3A_780 = tpu.memref_slice %arg3[%mul3A_262] : memref<327680xi32, #tpu.memory_space<hbm>> -> memref<10240xi32, #tpu.memory_space<hbm>>
      tpu.wait_dma2 semaphore(%run_scoped3A : memref<!tpu.dma_semaphore, #tpu.memory_space<semaphore_mem>>) src(%dma_wait3A_780 : memref<10240xi32, #tpu.memory_space<hbm>>) dst(%arg5 : memref<10240xi32, #tpu.memory_space<vmem>>)
      tpu.yield
    }) : () -> ()
    %min3A = arith.constant 0 : i32
    %min3A_263 = arith.minsi %min3A, %select_n3A : i32
    %mul3A_264 = arith.constant 2 : i32
    %mul3A_265 = arith.muli %mul3A_264, %min3A_263 : i32
    %add3A_266 = arith.constant 0 : i32
    %add3A_267 = arith.addi %mul3A_265, %add3A_266 : i32
    %mul3A_268 = arith.constant 128 : i32
    %mul3A_269 = arith.muli %add3A_267, %mul3A_268 : i32
    %dma_start3A = tpu.memref_slice %arg5[%mul3A_269] : memref<10240xi32, #tpu.memory_space<vmem>> -> memref<80xi32, #tpu.memory_space<vmem>>
    %dma_start3A_270 = arith.constant 0 : i32
    %dma_start3A_271 = arith.constant 0 : i32
    %dma_start3A_272 = tpu.memref_slice %arg2[%dma_start3A_270, %dma_start3A_271] : memref<50000x128xf32, #tpu.memory_space<hbm>> -> memref<50000x128xf32, #tpu.memory_space<hbm>>
    tpu.enqueue_indirect_dma source(%dma_start3A_272 : memref<50000x128xf32, #tpu.memory_space<hbm>>) target(%arg6 : memref<80x128xf32, #tpu.memory_space<vmem>>) offsets(%dma_start3A : memref<80xi32, #tpu.memory_space<vmem>>) semaphore(%arg12 : memref<!tpu.dma_semaphore, #tpu.memory_space<semaphore_mem>>)
    %add3A_273 = arith.constant 1 : i32
    %add3A_274 = arith.addi %mul3A_265, %add3A_273 : i32
    %mul3A_275 = arith.constant 128 : i32
    %mul3A_276 = arith.muli %add3A_274, %mul3A_275 : i32
    %dma_start3A_277 = tpu.memref_slice %arg5[%mul3A_276] : memref<10240xi32, #tpu.memory_space<vmem>> -> memref<80xi32, #tpu.memory_space<vmem>>
    %dma_start3A_278 = arith.constant 0 : i32
    %dma_start3A_279 = arith.constant 0 : i32
    %dma_start3A_280 = tpu.memref_slice %arg2[%dma_start3A_278, %dma_start3A_279] : memref<50000x128xf32, #tpu.memory_space<hbm>> -> memref<50000x128xf32, #tpu.memory_space<hbm>>
    tpu.enqueue_indirect_dma source(%dma_start3A_280 : memref<50000x128xf32, #tpu.memory_space<hbm>>) target(%arg7 : memref<80x128xf32, #tpu.memory_space<vmem>>) offsets(%dma_start3A_277 : memref<80xi32, #tpu.memory_space<vmem>>) semaphore(%arg12 : memref<!tpu.dma_semaphore, #tpu.memory_space<semaphore_mem>>)
    %min3A_281 = arith.constant 1 : i32
    %min3A_282 = arith.minsi %min3A_281, %select_n3A : i32
    %mul3A_283 = arith.constant 2 : i32
    %mul3A_284 = arith.muli %mul3A_283, %min3A_282 : i32
    %add3A_285 = arith.constant 0 : i32
    %add3A_286 = arith.addi %mul3A_284, %add3A_285 : i32
    %mul3A_287 = arith.constant 128 : i32
    %mul3A_288 = arith.muli %add3A_286, %mul3A_287 : i32
    %dma_start3A_289 = tpu.memref_slice %arg5[%mul3A_288] : memref<10240xi32, #tpu.memory_space<vmem>> -> memref<80xi32, #tpu.memory_space<vmem>>
    %dma_start3A_290 = arith.constant 0 : i32
    %dma_start3A_291 = arith.constant 0 : i32
    %dma_start3A_292 = tpu.memref_slice %arg2[%dma_start3A_290, %dma_start3A_291] : memref<50000x128xf32, #tpu.memory_space<hbm>> -> memref<50000x128xf32, #tpu.memory_space<hbm>>
    tpu.enqueue_indirect_dma source(%dma_start3A_292 : memref<50000x128xf32, #tpu.memory_space<hbm>>) target(%arg8 : memref<80x128xf32, #tpu.memory_space<vmem>>) offsets(%dma_start3A_289 : memref<80xi32, #tpu.memory_space<vmem>>) semaphore(%arg13 : memref<!tpu.dma_semaphore, #tpu.memory_space<semaphore_mem>>)
    %add3A_293 = arith.constant 1 : i32
    %add3A_294 = arith.addi %mul3A_284, %add3A_293 : i32
    %mul3A_295 = arith.constant 128 : i32
    %mul3A_296 = arith.muli %add3A_294, %mul3A_295 : i32
    %dma_start3A_297 = tpu.memref_slice %arg5[%mul3A_296] : memref<10240xi32, #tpu.memory_space<vmem>> -> memref<80xi32, #tpu.memory_space<vmem>>
    %dma_start3A_298 = arith.constant 0 : i32
    %dma_start3A_299 = arith.constant 0 : i32
    %dma_start3A_300 = tpu.memref_slice %arg2[%dma_start3A_298, %dma_start3A_299] : memref<50000x128xf32, #tpu.memory_space<hbm>> -> memref<50000x128xf32, #tpu.memory_space<hbm>>
    tpu.enqueue_indirect_dma source(%dma_start3A_300 : memref<50000x128xf32, #tpu.memory_space<hbm>>) target(%arg9 : memref<80x128xf32, #tpu.memory_space<vmem>>) offsets(%dma_start3A_297 : memref<80xi32, #tpu.memory_space<vmem>>) semaphore(%arg13 : memref<!tpu.dma_semaphore, #tpu.memory_space<semaphore_mem>>)
    %dma_wait3A = arith.constant 0 : i32
    %dma_wait3A_301 = arith.constant 0 : i32
    %dma_wait3A_302 = tpu.memref_slice %arg2[%dma_wait3A, %dma_wait3A_301] : memref<50000x128xf32, #tpu.memory_space<hbm>> -> memref<80x128xf32, #tpu.memory_space<hbm>>
    %dma_wait3A_303 = arith.constant 0 : i32
    %dma_wait3A_304 = arith.constant 0 : i32
    %dma_wait3A_305 = tpu.memref_slice %arg2[%dma_wait3A_303, %dma_wait3A_304] : memref<50000x128xf32, #tpu.memory_space<hbm>> -> memref<80x128xf32, #tpu.memory_space<hbm>>
    tpu.wait_dma2 semaphore(%arg12 : memref<!tpu.dma_semaphore, #tpu.memory_space<semaphore_mem>>) src(%dma_wait3A_305 : memref<80x128xf32, #tpu.memory_space<hbm>>) dst(%arg6 : memref<80x128xf32, #tpu.memory_space<vmem>>)
    %dma_wait3A_306 = arith.constant 0 : i32
    %dma_wait3A_307 = arith.constant 0 : i32
    %dma_wait3A_308 = tpu.memref_slice %arg2[%dma_wait3A_306, %dma_wait3A_307] : memref<50000x128xf32, #tpu.memory_space<hbm>> -> memref<80x128xf32, #tpu.memory_space<hbm>>
    %dma_wait3A_309 = arith.constant 0 : i32
    %dma_wait3A_310 = arith.constant 0 : i32
    %dma_wait3A_311 = tpu.memref_slice %arg2[%dma_wait3A_309, %dma_wait3A_310] : memref<50000x128xf32, #tpu.memory_space<hbm>> -> memref<80x128xf32, #tpu.memory_space<hbm>>
    tpu.wait_dma2 semaphore(%arg12 : memref<!tpu.dma_semaphore, #tpu.memory_space<semaphore_mem>>) src(%dma_wait3A_311 : memref<80x128xf32, #tpu.memory_space<hbm>>) dst(%arg7 : memref<80x128xf32, #tpu.memory_space<vmem>>)
    %parallel_loop3A = arith.constant 0 : i32
    %parallel_loop3A_312 = arith.constant 80 : i32
    %parallel_loop3A_313 = arith.constant 1 : i32
    scf.for %parallel_loop3A_777 = %parallel_loop3A to %parallel_loop3A_312 step %parallel_loop3A_313  : i32 {
      %parallel_loop3A_778 = vector.broadcast %parallel_loop3A_777 : i32 to vector<16xi32>
      %parallel_loop3A_779 = arith.index_cast %parallel_loop3A_777 : i32 to index
      %parallel_loop3A_780 = arith.constant 0 : index
      %parallel_loop3A_781 = tpu.vector_load %arg6[%parallel_loop3A_779, %parallel_loop3A_780] {strides = array<i32>} : memref<80x128xf32, #tpu.memory_space<vmem>>, vector<16xf32>,
      tpu.vector_store_idx %arg10[%parallel_loop3A_778, %add3A_16], %parallel_loop3A_781 : memref<80x256xf32, #tpu.memory_space<vmem>>[vector<16xi32>, vector<16xi32>], vector<16xf32>,
      %parallel_loop3A_782 = arith.index_cast %parallel_loop3A_777 : i32 to index
      %parallel_loop3A_783 = arith.constant 16 : index
      %parallel_loop3A_784 = tpu.vector_load %arg6[%parallel_loop3A_782, %parallel_loop3A_783] {strides = array<i32>} : memref<80x128xf32, #tpu.memory_space<vmem>>, vector<16xf32>,
      tpu.vector_store_idx %arg10[%parallel_loop3A_778, %add3A_32], %parallel_loop3A_784 : memref<80x256xf32, #tpu.memory_space<vmem>>[vector<16xi32>, vector<16xi32>], vector<16xf32>,
      %parallel_loop3A_785 = arith.index_cast %parallel_loop3A_777 : i32 to index
      %parallel_loop3A_786 = arith.constant 32 : index
      %parallel_loop3A_787 = tpu.vector_load %arg6[%parallel_loop3A_785, %parallel_loop3A_786] {strides = array<i32>} : memref<80x128xf32, #tpu.memory_space<vmem>>, vector<16xf32>,
      tpu.vector_store_idx %arg10[%parallel_loop3A_778, %add3A_48], %parallel_loop3A_787 : memref<80x256xf32, #tpu.memory_space<vmem>>[vector<16xi32>, vector<16xi32>], vector<16xf32>,
      %parallel_loop3A_788 = arith.index_cast %parallel_loop3A_777 : i32 to index
      %parallel_loop3A_789 = arith.constant 48 : index
      %parallel_loop3A_790 = tpu.vector_load %arg6[%parallel_loop3A_788, %parallel_loop3A_789] {strides = array<i32>} : memref<80x128xf32, #tpu.memory_space<vmem>>, vector<16xf32>,
      tpu.vector_store_idx %arg10[%parallel_loop3A_778, %add3A_64], %parallel_loop3A_790 : memref<80x256xf32, #tpu.memory_space<vmem>>[vector<16xi32>, vector<16xi32>], vector<16xf32>,
      %parallel_loop3A_791 = arith.index_cast %parallel_loop3A_777 : i32 to index
      %parallel_loop3A_792 = arith.constant 64 : index
      %parallel_loop3A_793 = tpu.vector_load %arg6[%parallel_loop3A_791, %parallel_loop3A_792] {strides = array<i32>} : memref<80x128xf32, #tpu.memory_space<vmem>>, vector<16xf32>,
      tpu.vector_store_idx %arg10[%parallel_loop3A_778, %add3A_80], %parallel_loop3A_793 : memref<80x256xf32, #tpu.memory_space<vmem>>[vector<16xi32>, vector<16xi32>], vector<16xf32>,
      %parallel_loop3A_794 = arith.index_cast %parallel_loop3A_777 : i32 to index
      %parallel_loop3A_795 = arith.constant 80 : index
      %parallel_loop3A_796 = tpu.vector_load %arg6[%parallel_loop3A_794, %parallel_loop3A_795] {strides = array<i32>} : memref<80x128xf32, #tpu.memory_space<vmem>>, vector<16xf32>,
      tpu.vector_store_idx %arg10[%parallel_loop3A_778, %add3A_96], %parallel_loop3A_796 : memref<80x256xf32, #tpu.memory_space<vmem>>[vector<16xi32>, vector<16xi32>], vector<16xf32>,
      %parallel_loop3A_797 = arith.index_cast %parallel_loop3A_777 : i32 to index
      %parallel_loop3A_798 = arith.constant 96 : index
      %parallel_loop3A_799 = tpu.vector_load %arg6[%parallel_loop3A_797, %parallel_loop3A_798] {strides = array<i32>} : memref<80x128xf32, #tpu.memory_space<vmem>>, vector<16xf32>,
      tpu.vector_store_idx %arg10[%parallel_loop3A_778, %add3A_112], %parallel_loop3A_799 : memref<80x256xf32, #tpu.memory_space<vmem>>[vector<16xi32>, vector<16xi32>], vector<16xf32>,
      %parallel_loop3A_800 = arith.index_cast %parallel_loop3A_777 : i32 to index
      %parallel_loop3A_801 = arith.constant 112 : index
      %parallel_loop3A_802 = tpu.vector_load %arg6[%parallel_loop3A_800, %parallel_loop3A_801] {strides = array<i32>} : memref<80x128xf32, #tpu.memory_space<vmem>>, vector<16xf32>,
      tpu.vector_store_idx %arg10[%parallel_loop3A_778, %add3A_128], %parallel_loop3A_802 : memref<80x256xf32, #tpu.memory_space<vmem>>[vector<16xi32>, vector<16xi32>], vector<16xf32>,
      %parallel_loop3A_803 = arith.index_cast %parallel_loop3A_777 : i32 to index
      %parallel_loop3A_804 = arith.constant 0 : index
      %parallel_loop3A_805 = tpu.vector_load %arg7[%parallel_loop3A_803, %parallel_loop3A_804] {strides = array<i32>} : memref<80x128xf32, #tpu.memory_space<vmem>>, vector<16xf32>,
      tpu.vector_store_idx %arg10[%parallel_loop3A_778, %add3A_144], %parallel_loop3A_805 : memref<80x256xf32, #tpu.memory_space<vmem>>[vector<16xi32>, vector<16xi32>], vector<16xf32>,
      %parallel_loop3A_806 = arith.index_cast %parallel_loop3A_777 : i32 to index
      %parallel_loop3A_807 = arith.constant 16 : index
      %parallel_loop3A_808 = tpu.vector_load %arg7[%parallel_loop3A_806, %parallel_loop3A_807] {strides = array<i32>} : memref<80x128xf32, #tpu.memory_space<vmem>>, vector<16xf32>,
      tpu.vector_store_idx %arg10[%parallel_loop3A_778, %add3A_160], %parallel_loop3A_808 : memref<80x256xf32, #tpu.memory_space<vmem>>[vector<16xi32>, vector<16xi32>], vector<16xf32>,
      %parallel_loop3A_809 = arith.index_cast %parallel_loop3A_777 : i32 to index
      %parallel_loop3A_810 = arith.constant 32 : index
      %parallel_loop3A_811 = tpu.vector_load %arg7[%parallel_loop3A_809, %parallel_loop3A_810] {strides = array<i32>} : memref<80x128xf32, #tpu.memory_space<vmem>>, vector<16xf32>,
      tpu.vector_store_idx %arg10[%parallel_loop3A_778, %add3A_176], %parallel_loop3A_811 : memref<80x256xf32, #tpu.memory_space<vmem>>[vector<16xi32>, vector<16xi32>], vector<16xf32>,
      %parallel_loop3A_812 = arith.index_cast %parallel_loop3A_777 : i32 to index
      %parallel_loop3A_813 = arith.constant 48 : index
      %parallel_loop3A_814 = tpu.vector_load %arg7[%parallel_loop3A_812, %parallel_loop3A_813] {strides = array<i32>} : memref<80x128xf32, #tpu.memory_space<vmem>>, vector<16xf32>,
      tpu.vector_store_idx %arg10[%parallel_loop3A_778, %add3A_192], %parallel_loop3A_814 : memref<80x256xf32, #tpu.memory_space<vmem>>[vector<16xi32>, vector<16xi32>], vector<16xf32>,
      %parallel_loop3A_815 = arith.index_cast %parallel_loop3A_777 : i32 to index
      %parallel_loop3A_816 = arith.constant 64 : index
      %parallel_loop3A_817 = tpu.vector_load %arg7[%parallel_loop3A_815, %parallel_loop3A_816] {strides = array<i32>} : memref<80x128xf32, #tpu.memory_space<vmem>>, vector<16xf32>,
      tpu.vector_store_idx %arg10[%parallel_loop3A_778, %add3A_208], %parallel_loop3A_817 : memref<80x256xf32, #tpu.memory_space<vmem>>[vector<16xi32>, vector<16xi32>], vector<16xf32>,
      %parallel_loop3A_818 = arith.index_cast %parallel_loop3A_777 : i32 to index
      %parallel_loop3A_819 = arith.constant 80 : index
      %parallel_loop3A_820 = tpu.vector_load %arg7[%parallel_loop3A_818, %parallel_loop3A_819] {strides = array<i32>} : memref<80x128xf32, #tpu.memory_space<vmem>>, vector<16xf32>,
      tpu.vector_store_idx %arg10[%parallel_loop3A_778, %add3A_224], %parallel_loop3A_820 : memref<80x256xf32, #tpu.memory_space<vmem>>[vector<16xi32>, vector<16xi32>], vector<16xf32>,
      %parallel_loop3A_821 = arith.index_cast %parallel_loop3A_777 : i32 to index
      %parallel_loop3A_822 = arith.constant 96 : index
      %parallel_loop3A_823 = tpu.vector_load %arg7[%parallel_loop3A_821, %parallel_loop3A_822] {strides = array<i32>} : memref<80x128xf32, #tpu.memory_space<vmem>>, vector<16xf32>,
      tpu.vector_store_idx %arg10[%parallel_loop3A_778, %add3A_240], %parallel_loop3A_823 : memref<80x256xf32, #tpu.memory_space<vmem>>[vector<16xi32>, vector<16xi32>], vector<16xf32>,
      %parallel_loop3A_824 = arith.index_cast %parallel_loop3A_777 : i32 to index
      %parallel_loop3A_825 = arith.constant 112 : index
      %parallel_loop3A_826 = tpu.vector_load %arg7[%parallel_loop3A_824, %parallel_loop3A_825] {strides = array<i32>} : memref<80x128xf32, #tpu.memory_space<vmem>>, vector<16xf32>,
      tpu.vector_store_idx %arg10[%parallel_loop3A_778, %add3A_256], %parallel_loop3A_826 : memref<80x256xf32, #tpu.memory_space<vmem>>[vector<16xi32>, vector<16xi32>], vector<16xf32>,
    } {sc.loop_unroll_factor = 2 : i64, sc.parallel_access}
    %min3A_314 = arith.constant 0 : i32
    %min3A_315 = arith.minsi %min3A_314, %select_n3A : i32
    %mul3A_316 = arith.constant 32 : i32
    %mul3A_317 = arith.muli %min3A_315, %mul3A_316 : i32
    %add3A_318 = arith.addi %add3A, %mul3A_317 : i32
    %jit3A_319 = arith.constant 625 : i32
    %div3A = arith.divsi %add3A_318, %jit3A_319 : i32
    %sign3A = arith.constant 0 : i32
    %sign3A_320 = arith.cmpi sgt, %add3A_318, %sign3A : i32
    %sign3A_321 = arith.extui %sign3A_320 : i1 to i32
    %sign3A_322 = arith.constant 0 : i32
    %sign3A_323 = arith.cmpi slt, %add3A_318, %sign3A_322 : i32
    %sign3A_324 = arith.extui %sign3A_323 : i1 to i32
    %sign3A_325 = arith.subi %sign3A_321, %sign3A_324 : i32
    %sign3A_326 = arith.constant 0 : i32
    %sign3A_327 = arith.cmpi sgt, %jit3A_319, %sign3A_326 : i32
    %sign3A_328 = arith.extui %sign3A_327 : i1 to i32
    %sign3A_329 = arith.constant 0 : i32
    %sign3A_330 = arith.cmpi slt, %jit3A_319, %sign3A_329 : i32
    %sign3A_331 = arith.extui %sign3A_330 : i1 to i32
    %sign3A_332 = arith.subi %sign3A_328, %sign3A_331 : i32
    %ne3A = arith.cmpi ne, %sign3A_325, %sign3A_332 : i32
    %rem3A = arith.remsi %add3A_318, %jit3A_319 : i32
    %ne3A_333 = arith.constant 0 : i32
    %ne3A_334 = arith.cmpi ne, %rem3A, %ne3A_333 : i32
    %and3A_335 = arith.andi %ne3A, %ne3A_334 : i1
    %sub3A = arith.constant 1 : i32
    %sub3A_336 = arith.subi %div3A, %sub3A : i32
    %select_n3A_337 = arith.select %and3A_335, %sub3A_336, %div3A : i32
    %jit3A_338 = arith.constant 625 : i32
    %eq3A = arith.constant 0 : i32
    %eq3A_339 = arith.cmpi eq, %jit3A_338, %eq3A : i32
    %jit3A_340 = arith.constant 1 : i32
    %select_n3A_341 = arith.select %eq3A_339, %jit3A_340, %jit3A_338 : i32
    %rem3A_342 = arith.remsi %add3A_318, %select_n3A_341 : i32
    %ne3A_343 = arith.constant 0 : i32
    %ne3A_344 = arith.cmpi ne, %rem3A_342, %ne3A_343 : i32
    %lt3A_345 = arith.constant 0 : i32
    %lt3A_346 = arith.cmpi slt, %rem3A_342, %lt3A_345 : i32
    %lt3A_347 = arith.constant 0 : i32
    %lt3A_348 = arith.cmpi slt, %select_n3A_341, %lt3A_347 : i32
    %ne3A_349 = arith.xori %lt3A_346, %lt3A_348 : i1
    %and3A_350 = arith.andi %ne3A_349, %ne3A_344 : i1
    %add3A_351 = arith.addi %rem3A_342, %select_n3A_341 : i32
    %select_n3A_352 = arith.select %and3A_350, %add3A_351, %rem3A_342 : i32
    %mul3A_353 = arith.constant 80 : i32
    %mul3A_354 = arith.muli %select_n3A_352, %mul3A_353 : i32
    %add3A_355 = arith.constant 0 : i32
    %add3A_356 = arith.addi %add3A_355, %mul3A_354 : i32
    %mul3A_357 = arith.constant 128 : i32
    %mul3A_358 = arith.muli %select_n3A_337, %mul3A_357 : i32
    %dma_start3A_359 = arith.constant 0 : i32
    %dma_start3A_360 = arith.constant 0 : i32
    %dma_start3A_361 = tpu.memref_slice %arg10[%dma_start3A_359, %dma_start3A_360] : memref<80x256xf32, #tpu.memory_space<vmem>> -> memref<80x128xf32, #tpu.memory_space<vmem>>
    %dma_start3A_362 = tpu.memref_slice %arg4[%add3A_356, %mul3A_358] : memref<100000x256xf32, #tpu.memory_space<hbm>> -> memref<80x128xf32, #tpu.memory_space<hbm>>
    %dma_start3A_363 = tpu.memref_slice %arg4[%add3A_356, %mul3A_358] : memref<100000x256xf32, #tpu.memory_space<hbm>> -> memref<80x128xf32, #tpu.memory_space<hbm>>
    %dma_start3A_364 = arith.constant 0 : i32
    %dma_start3A_365 = arith.constant 0 : i32
    %dma_start3A_366 = tpu.memref_slice %arg10[%dma_start3A_364, %dma_start3A_365] : memref<80x256xf32, #tpu.memory_space<vmem>> -> memref<80x128xf32, #tpu.memory_space<vmem>>
    tpu.enqueue_dma source(%dma_start3A_366 : memref<80x128xf32, #tpu.memory_space<vmem>>) target(%dma_start3A_363 : memref<80x128xf32, #tpu.memory_space<hbm>>) target_semaphore(%arg14 : memref<!tpu.dma_semaphore, #tpu.memory_space<semaphore_mem>>)
    %add3A_367 = arith.constant 50000 : i32
    %add3A_368 = arith.addi %add3A_367, %mul3A_354 : i32
    %mul3A_369 = arith.constant 128 : i32
    %mul3A_370 = arith.muli %select_n3A_337, %mul3A_369 : i32
    %dma_start3A_371 = arith.constant 0 : i32
    %dma_start3A_372 = arith.constant 128 : i32
    %dma_start3A_373 = tpu.memref_slice %arg10[%dma_start3A_371, %dma_start3A_372] : memref<80x256xf32, #tpu.memory_space<vmem>> -> memref<80x128xf32, #tpu.memory_space<vmem>>
    %dma_start3A_374 = tpu.memref_slice %arg4[%add3A_368, %mul3A_370] : memref<100000x256xf32, #tpu.memory_space<hbm>> -> memref<80x128xf32, #tpu.memory_space<hbm>>
    %dma_start3A_375 = tpu.memref_slice %arg4[%add3A_368, %mul3A_370] : memref<100000x256xf32, #tpu.memory_space<hbm>> -> memref<80x128xf32, #tpu.memory_space<hbm>>
    %dma_start3A_376 = arith.constant 0 : i32
    %dma_start3A_377 = arith.constant 128 : i32
    %dma_start3A_378 = tpu.memref_slice %arg10[%dma_start3A_376, %dma_start3A_377] : memref<80x256xf32, #tpu.memory_space<vmem>> -> memref<80x128xf32, #tpu.memory_space<vmem>>
    tpu.enqueue_dma source(%dma_start3A_378 : memref<80x128xf32, #tpu.memory_space<vmem>>) target(%dma_start3A_375 : memref<80x128xf32, #tpu.memory_space<hbm>>) target_semaphore(%arg14 : memref<!tpu.dma_semaphore, #tpu.memory_space<semaphore_mem>>)
    %min3A_379 = arith.constant 2 : i32
    %min3A_380 = arith.minsi %min3A_379, %select_n3A : i32
    %mul3A_381 = arith.constant 2 : i32
    %mul3A_382 = arith.muli %mul3A_381, %min3A_380 : i32
    %add3A_383 = arith.constant 0 : i32
    %add3A_384 = arith.addi %mul3A_382, %add3A_383 : i32
    %mul3A_385 = arith.constant 128 : i32
    %mul3A_386 = arith.muli %add3A_384, %mul3A_385 : i32
    %dma_start3A_387 = tpu.memref_slice %arg5[%mul3A_386] : memref<10240xi32, #tpu.memory_space<vmem>> -> memref<80xi32, #tpu.memory_space<vmem>>
    %dma_start3A_388 = arith.constant 0 : i32
    %dma_start3A_389 = arith.constant 0 : i32
    %dma_start3A_390 = tpu.memref_slice %arg2[%dma_start3A_388, %dma_start3A_389] : memref<50000x128xf32, #tpu.memory_space<hbm>> -> memref<50000x128xf32, #tpu.memory_space<hbm>>
    tpu.enqueue_indirect_dma source(%dma_start3A_390 : memref<50000x128xf32, #tpu.memory_space<hbm>>) target(%arg6 : memref<80x128xf32, #tpu.memory_space<vmem>>) offsets(%dma_start3A_387 : memref<80xi32, #tpu.memory_space<vmem>>) semaphore(%arg12 : memref<!tpu.dma_semaphore, #tpu.memory_space<semaphore_mem>>)
    %add3A_391 = arith.constant 1 : i32
    %add3A_392 = arith.addi %mul3A_382, %add3A_391 : i32
    %mul3A_393 = arith.constant 128 : i32
    %mul3A_394 = arith.muli %add3A_392, %mul3A_393 : i32
    %dma_start3A_395 = tpu.memref_slice %arg5[%mul3A_394] : memref<10240xi32, #tpu.memory_space<vmem>> -> memref<80xi32, #tpu.memory_space<vmem>>
    %dma_start3A_396 = arith.constant 0 : i32
    %dma_start3A_397 = arith.constant 0 : i32
    %dma_start3A_398 = tpu.memref_slice %arg2[%dma_start3A_396, %dma_start3A_397] : memref<50000x128xf32, #tpu.memory_space<hbm>> -> memref<50000x128xf32, #tpu.memory_space<hbm>>
    tpu.enqueue_indirect_dma source(%dma_start3A_398 : memref<50000x128xf32, #tpu.memory_space<hbm>>) target(%arg7 : memref<80x128xf32, #tpu.memory_space<vmem>>) offsets(%dma_start3A_395 : memref<80xi32, #tpu.memory_space<vmem>>) semaphore(%arg12 : memref<!tpu.dma_semaphore, #tpu.memory_space<semaphore_mem>>)
    %dma_wait3A_399 = arith.constant 0 : i32
    %dma_wait3A_400 = arith.constant 0 : i32
    %dma_wait3A_401 = tpu.memref_slice %arg2[%dma_wait3A_399, %dma_wait3A_400] : memref<50000x128xf32, #tpu.memory_space<hbm>> -> memref<80x128xf32, #tpu.memory_space<hbm>>
    %dma_wait3A_402 = arith.constant 0 : i32
    %dma_wait3A_403 = arith.constant 0 : i32
    %dma_wait3A_404 = tpu.memref_slice %arg2[%dma_wait3A_402, %dma_wait3A_403] : memref<50000x128xf32, #tpu.memory_space<hbm>> -> memref<80x128xf32, #tpu.memory_space<hbm>>
    tpu.wait_dma2 semaphore(%arg13 : memref<!tpu.dma_semaphore, #tpu.memory_space<semaphore_mem>>) src(%dma_wait3A_404 : memref<80x128xf32, #tpu.memory_space<hbm>>) dst(%arg8 : memref<80x128xf32, #tpu.memory_space<vmem>>)
    %dma_wait3A_405 = arith.constant 0 : i32
    %dma_wait3A_406 = arith.constant 0 : i32
    %dma_wait3A_407 = tpu.memref_slice %arg2[%dma_wait3A_405, %dma_wait3A_406] : memref<50000x128xf32, #tpu.memory_space<hbm>> -> memref<80x128xf32, #tpu.memory_space<hbm>>
    %dma_wait3A_408 = arith.constant 0 : i32
    %dma_wait3A_409 = arith.constant 0 : i32
    %dma_wait3A_410 = tpu.memref_slice %arg2[%dma_wait3A_408, %dma_wait3A_409] : memref<50000x128xf32, #tpu.memory_space<hbm>> -> memref<80x128xf32, #tpu.memory_space<hbm>>
    tpu.wait_dma2 semaphore(%arg13 : memref<!tpu.dma_semaphore, #tpu.memory_space<semaphore_mem>>) src(%dma_wait3A_410 : memref<80x128xf32, #tpu.memory_space<hbm>>) dst(%arg9 : memref<80x128xf32, #tpu.memory_space<vmem>>)
    %parallel_loop3A_411 = arith.constant 0 : i32
    %parallel_loop3A_412 = arith.constant 80 : i32
    %parallel_loop3A_413 = arith.constant 1 : i32
    scf.for %parallel_loop3A_777 = %parallel_loop3A_411 to %parallel_loop3A_412 step %parallel_loop3A_413  : i32 {
      %parallel_loop3A_778 = vector.broadcast %parallel_loop3A_777 : i32 to vector<16xi32>
      %parallel_loop3A_779 = arith.index_cast %parallel_loop3A_777 : i32 to index
      %parallel_loop3A_780 = arith.constant 0 : index
      %parallel_loop3A_781 = tpu.vector_load %arg8[%parallel_loop3A_779, %parallel_loop3A_780] {strides = array<i32>} : memref<80x128xf32, #tpu.memory_space<vmem>>, vector<16xf32>,
      tpu.vector_store_idx %arg11[%parallel_loop3A_778, %add3A_16], %parallel_loop3A_781 : memref<80x256xf32, #tpu.memory_space<vmem>>[vector<16xi32>, vector<16xi32>], vector<16xf32>,
      %parallel_loop3A_782 = arith.index_cast %parallel_loop3A_777 : i32 to index
      %parallel_loop3A_783 = arith.constant 16 : index
      %parallel_loop3A_784 = tpu.vector_load %arg8[%parallel_loop3A_782, %parallel_loop3A_783] {strides = array<i32>} : memref<80x128xf32, #tpu.memory_space<vmem>>, vector<16xf32>,
      tpu.vector_store_idx %arg11[%parallel_loop3A_778, %add3A_32], %parallel_loop3A_784 : memref<80x256xf32, #tpu.memory_space<vmem>>[vector<16xi32>, vector<16xi32>], vector<16xf32>,
      %parallel_loop3A_785 = arith.index_cast %parallel_loop3A_777 : i32 to index
      %parallel_loop3A_786 = arith.constant 32 : index
      %parallel_loop3A_787 = tpu.vector_load %arg8[%parallel_loop3A_785, %parallel_loop3A_786] {strides = array<i32>} : memref<80x128xf32, #tpu.memory_space<vmem>>, vector<16xf32>,
      tpu.vector_store_idx %arg11[%parallel_loop3A_778, %add3A_48], %parallel_loop3A_787 : memref<80x256xf32, #tpu.memory_space<vmem>>[vector<16xi32>, vector<16xi32>], vector<16xf32>,
      %parallel_loop3A_788 = arith.index_cast %parallel_loop3A_777 : i32 to index
      %parallel_loop3A_789 = arith.constant 48 : index
      %parallel_loop3A_790 = tpu.vector_load %arg8[%parallel_loop3A_788, %parallel_loop3A_789] {strides = array<i32>} : memref<80x128xf32, #tpu.memory_space<vmem>>, vector<16xf32>,
      tpu.vector_store_idx %arg11[%parallel_loop3A_778, %add3A_64], %parallel_loop3A_790 : memref<80x256xf32, #tpu.memory_space<vmem>>[vector<16xi32>, vector<16xi32>], vector<16xf32>,
      %parallel_loop3A_791 = arith.index_cast %parallel_loop3A_777 : i32 to index
      %parallel_loop3A_792 = arith.constant 64 : index
      %parallel_loop3A_793 = tpu.vector_load %arg8[%parallel_loop3A_791, %parallel_loop3A_792] {strides = array<i32>} : memref<80x128xf32, #tpu.memory_space<vmem>>, vector<16xf32>,
      tpu.vector_store_idx %arg11[%parallel_loop3A_778, %add3A_80], %parallel_loop3A_793 : memref<80x256xf32, #tpu.memory_space<vmem>>[vector<16xi32>, vector<16xi32>], vector<16xf32>,
      %parallel_loop3A_794 = arith.index_cast %parallel_loop3A_777 : i32 to index
      %parallel_loop3A_795 = arith.constant 80 : index
      %parallel_loop3A_796 = tpu.vector_load %arg8[%parallel_loop3A_794, %parallel_loop3A_795] {strides = array<i32>} : memref<80x128xf32, #tpu.memory_space<vmem>>, vector<16xf32>,
      tpu.vector_store_idx %arg11[%parallel_loop3A_778, %add3A_96], %parallel_loop3A_796 : memref<80x256xf32, #tpu.memory_space<vmem>>[vector<16xi32>, vector<16xi32>], vector<16xf32>,
      %parallel_loop3A_797 = arith.index_cast %parallel_loop3A_777 : i32 to index
      %parallel_loop3A_798 = arith.constant 96 : index
      %parallel_loop3A_799 = tpu.vector_load %arg8[%parallel_loop3A_797, %parallel_loop3A_798] {strides = array<i32>} : memref<80x128xf32, #tpu.memory_space<vmem>>, vector<16xf32>,
      tpu.vector_store_idx %arg11[%parallel_loop3A_778, %add3A_112], %parallel_loop3A_799 : memref<80x256xf32, #tpu.memory_space<vmem>>[vector<16xi32>, vector<16xi32>], vector<16xf32>,
      %parallel_loop3A_800 = arith.index_cast %parallel_loop3A_777 : i32 to index
      %parallel_loop3A_801 = arith.constant 112 : index
      %parallel_loop3A_802 = tpu.vector_load %arg8[%parallel_loop3A_800, %parallel_loop3A_801] {strides = array<i32>} : memref<80x128xf32, #tpu.memory_space<vmem>>, vector<16xf32>,
      tpu.vector_store_idx %arg11[%parallel_loop3A_778, %add3A_128], %parallel_loop3A_802 : memref<80x256xf32, #tpu.memory_space<vmem>>[vector<16xi32>, vector<16xi32>], vector<16xf32>,
      %parallel_loop3A_803 = arith.index_cast %parallel_loop3A_777 : i32 to index
      %parallel_loop3A_804 = arith.constant 0 : index
      %parallel_loop3A_805 = tpu.vector_load %arg9[%parallel_loop3A_803, %parallel_loop3A_804] {strides = array<i32>} : memref<80x128xf32, #tpu.memory_space<vmem>>, vector<16xf32>,
      tpu.vector_store_idx %arg11[%parallel_loop3A_778, %add3A_144], %parallel_loop3A_805 : memref<80x256xf32, #tpu.memory_space<vmem>>[vector<16xi32>, vector<16xi32>], vector<16xf32>,
      %parallel_loop3A_806 = arith.index_cast %parallel_loop3A_777 : i32 to index
      %parallel_loop3A_807 = arith.constant 16 : index
      %parallel_loop3A_808 = tpu.vector_load %arg9[%parallel_loop3A_806, %parallel_loop3A_807] {strides = array<i32>} : memref<80x128xf32, #tpu.memory_space<vmem>>, vector<16xf32>,
      tpu.vector_store_idx %arg11[%parallel_loop3A_778, %add3A_160], %parallel_loop3A_808 : memref<80x256xf32, #tpu.memory_space<vmem>>[vector<16xi32>, vector<16xi32>], vector<16xf32>,
      %parallel_loop3A_809 = arith.index_cast %parallel_loop3A_777 : i32 to index
      %parallel_loop3A_810 = arith.constant 32 : index
      %parallel_loop3A_811 = tpu.vector_load %arg9[%parallel_loop3A_809, %parallel_loop3A_810] {strides = array<i32>} : memref<80x128xf32, #tpu.memory_space<vmem>>, vector<16xf32>,
      tpu.vector_store_idx %arg11[%parallel_loop3A_778, %add3A_176], %parallel_loop3A_811 : memref<80x256xf32, #tpu.memory_space<vmem>>[vector<16xi32>, vector<16xi32>], vector<16xf32>,
      %parallel_loop3A_812 = arith.index_cast %parallel_loop3A_777 : i32 to index
      %parallel_loop3A_813 = arith.constant 48 : index
      %parallel_loop3A_814 = tpu.vector_load %arg9[%parallel_loop3A_812, %parallel_loop3A_813] {strides = array<i32>} : memref<80x128xf32, #tpu.memory_space<vmem>>, vector<16xf32>,
      tpu.vector_store_idx %arg11[%parallel_loop3A_778, %add3A_192], %parallel_loop3A_814 : memref<80x256xf32, #tpu.memory_space<vmem>>[vector<16xi32>, vector<16xi32>], vector<16xf32>,
      %parallel_loop3A_815 = arith.index_cast %parallel_loop3A_777 : i32 to index
      %parallel_loop3A_816 = arith.constant 64 : index
      %parallel_loop3A_817 = tpu.vector_load %arg9[%parallel_loop3A_815, %parallel_loop3A_816] {strides = array<i32>} : memref<80x128xf32, #tpu.memory_space<vmem>>, vector<16xf32>,
      tpu.vector_store_idx %arg11[%parallel_loop3A_778, %add3A_208], %parallel_loop3A_817 : memref<80x256xf32, #tpu.memory_space<vmem>>[vector<16xi32>, vector<16xi32>], vector<16xf32>,
      %parallel_loop3A_818 = arith.index_cast %parallel_loop3A_777 : i32 to index
      %parallel_loop3A_819 = arith.constant 80 : index
      %parallel_loop3A_820 = tpu.vector_load %arg9[%parallel_loop3A_818, %parallel_loop3A_819] {strides = array<i32>} : memref<80x128xf32, #tpu.memory_space<vmem>>, vector<16xf32>,
      tpu.vector_store_idx %arg11[%parallel_loop3A_778, %add3A_224], %parallel_loop3A_820 : memref<80x256xf32, #tpu.memory_space<vmem>>[vector<16xi32>, vector<16xi32>], vector<16xf32>,
      %parallel_loop3A_821 = arith.index_cast %parallel_loop3A_777 : i32 to index
      %parallel_loop3A_822 = arith.constant 96 : index
      %parallel_loop3A_823 = tpu.vector_load %arg9[%parallel_loop3A_821, %parallel_loop3A_822] {strides = array<i32>} : memref<80x128xf32, #tpu.memory_space<vmem>>, vector<16xf32>,
      tpu.vector_store_idx %arg11[%parallel_loop3A_778, %add3A_240], %parallel_loop3A_823 : memref<80x256xf32, #tpu.memory_space<vmem>>[vector<16xi32>, vector<16xi32>], vector<16xf32>,
      %parallel_loop3A_824 = arith.index_cast %parallel_loop3A_777 : i32 to index
      %parallel_loop3A_825 = arith.constant 112 : index
      %parallel_loop3A_826 = tpu.vector_load %arg9[%parallel_loop3A_824, %parallel_loop3A_825] {strides = array<i32>} : memref<80x128xf32, #tpu.memory_space<vmem>>, vector<16xf32>,
      tpu.vector_store_idx %arg11[%parallel_loop3A_778, %add3A_256], %parallel_loop3A_826 : memref<80x256xf32, #tpu.memory_space<vmem>>[vector<16xi32>, vector<16xi32>], vector<16xf32>,
    } {sc.loop_unroll_factor = 2 : i64, sc.parallel_access}
    %min3A_414 = arith.constant 1 : i32
    %min3A_415 = arith.minsi %min3A_414, %select_n3A : i32
    %mul3A_416 = arith.constant 32 : i32
    %mul3A_417 = arith.muli %min3A_415, %mul3A_416 : i32
    %add3A_418 = arith.addi %add3A, %mul3A_417 : i32
    %jit3A_419 = arith.constant 625 : i32
    %div3A_420 = arith.divsi %add3A_418, %jit3A_419 : i32
    %sign3A_421 = arith.constant 0 : i32
    %sign3A_422 = arith.cmpi sgt, %add3A_418, %sign3A_421 : i32
    %sign3A_423 = arith.extui %sign3A_422 : i1 to i32
    %sign3A_424 = arith.constant 0 : i32
    %sign3A_425 = arith.cmpi slt, %add3A_418, %sign3A_424 : i32
    %sign3A_426 = arith.extui %sign3A_425 : i1 to i32
    %sign3A_427 = arith.subi %sign3A_423, %sign3A_426 : i32
    %sign3A_428 = arith.constant 0 : i32
    %sign3A_429 = arith.cmpi sgt, %jit3A_419, %sign3A_428 : i32
    %sign3A_430 = arith.extui %sign3A_429 : i1 to i32
    %sign3A_431 = arith.constant 0 : i32
    %sign3A_432 = arith.cmpi slt, %jit3A_419, %sign3A_431 : i32
    %sign3A_433 = arith.extui %sign3A_432 : i1 to i32
    %sign3A_434 = arith.subi %sign3A_430, %sign3A_433 : i32
    %ne3A_435 = arith.cmpi ne, %sign3A_427, %sign3A_434 : i32
    %rem3A_436 = arith.remsi %add3A_418, %jit3A_419 : i32
    %ne3A_437 = arith.constant 0 : i32
    %ne3A_438 = arith.cmpi ne, %rem3A_436, %ne3A_437 : i32
    %and3A_439 = arith.andi %ne3A_435, %ne3A_438 : i1
    %sub3A_440 = arith.constant 1 : i32
    %sub3A_441 = arith.subi %div3A_420, %sub3A_440 : i32
    %select_n3A_442 = arith.select %and3A_439, %sub3A_441, %div3A_420 : i32
    %jit3A_443 = arith.constant 625 : i32
    %eq3A_444 = arith.constant 0 : i32
    %eq3A_445 = arith.cmpi eq, %jit3A_443, %eq3A_444 : i32
    %jit3A_446 = arith.constant 1 : i32
    %select_n3A_447 = arith.select %eq3A_445, %jit3A_446, %jit3A_443 : i32
    %rem3A_448 = arith.remsi %add3A_418, %select_n3A_447 : i32
    %ne3A_449 = arith.constant 0 : i32
    %ne3A_450 = arith.cmpi ne, %rem3A_448, %ne3A_449 : i32
    %lt3A_451 = arith.constant 0 : i32
    %lt3A_452 = arith.cmpi slt, %rem3A_448, %lt3A_451 : i32
    %lt3A_453 = arith.constant 0 : i32
    %lt3A_454 = arith.cmpi slt, %select_n3A_447, %lt3A_453 : i32
    %ne3A_455 = arith.xori %lt3A_452, %lt3A_454 : i1
    %and3A_456 = arith.andi %ne3A_455, %ne3A_450 : i1
    %add3A_457 = arith.addi %rem3A_448, %select_n3A_447 : i32
    %select_n3A_458 = arith.select %and3A_456, %add3A_457, %rem3A_448 : i32
    %mul3A_459 = arith.constant 80 : i32
    %mul3A_460 = arith.muli %select_n3A_458, %mul3A_459 : i32
    %add3A_461 = arith.constant 0 : i32
    %add3A_462 = arith.addi %add3A_461, %mul3A_460 : i32
    %mul3A_463 = arith.constant 128 : i32
    %mul3A_464 = arith.muli %select_n3A_442, %mul3A_463 : i32
    %dma_start3A_465 = arith.constant 0 : i32
    %dma_start3A_466 = arith.constant 0 : i32
    %dma_start3A_467 = tpu.memref_slice %arg11[%dma_start3A_465, %dma_start3A_466] : memref<80x256xf32, #tpu.memory_space<vmem>> -> memref<80x128xf32, #tpu.memory_space<vmem>>
    %dma_start3A_468 = tpu.memref_slice %arg4[%add3A_462, %mul3A_464] : memref<100000x256xf32, #tpu.memory_space<hbm>> -> memref<80x128xf32, #tpu.memory_space<hbm>>
    %dma_start3A_469 = tpu.memref_slice %arg4[%add3A_462, %mul3A_464] : memref<100000x256xf32, #tpu.memory_space<hbm>> -> memref<80x128xf32, #tpu.memory_space<hbm>>
    %dma_start3A_470 = arith.constant 0 : i32
    %dma_start3A_471 = arith.constant 0 : i32
    %dma_start3A_472 = tpu.memref_slice %arg11[%dma_start3A_470, %dma_start3A_471] : memref<80x256xf32, #tpu.memory_space<vmem>> -> memref<80x128xf32, #tpu.memory_space<vmem>>
    tpu.enqueue_dma source(%dma_start3A_472 : memref<80x128xf32, #tpu.memory_space<vmem>>) target(%dma_start3A_469 : memref<80x128xf32, #tpu.memory_space<hbm>>) target_semaphore(%arg15 : memref<!tpu.dma_semaphore, #tpu.memory_space<semaphore_mem>>)
    %add3A_473 = arith.constant 50000 : i32
    %add3A_474 = arith.addi %add3A_473, %mul3A_460 : i32
    %mul3A_475 = arith.constant 128 : i32
    %mul3A_476 = arith.muli %select_n3A_442, %mul3A_475 : i32
    %dma_start3A_477 = arith.constant 0 : i32
    %dma_start3A_478 = arith.constant 128 : i32
    %dma_start3A_479 = tpu.memref_slice %arg11[%dma_start3A_477, %dma_start3A_478] : memref<80x256xf32, #tpu.memory_space<vmem>> -> memref<80x128xf32, #tpu.memory_space<vmem>>
    %dma_start3A_480 = tpu.memref_slice %arg4[%add3A_474, %mul3A_476] : memref<100000x256xf32, #tpu.memory_space<hbm>> -> memref<80x128xf32, #tpu.memory_space<hbm>>
    %dma_start3A_481 = tpu.memref_slice %arg4[%add3A_474, %mul3A_476] : memref<100000x256xf32, #tpu.memory_space<hbm>> -> memref<80x128xf32, #tpu.memory_space<hbm>>
    %dma_start3A_482 = arith.constant 0 : i32
    %dma_start3A_483 = arith.constant 128 : i32
    %dma_start3A_484 = tpu.memref_slice %arg11[%dma_start3A_482, %dma_start3A_483] : memref<80x256xf32, #tpu.memory_space<vmem>> -> memref<80x128xf32, #tpu.memory_space<vmem>>
    tpu.enqueue_dma source(%dma_start3A_484 : memref<80x128xf32, #tpu.memory_space<vmem>>) target(%dma_start3A_481 : memref<80x128xf32, #tpu.memory_space<hbm>>) target_semaphore(%arg15 : memref<!tpu.dma_semaphore, #tpu.memory_space<semaphore_mem>>)
    %scan3A = arith.constant 0 : i32
    %scan3A_485 = arith.constant 18 : i32
    %scan3A_486 = arith.addi %scan3A, %scan3A_485 : i32
    %scan3A_487 = arith.constant 1 : i32
    scf.for %scan3A_777 = %scan3A to %scan3A_486 step %scan3A_487  : i32 {
      %mul3A_778 = arith.constant 2 : i32
      %mul3A_779 = arith.muli %scan3A_777, %mul3A_778 : i32
      %add3A_780 = arith.constant 2 : i32
      %add3A_781 = arith.addi %add3A_780, %mul3A_779 : i32
      %add3A_782 = arith.constant 1 : i32
      %add3A_783 = arith.addi %add3A_781, %add3A_782 : i32
      %min3A_784 = arith.minsi %add3A_783, %select_n3A : i32
      %mul3A_785 = arith.constant 2 : i32
      %mul3A_786 = arith.muli %mul3A_785, %min3A_784 : i32
      %add3A_787 = arith.constant 0 : i32
      %add3A_788 = arith.addi %mul3A_786, %add3A_787 : i32
      %mul3A_789 = arith.constant 128 : i32
      %mul3A_790 = arith.muli %add3A_788, %mul3A_789 : i32
      %dma_start3A_791 = tpu.memref_slice %arg5[%mul3A_790] : memref<10240xi32, #tpu.memory_space<vmem>> -> memref<80xi32, #tpu.memory_space<vmem>>
      %dma_start3A_792 = arith.constant 0 : i32
      %dma_start3A_793 = arith.constant 0 : i32
      %dma_start3A_794 = tpu.memref_slice %arg2[%dma_start3A_792, %dma_start3A_793] : memref<50000x128xf32, #tpu.memory_space<hbm>> -> memref<50000x128xf32, #tpu.memory_space<hbm>>
      tpu.enqueue_indirect_dma source(%dma_start3A_794 : memref<50000x128xf32, #tpu.memory_space<hbm>>) target(%arg8 : memref<80x128xf32, #tpu.memory_space<vmem>>) offsets(%dma_start3A_791 : memref<80xi32, #tpu.memory_space<vmem>>) semaphore(%arg13 : memref<!tpu.dma_semaphore, #tpu.memory_space<semaphore_mem>>)
      %add3A_795 = arith.constant 1 : i32
      %add3A_796 = arith.addi %mul3A_786, %add3A_795 : i32
      %mul3A_797 = arith.constant 128 : i32
      %mul3A_798 = arith.muli %add3A_796, %mul3A_797 : i32
      %dma_start3A_799 = tpu.memref_slice %arg5[%mul3A_798] : memref<10240xi32, #tpu.memory_space<vmem>> -> memref<80xi32, #tpu.memory_space<vmem>>
      %dma_start3A_800 = arith.constant 0 : i32
      %dma_start3A_801 = arith.constant 0 : i32
      %dma_start3A_802 = tpu.memref_slice %arg2[%dma_start3A_800, %dma_start3A_801] : memref<50000x128xf32, #tpu.memory_space<hbm>> -> memref<50000x128xf32, #tpu.memory_space<hbm>>
      tpu.enqueue_indirect_dma source(%dma_start3A_802 : memref<50000x128xf32, #tpu.memory_space<hbm>>) target(%arg9 : memref<80x128xf32, #tpu.memory_space<vmem>>) offsets(%dma_start3A_799 : memref<80xi32, #tpu.memory_space<vmem>>) semaphore(%arg13 : memref<!tpu.dma_semaphore, #tpu.memory_space<semaphore_mem>>)
      %dma_wait3A_803 = arith.constant 0 : i32
      %dma_wait3A_804 = arith.constant 0 : i32
      %dma_wait3A_805 = tpu.memref_slice %arg10[%dma_wait3A_803, %dma_wait3A_804] : memref<80x256xf32, #tpu.memory_space<vmem>> -> memref<80x128xf32, #tpu.memory_space<vmem>>
      %dma_wait3A_806 = arith.constant 0 : i32
      %dma_wait3A_807 = arith.constant 0 : i32
      %dma_wait3A_808 = tpu.memref_slice %arg4[%dma_wait3A_806, %dma_wait3A_807] : memref<100000x256xf32, #tpu.memory_space<hbm>> -> memref<80x128xf32, #tpu.memory_space<hbm>>
      %dma_wait3A_809 = arith.constant 0 : i32
      %dma_wait3A_810 = arith.constant 0 : i32
      %dma_wait3A_811 = tpu.memref_slice %arg4[%dma_wait3A_809, %dma_wait3A_810] : memref<100000x256xf32, #tpu.memory_space<hbm>> -> memref<80x128xf32, #tpu.memory_space<hbm>>
      %dma_wait3A_812 = arith.constant 0 : i32
      %dma_wait3A_813 = arith.constant 0 : i32
      %dma_wait3A_814 = tpu.memref_slice %arg10[%dma_wait3A_812, %dma_wait3A_813] : memref<80x256xf32, #tpu.memory_space<vmem>> -> memref<80x128xf32, #tpu.memory_space<vmem>>
      tpu.wait_dma2 semaphore(%arg14 : memref<!tpu.dma_semaphore, #tpu.memory_space<semaphore_mem>>) src(%dma_wait3A_814 : memref<80x128xf32, #tpu.memory_space<vmem>>) dst(%dma_wait3A_811 : memref<80x128xf32, #tpu.memory_space<hbm>>)
      %dma_wait3A_815 = arith.constant 0 : i32
      %dma_wait3A_816 = arith.constant 128 : i32
      %dma_wait3A_817 = tpu.memref_slice %arg10[%dma_wait3A_815, %dma_wait3A_816] : memref<80x256xf32, #tpu.memory_space<vmem>> -> memref<80x128xf32, #tpu.memory_space<vmem>>
      %dma_wait3A_818 = arith.constant 50000 : i32
      %dma_wait3A_819 = arith.constant 0 : i32
      %dma_wait3A_820 = tpu.memref_slice %arg4[%dma_wait3A_818, %dma_wait3A_819] : memref<100000x256xf32, #tpu.memory_space<hbm>> -> memref<80x128xf32, #tpu.memory_space<hbm>>
      %dma_wait3A_821 = arith.constant 50000 : i32
      %dma_wait3A_822 = arith.constant 0 : i32
      %dma_wait3A_823 = tpu.memref_slice %arg4[%dma_wait3A_821, %dma_wait3A_822] : memref<100000x256xf32, #tpu.memory_space<hbm>> -> memref<80x128xf32, #tpu.memory_space<hbm>>
      %dma_wait3A_824 = arith.constant 0 : i32
      %dma_wait3A_825 = arith.constant 128 : i32
      %dma_wait3A_826 = tpu.memref_slice %arg10[%dma_wait3A_824, %dma_wait3A_825] : memref<80x256xf32, #tpu.memory_space<vmem>> -> memref<80x128xf32, #tpu.memory_space<vmem>>
      tpu.wait_dma2 semaphore(%arg14 : memref<!tpu.dma_semaphore, #tpu.memory_space<semaphore_mem>>) src(%dma_wait3A_826 : memref<80x128xf32, #tpu.memory_space<vmem>>) dst(%dma_wait3A_823 : memref<80x128xf32, #tpu.memory_space<hbm>>)
      %dma_wait3A_827 = arith.constant 0 : i32
      %dma_wait3A_828 = arith.constant 0 : i32
      %dma_wait3A_829 = tpu.memref_slice %arg2[%dma_wait3A_827, %dma_wait3A_828] : memref<50000x128xf32, #tpu.memory_space<hbm>> -> memref<80x128xf32, #tpu.memory_space<hbm>>
      %dma_wait3A_830 = arith.constant 0 : i32
      %dma_wait3A_831 = arith.constant 0 : i32
      %dma_wait3A_832 = tpu.memref_slice %arg2[%dma_wait3A_830, %dma_wait3A_831] : memref<50000x128xf32, #tpu.memory_space<hbm>> -> memref<80x128xf32, #tpu.memory_space<hbm>>
      tpu.wait_dma2 semaphore(%arg12 : memref<!tpu.dma_semaphore, #tpu.memory_space<semaphore_mem>>) src(%dma_wait3A_832 : memref<80x128xf32, #tpu.memory_space<hbm>>) dst(%arg6 : memref<80x128xf32, #tpu.memory_space<vmem>>)
      %dma_wait3A_833 = arith.constant 0 : i32
      %dma_wait3A_834 = arith.constant 0 : i32
      %dma_wait3A_835 = tpu.memref_slice %arg2[%dma_wait3A_833, %dma_wait3A_834] : memref<50000x128xf32, #tpu.memory_space<hbm>> -> memref<80x128xf32, #tpu.memory_space<hbm>>
      %dma_wait3A_836 = arith.constant 0 : i32
      %dma_wait3A_837 = arith.constant 0 : i32
      %dma_wait3A_838 = tpu.memref_slice %arg2[%dma_wait3A_836, %dma_wait3A_837] : memref<50000x128xf32, #tpu.memory_space<hbm>> -> memref<80x128xf32, #tpu.memory_space<hbm>>
      tpu.wait_dma2 semaphore(%arg12 : memref<!tpu.dma_semaphore, #tpu.memory_space<semaphore_mem>>) src(%dma_wait3A_838 : memref<80x128xf32, #tpu.memory_space<hbm>>) dst(%arg7 : memref<80x128xf32, #tpu.memory_space<vmem>>)
      %parallel_loop3A_839 = arith.constant 0 : i32
      %parallel_loop3A_840 = arith.constant 80 : i32
      %parallel_loop3A_841 = arith.constant 1 : i32
      scf.for %parallel_loop3A_1044 = %parallel_loop3A_839 to %parallel_loop3A_840 step %parallel_loop3A_841  : i32 {
        %parallel_loop3A_1045 = vector.broadcast %parallel_loop3A_1044 : i32 to vector<16xi32>
        %parallel_loop3A_1046 = arith.index_cast %parallel_loop3A_1044 : i32 to index
        %parallel_loop3A_1047 = arith.constant 0 : index
        %parallel_loop3A_1048 = tpu.vector_load %arg6[%parallel_loop3A_1046, %parallel_loop3A_1047] {strides = array<i32>} : memref<80x128xf32, #tpu.memory_space<vmem>>, vector<16xf32>,
        tpu.vector_store_idx %arg10[%parallel_loop3A_1045, %add3A_16], %parallel_loop3A_1048 : memref<80x256xf32, #tpu.memory_space<vmem>>[vector<16xi32>, vector<16xi32>], vector<16xf32>,
        %parallel_loop3A_1049 = arith.index_cast %parallel_loop3A_1044 : i32 to index
        %parallel_loop3A_1050 = arith.constant 16 : index
        %parallel_loop3A_1051 = tpu.vector_load %arg6[%parallel_loop3A_1049, %parallel_loop3A_1050] {strides = array<i32>} : memref<80x128xf32, #tpu.memory_space<vmem>>, vector<16xf32>,
        tpu.vector_store_idx %arg10[%parallel_loop3A_1045, %add3A_32], %parallel_loop3A_1051 : memref<80x256xf32, #tpu.memory_space<vmem>>[vector<16xi32>, vector<16xi32>], vector<16xf32>,
        %parallel_loop3A_1052 = arith.index_cast %parallel_loop3A_1044 : i32 to index
        %parallel_loop3A_1053 = arith.constant 32 : index
        %parallel_loop3A_1054 = tpu.vector_load %arg6[%parallel_loop3A_1052, %parallel_loop3A_1053] {strides = array<i32>} : memref<80x128xf32, #tpu.memory_space<vmem>>, vector<16xf32>,
        tpu.vector_store_idx %arg10[%parallel_loop3A_1045, %add3A_48], %parallel_loop3A_1054 : memref<80x256xf32, #tpu.memory_space<vmem>>[vector<16xi32>, vector<16xi32>], vector<16xf32>,
        %parallel_loop3A_1055 = arith.index_cast %parallel_loop3A_1044 : i32 to index
        %parallel_loop3A_1056 = arith.constant 48 : index
        %parallel_loop3A_1057 = tpu.vector_load %arg6[%parallel_loop3A_1055, %parallel_loop3A_1056] {strides = array<i32>} : memref<80x128xf32, #tpu.memory_space<vmem>>, vector<16xf32>,
        tpu.vector_store_idx %arg10[%parallel_loop3A_1045, %add3A_64], %parallel_loop3A_1057 : memref<80x256xf32, #tpu.memory_space<vmem>>[vector<16xi32>, vector<16xi32>], vector<16xf32>,
        %parallel_loop3A_1058 = arith.index_cast %parallel_loop3A_1044 : i32 to index
        %parallel_loop3A_1059 = arith.constant 64 : index
        %parallel_loop3A_1060 = tpu.vector_load %arg6[%parallel_loop3A_1058, %parallel_loop3A_1059] {strides = array<i32>} : memref<80x128xf32, #tpu.memory_space<vmem>>, vector<16xf32>,
        tpu.vector_store_idx %arg10[%parallel_loop3A_1045, %add3A_80], %parallel_loop3A_1060 : memref<80x256xf32, #tpu.memory_space<vmem>>[vector<16xi32>, vector<16xi32>], vector<16xf32>,
        %parallel_loop3A_1061 = arith.index_cast %parallel_loop3A_1044 : i32 to index
        %parallel_loop3A_1062 = arith.constant 80 : index
        %parallel_loop3A_1063 = tpu.vector_load %arg6[%parallel_loop3A_1061, %parallel_loop3A_1062] {strides = array<i32>} : memref<80x128xf32, #tpu.memory_space<vmem>>, vector<16xf32>,
        tpu.vector_store_idx %arg10[%parallel_loop3A_1045, %add3A_96], %parallel_loop3A_1063 : memref<80x256xf32, #tpu.memory_space<vmem>>[vector<16xi32>, vector<16xi32>], vector<16xf32>,
        %parallel_loop3A_1064 = arith.index_cast %parallel_loop3A_1044 : i32 to index
        %parallel_loop3A_1065 = arith.constant 96 : index
        %parallel_loop3A_1066 = tpu.vector_load %arg6[%parallel_loop3A_1064, %parallel_loop3A_1065] {strides = array<i32>} : memref<80x128xf32, #tpu.memory_space<vmem>>, vector<16xf32>,
        tpu.vector_store_idx %arg10[%parallel_loop3A_1045, %add3A_112], %parallel_loop3A_1066 : memref<80x256xf32, #tpu.memory_space<vmem>>[vector<16xi32>, vector<16xi32>], vector<16xf32>,
        %parallel_loop3A_1067 = arith.index_cast %parallel_loop3A_1044 : i32 to index
        %parallel_loop3A_1068 = arith.constant 112 : index
        %parallel_loop3A_1069 = tpu.vector_load %arg6[%parallel_loop3A_1067, %parallel_loop3A_1068] {strides = array<i32>} : memref<80x128xf32, #tpu.memory_space<vmem>>, vector<16xf32>,
        tpu.vector_store_idx %arg10[%parallel_loop3A_1045, %add3A_128], %parallel_loop3A_1069 : memref<80x256xf32, #tpu.memory_space<vmem>>[vector<16xi32>, vector<16xi32>], vector<16xf32>,
        %parallel_loop3A_1070 = arith.index_cast %parallel_loop3A_1044 : i32 to index
        %parallel_loop3A_1071 = arith.constant 0 : index
        %parallel_loop3A_1072 = tpu.vector_load %arg7[%parallel_loop3A_1070, %parallel_loop3A_1071] {strides = array<i32>} : memref<80x128xf32, #tpu.memory_space<vmem>>, vector<16xf32>,
        tpu.vector_store_idx %arg10[%parallel_loop3A_1045, %add3A_144], %parallel_loop3A_1072 : memref<80x256xf32, #tpu.memory_space<vmem>>[vector<16xi32>, vector<16xi32>], vector<16xf32>,
        %parallel_loop3A_1073 = arith.index_cast %parallel_loop3A_1044 : i32 to index
        %parallel_loop3A_1074 = arith.constant 16 : index
        %parallel_loop3A_1075 = tpu.vector_load %arg7[%parallel_loop3A_1073, %parallel_loop3A_1074] {strides = array<i32>} : memref<80x128xf32, #tpu.memory_space<vmem>>, vector<16xf32>,
        tpu.vector_store_idx %arg10[%parallel_loop3A_1045, %add3A_160], %parallel_loop3A_1075 : memref<80x256xf32, #tpu.memory_space<vmem>>[vector<16xi32>, vector<16xi32>], vector<16xf32>,
        %parallel_loop3A_1076 = arith.index_cast %parallel_loop3A_1044 : i32 to index
        %parallel_loop3A_1077 = arith.constant 32 : index
        %parallel_loop3A_1078 = tpu.vector_load %arg7[%parallel_loop3A_1076, %parallel_loop3A_1077] {strides = array<i32>} : memref<80x128xf32, #tpu.memory_space<vmem>>, vector<16xf32>,
        tpu.vector_store_idx %arg10[%parallel_loop3A_1045, %add3A_176], %parallel_loop3A_1078 : memref<80x256xf32, #tpu.memory_space<vmem>>[vector<16xi32>, vector<16xi32>], vector<16xf32>,
        %parallel_loop3A_1079 = arith.index_cast %parallel_loop3A_1044 : i32 to index
        %parallel_loop3A_1080 = arith.constant 48 : index
        %parallel_loop3A_1081 = tpu.vector_load %arg7[%parallel_loop3A_1079, %parallel_loop3A_1080] {strides = array<i32>} : memref<80x128xf32, #tpu.memory_space<vmem>>, vector<16xf32>,
        tpu.vector_store_idx %arg10[%parallel_loop3A_1045, %add3A_192], %parallel_loop3A_1081 : memref<80x256xf32, #tpu.memory_space<vmem>>[vector<16xi32>, vector<16xi32>], vector<16xf32>,
        %parallel_loop3A_1082 = arith.index_cast %parallel_loop3A_1044 : i32 to index
        %parallel_loop3A_1083 = arith.constant 64 : index
        %parallel_loop3A_1084 = tpu.vector_load %arg7[%parallel_loop3A_1082, %parallel_loop3A_1083] {strides = array<i32>} : memref<80x128xf32, #tpu.memory_space<vmem>>, vector<16xf32>,
        tpu.vector_store_idx %arg10[%parallel_loop3A_1045, %add3A_208], %parallel_loop3A_1084 : memref<80x256xf32, #tpu.memory_space<vmem>>[vector<16xi32>, vector<16xi32>], vector<16xf32>,
        %parallel_loop3A_1085 = arith.index_cast %parallel_loop3A_1044 : i32 to index
        %parallel_loop3A_1086 = arith.constant 80 : index
        %parallel_loop3A_1087 = tpu.vector_load %arg7[%parallel_loop3A_1085, %parallel_loop3A_1086] {strides = array<i32>} : memref<80x128xf32, #tpu.memory_space<vmem>>, vector<16xf32>,
        tpu.vector_store_idx %arg10[%parallel_loop3A_1045, %add3A_224], %parallel_loop3A_1087 : memref<80x256xf32, #tpu.memory_space<vmem>>[vector<16xi32>, vector<16xi32>], vector<16xf32>,
        %parallel_loop3A_1088 = arith.index_cast %parallel_loop3A_1044 : i32 to index
        %parallel_loop3A_1089 = arith.constant 96 : index
        %parallel_loop3A_1090 = tpu.vector_load %arg7[%parallel_loop3A_1088, %parallel_loop3A_1089] {strides = array<i32>} : memref<80x128xf32, #tpu.memory_space<vmem>>, vector<16xf32>,
        tpu.vector_store_idx %arg10[%parallel_loop3A_1045, %add3A_240], %parallel_loop3A_1090 : memref<80x256xf32, #tpu.memory_space<vmem>>[vector<16xi32>, vector<16xi32>], vector<16xf32>,
        %parallel_loop3A_1091 = arith.index_cast %parallel_loop3A_1044 : i32 to index
        %parallel_loop3A_1092 = arith.constant 112 : index
        %parallel_loop3A_1093 = tpu.vector_load %arg7[%parallel_loop3A_1091, %parallel_loop3A_1092] {strides = array<i32>} : memref<80x128xf32, #tpu.memory_space<vmem>>, vector<16xf32>,
        tpu.vector_store_idx %arg10[%parallel_loop3A_1045, %add3A_256], %parallel_loop3A_1093 : memref<80x256xf32, #tpu.memory_space<vmem>>[vector<16xi32>, vector<16xi32>], vector<16xf32>,
      } {sc.loop_unroll_factor = 2 : i64, sc.parallel_access}
      %min3A_842 = arith.minsi %add3A_781, %select_n3A : i32
      %mul3A_843 = arith.constant 32 : i32
      %mul3A_844 = arith.muli %min3A_842, %mul3A_843 : i32
      %add3A_845 = arith.addi %add3A, %mul3A_844 : i32
      %jit3A_846 = arith.constant 625 : i32
      %div3A_847 = arith.divsi %add3A_845, %jit3A_846 : i32
      %sign3A_848 = arith.constant 0 : i32
      %sign3A_849 = arith.cmpi sgt, %add3A_845, %sign3A_848 : i32
      %sign3A_850 = arith.extui %sign3A_849 : i1 to i32
      %sign3A_851 = arith.constant 0 : i32
      %sign3A_852 = arith.cmpi slt, %add3A_845, %sign3A_851 : i32
      %sign3A_853 = arith.extui %sign3A_852 : i1 to i32
      %sign3A_854 = arith.subi %sign3A_850, %sign3A_853 : i32
      %sign3A_855 = arith.constant 0 : i32
      %sign3A_856 = arith.cmpi sgt, %jit3A_846, %sign3A_855 : i32
      %sign3A_857 = arith.extui %sign3A_856 : i1 to i32
      %sign3A_858 = arith.constant 0 : i32
      %sign3A_859 = arith.cmpi slt, %jit3A_846, %sign3A_858 : i32
      %sign3A_860 = arith.extui %sign3A_859 : i1 to i32
      %sign3A_861 = arith.subi %sign3A_857, %sign3A_860 : i32
      %ne3A_862 = arith.cmpi ne, %sign3A_854, %sign3A_861 : i32
      %rem3A_863 = arith.remsi %add3A_845, %jit3A_846 : i32
      %ne3A_864 = arith.constant 0 : i32
      %ne3A_865 = arith.cmpi ne, %rem3A_863, %ne3A_864 : i32
      %and3A_866 = arith.andi %ne3A_862, %ne3A_865 : i1
      %sub3A_867 = arith.constant 1 : i32
      %sub3A_868 = arith.subi %div3A_847, %sub3A_867 : i32
      %select_n3A_869 = arith.select %and3A_866, %sub3A_868, %div3A_847 : i32
      %jit3A_870 = arith.constant 625 : i32
      %eq3A_871 = arith.constant 0 : i32
      %eq3A_872 = arith.cmpi eq, %jit3A_870, %eq3A_871 : i32
      %jit3A_873 = arith.constant 1 : i32
      %select_n3A_874 = arith.select %eq3A_872, %jit3A_873, %jit3A_870 : i32
      %rem3A_875 = arith.remsi %add3A_845, %select_n3A_874 : i32
      %ne3A_876 = arith.constant 0 : i32
      %ne3A_877 = arith.cmpi ne, %rem3A_875, %ne3A_876 : i32
      %lt3A_878 = arith.constant 0 : i32
      %lt3A_879 = arith.cmpi slt, %rem3A_875, %lt3A_878 : i32
      %lt3A_880 = arith.constant 0 : i32
      %lt3A_881 = arith.cmpi slt, %select_n3A_874, %lt3A_880 : i32
      %ne3A_882 = arith.xori %lt3A_879, %lt3A_881 : i1
      %and3A_883 = arith.andi %ne3A_882, %ne3A_877 : i1
      %add3A_884 = arith.addi %rem3A_875, %select_n3A_874 : i32
      %select_n3A_885 = arith.select %and3A_883, %add3A_884, %rem3A_875 : i32
      %mul3A_886 = arith.constant 80 : i32
      %mul3A_887 = arith.muli %select_n3A_885, %mul3A_886 : i32
      %add3A_888 = arith.constant 0 : i32
      %add3A_889 = arith.addi %add3A_888, %mul3A_887 : i32
      %mul3A_890 = arith.constant 128 : i32
      %mul3A_891 = arith.muli %select_n3A_869, %mul3A_890 : i32
      %dma_start3A_892 = arith.constant 0 : i32
      %dma_start3A_893 = arith.constant 0 : i32
      %dma_start3A_894 = tpu.memref_slice %arg10[%dma_start3A_892, %dma_start3A_893] : memref<80x256xf32, #tpu.memory_space<vmem>> -> memref<80x128xf32, #tpu.memory_space<vmem>>
      %dma_start3A_895 = tpu.memref_slice %arg4[%add3A_889, %mul3A_891] : memref<100000x256xf32, #tpu.memory_space<hbm>> -> memref<80x128xf32, #tpu.memory_space<hbm>>
      %dma_start3A_896 = tpu.memref_slice %arg4[%add3A_889, %mul3A_891] : memref<100000x256xf32, #tpu.memory_space<hbm>> -> memref<80x128xf32, #tpu.memory_space<hbm>>
      %dma_start3A_897 = arith.constant 0 : i32
      %dma_start3A_898 = arith.constant 0 : i32
      %dma_start3A_899 = tpu.memref_slice %arg10[%dma_start3A_897, %dma_start3A_898] : memref<80x256xf32, #tpu.memory_space<vmem>> -> memref<80x128xf32, #tpu.memory_space<vmem>>
      tpu.enqueue_dma source(%dma_start3A_899 : memref<80x128xf32, #tpu.memory_space<vmem>>) target(%dma_start3A_896 : memref<80x128xf32, #tpu.memory_space<hbm>>) target_semaphore(%arg14 : memref<!tpu.dma_semaphore, #tpu.memory_space<semaphore_mem>>)
      %add3A_900 = arith.constant 50000 : i32
      %add3A_901 = arith.addi %add3A_900, %mul3A_887 : i32
      %mul3A_902 = arith.constant 128 : i32
      %mul3A_903 = arith.muli %select_n3A_869, %mul3A_902 : i32
      %dma_start3A_904 = arith.constant 0 : i32
      %dma_start3A_905 = arith.constant 128 : i32
      %dma_start3A_906 = tpu.memref_slice %arg10[%dma_start3A_904, %dma_start3A_905] : memref<80x256xf32, #tpu.memory_space<vmem>> -> memref<80x128xf32, #tpu.memory_space<vmem>>
      %dma_start3A_907 = tpu.memref_slice %arg4[%add3A_901, %mul3A_903] : memref<100000x256xf32, #tpu.memory_space<hbm>> -> memref<80x128xf32, #tpu.memory_space<hbm>>
      %dma_start3A_908 = tpu.memref_slice %arg4[%add3A_901, %mul3A_903] : memref<100000x256xf32, #tpu.memory_space<hbm>> -> memref<80x128xf32, #tpu.memory_space<hbm>>
      %dma_start3A_909 = arith.constant 0 : i32
      %dma_start3A_910 = arith.constant 128 : i32
      %dma_start3A_911 = tpu.memref_slice %arg10[%dma_start3A_909, %dma_start3A_910] : memref<80x256xf32, #tpu.memory_space<vmem>> -> memref<80x128xf32, #tpu.memory_space<vmem>>
      tpu.enqueue_dma source(%dma_start3A_911 : memref<80x128xf32, #tpu.memory_space<vmem>>) target(%dma_start3A_908 : memref<80x128xf32, #tpu.memory_space<hbm>>) target_semaphore(%arg14 : memref<!tpu.dma_semaphore, #tpu.memory_space<semaphore_mem>>)
      %add3A_912 = arith.constant 1 : i32
      %add3A_913 = arith.addi %add3A_781, %add3A_912 : i32
      %add3A_914 = arith.constant 1 : i32
      %add3A_915 = arith.addi %add3A_913, %add3A_914 : i32
      %min3A_916 = arith.minsi %add3A_915, %select_n3A : i32
      %mul3A_917 = arith.constant 2 : i32
      %mul3A_918 = arith.muli %mul3A_917, %min3A_916 : i32
      %add3A_919 = arith.constant 0 : i32
      %add3A_920 = arith.addi %mul3A_918, %add3A_919 : i32
      %mul3A_921 = arith.constant 128 : i32
      %mul3A_922 = arith.muli %add3A_920, %mul3A_921 : i32
      %dma_start3A_923 = tpu.memref_slice %arg5[%mul3A_922] : memref<10240xi32, #tpu.memory_space<vmem>> -> memref<80xi32, #tpu.memory_space<vmem>>
      %dma_start3A_924 = arith.constant 0 : i32
      %dma_start3A_925 = arith.constant 0 : i32
      %dma_start3A_926 = tpu.memref_slice %arg2[%dma_start3A_924, %dma_start3A_925] : memref<50000x128xf32, #tpu.memory_space<hbm>> -> memref<50000x128xf32, #tpu.memory_space<hbm>>
      tpu.enqueue_indirect_dma source(%dma_start3A_926 : memref<50000x128xf32, #tpu.memory_space<hbm>>) target(%arg6 : memref<80x128xf32, #tpu.memory_space<vmem>>) offsets(%dma_start3A_923 : memref<80xi32, #tpu.memory_space<vmem>>) semaphore(%arg12 : memref<!tpu.dma_semaphore, #tpu.memory_space<semaphore_mem>>)
      %add3A_927 = arith.constant 1 : i32
      %add3A_928 = arith.addi %mul3A_918, %add3A_927 : i32
      %mul3A_929 = arith.constant 128 : i32
      %mul3A_930 = arith.muli %add3A_928, %mul3A_929 : i32
      %dma_start3A_931 = tpu.memref_slice %arg5[%mul3A_930] : memref<10240xi32, #tpu.memory_space<vmem>> -> memref<80xi32, #tpu.memory_space<vmem>>
      %dma_start3A_932 = arith.constant 0 : i32
      %dma_start3A_933 = arith.constant 0 : i32
      %dma_start3A_934 = tpu.memref_slice %arg2[%dma_start3A_932, %dma_start3A_933] : memref<50000x128xf32, #tpu.memory_space<hbm>> -> memref<50000x128xf32, #tpu.memory_space<hbm>>
      tpu.enqueue_indirect_dma source(%dma_start3A_934 : memref<50000x128xf32, #tpu.memory_space<hbm>>) target(%arg7 : memref<80x128xf32, #tpu.memory_space<vmem>>) offsets(%dma_start3A_931 : memref<80xi32, #tpu.memory_space<vmem>>) semaphore(%arg12 : memref<!tpu.dma_semaphore, #tpu.memory_space<semaphore_mem>>)
      %dma_wait3A_935 = arith.constant 0 : i32
      %dma_wait3A_936 = arith.constant 0 : i32
      %dma_wait3A_937 = tpu.memref_slice %arg11[%dma_wait3A_935, %dma_wait3A_936] : memref<80x256xf32, #tpu.memory_space<vmem>> -> memref<80x128xf32, #tpu.memory_space<vmem>>
      %dma_wait3A_938 = arith.constant 0 : i32
      %dma_wait3A_939 = arith.constant 0 : i32
      %dma_wait3A_940 = tpu.memref_slice %arg4[%dma_wait3A_938, %dma_wait3A_939] : memref<100000x256xf32, #tpu.memory_space<hbm>> -> memref<80x128xf32, #tpu.memory_space<hbm>>
      %dma_wait3A_941 = arith.constant 0 : i32
      %dma_wait3A_942 = arith.constant 0 : i32
      %dma_wait3A_943 = tpu.memref_slice %arg4[%dma_wait3A_941, %dma_wait3A_942] : memref<100000x256xf32, #tpu.memory_space<hbm>> -> memref<80x128xf32, #tpu.memory_space<hbm>>
      %dma_wait3A_944 = arith.constant 0 : i32
      %dma_wait3A_945 = arith.constant 0 : i32
      %dma_wait3A_946 = tpu.memref_slice %arg11[%dma_wait3A_944, %dma_wait3A_945] : memref<80x256xf32, #tpu.memory_space<vmem>> -> memref<80x128xf32, #tpu.memory_space<vmem>>
      tpu.wait_dma2 semaphore(%arg15 : memref<!tpu.dma_semaphore, #tpu.memory_space<semaphore_mem>>) src(%dma_wait3A_946 : memref<80x128xf32, #tpu.memory_space<vmem>>) dst(%dma_wait3A_943 : memref<80x128xf32, #tpu.memory_space<hbm>>)
      %dma_wait3A_947 = arith.constant 0 : i32
      %dma_wait3A_948 = arith.constant 128 : i32
      %dma_wait3A_949 = tpu.memref_slice %arg11[%dma_wait3A_947, %dma_wait3A_948] : memref<80x256xf32, #tpu.memory_space<vmem>> -> memref<80x128xf32, #tpu.memory_space<vmem>>
      %dma_wait3A_950 = arith.constant 50000 : i32
      %dma_wait3A_951 = arith.constant 0 : i32
      %dma_wait3A_952 = tpu.memref_slice %arg4[%dma_wait3A_950, %dma_wait3A_951] : memref<100000x256xf32, #tpu.memory_space<hbm>> -> memref<80x128xf32, #tpu.memory_space<hbm>>
      %dma_wait3A_953 = arith.constant 50000 : i32
      %dma_wait3A_954 = arith.constant 0 : i32
      %dma_wait3A_955 = tpu.memref_slice %arg4[%dma_wait3A_953, %dma_wait3A_954] : memref<100000x256xf32, #tpu.memory_space<hbm>> -> memref<80x128xf32, #tpu.memory_space<hbm>>
      %dma_wait3A_956 = arith.constant 0 : i32
      %dma_wait3A_957 = arith.constant 128 : i32
      %dma_wait3A_958 = tpu.memref_slice %arg11[%dma_wait3A_956, %dma_wait3A_957] : memref<80x256xf32, #tpu.memory_space<vmem>> -> memref<80x128xf32, #tpu.memory_space<vmem>>
      tpu.wait_dma2 semaphore(%arg15 : memref<!tpu.dma_semaphore, #tpu.memory_space<semaphore_mem>>) src(%dma_wait3A_958 : memref<80x128xf32, #tpu.memory_space<vmem>>) dst(%dma_wait3A_955 : memref<80x128xf32, #tpu.memory_space<hbm>>)
      %dma_wait3A_959 = arith.constant 0 : i32
      %dma_wait3A_960 = arith.constant 0 : i32
      %dma_wait3A_961 = tpu.memref_slice %arg2[%dma_wait3A_959, %dma_wait3A_960] : memref<50000x128xf32, #tpu.memory_space<hbm>> -> memref<80x128xf32, #tpu.memory_space<hbm>>
      %dma_wait3A_962 = arith.constant 0 : i32
      %dma_wait3A_963 = arith.constant 0 : i32
      %dma_wait3A_964 = tpu.memref_slice %arg2[%dma_wait3A_962, %dma_wait3A_963] : memref<50000x128xf32, #tpu.memory_space<hbm>> -> memref<80x128xf32, #tpu.memory_space<hbm>>
      tpu.wait_dma2 semaphore(%arg13 : memref<!tpu.dma_semaphore, #tpu.memory_space<semaphore_mem>>) src(%dma_wait3A_964 : memref<80x128xf32, #tpu.memory_space<hbm>>) dst(%arg8 : memref<80x128xf32, #tpu.memory_space<vmem>>)
      %dma_wait3A_965 = arith.constant 0 : i32
      %dma_wait3A_966 = arith.constant 0 : i32
      %dma_wait3A_967 = tpu.memref_slice %arg2[%dma_wait3A_965, %dma_wait3A_966] : memref<50000x128xf32, #tpu.memory_space<hbm>> -> memref<80x128xf32, #tpu.memory_space<hbm>>
      %dma_wait3A_968 = arith.constant 0 : i32
      %dma_wait3A_969 = arith.constant 0 : i32
      %dma_wait3A_970 = tpu.memref_slice %arg2[%dma_wait3A_968, %dma_wait3A_969] : memref<50000x128xf32, #tpu.memory_space<hbm>> -> memref<80x128xf32, #tpu.memory_space<hbm>>
      tpu.wait_dma2 semaphore(%arg13 : memref<!tpu.dma_semaphore, #tpu.memory_space<semaphore_mem>>) src(%dma_wait3A_970 : memref<80x128xf32, #tpu.memory_space<hbm>>) dst(%arg9 : memref<80x128xf32, #tpu.memory_space<vmem>>)
      %parallel_loop3A_971 = arith.constant 0 : i32
      %parallel_loop3A_972 = arith.constant 80 : i32
      %parallel_loop3A_973 = arith.constant 1 : i32
      scf.for %parallel_loop3A_1044 = %parallel_loop3A_971 to %parallel_loop3A_972 step %parallel_loop3A_973  : i32 {
        %parallel_loop3A_1045 = vector.broadcast %parallel_loop3A_1044 : i32 to vector<16xi32>
        %parallel_loop3A_1046 = arith.index_cast %parallel_loop3A_1044 : i32 to index
        %parallel_loop3A_1047 = arith.constant 0 : index
        %parallel_loop3A_1048 = tpu.vector_load %arg8[%parallel_loop3A_1046, %parallel_loop3A_1047] {strides = array<i32>} : memref<80x128xf32, #tpu.memory_space<vmem>>, vector<16xf32>,
        tpu.vector_store_idx %arg11[%parallel_loop3A_1045, %add3A_16], %parallel_loop3A_1048 : memref<80x256xf32, #tpu.memory_space<vmem>>[vector<16xi32>, vector<16xi32>], vector<16xf32>,
        %parallel_loop3A_1049 = arith.index_cast %parallel_loop3A_1044 : i32 to index
        %parallel_loop3A_1050 = arith.constant 16 : index
        %parallel_loop3A_1051 = tpu.vector_load %arg8[%parallel_loop3A_1049, %parallel_loop3A_1050] {strides = array<i32>} : memref<80x128xf32, #tpu.memory_space<vmem>>, vector<16xf32>,
        tpu.vector_store_idx %arg11[%parallel_loop3A_1045, %add3A_32], %parallel_loop3A_1051 : memref<80x256xf32, #tpu.memory_space<vmem>>[vector<16xi32>, vector<16xi32>], vector<16xf32>,
        %parallel_loop3A_1052 = arith.index_cast %parallel_loop3A_1044 : i32 to index
        %parallel_loop3A_1053 = arith.constant 32 : index
        %parallel_loop3A_1054 = tpu.vector_load %arg8[%parallel_loop3A_1052, %parallel_loop3A_1053] {strides = array<i32>} : memref<80x128xf32, #tpu.memory_space<vmem>>, vector<16xf32>,
        tpu.vector_store_idx %arg11[%parallel_loop3A_1045, %add3A_48], %parallel_loop3A_1054 : memref<80x256xf32, #tpu.memory_space<vmem>>[vector<16xi32>, vector<16xi32>], vector<16xf32>,
        %parallel_loop3A_1055 = arith.index_cast %parallel_loop3A_1044 : i32 to index
        %parallel_loop3A_1056 = arith.constant 48 : index
        %parallel_loop3A_1057 = tpu.vector_load %arg8[%parallel_loop3A_1055, %parallel_loop3A_1056] {strides = array<i32>} : memref<80x128xf32, #tpu.memory_space<vmem>>, vector<16xf32>,
        tpu.vector_store_idx %arg11[%parallel_loop3A_1045, %add3A_64], %parallel_loop3A_1057 : memref<80x256xf32, #tpu.memory_space<vmem>>[vector<16xi32>, vector<16xi32>], vector<16xf32>,
        %parallel_loop3A_1058 = arith.index_cast %parallel_loop3A_1044 : i32 to index
        %parallel_loop3A_1059 = arith.constant 64 : index
        %parallel_loop3A_1060 = tpu.vector_load %arg8[%parallel_loop3A_1058, %parallel_loop3A_1059] {strides = array<i32>} : memref<80x128xf32, #tpu.memory_space<vmem>>, vector<16xf32>,
        tpu.vector_store_idx %arg11[%parallel_loop3A_1045, %add3A_80], %parallel_loop3A_1060 : memref<80x256xf32, #tpu.memory_space<vmem>>[vector<16xi32>, vector<16xi32>], vector<16xf32>,
        %parallel_loop3A_1061 = arith.index_cast %parallel_loop3A_1044 : i32 to index
        %parallel_loop3A_1062 = arith.constant 80 : index
        %parallel_loop3A_1063 = tpu.vector_load %arg8[%parallel_loop3A_1061, %parallel_loop3A_1062] {strides = array<i32>} : memref<80x128xf32, #tpu.memory_space<vmem>>, vector<16xf32>,
        tpu.vector_store_idx %arg11[%parallel_loop3A_1045, %add3A_96], %parallel_loop3A_1063 : memref<80x256xf32, #tpu.memory_space<vmem>>[vector<16xi32>, vector<16xi32>], vector<16xf32>,
        %parallel_loop3A_1064 = arith.index_cast %parallel_loop3A_1044 : i32 to index
        %parallel_loop3A_1065 = arith.constant 96 : index
        %parallel_loop3A_1066 = tpu.vector_load %arg8[%parallel_loop3A_1064, %parallel_loop3A_1065] {strides = array<i32>} : memref<80x128xf32, #tpu.memory_space<vmem>>, vector<16xf32>,
        tpu.vector_store_idx %arg11[%parallel_loop3A_1045, %add3A_112], %parallel_loop3A_1066 : memref<80x256xf32, #tpu.memory_space<vmem>>[vector<16xi32>, vector<16xi32>], vector<16xf32>,
        %parallel_loop3A_1067 = arith.index_cast %parallel_loop3A_1044 : i32 to index
        %parallel_loop3A_1068 = arith.constant 112 : index
        %parallel_loop3A_1069 = tpu.vector_load %arg8[%parallel_loop3A_1067, %parallel_loop3A_1068] {strides = array<i32>} : memref<80x128xf32, #tpu.memory_space<vmem>>, vector<16xf32>,
        tpu.vector_store_idx %arg11[%parallel_loop3A_1045, %add3A_128], %parallel_loop3A_1069 : memref<80x256xf32, #tpu.memory_space<vmem>>[vector<16xi32>, vector<16xi32>], vector<16xf32>,
        %parallel_loop3A_1070 = arith.index_cast %parallel_loop3A_1044 : i32 to index
        %parallel_loop3A_1071 = arith.constant 0 : index
        %parallel_loop3A_1072 = tpu.vector_load %arg9[%parallel_loop3A_1070, %parallel_loop3A_1071] {strides = array<i32>} : memref<80x128xf32, #tpu.memory_space<vmem>>, vector<16xf32>,
        tpu.vector_store_idx %arg11[%parallel_loop3A_1045, %add3A_144], %parallel_loop3A_1072 : memref<80x256xf32, #tpu.memory_space<vmem>>[vector<16xi32>, vector<16xi32>], vector<16xf32>,
        %parallel_loop3A_1073 = arith.index_cast %parallel_loop3A_1044 : i32 to index
        %parallel_loop3A_1074 = arith.constant 16 : index
        %parallel_loop3A_1075 = tpu.vector_load %arg9[%parallel_loop3A_1073, %parallel_loop3A_1074] {strides = array<i32>} : memref<80x128xf32, #tpu.memory_space<vmem>>, vector<16xf32>,
        tpu.vector_store_idx %arg11[%parallel_loop3A_1045, %add3A_160], %parallel_loop3A_1075 : memref<80x256xf32, #tpu.memory_space<vmem>>[vector<16xi32>, vector<16xi32>], vector<16xf32>,
        %parallel_loop3A_1076 = arith.index_cast %parallel_loop3A_1044 : i32 to index
        %parallel_loop3A_1077 = arith.constant 32 : index
        %parallel_loop3A_1078 = tpu.vector_load %arg9[%parallel_loop3A_1076, %parallel_loop3A_1077] {strides = array<i32>} : memref<80x128xf32, #tpu.memory_space<vmem>>, vector<16xf32>,
        tpu.vector_store_idx %arg11[%parallel_loop3A_1045, %add3A_176], %parallel_loop3A_1078 : memref<80x256xf32, #tpu.memory_space<vmem>>[vector<16xi32>, vector<16xi32>], vector<16xf32>,
        %parallel_loop3A_1079 = arith.index_cast %parallel_loop3A_1044 : i32 to index
        %parallel_loop3A_1080 = arith.constant 48 : index
        %parallel_loop3A_1081 = tpu.vector_load %arg9[%parallel_loop3A_1079, %parallel_loop3A_1080] {strides = array<i32>} : memref<80x128xf32, #tpu.memory_space<vmem>>, vector<16xf32>,
        tpu.vector_store_idx %arg11[%parallel_loop3A_1045, %add3A_192], %parallel_loop3A_1081 : memref<80x256xf32, #tpu.memory_space<vmem>>[vector<16xi32>, vector<16xi32>], vector<16xf32>,
        %parallel_loop3A_1082 = arith.index_cast %parallel_loop3A_1044 : i32 to index
        %parallel_loop3A_1083 = arith.constant 64 : index
        %parallel_loop3A_1084 = tpu.vector_load %arg9[%parallel_loop3A_1082, %parallel_loop3A_1083] {strides = array<i32>} : memref<80x128xf32, #tpu.memory_space<vmem>>, vector<16xf32>,
        tpu.vector_store_idx %arg11[%parallel_loop3A_1045, %add3A_208], %parallel_loop3A_1084 : memref<80x256xf32, #tpu.memory_space<vmem>>[vector<16xi32>, vector<16xi32>], vector<16xf32>,
        %parallel_loop3A_1085 = arith.index_cast %parallel_loop3A_1044 : i32 to index
        %parallel_loop3A_1086 = arith.constant 80 : index
        %parallel_loop3A_1087 = tpu.vector_load %arg9[%parallel_loop3A_1085, %parallel_loop3A_1086] {strides = array<i32>} : memref<80x128xf32, #tpu.memory_space<vmem>>, vector<16xf32>,
        tpu.vector_store_idx %arg11[%parallel_loop3A_1045, %add3A_224], %parallel_loop3A_1087 : memref<80x256xf32, #tpu.memory_space<vmem>>[vector<16xi32>, vector<16xi32>], vector<16xf32>,
        %parallel_loop3A_1088 = arith.index_cast %parallel_loop3A_1044 : i32 to index
        %parallel_loop3A_1089 = arith.constant 96 : index
        %parallel_loop3A_1090 = tpu.vector_load %arg9[%parallel_loop3A_1088, %parallel_loop3A_1089] {strides = array<i32>} : memref<80x128xf32, #tpu.memory_space<vmem>>, vector<16xf32>,
        tpu.vector_store_idx %arg11[%parallel_loop3A_1045, %add3A_240], %parallel_loop3A_1090 : memref<80x256xf32, #tpu.memory_space<vmem>>[vector<16xi32>, vector<16xi32>], vector<16xf32>,
        %parallel_loop3A_1091 = arith.index_cast %parallel_loop3A_1044 : i32 to index
        %parallel_loop3A_1092 = arith.constant 112 : index
        %parallel_loop3A_1093 = tpu.vector_load %arg9[%parallel_loop3A_1091, %parallel_loop3A_1092] {strides = array<i32>} : memref<80x128xf32, #tpu.memory_space<vmem>>, vector<16xf32>,
        tpu.vector_store_idx %arg11[%parallel_loop3A_1045, %add3A_256], %parallel_loop3A_1093 : memref<80x256xf32, #tpu.memory_space<vmem>>[vector<16xi32>, vector<16xi32>], vector<16xf32>,
      } {sc.loop_unroll_factor = 2 : i64, sc.parallel_access}
      %min3A_974 = arith.minsi %add3A_913, %select_n3A : i32
      %mul3A_975 = arith.constant 32 : i32
      %mul3A_976 = arith.muli %min3A_974, %mul3A_975 : i32
      %add3A_977 = arith.addi %add3A, %mul3A_976 : i32
      %jit3A_978 = arith.constant 625 : i32
      %div3A_979 = arith.divsi %add3A_977, %jit3A_978 : i32
      %sign3A_980 = arith.constant 0 : i32
      %sign3A_981 = arith.cmpi sgt, %add3A_977, %sign3A_980 : i32
      %sign3A_982 = arith.extui %sign3A_981 : i1 to i32
      %sign3A_983 = arith.constant 0 : i32
      %sign3A_984 = arith.cmpi slt, %add3A_977, %sign3A_983 : i32
      %sign3A_985 = arith.extui %sign3A_984 : i1 to i32
      %sign3A_986 = arith.subi %sign3A_982, %sign3A_985 : i32
      %sign3A_987 = arith.constant 0 : i32
      %sign3A_988 = arith.cmpi sgt, %jit3A_978, %sign3A_987 : i32
      %sign3A_989 = arith.extui %sign3A_988 : i1 to i32
      %sign3A_990 = arith.constant 0 : i32
      %sign3A_991 = arith.cmpi slt, %jit3A_978, %sign3A_990 : i32
      %sign3A_992 = arith.extui %sign3A_991 : i1 to i32
      %sign3A_993 = arith.subi %sign3A_989, %sign3A_992 : i32
      %ne3A_994 = arith.cmpi ne, %sign3A_986, %sign3A_993 : i32
      %rem3A_995 = arith.remsi %add3A_977, %jit3A_978 : i32
      %ne3A_996 = arith.constant 0 : i32
      %ne3A_997 = arith.cmpi ne, %rem3A_995, %ne3A_996 : i32
      %and3A_998 = arith.andi %ne3A_994, %ne3A_997 : i1
      %sub3A_999 = arith.constant 1 : i32
      %sub3A_1000 = arith.subi %div3A_979, %sub3A_999 : i32
      %select_n3A_1001 = arith.select %and3A_998, %sub3A_1000, %div3A_979 : i32
      %jit3A_1002 = arith.constant 625 : i32
      %eq3A_1003 = arith.constant 0 : i32
      %eq3A_1004 = arith.cmpi eq, %jit3A_1002, %eq3A_1003 : i32
      %jit3A_1005 = arith.constant 1 : i32
      %select_n3A_1006 = arith.select %eq3A_1004, %jit3A_1005, %jit3A_1002 : i32
      %rem3A_1007 = arith.remsi %add3A_977, %select_n3A_1006 : i32
      %ne3A_1008 = arith.constant 0 : i32
      %ne3A_1009 = arith.cmpi ne, %rem3A_1007, %ne3A_1008 : i32
      %lt3A_1010 = arith.constant 0 : i32
      %lt3A_1011 = arith.cmpi slt, %rem3A_1007, %lt3A_1010 : i32
      %lt3A_1012 = arith.constant 0 : i32
      %lt3A_1013 = arith.cmpi slt, %select_n3A_1006, %lt3A_1012 : i32
      %ne3A_1014 = arith.xori %lt3A_1011, %lt3A_1013 : i1
      %and3A_1015 = arith.andi %ne3A_1014, %ne3A_1009 : i1
      %add3A_1016 = arith.addi %rem3A_1007, %select_n3A_1006 : i32
      %select_n3A_1017 = arith.select %and3A_1015, %add3A_1016, %rem3A_1007 : i32
      %mul3A_1018 = arith.constant 80 : i32
      %mul3A_1019 = arith.muli %select_n3A_1017, %mul3A_1018 : i32
      %add3A_1020 = arith.constant 0 : i32
      %add3A_1021 = arith.addi %add3A_1020, %mul3A_1019 : i32
      %mul3A_1022 = arith.constant 128 : i32
      %mul3A_1023 = arith.muli %select_n3A_1001, %mul3A_1022 : i32
      %dma_start3A_1024 = arith.constant 0 : i32
      %dma_start3A_1025 = arith.constant 0 : i32
      %dma_start3A_1026 = tpu.memref_slice %arg11[%dma_start3A_1024, %dma_start3A_1025] : memref<80x256xf32, #tpu.memory_space<vmem>> -> memref<80x128xf32, #tpu.memory_space<vmem>>
      %dma_start3A_1027 = tpu.memref_slice %arg4[%add3A_1021, %mul3A_1023] : memref<100000x256xf32, #tpu.memory_space<hbm>> -> memref<80x128xf32, #tpu.memory_space<hbm>>
      %dma_start3A_1028 = tpu.memref_slice %arg4[%add3A_1021, %mul3A_1023] : memref<100000x256xf32, #tpu.memory_space<hbm>> -> memref<80x128xf32, #tpu.memory_space<hbm>>
      %dma_start3A_1029 = arith.constant 0 : i32
      %dma_start3A_1030 = arith.constant 0 : i32
      %dma_start3A_1031 = tpu.memref_slice %arg11[%dma_start3A_1029, %dma_start3A_1030] : memref<80x256xf32, #tpu.memory_space<vmem>> -> memref<80x128xf32, #tpu.memory_space<vmem>>
      tpu.enqueue_dma source(%dma_start3A_1031 : memref<80x128xf32, #tpu.memory_space<vmem>>) target(%dma_start3A_1028 : memref<80x128xf32, #tpu.memory_space<hbm>>) target_semaphore(%arg15 : memref<!tpu.dma_semaphore, #tpu.memory_space<semaphore_mem>>)
      %add3A_1032 = arith.constant 50000 : i32
      %add3A_1033 = arith.addi %add3A_1032, %mul3A_1019 : i32
      %mul3A_1034 = arith.constant 128 : i32
      %mul3A_1035 = arith.muli %select_n3A_1001, %mul3A_1034 : i32
      %dma_start3A_1036 = arith.constant 0 : i32
      %dma_start3A_1037 = arith.constant 128 : i32
      %dma_start3A_1038 = tpu.memref_slice %arg11[%dma_start3A_1036, %dma_start3A_1037] : memref<80x256xf32, #tpu.memory_space<vmem>> -> memref<80x128xf32, #tpu.memory_space<vmem>>
      %dma_start3A_1039 = tpu.memref_slice %arg4[%add3A_1033, %mul3A_1035] : memref<100000x256xf32, #tpu.memory_space<hbm>> -> memref<80x128xf32, #tpu.memory_space<hbm>>
      %dma_start3A_1040 = tpu.memref_slice %arg4[%add3A_1033, %mul3A_1035] : memref<100000x256xf32, #tpu.memory_space<hbm>> -> memref<80x128xf32, #tpu.memory_space<hbm>>
      %dma_start3A_1041 = arith.constant 0 : i32
      %dma_start3A_1042 = arith.constant 128 : i32
      %dma_start3A_1043 = tpu.memref_slice %arg11[%dma_start3A_1041, %dma_start3A_1042] : memref<80x256xf32, #tpu.memory_space<vmem>> -> memref<80x128xf32, #tpu.memory_space<vmem>>
      tpu.enqueue_dma source(%dma_start3A_1043 : memref<80x128xf32, #tpu.memory_space<vmem>>) target(%dma_start3A_1040 : memref<80x128xf32, #tpu.memory_space<hbm>>) target_semaphore(%arg15 : memref<!tpu.dma_semaphore, #tpu.memory_space<semaphore_mem>>)
    }
    %scan3A_488 = arith.constant 18 : i32
    %min3A_489 = arith.constant 39 : i32
    %min3A_490 = arith.minsi %min3A_489, %select_n3A : i32
    %mul3A_491 = arith.constant 2 : i32
    %mul3A_492 = arith.muli %mul3A_491, %min3A_490 : i32
    %add3A_493 = arith.constant 0 : i32
    %add3A_494 = arith.addi %mul3A_492, %add3A_493 : i32
    %mul3A_495 = arith.constant 128 : i32
    %mul3A_496 = arith.muli %add3A_494, %mul3A_495 : i32
    %dma_start3A_497 = tpu.memref_slice %arg5[%mul3A_496] : memref<10240xi32, #tpu.memory_space<vmem>> -> memref<80xi32, #tpu.memory_space<vmem>>
    %dma_start3A_498 = arith.constant 0 : i32
    %dma_start3A_499 = arith.constant 0 : i32
    %dma_start3A_500 = tpu.memref_slice %arg2[%dma_start3A_498, %dma_start3A_499] : memref<50000x128xf32, #tpu.memory_space<hbm>> -> memref<50000x128xf32, #tpu.memory_space<hbm>>
    tpu.enqueue_indirect_dma source(%dma_start3A_500 : memref<50000x128xf32, #tpu.memory_space<hbm>>) target(%arg8 : memref<80x128xf32, #tpu.memory_space<vmem>>) offsets(%dma_start3A_497 : memref<80xi32, #tpu.memory_space<vmem>>) semaphore(%arg13 : memref<!tpu.dma_semaphore, #tpu.memory_space<semaphore_mem>>)
    %add3A_501 = arith.constant 1 : i32
    %add3A_502 = arith.addi %mul3A_492, %add3A_501 : i32
    %mul3A_503 = arith.constant 128 : i32
    %mul3A_504 = arith.muli %add3A_502, %mul3A_503 : i32
    %dma_start3A_505 = tpu.memref_slice %arg5[%mul3A_504] : memref<10240xi32, #tpu.memory_space<vmem>> -> memref<80xi32, #tpu.memory_space<vmem>>
    %dma_start3A_506 = arith.constant 0 : i32
    %dma_start3A_507 = arith.constant 0 : i32
    %dma_start3A_508 = tpu.memref_slice %arg2[%dma_start3A_506, %dma_start3A_507] : memref<50000x128xf32, #tpu.memory_space<hbm>> -> memref<50000x128xf32, #tpu.memory_space<hbm>>
    tpu.enqueue_indirect_dma source(%dma_start3A_508 : memref<50000x128xf32, #tpu.memory_space<hbm>>) target(%arg9 : memref<80x128xf32, #tpu.memory_space<vmem>>) offsets(%dma_start3A_505 : memref<80xi32, #tpu.memory_space<vmem>>) semaphore(%arg13 : memref<!tpu.dma_semaphore, #tpu.memory_space<semaphore_mem>>)
    %dma_wait3A_509 = arith.constant 0 : i32
    %dma_wait3A_510 = arith.constant 0 : i32
    %dma_wait3A_511 = tpu.memref_slice %arg10[%dma_wait3A_509, %dma_wait3A_510] : memref<80x256xf32, #tpu.memory_space<vmem>> -> memref<80x128xf32, #tpu.memory_space<vmem>>
    %dma_wait3A_512 = arith.constant 0 : i32
    %dma_wait3A_513 = arith.constant 0 : i32
    %dma_wait3A_514 = tpu.memref_slice %arg4[%dma_wait3A_512, %dma_wait3A_513] : memref<100000x256xf32, #tpu.memory_space<hbm>> -> memref<80x128xf32, #tpu.memory_space<hbm>>
    %dma_wait3A_515 = arith.constant 0 : i32
    %dma_wait3A_516 = arith.constant 0 : i32
    %dma_wait3A_517 = tpu.memref_slice %arg4[%dma_wait3A_515, %dma_wait3A_516] : memref<100000x256xf32, #tpu.memory_space<hbm>> -> memref<80x128xf32, #tpu.memory_space<hbm>>
    %dma_wait3A_518 = arith.constant 0 : i32
    %dma_wait3A_519 = arith.constant 0 : i32
    %dma_wait3A_520 = tpu.memref_slice %arg10[%dma_wait3A_518, %dma_wait3A_519] : memref<80x256xf32, #tpu.memory_space<vmem>> -> memref<80x128xf32, #tpu.memory_space<vmem>>
    tpu.wait_dma2 semaphore(%arg14 : memref<!tpu.dma_semaphore, #tpu.memory_space<semaphore_mem>>) src(%dma_wait3A_520 : memref<80x128xf32, #tpu.memory_space<vmem>>) dst(%dma_wait3A_517 : memref<80x128xf32, #tpu.memory_space<hbm>>)
    %dma_wait3A_521 = arith.constant 0 : i32
    %dma_wait3A_522 = arith.constant 128 : i32
    %dma_wait3A_523 = tpu.memref_slice %arg10[%dma_wait3A_521, %dma_wait3A_522] : memref<80x256xf32, #tpu.memory_space<vmem>> -> memref<80x128xf32, #tpu.memory_space<vmem>>
    %dma_wait3A_524 = arith.constant 50000 : i32
    %dma_wait3A_525 = arith.constant 0 : i32
    %dma_wait3A_526 = tpu.memref_slice %arg4[%dma_wait3A_524, %dma_wait3A_525] : memref<100000x256xf32, #tpu.memory_space<hbm>> -> memref<80x128xf32, #tpu.memory_space<hbm>>
    %dma_wait3A_527 = arith.constant 50000 : i32
    %dma_wait3A_528 = arith.constant 0 : i32
    %dma_wait3A_529 = tpu.memref_slice %arg4[%dma_wait3A_527, %dma_wait3A_528] : memref<100000x256xf32, #tpu.memory_space<hbm>> -> memref<80x128xf32, #tpu.memory_space<hbm>>
    %dma_wait3A_530 = arith.constant 0 : i32
    %dma_wait3A_531 = arith.constant 128 : i32
    %dma_wait3A_532 = tpu.memref_slice %arg10[%dma_wait3A_530, %dma_wait3A_531] : memref<80x256xf32, #tpu.memory_space<vmem>> -> memref<80x128xf32, #tpu.memory_space<vmem>>
    tpu.wait_dma2 semaphore(%arg14 : memref<!tpu.dma_semaphore, #tpu.memory_space<semaphore_mem>>) src(%dma_wait3A_532 : memref<80x128xf32, #tpu.memory_space<vmem>>) dst(%dma_wait3A_529 : memref<80x128xf32, #tpu.memory_space<hbm>>)
    %dma_wait3A_533 = arith.constant 0 : i32
    %dma_wait3A_534 = arith.constant 0 : i32
    %dma_wait3A_535 = tpu.memref_slice %arg2[%dma_wait3A_533, %dma_wait3A_534] : memref<50000x128xf32, #tpu.memory_space<hbm>> -> memref<80x128xf32, #tpu.memory_space<hbm>>
    %dma_wait3A_536 = arith.constant 0 : i32
    %dma_wait3A_537 = arith.constant 0 : i32
    %dma_wait3A_538 = tpu.memref_slice %arg2[%dma_wait3A_536, %dma_wait3A_537] : memref<50000x128xf32, #tpu.memory_space<hbm>> -> memref<80x128xf32, #tpu.memory_space<hbm>>
    tpu.wait_dma2 semaphore(%arg12 : memref<!tpu.dma_semaphore, #tpu.memory_space<semaphore_mem>>) src(%dma_wait3A_538 : memref<80x128xf32, #tpu.memory_space<hbm>>) dst(%arg6 : memref<80x128xf32, #tpu.memory_space<vmem>>)
    %dma_wait3A_539 = arith.constant 0 : i32
    %dma_wait3A_540 = arith.constant 0 : i32
    %dma_wait3A_541 = tpu.memref_slice %arg2[%dma_wait3A_539, %dma_wait3A_540] : memref<50000x128xf32, #tpu.memory_space<hbm>> -> memref<80x128xf32, #tpu.memory_space<hbm>>
    %dma_wait3A_542 = arith.constant 0 : i32
    %dma_wait3A_543 = arith.constant 0 : i32
    %dma_wait3A_544 = tpu.memref_slice %arg2[%dma_wait3A_542, %dma_wait3A_543] : memref<50000x128xf32, #tpu.memory_space<hbm>> -> memref<80x128xf32, #tpu.memory_space<hbm>>
    tpu.wait_dma2 semaphore(%arg12 : memref<!tpu.dma_semaphore, #tpu.memory_space<semaphore_mem>>) src(%dma_wait3A_544 : memref<80x128xf32, #tpu.memory_space<hbm>>) dst(%arg7 : memref<80x128xf32, #tpu.memory_space<vmem>>)
    %parallel_loop3A_545 = arith.constant 0 : i32
    %parallel_loop3A_546 = arith.constant 80 : i32
    %parallel_loop3A_547 = arith.constant 1 : i32
    scf.for %parallel_loop3A_777 = %parallel_loop3A_545 to %parallel_loop3A_546 step %parallel_loop3A_547  : i32 {
      %parallel_loop3A_778 = vector.broadcast %parallel_loop3A_777 : i32 to vector<16xi32>
      %parallel_loop3A_779 = arith.index_cast %parallel_loop3A_777 : i32 to index
      %parallel_loop3A_780 = arith.constant 0 : index
      %parallel_loop3A_781 = tpu.vector_load %arg6[%parallel_loop3A_779, %parallel_loop3A_780] {strides = array<i32>} : memref<80x128xf32, #tpu.memory_space<vmem>>, vector<16xf32>,
      tpu.vector_store_idx %arg10[%parallel_loop3A_778, %add3A_16], %parallel_loop3A_781 : memref<80x256xf32, #tpu.memory_space<vmem>>[vector<16xi32>, vector<16xi32>], vector<16xf32>,
      %parallel_loop3A_782 = arith.index_cast %parallel_loop3A_777 : i32 to index
      %parallel_loop3A_783 = arith.constant 16 : index
      %parallel_loop3A_784 = tpu.vector_load %arg6[%parallel_loop3A_782, %parallel_loop3A_783] {strides = array<i32>} : memref<80x128xf32, #tpu.memory_space<vmem>>, vector<16xf32>,
      tpu.vector_store_idx %arg10[%parallel_loop3A_778, %add3A_32], %parallel_loop3A_784 : memref<80x256xf32, #tpu.memory_space<vmem>>[vector<16xi32>, vector<16xi32>], vector<16xf32>,
      %parallel_loop3A_785 = arith.index_cast %parallel_loop3A_777 : i32 to index
      %parallel_loop3A_786 = arith.constant 32 : index
      %parallel_loop3A_787 = tpu.vector_load %arg6[%parallel_loop3A_785, %parallel_loop3A_786] {strides = array<i32>} : memref<80x128xf32, #tpu.memory_space<vmem>>, vector<16xf32>,
      tpu.vector_store_idx %arg10[%parallel_loop3A_778, %add3A_48], %parallel_loop3A_787 : memref<80x256xf32, #tpu.memory_space<vmem>>[vector<16xi32>, vector<16xi32>], vector<16xf32>,
      %parallel_loop3A_788 = arith.index_cast %parallel_loop3A_777 : i32 to index
      %parallel_loop3A_789 = arith.constant 48 : index
      %parallel_loop3A_790 = tpu.vector_load %arg6[%parallel_loop3A_788, %parallel_loop3A_789] {strides = array<i32>} : memref<80x128xf32, #tpu.memory_space<vmem>>, vector<16xf32>,
      tpu.vector_store_idx %arg10[%parallel_loop3A_778, %add3A_64], %parallel_loop3A_790 : memref<80x256xf32, #tpu.memory_space<vmem>>[vector<16xi32>, vector<16xi32>], vector<16xf32>,
      %parallel_loop3A_791 = arith.index_cast %parallel_loop3A_777 : i32 to index
      %parallel_loop3A_792 = arith.constant 64 : index
      %parallel_loop3A_793 = tpu.vector_load %arg6[%parallel_loop3A_791, %parallel_loop3A_792] {strides = array<i32>} : memref<80x128xf32, #tpu.memory_space<vmem>>, vector<16xf32>,
      tpu.vector_store_idx %arg10[%parallel_loop3A_778, %add3A_80], %parallel_loop3A_793 : memref<80x256xf32, #tpu.memory_space<vmem>>[vector<16xi32>, vector<16xi32>], vector<16xf32>,
      %parallel_loop3A_794 = arith.index_cast %parallel_loop3A_777 : i32 to index
      %parallel_loop3A_795 = arith.constant 80 : index
      %parallel_loop3A_796 = tpu.vector_load %arg6[%parallel_loop3A_794, %parallel_loop3A_795] {strides = array<i32>} : memref<80x128xf32, #tpu.memory_space<vmem>>, vector<16xf32>,
      tpu.vector_store_idx %arg10[%parallel_loop3A_778, %add3A_96], %parallel_loop3A_796 : memref<80x256xf32, #tpu.memory_space<vmem>>[vector<16xi32>, vector<16xi32>], vector<16xf32>,
      %parallel_loop3A_797 = arith.index_cast %parallel_loop3A_777 : i32 to index
      %parallel_loop3A_798 = arith.constant 96 : index
      %parallel_loop3A_799 = tpu.vector_load %arg6[%parallel_loop3A_797, %parallel_loop3A_798] {strides = array<i32>} : memref<80x128xf32, #tpu.memory_space<vmem>>, vector<16xf32>,
      tpu.vector_store_idx %arg10[%parallel_loop3A_778, %add3A_112], %parallel_loop3A_799 : memref<80x256xf32, #tpu.memory_space<vmem>>[vector<16xi32>, vector<16xi32>], vector<16xf32>,
      %parallel_loop3A_800 = arith.index_cast %parallel_loop3A_777 : i32 to index
      %parallel_loop3A_801 = arith.constant 112 : index
      %parallel_loop3A_802 = tpu.vector_load %arg6[%parallel_loop3A_800, %parallel_loop3A_801] {strides = array<i32>} : memref<80x128xf32, #tpu.memory_space<vmem>>, vector<16xf32>,
      tpu.vector_store_idx %arg10[%parallel_loop3A_778, %add3A_128], %parallel_loop3A_802 : memref<80x256xf32, #tpu.memory_space<vmem>>[vector<16xi32>, vector<16xi32>], vector<16xf32>,
      %parallel_loop3A_803 = arith.index_cast %parallel_loop3A_777 : i32 to index
      %parallel_loop3A_804 = arith.constant 0 : index
      %parallel_loop3A_805 = tpu.vector_load %arg7[%parallel_loop3A_803, %parallel_loop3A_804] {strides = array<i32>} : memref<80x128xf32, #tpu.memory_space<vmem>>, vector<16xf32>,
      tpu.vector_store_idx %arg10[%parallel_loop3A_778, %add3A_144], %parallel_loop3A_805 : memref<80x256xf32, #tpu.memory_space<vmem>>[vector<16xi32>, vector<16xi32>], vector<16xf32>,
      %parallel_loop3A_806 = arith.index_cast %parallel_loop3A_777 : i32 to index
      %parallel_loop3A_807 = arith.constant 16 : index
      %parallel_loop3A_808 = tpu.vector_load %arg7[%parallel_loop3A_806, %parallel_loop3A_807] {strides = array<i32>} : memref<80x128xf32, #tpu.memory_space<vmem>>, vector<16xf32>,
      tpu.vector_store_idx %arg10[%parallel_loop3A_778, %add3A_160], %parallel_loop3A_808 : memref<80x256xf32, #tpu.memory_space<vmem>>[vector<16xi32>, vector<16xi32>], vector<16xf32>,
      %parallel_loop3A_809 = arith.index_cast %parallel_loop3A_777 : i32 to index
      %parallel_loop3A_810 = arith.constant 32 : index
      %parallel_loop3A_811 = tpu.vector_load %arg7[%parallel_loop3A_809, %parallel_loop3A_810] {strides = array<i32>} : memref<80x128xf32, #tpu.memory_space<vmem>>, vector<16xf32>,
      tpu.vector_store_idx %arg10[%parallel_loop3A_778, %add3A_176], %parallel_loop3A_811 : memref<80x256xf32, #tpu.memory_space<vmem>>[vector<16xi32>, vector<16xi32>], vector<16xf32>,
      %parallel_loop3A_812 = arith.index_cast %parallel_loop3A_777 : i32 to index
      %parallel_loop3A_813 = arith.constant 48 : index
      %parallel_loop3A_814 = tpu.vector_load %arg7[%parallel_loop3A_812, %parallel_loop3A_813] {strides = array<i32>} : memref<80x128xf32, #tpu.memory_space<vmem>>, vector<16xf32>,
      tpu.vector_store_idx %arg10[%parallel_loop3A_778, %add3A_192], %parallel_loop3A_814 : memref<80x256xf32, #tpu.memory_space<vmem>>[vector<16xi32>, vector<16xi32>], vector<16xf32>,
      %parallel_loop3A_815 = arith.index_cast %parallel_loop3A_777 : i32 to index
      %parallel_loop3A_816 = arith.constant 64 : index
      %parallel_loop3A_817 = tpu.vector_load %arg7[%parallel_loop3A_815, %parallel_loop3A_816] {strides = array<i32>} : memref<80x128xf32, #tpu.memory_space<vmem>>, vector<16xf32>,
      tpu.vector_store_idx %arg10[%parallel_loop3A_778, %add3A_208], %parallel_loop3A_817 : memref<80x256xf32, #tpu.memory_space<vmem>>[vector<16xi32>, vector<16xi32>], vector<16xf32>,
      %parallel_loop3A_818 = arith.index_cast %parallel_loop3A_777 : i32 to index
      %parallel_loop3A_819 = arith.constant 80 : index
      %parallel_loop3A_820 = tpu.vector_load %arg7[%parallel_loop3A_818, %parallel_loop3A_819] {strides = array<i32>} : memref<80x128xf32, #tpu.memory_space<vmem>>, vector<16xf32>,
      tpu.vector_store_idx %arg10[%parallel_loop3A_778, %add3A_224], %parallel_loop3A_820 : memref<80x256xf32, #tpu.memory_space<vmem>>[vector<16xi32>, vector<16xi32>], vector<16xf32>,
      %parallel_loop3A_821 = arith.index_cast %parallel_loop3A_777 : i32 to index
      %parallel_loop3A_822 = arith.constant 96 : index
      %parallel_loop3A_823 = tpu.vector_load %arg7[%parallel_loop3A_821, %parallel_loop3A_822] {strides = array<i32>} : memref<80x128xf32, #tpu.memory_space<vmem>>, vector<16xf32>,
      tpu.vector_store_idx %arg10[%parallel_loop3A_778, %add3A_240], %parallel_loop3A_823 : memref<80x256xf32, #tpu.memory_space<vmem>>[vector<16xi32>, vector<16xi32>], vector<16xf32>,
      %parallel_loop3A_824 = arith.index_cast %parallel_loop3A_777 : i32 to index
      %parallel_loop3A_825 = arith.constant 112 : index
      %parallel_loop3A_826 = tpu.vector_load %arg7[%parallel_loop3A_824, %parallel_loop3A_825] {strides = array<i32>} : memref<80x128xf32, #tpu.memory_space<vmem>>, vector<16xf32>,
      tpu.vector_store_idx %arg10[%parallel_loop3A_778, %add3A_256], %parallel_loop3A_826 : memref<80x256xf32, #tpu.memory_space<vmem>>[vector<16xi32>, vector<16xi32>], vector<16xf32>,
    } {sc.loop_unroll_factor = 2 : i64, sc.parallel_access}
    %min3A_548 = arith.constant 38 : i32
    %min3A_549 = arith.minsi %min3A_548, %select_n3A : i32
    %mul3A_550 = arith.constant 32 : i32
    %mul3A_551 = arith.muli %min3A_549, %mul3A_550 : i32
    %add3A_552 = arith.addi %add3A, %mul3A_551 : i32
    %jit3A_553 = arith.constant 625 : i32
    %div3A_554 = arith.divsi %add3A_552, %jit3A_553 : i32
    %sign3A_555 = arith.constant 0 : i32
    %sign3A_556 = arith.cmpi sgt, %add3A_552, %sign3A_555 : i32
    %sign3A_557 = arith.extui %sign3A_556 : i1 to i32
    %sign3A_558 = arith.constant 0 : i32
    %sign3A_559 = arith.cmpi slt, %add3A_552, %sign3A_558 : i32
    %sign3A_560 = arith.extui %sign3A_559 : i1 to i32
    %sign3A_561 = arith.subi %sign3A_557, %sign3A_560 : i32
    %sign3A_562 = arith.constant 0 : i32
    %sign3A_563 = arith.cmpi sgt, %jit3A_553, %sign3A_562 : i32
    %sign3A_564 = arith.extui %sign3A_563 : i1 to i32
    %sign3A_565 = arith.constant 0 : i32
    %sign3A_566 = arith.cmpi slt, %jit3A_553, %sign3A_565 : i32
    %sign3A_567 = arith.extui %sign3A_566 : i1 to i32
    %sign3A_568 = arith.subi %sign3A_564, %sign3A_567 : i32
    %ne3A_569 = arith.cmpi ne, %sign3A_561, %sign3A_568 : i32
    %rem3A_570 = arith.remsi %add3A_552, %jit3A_553 : i32
    %ne3A_571 = arith.constant 0 : i32
    %ne3A_572 = arith.cmpi ne, %rem3A_570, %ne3A_571 : i32
    %and3A_573 = arith.andi %ne3A_569, %ne3A_572 : i1
    %sub3A_574 = arith.constant 1 : i32
    %sub3A_575 = arith.subi %div3A_554, %sub3A_574 : i32
    %select_n3A_576 = arith.select %and3A_573, %sub3A_575, %div3A_554 : i32
    %jit3A_577 = arith.constant 625 : i32
    %eq3A_578 = arith.constant 0 : i32
    %eq3A_579 = arith.cmpi eq, %jit3A_577, %eq3A_578 : i32
    %jit3A_580 = arith.constant 1 : i32
    %select_n3A_581 = arith.select %eq3A_579, %jit3A_580, %jit3A_577 : i32
    %rem3A_582 = arith.remsi %add3A_552, %select_n3A_581 : i32
    %ne3A_583 = arith.constant 0 : i32
    %ne3A_584 = arith.cmpi ne, %rem3A_582, %ne3A_583 : i32
    %lt3A_585 = arith.constant 0 : i32
    %lt3A_586 = arith.cmpi slt, %rem3A_582, %lt3A_585 : i32
    %lt3A_587 = arith.constant 0 : i32
    %lt3A_588 = arith.cmpi slt, %select_n3A_581, %lt3A_587 : i32
    %ne3A_589 = arith.xori %lt3A_586, %lt3A_588 : i1
    %and3A_590 = arith.andi %ne3A_589, %ne3A_584 : i1
    %add3A_591 = arith.addi %rem3A_582, %select_n3A_581 : i32
    %select_n3A_592 = arith.select %and3A_590, %add3A_591, %rem3A_582 : i32
    %mul3A_593 = arith.constant 80 : i32
    %mul3A_594 = arith.muli %select_n3A_592, %mul3A_593 : i32
    %add3A_595 = arith.constant 0 : i32
    %add3A_596 = arith.addi %add3A_595, %mul3A_594 : i32
    %mul3A_597 = arith.constant 128 : i32
    %mul3A_598 = arith.muli %select_n3A_576, %mul3A_597 : i32
    %dma_start3A_599 = arith.constant 0 : i32
    %dma_start3A_600 = arith.constant 0 : i32
    %dma_start3A_601 = tpu.memref_slice %arg10[%dma_start3A_599, %dma_start3A_600] : memref<80x256xf32, #tpu.memory_space<vmem>> -> memref<80x128xf32, #tpu.memory_space<vmem>>
    %dma_start3A_602 = tpu.memref_slice %arg4[%add3A_596, %mul3A_598] : memref<100000x256xf32, #tpu.memory_space<hbm>> -> memref<80x128xf32, #tpu.memory_space<hbm>>
    %dma_start3A_603 = tpu.memref_slice %arg4[%add3A_596, %mul3A_598] : memref<100000x256xf32, #tpu.memory_space<hbm>> -> memref<80x128xf32, #tpu.memory_space<hbm>>
    %dma_start3A_604 = arith.constant 0 : i32
    %dma_start3A_605 = arith.constant 0 : i32
    %dma_start3A_606 = tpu.memref_slice %arg10[%dma_start3A_604, %dma_start3A_605] : memref<80x256xf32, #tpu.memory_space<vmem>> -> memref<80x128xf32, #tpu.memory_space<vmem>>
    tpu.enqueue_dma source(%dma_start3A_606 : memref<80x128xf32, #tpu.memory_space<vmem>>) target(%dma_start3A_603 : memref<80x128xf32, #tpu.memory_space<hbm>>) target_semaphore(%arg14 : memref<!tpu.dma_semaphore, #tpu.memory_space<semaphore_mem>>)
    %add3A_607 = arith.constant 50000 : i32
    %add3A_608 = arith.addi %add3A_607, %mul3A_594 : i32
    %mul3A_609 = arith.constant 128 : i32
    %mul3A_610 = arith.muli %select_n3A_576, %mul3A_609 : i32
    %dma_start3A_611 = arith.constant 0 : i32
    %dma_start3A_612 = arith.constant 128 : i32
    %dma_start3A_613 = tpu.memref_slice %arg10[%dma_start3A_611, %dma_start3A_612] : memref<80x256xf32, #tpu.memory_space<vmem>> -> memref<80x128xf32, #tpu.memory_space<vmem>>
    %dma_start3A_614 = tpu.memref_slice %arg4[%add3A_608, %mul3A_610] : memref<100000x256xf32, #tpu.memory_space<hbm>> -> memref<80x128xf32, #tpu.memory_space<hbm>>
    %dma_start3A_615 = tpu.memref_slice %arg4[%add3A_608, %mul3A_610] : memref<100000x256xf32, #tpu.memory_space<hbm>> -> memref<80x128xf32, #tpu.memory_space<hbm>>
    %dma_start3A_616 = arith.constant 0 : i32
    %dma_start3A_617 = arith.constant 128 : i32
    %dma_start3A_618 = tpu.memref_slice %arg10[%dma_start3A_616, %dma_start3A_617] : memref<80x256xf32, #tpu.memory_space<vmem>> -> memref<80x128xf32, #tpu.memory_space<vmem>>
    tpu.enqueue_dma source(%dma_start3A_618 : memref<80x128xf32, #tpu.memory_space<vmem>>) target(%dma_start3A_615 : memref<80x128xf32, #tpu.memory_space<hbm>>) target_semaphore(%arg14 : memref<!tpu.dma_semaphore, #tpu.memory_space<semaphore_mem>>)
    %dma_wait3A_619 = arith.constant 0 : i32
    %dma_wait3A_620 = arith.constant 0 : i32
    %dma_wait3A_621 = tpu.memref_slice %arg11[%dma_wait3A_619, %dma_wait3A_620] : memref<80x256xf32, #tpu.memory_space<vmem>> -> memref<80x128xf32, #tpu.memory_space<vmem>>
    %dma_wait3A_622 = arith.constant 0 : i32
    %dma_wait3A_623 = arith.constant 0 : i32
    %dma_wait3A_624 = tpu.memref_slice %arg4[%dma_wait3A_622, %dma_wait3A_623] : memref<100000x256xf32, #tpu.memory_space<hbm>> -> memref<80x128xf32, #tpu.memory_space<hbm>>
    %dma_wait3A_625 = arith.constant 0 : i32
    %dma_wait3A_626 = arith.constant 0 : i32
    %dma_wait3A_627 = tpu.memref_slice %arg4[%dma_wait3A_625, %dma_wait3A_626] : memref<100000x256xf32, #tpu.memory_space<hbm>> -> memref<80x128xf32, #tpu.memory_space<hbm>>
    %dma_wait3A_628 = arith.constant 0 : i32
    %dma_wait3A_629 = arith.constant 0 : i32
    %dma_wait3A_630 = tpu.memref_slice %arg11[%dma_wait3A_628, %dma_wait3A_629] : memref<80x256xf32, #tpu.memory_space<vmem>> -> memref<80x128xf32, #tpu.memory_space<vmem>>
    tpu.wait_dma2 semaphore(%arg15 : memref<!tpu.dma_semaphore, #tpu.memory_space<semaphore_mem>>) src(%dma_wait3A_630 : memref<80x128xf32, #tpu.memory_space<vmem>>) dst(%dma_wait3A_627 : memref<80x128xf32, #tpu.memory_space<hbm>>)
    %dma_wait3A_631 = arith.constant 0 : i32
    %dma_wait3A_632 = arith.constant 128 : i32
    %dma_wait3A_633 = tpu.memref_slice %arg11[%dma_wait3A_631, %dma_wait3A_632] : memref<80x256xf32, #tpu.memory_space<vmem>> -> memref<80x128xf32, #tpu.memory_space<vmem>>
    %dma_wait3A_634 = arith.constant 50000 : i32
    %dma_wait3A_635 = arith.constant 0 : i32
    %dma_wait3A_636 = tpu.memref_slice %arg4[%dma_wait3A_634, %dma_wait3A_635] : memref<100000x256xf32, #tpu.memory_space<hbm>> -> memref<80x128xf32, #tpu.memory_space<hbm>>
    %dma_wait3A_637 = arith.constant 50000 : i32
    %dma_wait3A_638 = arith.constant 0 : i32
    %dma_wait3A_639 = tpu.memref_slice %arg4[%dma_wait3A_637, %dma_wait3A_638] : memref<100000x256xf32, #tpu.memory_space<hbm>> -> memref<80x128xf32, #tpu.memory_space<hbm>>
    %dma_wait3A_640 = arith.constant 0 : i32
    %dma_wait3A_641 = arith.constant 128 : i32
    %dma_wait3A_642 = tpu.memref_slice %arg11[%dma_wait3A_640, %dma_wait3A_641] : memref<80x256xf32, #tpu.memory_space<vmem>> -> memref<80x128xf32, #tpu.memory_space<vmem>>
    tpu.wait_dma2 semaphore(%arg15 : memref<!tpu.dma_semaphore, #tpu.memory_space<semaphore_mem>>) src(%dma_wait3A_642 : memref<80x128xf32, #tpu.memory_space<vmem>>) dst(%dma_wait3A_639 : memref<80x128xf32, #tpu.memory_space<hbm>>)
    %dma_wait3A_643 = arith.constant 0 : i32
    %dma_wait3A_644 = arith.constant 0 : i32
    %dma_wait3A_645 = tpu.memref_slice %arg2[%dma_wait3A_643, %dma_wait3A_644] : memref<50000x128xf32, #tpu.memory_space<hbm>> -> memref<80x128xf32, #tpu.memory_space<hbm>>
    %dma_wait3A_646 = arith.constant 0 : i32
    %dma_wait3A_647 = arith.constant 0 : i32
    %dma_wait3A_648 = tpu.memref_slice %arg2[%dma_wait3A_646, %dma_wait3A_647] : memref<50000x128xf32, #tpu.memory_space<hbm>> -> memref<80x128xf32, #tpu.memory_space<hbm>>
    tpu.wait_dma2 semaphore(%arg13 : memref<!tpu.dma_semaphore, #tpu.memory_space<semaphore_mem>>) src(%dma_wait3A_648 : memref<80x128xf32, #tpu.memory_space<hbm>>) dst(%arg8 : memref<80x128xf32, #tpu.memory_space<vmem>>)
    %dma_wait3A_649 = arith.constant 0 : i32
    %dma_wait3A_650 = arith.constant 0 : i32
    %dma_wait3A_651 = tpu.memref_slice %arg2[%dma_wait3A_649, %dma_wait3A_650] : memref<50000x128xf32, #tpu.memory_space<hbm>> -> memref<80x128xf32, #tpu.memory_space<hbm>>
    %dma_wait3A_652 = arith.constant 0 : i32
    %dma_wait3A_653 = arith.constant 0 : i32
    %dma_wait3A_654 = tpu.memref_slice %arg2[%dma_wait3A_652, %dma_wait3A_653] : memref<50000x128xf32, #tpu.memory_space<hbm>> -> memref<80x128xf32, #tpu.memory_space<hbm>>
    tpu.wait_dma2 semaphore(%arg13 : memref<!tpu.dma_semaphore, #tpu.memory_space<semaphore_mem>>) src(%dma_wait3A_654 : memref<80x128xf32, #tpu.memory_space<hbm>>) dst(%arg9 : memref<80x128xf32, #tpu.memory_space<vmem>>)
    %parallel_loop3A_655 = arith.constant 0 : i32
    %parallel_loop3A_656 = arith.constant 80 : i32
    %parallel_loop3A_657 = arith.constant 1 : i32
    scf.for %parallel_loop3A_777 = %parallel_loop3A_655 to %parallel_loop3A_656 step %parallel_loop3A_657  : i32 {
      %parallel_loop3A_778 = vector.broadcast %parallel_loop3A_777 : i32 to vector<16xi32>
      %parallel_loop3A_779 = arith.index_cast %parallel_loop3A_777 : i32 to index
      %parallel_loop3A_780 = arith.constant 0 : index
      %parallel_loop3A_781 = tpu.vector_load %arg8[%parallel_loop3A_779, %parallel_loop3A_780] {strides = array<i32>} : memref<80x128xf32, #tpu.memory_space<vmem>>, vector<16xf32>,
      tpu.vector_store_idx %arg11[%parallel_loop3A_778, %add3A_16], %parallel_loop3A_781 : memref<80x256xf32, #tpu.memory_space<vmem>>[vector<16xi32>, vector<16xi32>], vector<16xf32>,
      %parallel_loop3A_782 = arith.index_cast %parallel_loop3A_777 : i32 to index
      %parallel_loop3A_783 = arith.constant 16 : index
      %parallel_loop3A_784 = tpu.vector_load %arg8[%parallel_loop3A_782, %parallel_loop3A_783] {strides = array<i32>} : memref<80x128xf32, #tpu.memory_space<vmem>>, vector<16xf32>,
      tpu.vector_store_idx %arg11[%parallel_loop3A_778, %add3A_32], %parallel_loop3A_784 : memref<80x256xf32, #tpu.memory_space<vmem>>[vector<16xi32>, vector<16xi32>], vector<16xf32>,
      %parallel_loop3A_785 = arith.index_cast %parallel_loop3A_777 : i32 to index
      %parallel_loop3A_786 = arith.constant 32 : index
      %parallel_loop3A_787 = tpu.vector_load %arg8[%parallel_loop3A_785, %parallel_loop3A_786] {strides = array<i32>} : memref<80x128xf32, #tpu.memory_space<vmem>>, vector<16xf32>,
      tpu.vector_store_idx %arg11[%parallel_loop3A_778, %add3A_48], %parallel_loop3A_787 : memref<80x256xf32, #tpu.memory_space<vmem>>[vector<16xi32>, vector<16xi32>], vector<16xf32>,
      %parallel_loop3A_788 = arith.index_cast %parallel_loop3A_777 : i32 to index
      %parallel_loop3A_789 = arith.constant 48 : index
      %parallel_loop3A_790 = tpu.vector_load %arg8[%parallel_loop3A_788, %parallel_loop3A_789] {strides = array<i32>} : memref<80x128xf32, #tpu.memory_space<vmem>>, vector<16xf32>,
      tpu.vector_store_idx %arg11[%parallel_loop3A_778, %add3A_64], %parallel_loop3A_790 : memref<80x256xf32, #tpu.memory_space<vmem>>[vector<16xi32>, vector<16xi32>], vector<16xf32>,
      %parallel_loop3A_791 = arith.index_cast %parallel_loop3A_777 : i32 to index
      %parallel_loop3A_792 = arith.constant 64 : index
      %parallel_loop3A_793 = tpu.vector_load %arg8[%parallel_loop3A_791, %parallel_loop3A_792] {strides = array<i32>} : memref<80x128xf32, #tpu.memory_space<vmem>>, vector<16xf32>,
      tpu.vector_store_idx %arg11[%parallel_loop3A_778, %add3A_80], %parallel_loop3A_793 : memref<80x256xf32, #tpu.memory_space<vmem>>[vector<16xi32>, vector<16xi32>], vector<16xf32>,
      %parallel_loop3A_794 = arith.index_cast %parallel_loop3A_777 : i32 to index
      %parallel_loop3A_795 = arith.constant 80 : index
      %parallel_loop3A_796 = tpu.vector_load %arg8[%parallel_loop3A_794, %parallel_loop3A_795] {strides = array<i32>} : memref<80x128xf32, #tpu.memory_space<vmem>>, vector<16xf32>,
      tpu.vector_store_idx %arg11[%parallel_loop3A_778, %add3A_96], %parallel_loop3A_796 : memref<80x256xf32, #tpu.memory_space<vmem>>[vector<16xi32>, vector<16xi32>], vector<16xf32>,
      %parallel_loop3A_797 = arith.index_cast %parallel_loop3A_777 : i32 to index
      %parallel_loop3A_798 = arith.constant 96 : index
      %parallel_loop3A_799 = tpu.vector_load %arg8[%parallel_loop3A_797, %parallel_loop3A_798] {strides = array<i32>} : memref<80x128xf32, #tpu.memory_space<vmem>>, vector<16xf32>,
      tpu.vector_store_idx %arg11[%parallel_loop3A_778, %add3A_112], %parallel_loop3A_799 : memref<80x256xf32, #tpu.memory_space<vmem>>[vector<16xi32>, vector<16xi32>], vector<16xf32>,
      %parallel_loop3A_800 = arith.index_cast %parallel_loop3A_777 : i32 to index
      %parallel_loop3A_801 = arith.constant 112 : index
      %parallel_loop3A_802 = tpu.vector_load %arg8[%parallel_loop3A_800, %parallel_loop3A_801] {strides = array<i32>} : memref<80x128xf32, #tpu.memory_space<vmem>>, vector<16xf32>,
      tpu.vector_store_idx %arg11[%parallel_loop3A_778, %add3A_128], %parallel_loop3A_802 : memref<80x256xf32, #tpu.memory_space<vmem>>[vector<16xi32>, vector<16xi32>], vector<16xf32>,
      %parallel_loop3A_803 = arith.index_cast %parallel_loop3A_777 : i32 to index
      %parallel_loop3A_804 = arith.constant 0 : index
      %parallel_loop3A_805 = tpu.vector_load %arg9[%parallel_loop3A_803, %parallel_loop3A_804] {strides = array<i32>} : memref<80x128xf32, #tpu.memory_space<vmem>>, vector<16xf32>,
      tpu.vector_store_idx %arg11[%parallel_loop3A_778, %add3A_144], %parallel_loop3A_805 : memref<80x256xf32, #tpu.memory_space<vmem>>[vector<16xi32>, vector<16xi32>], vector<16xf32>,
      %parallel_loop3A_806 = arith.index_cast %parallel_loop3A_777 : i32 to index
      %parallel_loop3A_807 = arith.constant 16 : index
      %parallel_loop3A_808 = tpu.vector_load %arg9[%parallel_loop3A_806, %parallel_loop3A_807] {strides = array<i32>} : memref<80x128xf32, #tpu.memory_space<vmem>>, vector<16xf32>,
      tpu.vector_store_idx %arg11[%parallel_loop3A_778, %add3A_160], %parallel_loop3A_808 : memref<80x256xf32, #tpu.memory_space<vmem>>[vector<16xi32>, vector<16xi32>], vector<16xf32>,
      %parallel_loop3A_809 = arith.index_cast %parallel_loop3A_777 : i32 to index
      %parallel_loop3A_810 = arith.constant 32 : index
      %parallel_loop3A_811 = tpu.vector_load %arg9[%parallel_loop3A_809, %parallel_loop3A_810] {strides = array<i32>} : memref<80x128xf32, #tpu.memory_space<vmem>>, vector<16xf32>,
      tpu.vector_store_idx %arg11[%parallel_loop3A_778, %add3A_176], %parallel_loop3A_811 : memref<80x256xf32, #tpu.memory_space<vmem>>[vector<16xi32>, vector<16xi32>], vector<16xf32>,
      %parallel_loop3A_812 = arith.index_cast %parallel_loop3A_777 : i32 to index
      %parallel_loop3A_813 = arith.constant 48 : index
      %parallel_loop3A_814 = tpu.vector_load %arg9[%parallel_loop3A_812, %parallel_loop3A_813] {strides = array<i32>} : memref<80x128xf32, #tpu.memory_space<vmem>>, vector<16xf32>,
      tpu.vector_store_idx %arg11[%parallel_loop3A_778, %add3A_192], %parallel_loop3A_814 : memref<80x256xf32, #tpu.memory_space<vmem>>[vector<16xi32>, vector<16xi32>], vector<16xf32>,
      %parallel_loop3A_815 = arith.index_cast %parallel_loop3A_777 : i32 to index
      %parallel_loop3A_816 = arith.constant 64 : index
      %parallel_loop3A_817 = tpu.vector_load %arg9[%parallel_loop3A_815, %parallel_loop3A_816] {strides = array<i32>} : memref<80x128xf32, #tpu.memory_space<vmem>>, vector<16xf32>,
      tpu.vector_store_idx %arg11[%parallel_loop3A_778, %add3A_208], %parallel_loop3A_817 : memref<80x256xf32, #tpu.memory_space<vmem>>[vector<16xi32>, vector<16xi32>], vector<16xf32>,
      %parallel_loop3A_818 = arith.index_cast %parallel_loop3A_777 : i32 to index
      %parallel_loop3A_819 = arith.constant 80 : index
      %parallel_loop3A_820 = tpu.vector_load %arg9[%parallel_loop3A_818, %parallel_loop3A_819] {strides = array<i32>} : memref<80x128xf32, #tpu.memory_space<vmem>>, vector<16xf32>,
      tpu.vector_store_idx %arg11[%parallel_loop3A_778, %add3A_224], %parallel_loop3A_820 : memref<80x256xf32, #tpu.memory_space<vmem>>[vector<16xi32>, vector<16xi32>], vector<16xf32>,
      %parallel_loop3A_821 = arith.index_cast %parallel_loop3A_777 : i32 to index
      %parallel_loop3A_822 = arith.constant 96 : index
      %parallel_loop3A_823 = tpu.vector_load %arg9[%parallel_loop3A_821, %parallel_loop3A_822] {strides = array<i32>} : memref<80x128xf32, #tpu.memory_space<vmem>>, vector<16xf32>,
      tpu.vector_store_idx %arg11[%parallel_loop3A_778, %add3A_240], %parallel_loop3A_823 : memref<80x256xf32, #tpu.memory_space<vmem>>[vector<16xi32>, vector<16xi32>], vector<16xf32>,
      %parallel_loop3A_824 = arith.index_cast %parallel_loop3A_777 : i32 to index
      %parallel_loop3A_825 = arith.constant 112 : index
      %parallel_loop3A_826 = tpu.vector_load %arg9[%parallel_loop3A_824, %parallel_loop3A_825] {strides = array<i32>} : memref<80x128xf32, #tpu.memory_space<vmem>>, vector<16xf32>,
      tpu.vector_store_idx %arg11[%parallel_loop3A_778, %add3A_256], %parallel_loop3A_826 : memref<80x256xf32, #tpu.memory_space<vmem>>[vector<16xi32>, vector<16xi32>], vector<16xf32>,
    } {sc.loop_unroll_factor = 2 : i64, sc.parallel_access}
    %min3A_658 = arith.constant 39 : i32
    %min3A_659 = arith.minsi %min3A_658, %select_n3A : i32
    %mul3A_660 = arith.constant 32 : i32
    %mul3A_661 = arith.muli %min3A_659, %mul3A_660 : i32
    %add3A_662 = arith.addi %add3A, %mul3A_661 : i32
    %jit3A_663 = arith.constant 625 : i32
    %div3A_664 = arith.divsi %add3A_662, %jit3A_663 : i32
    %sign3A_665 = arith.constant 0 : i32
    %sign3A_666 = arith.cmpi sgt, %add3A_662, %sign3A_665 : i32
    %sign3A_667 = arith.extui %sign3A_666 : i1 to i32
    %sign3A_668 = arith.constant 0 : i32
    %sign3A_669 = arith.cmpi slt, %add3A_662, %sign3A_668 : i32
    %sign3A_670 = arith.extui %sign3A_669 : i1 to i32
    %sign3A_671 = arith.subi %sign3A_667, %sign3A_670 : i32
    %sign3A_672 = arith.constant 0 : i32
    %sign3A_673 = arith.cmpi sgt, %jit3A_663, %sign3A_672 : i32
    %sign3A_674 = arith.extui %sign3A_673 : i1 to i32
    %sign3A_675 = arith.constant 0 : i32
    %sign3A_676 = arith.cmpi slt, %jit3A_663, %sign3A_675 : i32
    %sign3A_677 = arith.extui %sign3A_676 : i1 to i32
    %sign3A_678 = arith.subi %sign3A_674, %sign3A_677 : i32
    %ne3A_679 = arith.cmpi ne, %sign3A_671, %sign3A_678 : i32
    %rem3A_680 = arith.remsi %add3A_662, %jit3A_663 : i32
    %ne3A_681 = arith.constant 0 : i32
    %ne3A_682 = arith.cmpi ne, %rem3A_680, %ne3A_681 : i32
    %and3A_683 = arith.andi %ne3A_679, %ne3A_682 : i1
    %sub3A_684 = arith.constant 1 : i32
    %sub3A_685 = arith.subi %div3A_664, %sub3A_684 : i32
    %select_n3A_686 = arith.select %and3A_683, %sub3A_685, %div3A_664 : i32
    %jit3A_687 = arith.constant 625 : i32
    %eq3A_688 = arith.constant 0 : i32
    %eq3A_689 = arith.cmpi eq, %jit3A_687, %eq3A_688 : i32
    %jit3A_690 = arith.constant 1 : i32
    %select_n3A_691 = arith.select %eq3A_689, %jit3A_690, %jit3A_687 : i32
    %rem3A_692 = arith.remsi %add3A_662, %select_n3A_691 : i32
    %ne3A_693 = arith.constant 0 : i32
    %ne3A_694 = arith.cmpi ne, %rem3A_692, %ne3A_693 : i32
    %lt3A_695 = arith.constant 0 : i32
    %lt3A_696 = arith.cmpi slt, %rem3A_692, %lt3A_695 : i32
    %lt3A_697 = arith.constant 0 : i32
    %lt3A_698 = arith.cmpi slt, %select_n3A_691, %lt3A_697 : i32
    %ne3A_699 = arith.xori %lt3A_696, %lt3A_698 : i1
    %and3A_700 = arith.andi %ne3A_699, %ne3A_694 : i1
    %add3A_701 = arith.addi %rem3A_692, %select_n3A_691 : i32
    %select_n3A_702 = arith.select %and3A_700, %add3A_701, %rem3A_692 : i32
    %mul3A_703 = arith.constant 80 : i32
    %mul3A_704 = arith.muli %select_n3A_702, %mul3A_703 : i32
    %add3A_705 = arith.constant 0 : i32
    %add3A_706 = arith.addi %add3A_705, %mul3A_704 : i32
    %mul3A_707 = arith.constant 128 : i32
    %mul3A_708 = arith.muli %select_n3A_686, %mul3A_707 : i32
    %dma_start3A_709 = arith.constant 0 : i32
    %dma_start3A_710 = arith.constant 0 : i32
    %dma_start3A_711 = tpu.memref_slice %arg11[%dma_start3A_709, %dma_start3A_710] : memref<80x256xf32, #tpu.memory_space<vmem>> -> memref<80x128xf32, #tpu.memory_space<vmem>>
    %dma_start3A_712 = tpu.memref_slice %arg4[%add3A_706, %mul3A_708] : memref<100000x256xf32, #tpu.memory_space<hbm>> -> memref<80x128xf32, #tpu.memory_space<hbm>>
    %dma_start3A_713 = tpu.memref_slice %arg4[%add3A_706, %mul3A_708] : memref<100000x256xf32, #tpu.memory_space<hbm>> -> memref<80x128xf32, #tpu.memory_space<hbm>>
    %dma_start3A_714 = arith.constant 0 : i32
    %dma_start3A_715 = arith.constant 0 : i32
    %dma_start3A_716 = tpu.memref_slice %arg11[%dma_start3A_714, %dma_start3A_715] : memref<80x256xf32, #tpu.memory_space<vmem>> -> memref<80x128xf32, #tpu.memory_space<vmem>>
    tpu.enqueue_dma source(%dma_start3A_716 : memref<80x128xf32, #tpu.memory_space<vmem>>) target(%dma_start3A_713 : memref<80x128xf32, #tpu.memory_space<hbm>>) target_semaphore(%arg15 : memref<!tpu.dma_semaphore, #tpu.memory_space<semaphore_mem>>)
    %add3A_717 = arith.constant 50000 : i32
    %add3A_718 = arith.addi %add3A_717, %mul3A_704 : i32
    %mul3A_719 = arith.constant 128 : i32
    %mul3A_720 = arith.muli %select_n3A_686, %mul3A_719 : i32
    %dma_start3A_721 = arith.constant 0 : i32
    %dma_start3A_722 = arith.constant 128 : i32
    %dma_start3A_723 = tpu.memref_slice %arg11[%dma_start3A_721, %dma_start3A_722] : memref<80x256xf32, #tpu.memory_space<vmem>> -> memref<80x128xf32, #tpu.memory_space<vmem>>
    %dma_start3A_724 = tpu.memref_slice %arg4[%add3A_718, %mul3A_720] : memref<100000x256xf32, #tpu.memory_space<hbm>> -> memref<80x128xf32, #tpu.memory_space<hbm>>
    %dma_start3A_725 = tpu.memref_slice %arg4[%add3A_718, %mul3A_720] : memref<100000x256xf32, #tpu.memory_space<hbm>> -> memref<80x128xf32, #tpu.memory_space<hbm>>
    %dma_start3A_726 = arith.constant 0 : i32
    %dma_start3A_727 = arith.constant 128 : i32
    %dma_start3A_728 = tpu.memref_slice %arg11[%dma_start3A_726, %dma_start3A_727] : memref<80x256xf32, #tpu.memory_space<vmem>> -> memref<80x128xf32, #tpu.memory_space<vmem>>
    tpu.enqueue_dma source(%dma_start3A_728 : memref<80x128xf32, #tpu.memory_space<vmem>>) target(%dma_start3A_725 : memref<80x128xf32, #tpu.memory_space<hbm>>) target_semaphore(%arg15 : memref<!tpu.dma_semaphore, #tpu.memory_space<semaphore_mem>>)
    %dma_wait3A_729 = arith.constant 0 : i32
    %dma_wait3A_730 = arith.constant 0 : i32
    %dma_wait3A_731 = tpu.memref_slice %arg10[%dma_wait3A_729, %dma_wait3A_730] : memref<80x256xf32, #tpu.memory_space<vmem>> -> memref<80x128xf32, #tpu.memory_space<vmem>>
    %dma_wait3A_732 = arith.constant 0 : i32
    %dma_wait3A_733 = arith.constant 0 : i32
    %dma_wait3A_734 = tpu.memref_slice %arg4[%dma_wait3A_732, %dma_wait3A_733] : memref<100000x256xf32, #tpu.memory_space<hbm>> -> memref<80x128xf32, #tpu.memory_space<hbm>>
    %dma_wait3A_735 = arith.constant 0 : i32
    %dma_wait3A_736 = arith.constant 0 : i32
    %dma_wait3A_737 = tpu.memref_slice %arg4[%dma_wait3A_735, %dma_wait3A_736] : memref<100000x256xf32, #tpu.memory_space<hbm>> -> memref<80x128xf32, #tpu.memory_space<hbm>>
    %dma_wait3A_738 = arith.constant 0 : i32
    %dma_wait3A_739 = arith.constant 0 : i32
    %dma_wait3A_740 = tpu.memref_slice %arg10[%dma_wait3A_738, %dma_wait3A_739] : memref<80x256xf32, #tpu.memory_space<vmem>> -> memref<80x128xf32, #tpu.memory_space<vmem>>
    tpu.wait_dma2 semaphore(%arg14 : memref<!tpu.dma_semaphore, #tpu.memory_space<semaphore_mem>>) src(%dma_wait3A_740 : memref<80x128xf32, #tpu.memory_space<vmem>>) dst(%dma_wait3A_737 : memref<80x128xf32, #tpu.memory_space<hbm>>)
    %dma_wait3A_741 = arith.constant 0 : i32
    %dma_wait3A_742 = arith.constant 128 : i32
    %dma_wait3A_743 = tpu.memref_slice %arg10[%dma_wait3A_741, %dma_wait3A_742] : memref<80x256xf32, #tpu.memory_space<vmem>> -> memref<80x128xf32, #tpu.memory_space<vmem>>
    %dma_wait3A_744 = arith.constant 50000 : i32
    %dma_wait3A_745 = arith.constant 0 : i32
    %dma_wait3A_746 = tpu.memref_slice %arg4[%dma_wait3A_744, %dma_wait3A_745] : memref<100000x256xf32, #tpu.memory_space<hbm>> -> memref<80x128xf32, #tpu.memory_space<hbm>>
    %dma_wait3A_747 = arith.constant 50000 : i32
    %dma_wait3A_748 = arith.constant 0 : i32
    %dma_wait3A_749 = tpu.memref_slice %arg4[%dma_wait3A_747, %dma_wait3A_748] : memref<100000x256xf32, #tpu.memory_space<hbm>> -> memref<80x128xf32, #tpu.memory_space<hbm>>
    %dma_wait3A_750 = arith.constant 0 : i32
    %dma_wait3A_751 = arith.constant 128 : i32
    %dma_wait3A_752 = tpu.memref_slice %arg10[%dma_wait3A_750, %dma_wait3A_751] : memref<80x256xf32, #tpu.memory_space<vmem>> -> memref<80x128xf32, #tpu.memory_space<vmem>>
    tpu.wait_dma2 semaphore(%arg14 : memref<!tpu.dma_semaphore, #tpu.memory_space<semaphore_mem>>) src(%dma_wait3A_752 : memref<80x128xf32, #tpu.memory_space<vmem>>) dst(%dma_wait3A_749 : memref<80x128xf32, #tpu.memory_space<hbm>>)
    %dma_wait3A_753 = arith.constant 0 : i32
    %dma_wait3A_754 = arith.constant 0 : i32
    %dma_wait3A_755 = tpu.memref_slice %arg11[%dma_wait3A_753, %dma_wait3A_754] : memref<80x256xf32, #tpu.memory_space<vmem>> -> memref<80x128xf32, #tpu.memory_space<vmem>>
    %dma_wait3A_756 = arith.constant 0 : i32
    %dma_wait3A_757 = arith.constant 0 : i32
    %dma_wait3A_758 = tpu.memref_slice %arg4[%dma_wait3A_756, %dma_wait3A_757] : memref<100000x256xf32, #tpu.memory_space<hbm>> -> memref<80x128xf32, #tpu.memory_space<hbm>>
    %dma_wait3A_759 = arith.constant 0 : i32
    %dma_wait3A_760 = arith.constant 0 : i32
    %dma_wait3A_761 = tpu.memref_slice %arg4[%dma_wait3A_759, %dma_wait3A_760] : memref<100000x256xf32, #tpu.memory_space<hbm>> -> memref<80x128xf32, #tpu.memory_space<hbm>>
    %dma_wait3A_762 = arith.constant 0 : i32
    %dma_wait3A_763 = arith.constant 0 : i32
    %dma_wait3A_764 = tpu.memref_slice %arg11[%dma_wait3A_762, %dma_wait3A_763] : memref<80x256xf32, #tpu.memory_space<vmem>> -> memref<80x128xf32, #tpu.memory_space<vmem>>
    tpu.wait_dma2 semaphore(%arg15 : memref<!tpu.dma_semaphore, #tpu.memory_space<semaphore_mem>>) src(%dma_wait3A_764 : memref<80x128xf32, #tpu.memory_space<vmem>>) dst(%dma_wait3A_761 : memref<80x128xf32, #tpu.memory_space<hbm>>)
    %dma_wait3A_765 = arith.constant 0 : i32
    %dma_wait3A_766 = arith.constant 128 : i32
    %dma_wait3A_767 = tpu.memref_slice %arg11[%dma_wait3A_765, %dma_wait3A_766] : memref<80x256xf32, #tpu.memory_space<vmem>> -> memref<80x128xf32, #tpu.memory_space<vmem>>
    %dma_wait3A_768 = arith.constant 50000 : i32
    %dma_wait3A_769 = arith.constant 0 : i32
    %dma_wait3A_770 = tpu.memref_slice %arg4[%dma_wait3A_768, %dma_wait3A_769] : memref<100000x256xf32, #tpu.memory_space<hbm>> -> memref<80x128xf32, #tpu.memory_space<hbm>>
    %dma_wait3A_771 = arith.constant 50000 : i32
    %dma_wait3A_772 = arith.constant 0 : i32
    %dma_wait3A_773 = tpu.memref_slice %arg4[%dma_wait3A_771, %dma_wait3A_772] : memref<100000x256xf32, #tpu.memory_space<hbm>> -> memref<80x128xf32, #tpu.memory_space<hbm>>
    %dma_wait3A_774 = arith.constant 0 : i32
    %dma_wait3A_775 = arith.constant 128 : i32
    %dma_wait3A_776 = tpu.memref_slice %arg11[%dma_wait3A_774, %dma_wait3A_775] : memref<80x256xf32, #tpu.memory_space<vmem>> -> memref<80x128xf32, #tpu.memory_space<vmem>>
    tpu.wait_dma2 semaphore(%arg15 : memref<!tpu.dma_semaphore, #tpu.memory_space<semaphore_mem>>) src(%dma_wait3A_776 : memref<80x128xf32, #tpu.memory_space<vmem>>) dst(%dma_wait3A_773 : memref<80x128xf32, #tpu.memory_space<hbm>>)
    return
  }
}

</mosaic_0001>

<sc_bundles>
// kernel: kernel.3.cloned.1.call-start
scs
__scs_entry_jumppad:
0x0: {  	(pc) =	sbr.rel $0x88, $3  }
0x1: {  	(tag) =	ssettag $0x0;
	lr =	simm.s32 $0x1  }
0x2: {  	[smem:$0x3F9F] =	sst lr;
	_ =	strace $0xD0000000  }
0x3: {  	_ = 	snop  }
0x4: {  	_ = 	snop  }
0x5: {  	_ = 	snop  }
0x6: {  	_ = 	snop  }
0x7: {  	_ = 	snop  }
__scs_overlays_trampoline_lowered:
0x8: {  	[smem:$0x3FAE] =	sst s0  }
0x9: {  	[smem:$0x3FAF] =	sst s1  }
0xa: {  	[smem:$0x3FB0] =	sst s2  }
0xb: {  	[smem:$0x3FB1] =	sst s3  }
0xc: {  	[smem:$0x3FB2] =	sst s4  }
0xd: {  	[smem:$0x3FB3] =	sst s5  }
0xe: {  	[smem:$0x3FB4] =	sst s6  }
0xf: {  	[smem:$0x3FB5] =	sst s7  }
0x10: {  	[smem:$0x3FB6] =	sst s8  }
0x11: {  	[smem:$0x3FB7] =	sst s9;
	s0 =	simm.s32 @!p0 $0x0  }
0x12: {  	s1 =	sld [smem:$0x3F9D];
	s0 =	simm.s32 @p0 $0x1  }
0x13: {  	[smem:$0x3FB8] =	sst s0;
	s0 =	simm.s32 @!p1 $0x0  }
0x14: {  	s2 =	sld [smem:$0x3F9C];
	s0 =	simm.s32 @p1 $0x1  }
0x15: {  	[smem:$0x3FB9] =	sst s0;
	s0 =	simm.s32 @!p2 $0x0  }
0x16: {  	s3 =	sld [smem:$0x3FDB];
	s0 =	simm.s32 @p2 $0x1  }
0x17: {  	s4 =	simm.s32 $0x1BF5;
	[smem:$0x3FBB] =	sst s0  }
0x18: {  	s0 =	sld [smem:$0x3F9E];
	_ =	swait.ge [sflag:s4], $0x0  }
0x19: {  	s7 =	sld [smem:$0x3F9F]  }
0x1a: {  	s8 =	sadd.s32 $0xFFFFE003, lr  }
0x1b: {  	s9 =	sadd.s32 $0xFFFFFEF7, lr;
	s5 =	simm.s32 $0xFFFFFFFF;
	p2 =	slt.u32 s8, $0xFFFFF086  }
0x1c: {  	p1 =	slt.u32 s9, $0xF7A;
	s5 =	simm.s32 @!p2 $0x0  }
0x1d: {  	s5 =	simm.s32 @p1 $0x1;
	p0 =	seq.s32 s7, s2  }
0x1e: {  	s7 =	smul.u32 @!p0 $0xF7A, s2;
	p2 =	seq.s32 @!p0 s5, $0x0  }
0x1f: {  	s9 =	smul.u32 $0xF7A, s1;
	s8 =	simm.s32 @!p0 $0x1BF5;
	p2 =	por !p2, p0  }
0x20: {  	[sflag:s8] =	ssyncset.s32 @!p0 $0xFFFFF086;
	s6 =	sadd.s32 @!p0 s3, s7;
	s7 =	simm.s32 @!p0 $0x108  }
0x21: {  	s3 =	sadd.s32 s3, s9;
	s6 =	sadd.s32 @!p0 $0x88, s6;
	s7 =	simm.s32 @p2 $0x1082  }
0x22: {  	[simem:s7], [sflag:s8] =	dma.local @!p0 [hbm:s6], $0xF7A  }
0x23: {  	s9 =	sor.u32 $0xD0000000, s2;
	s6 =	simm.s32 $0x108;
	_ =	swait.ge @!p0 [sflag:s8], $0x0  }
0x24: {  	s3 =	sadd.s32 $0x88, s3;
	s6 =	simm.s32 @!p1 $0x1082;
	[sflag:s4] =	ssyncset.s32 $0xFFFFF086  }
0x25: {  	[simem:s6], [sflag:s4] =	dma.local [hbm:s3], $0xF7A  }
0x26: {  	[smem:$0x3F9F] =	sst s1;
	(tag) =	ssettag s2;
	_ =	strace s9  }
0x27: {  	s1 =	sld [smem:$0x3FAF]  }
0x28: {  	s2 =	sld [smem:$0x3FB0]  }
0x29: {  	s4 =	sld [smem:$0x3FB2]  }
0x2a: {  	p0 =	seq.s32 s5, $0x0;
	s5 =	sld [smem:$0x3FB3]  }
0x2b: {  	s6 =	sld [smem:$0x3FB4]  }
0x2c: {  	s7 =	sld [smem:$0x3FB5]  }
0x2d: {  	s3 =	simm.s32 $0x108;
	s8 =	sld [smem:$0x3FB6]  }
0x2e: {  	s3 =	simm.s32 @!p0 $0x1082;
	s9 =	sld [smem:$0x3FB7]  }
0x2f: {  	lr =	sadd.s32 s0, s3;
	s0 =	sld [smem:$0x3FAE]  }
0x30: {  	s3 =	sld [smem:$0x3FB1]  }
0x31: {  	[smem:$0x3FBA] =	sst s10  }
0x32: {  	s10 =	sld [smem:$0x3FB8];
	_ =	sdelay $0x3  }
0x33: {  	p0 =	seq.s32 s10, $0x1;
	s10 =	sld [smem:$0x3FBA];
	_ =	sdelay $0x3  }
0x34: {  	[smem:$0x3FBA] =	sst s10  }
0x35: {  	s10 =	sld [smem:$0x3FB9];
	_ =	sdelay $0x3  }
0x36: {  	p1 =	seq.s32 s10, $0x1;
	s10 =	sld [smem:$0x3FBA];
	_ =	sdelay $0x3  }
0x37: {  	[smem:$0x3FBA] =	sst s10  }
0x38: {  	s10 =	sld [smem:$0x3FBB]  }
0x39: {  	_ = 	snop;
	(pc) =	sbr.ind lr, $3  }
0x3a: {  	_ = 	snop  }
0x3b: {  	_ = 	snop  }
0x3c: {  	p2 =	seq.s32 s10, $0x1;
	s10 =	sld [smem:$0x3FBA]  }
0x3d: {  	_ =	shalt  }
0x3e: {  	_ =	shalt  }
0x3f: {  	_ =	shalt  }
0x40: {  	_ =	shalt  }
0x41: {  	_ =	shalt  }
0x42: {  	_ =	shalt  }
0x43: {  	_ =	shalt  }
0x44: {  	_ =	shalt  }
0x45: {  	_ =	shalt  }
0x46: {  	_ =	shalt  }
0x47: {  	_ =	shalt  }
0x48: {  	_ =	shalt  }
0x49: {  	_ =	shalt  }
0x4a: {  	_ =	shalt  }
0x4b: {  	_ =	shalt  }
0x4c: {  	_ =	shalt  }
0x4d: {  	_ =	shalt  }
0x4e: {  	_ =	shalt  }
0x4f: {  	_ =	shalt  }
0x50: {  	_ =	shalt  }
0x51: {  	_ =	shalt  }
0x52: {  	_ =	shalt  }
0x53: {  	_ =	shalt  }
0x54: {  	_ =	shalt  }
0x55: {  	_ =	shalt  }
0x56: {  	_ =	shalt  }
0x57: {  	_ =	shalt  }
0x58: {  	_ =	shalt  }
0x59: {  	_ =	shalt  }
0x5a: {  	_ =	shalt  }
0x5b: {  	_ =	shalt  }
0x5c: {  	_ =	shalt  }
0x5d: {  	_ =	shalt  }
0x5e: {  	_ =	shalt  }
0x5f: {  	_ =	shalt  }
0x60: {  	_ =	shalt  }
0x61: {  	_ =	shalt  }
0x62: {  	_ =	shalt  }
0x63: {  	_ =	shalt  }
0x64: {  	_ =	shalt  }
0x65: {  	_ =	shalt  }
0x66: {  	_ =	shalt  }
0x67: {  	_ =	shalt  }
0x68: {  	_ =	shalt  }
0x69: {  	_ =	shalt  }
0x6a: {  	_ =	shalt  }
0x6b: {  	_ =	shalt  }
0x6c: {  	_ =	shalt  }
0x6d: {  	_ =	shalt  }
0x6e: {  	_ =	shalt  }
0x6f: {  	_ =	shalt  }
0x70: {  	_ =	shalt  }
0x71: {  	_ =	shalt  }
0x72: {  	_ =	shalt  }
0x73: {  	_ =	shalt  }
0x74: {  	_ =	shalt  }
0x75: {  	_ =	shalt  }
0x76: {  	_ =	shalt  }
0x77: {  	_ =	shalt  }
0x78: {  	_ =	shalt  }
0x79: {  	_ =	shalt  }
0x7a: {  	_ =	shalt  }
0x7b: {  	_ =	shalt  }
0x7c: {  	_ =	shalt  }
0x7d: {  	_ =	shalt  }
0x7e: {  	_ =	shalt  }
0x7f: {  	_ =	shalt  }
0x80: {  	_ =	shalt  }
0x81: {  	_ =	shalt  }
0x82: {  	_ =	shalt  }
0x83: {  	_ =	shalt  }
0x84: {  	_ =	shalt  }
0x85: {  	_ =	shalt  }
0x86: {  	_ =	shalt  }
0x87: {  	_ =	shalt  }
.Lfunc_end0:
.L_simem_size_0:
called_computation_lowered:
.L_overlay_start_0:
0x88: {  	s2 =	sld [smem:$0x3FD9]  }
0x89: {  	s3 =	sld [smem:$0x3FFE];
	_ =	sdelay $0x1  }
0x8a: {  	s1 =	srdreg.scid  }
0x8b: {  	s0 =	sand.u32 $0x1, s1  }
0x8c: {  	s17 =	sshll.u32 s0, $0xA;
	s2 =	sadd.s32 s3, s2  }
0x8d: {  	s2 =	sadd.s32 s2, s17  }
0x8e: {  	[smem:$0x3FC6] =	sst s2  }
0x8f: {  	_ = 	snop  }
0x90: {  	s2 =	sld [smem:$0x3FC9]  }
0x91: {  	s18 =	sld [smem:$0x3FD0];
	(tm) =	ssettm $0x1  }
0x92: {  	s4 =	sld [smem:$0x3FFB];
	_ =	sdelay $0x3  }
0x93: {  	_ =	strace s4  }
0x94: {  	s4 =	sld [smem:$0x3FFC];
	_ =	sdelay $0x3  }
0x95: {  	_ =	strace s4  }
0x96: {  	s4 =	sld [smem:$0x3FFD];
	_ =	sdelay $0x3  }
0x97: {  	_ =	strace s4  }
0x98: {  	_ =	strace $0x8FFFFFFF  }
0x99: {  	s19 =	sld [smem:$0x3FDB];
	_ =	sdelay $0x1  }
0x9a: {  	s5 =	simm.s32 $_scs_section_size  }
0x9b: {  	s6 =	simm.s32 $_size__tile_overlayer_lowered;
	s7 =	simm.s32 $_tile_overlayer_lowered  }
0x9c: {  	s22 =	simm.s32 $0x1BFF;
	s21 =	sshll.u32 s7, $0x1;
	s4 =	sadd.s32 s5, s19  }
0x9d: {  	s8 =	simm.s32 $0x0;
	s20 =	sshll.u32 s6, $0x1;
	s6 =	sadd.s32 s21, s4  }
0x9e: {  	[timem:s8], [sflag:s22] =	dma.local [hbm:s6], s20  }
0x9f: {  	_ =	swait.ge [sflag:s22], s20  }
0xa0: {  	s5 =	ssub.s32 $0x0, s20;
	[sflag:s22] =	ssyncset.done $0x0  }
0xa1: {  	[sflag:s22] =	ssyncadd.s32 s5;
	_ =	sdelay $0x1  }
0xa2: {  	s23 =	simm.s32 $0x1B8B  }
0xa3: {  	_ =	swait.ge [sflag:s23], $0x1  }
0xa4: {  	[sflag:s23] =	ssyncset.done $0x0  }
0xa5: {  	s25 =	simm.s32 $0x1B8E;
	s24 =	sld [smem:$0x3FFE];
	[sflag:s23] =	ssyncadd.s32 $0xFFFFFFFF  }
0xa6: {  	s26 =	simm.s32 $execute0_lowered;
	[smem:$0x3FD2] =	sst s25  }
0xa7: {  	s6 =	sshll.u32 s26, $0x1;
	_ =	strace $0x80000046;
	[dreg:$0x1] =	wrdreg $0xFFFFFFFF  }
0xa8: {  	s28 =	simm.s32 $_size_execute0_lowered;
	s4 =	sadd.s32 s4, s6;
	[dreg:$0x0] =	wrdreg $0x0  }
0xa9: {  	s6 =	sshll.u32 s28, $0x1;
	[dreg:$0x2] =	wrdreg s4  }
0xaa: {  	[dreg:$0x3] =	wrdreg s6  }
0xab: {  	[dreg:$0x4] =	wrdreg $0xC0  }
0xac: {  	_ =	task [dreg:s8], $0x5FFFF  }
0xad: {  	[dreg:$0x1] =	wrdreg $0xFFFFFFFF  }
0xae: {  	[dreg:$0x0] =	wrdreg $0x60  }
0xaf: {  	[dreg:$0x2] =	wrdreg s2  }
0xb0: {  	[dreg:$0x3] =	wrdreg s24  }
0xb1: {  	[dreg:$0x4] =	wrdreg s18  }
0xb2: {  	[dreg:$0x5] =	wrdreg $0x9  }
0xb3: {  	_ =	task.clear_ibuf [dreg:s8], $0x6FFFF;
	_ =	strace $0x90000046  }
0xb4: {  	s29 =	simm.s32 $0x9;
	_ =	strace $0x80000048  }
0xb5: {  	_ =	swait.ge [sflag:s29], $0x1  }
0xb6: {  	[sflag:s29] =	ssyncadd.s32 $0xFFFFFFFF  }
0xb7: {  	_ =	strace $0x90000048  }
0xb8: {  	_ =	sfence  }
0xb9: {  	s30 =	sld [smem:$0x0];
	_ =	sdelay $0x2  }
0xba: {  	s31 =	sshll.u32 s1, $0xD;
	s1 =	sshrl.u32 s1, $0x2  }
0xbb: {  	s3 =	sand.u32 $0x4000, s31;
	s1 =	sadd.s32 s1, s30  }
0xbc: {  	s0 =	sor.u32 s3, s0;
	s1 =	sshll.u32 s1, $0x11  }
0xbd: {  	s0 =	sor.u32 s1, s0  }
0xbe: {  	s0 =	sadd.s32 $0x8F2B, s0  }
0xbf: {  	[sflag:s0] =	ssyncadd.remote.s32 $0x1  }
0xc0: {  	_ =	sfence.sel $0xFFFF  }
0xc1: {  	[dreg:$0x0] =	wrdreg $0xFFFFFFFF;
	(pc) =	sbr.abs _section_cstart, $3  }
0xc2: {  	[dreg:$0x1] =	wrdreg $0xFFFFFFFF  }
0xc3: {  	_ =	task.clear_ibuf [dreg:s8], $0x2FFFF;
	_ =	strace $0x9FFFFFFF  }
0xc4: {  	(tm) =	ssettm $0x7FFFFFFF  }
0xc5: {  	_ =	shalt  }
tec
execute0_lowered:
.L_overlay_start_1:
0x0: {  	(tag) =	ssettag $0x1  }
0x1: {  	v1 =	vlaneseq.u32;
	v2 =	vimm.s32 $0x407  }
0x2: {  	vm14 =	vcmask $0x300;
	vm13 =	vcmask $0x704;
	vm12 =	vcmask $0xB08  }
0x3: {  	vm11 =	vcmask $0xF0C;
	vm10 =	vcmask $0x1310;
	vm9 =	vcmask $0x1714  }
0x4: {  	vm8 =	vcmask $0x1B18;
	vm7 =	vcmask $0x1F1C;
	vm6 =	vcmask $0x2320  }
0x5: {  	vm5 =	vcmask $0x2724;
	vm4 =	vcmask $0x2B28;
	vm3 =	vcmask $0x2F2C  }
0x6: {  	vm2 =	vcmask $0x3330;
	vm1 =	vcmask $0x3734;
	vm0 =	vcmask $0x3B38  }
0x7: {  	v18 =	vimm.s32 $0x40F;
	v19 =	vimm.s32 $0x417;
	v20 =	vimm.s32 $0x41F  }
0x8: {  	v21 =	vimm.s32 $0x427;
	v22 =	vimm.s32 $0x42F;
	v23 =	vimm.s32 $0x437  }
0x9: {  	v24 =	vimm.s32 $0x43F;
	v25 =	vimm.s32 $0x447;
	v26 =	vimm.s32 $0x44F  }
0xa: {  	v27 =	vimm.s32 $0x457;
	v28 =	vimm.s32 $0x45F;
	v29 =	vimm.s32 $0x467  }
0xb: {  	v30 =	vimm.s32 $0x46F;
	v31 =	vimm.s32 $0x477;
	v32 =	vimm.s32 $0x47F  }
0xc: {  	v0 =	vand.u32 $0x1, v1;
	v1 =	vshrl.u32 v1, $0x1;
	v3 =	vsel vm14, $0x0, v2  }
0xd: {  	v18 =	vsel vm14, $0x8, v18;
	v19 =	vsel vm14, $0x10, v19;
	v20 =	vsel vm14, $0x18, v20  }
0xe: {  	v21 =	vsel vm14, $0x20, v21;
	v22 =	vsel vm14, $0x28, v22;
	v23 =	vsel vm14, $0x30, v23  }
0xf: {  	v24 =	vsel vm14, $0x38, v24;
	v25 =	vsel vm14, $0x40, v25;
	v26 =	vsel vm14, $0x48, v26  }
0x10: {  	v27 =	vsel vm14, $0x50, v27;
	v28 =	vsel vm14, $0x58, v28;
	v29 =	vsel vm14, $0x60, v29  }
0x11: {  	v30 =	vsel vm14, $0x68, v30;
	v31 =	vsel vm14, $0x70, v31;
	v32 =	vsel vm14, $0x78, v32  }
0x12: {  	v0 =	vmul.u32 $0x400, v0;
	v2 =	vor.u32 $0x8, v1;
	v4 =	vsel vm13, $0x400, v3  }
0x13: {  	v3 =	vor.u32 $0x10, v1;
	v16 =	vor.u32 $0x78, v1;
	v18 =	vsel vm13, $0x408, v18  }
0x14: {  	v19 =	vsel vm13, $0x410, v19;
	v20 =	vsel vm13, $0x418, v20;
	v21 =	vsel vm13, $0x420, v21  }
0x15: {  	v22 =	vsel vm13, $0x428, v22;
	v23 =	vsel vm13, $0x430, v23;
	v24 =	vsel vm13, $0x438, v24  }
0x16: {  	v25 =	vsel vm13, $0x440, v25;
	v26 =	vsel vm13, $0x448, v26;
	v27 =	vsel vm13, $0x450, v27  }
0x17: {  	v28 =	vsel vm13, $0x458, v28;
	v29 =	vsel vm13, $0x460, v29;
	v30 =	vsel vm13, $0x468, v30  }
0x18: {  	v31 =	vsel vm13, $0x470, v31;
	v32 =	vsel vm13, $0x478, v32;
	v5 =	vsel vm12, $0x1, v4  }
0x19: {  	v4 =	vor.u32 $0x18, v1;
	v18 =	vsel vm12, $0x9, v18;
	v19 =	vsel vm12, $0x11, v19  }
0x1a: {  	v20 =	vsel vm12, $0x19, v20;
	v21 =	vsel vm12, $0x21, v21;
	v22 =	vsel vm12, $0x29, v22  }
0x1b: {  	v23 =	vsel vm12, $0x31, v23;
	v24 =	vsel vm12, $0x39, v24;
	v25 =	vsel vm12, $0x41, v25  }
0x1c: {  	v26 =	vsel vm12, $0x49, v26;
	v27 =	vsel vm12, $0x51, v27;
	v28 =	vsel vm12, $0x59, v28  }
0x1d: {  	v29 =	vsel vm12, $0x61, v29;
	v30 =	vsel vm12, $0x69, v30;
	v31 =	vsel vm12, $0x71, v31  }
0x1e: {  	v32 =	vsel vm12, $0x79, v32;
	v6 =	vsel vm11, $0x401, v5;
	v5 =	vor.u32 $0x20, v1  }
0x1f: {  	v18 =	vsel vm11, $0x409, v18;
	v19 =	vsel vm11, $0x411, v19;
	v20 =	vsel vm11, $0x419, v20  }
0x20: {  	v21 =	vsel vm11, $0x421, v21;
	v22 =	vsel vm11, $0x429, v22;
	v23 =	vsel vm11, $0x431, v23  }
0x21: {  	v24 =	vsel vm11, $0x439, v24;
	v25 =	vsel vm11, $0x441, v25;
	v26 =	vsel vm11, $0x449, v26  }
0x22: {  	v27 =	vsel vm11, $0x451, v27;
	v28 =	vsel vm11, $0x459, v28;
	v29 =	vsel vm11, $0x461, v29  }
0x23: {  	v30 =	vsel vm11, $0x469, v30;
	v31 =	vsel vm11, $0x471, v31;
	v32 =	vsel vm11, $0x479, v32  }
0x24: {  	v7 =	vsel vm10, $0x2, v6;
	v6 =	vor.u32 $0x28, v1;
	v18 =	vsel vm10, $0xA, v18  }
0x25: {  	v19 =	vsel vm10, $0x12, v19;
	v20 =	vsel vm10, $0x1A, v20;
	v21 =	vsel vm10, $0x22, v21  }
0x26: {  	v22 =	vsel vm10, $0x2A, v22;
	v23 =	vsel vm10, $0x32, v23;
	v24 =	vsel vm10, $0x3A, v24  }
0x27: {  	v25 =	vsel vm10, $0x42, v25;
	v26 =	vsel vm10, $0x4A, v26;
	v27 =	vsel vm10, $0x52, v27  }
0x28: {  	v28 =	vsel vm10, $0x5A, v28;
	v29 =	vsel vm10, $0x62, v29;
	v30 =	vsel vm10, $0x6A, v30  }
0x29: {  	v31 =	vsel vm10, $0x72, v31;
	v32 =	vsel vm10, $0x7A, v32;
	v8 =	vsel vm9, $0x402, v7  }
0x2a: {  	v7 =	vor.u32 $0x30, v1;
	v18 =	vsel vm9, $0x40A, v18;
	v19 =	vsel vm9, $0x412, v19  }
0x2b: {  	v20 =	vsel vm9, $0x41A, v20;
	v21 =	vsel vm9, $0x422, v21;
	v22 =	vsel vm9, $0x42A, v22  }
0x2c: {  	v23 =	vsel vm9, $0x432, v23;
	v24 =	vsel vm9, $0x43A, v24;
	v25 =	vsel vm9, $0x442, v25  }
0x2d: {  	v26 =	vsel vm9, $0x44A, v26;
	v27 =	vsel vm9, $0x452, v27;
	v28 =	vsel vm9, $0x45A, v28  }
0x2e: {  	v29 =	vsel vm9, $0x462, v29;
	v30 =	vsel vm9, $0x46A, v30;
	v31 =	vsel vm9, $0x472, v31  }
0x2f: {  	v32 =	vsel vm9, $0x47A, v32;
	v9 =	vsel vm8, $0x3, v8;
	v8 =	vor.u32 $0x38, v1  }
0x30: {  	v18 =	vsel vm8, $0xB, v18;
	v19 =	vsel vm8, $0x13, v19;
	v20 =	vsel vm8, $0x1B, v20  }
0x31: {  	v21 =	vsel vm8, $0x23, v21;
	v22 =	vsel vm8, $0x2B, v22;
	v23 =	vsel vm8, $0x33, v23  }
0x32: {  	v24 =	vsel vm8, $0x3B, v24;
	v25 =	vsel vm8, $0x43, v25;
	v26 =	vsel vm8, $0x4B, v26  }
0x33: {  	v27 =	vsel vm8, $0x53, v27;
	v28 =	vsel vm8, $0x5B, v28;
	v29 =	vsel vm8, $0x63, v29  }
0x34: {  	v30 =	vsel vm8, $0x6B, v30;
	v31 =	vsel vm8, $0x73, v31;
	v32 =	vsel vm8, $0x7B, v32  }
0x35: {  	v10 =	vsel vm7, $0x403, v9;
	v9 =	vor.u32 $0x40, v1;
	v18 =	vsel vm7, $0x40B, v18  }
0x36: {  	v19 =	vsel vm7, $0x413, v19;
	v20 =	vsel vm7, $0x41B, v20;
	v21 =	vsel vm7, $0x423, v21  }
0x37: {  	v22 =	vsel vm7, $0x42B, v22;
	v23 =	vsel vm7, $0x433, v23;
	v24 =	vsel vm7, $0x43B, v24  }
0x38: {  	v25 =	vsel vm7, $0x443, v25;
	v26 =	vsel vm7, $0x44B, v26;
	v27 =	vsel vm7, $0x453, v27  }
0x39: {  	v28 =	vsel vm7, $0x45B, v28;
	v29 =	vsel vm7, $0x463, v29;
	v30 =	vsel vm7, $0x46B, v30  }
0x3a: {  	v31 =	vsel vm7, $0x473, v31;
	v32 =	vsel vm7, $0x47B, v32;
	v11 =	vsel vm6, $0x4, v10  }
0x3b: {  	v10 =	vor.u32 $0x48, v1;
	v18 =	vsel vm6, $0xC, v18;
	v19 =	vsel vm6, $0x14, v19  }
0x3c: {  	v20 =	vsel vm6, $0x1C, v20;
	v21 =	vsel vm6, $0x24, v21;
	v22 =	vsel vm6, $0x2C, v22  }
0x3d: {  	v23 =	vsel vm6, $0x34, v23;
	v24 =	vsel vm6, $0x3C, v24;
	v25 =	vsel vm6, $0x44, v25  }
0x3e: {  	v26 =	vsel vm6, $0x4C, v26;
	v27 =	vsel vm6, $0x54, v27;
	v28 =	vsel vm6, $0x5C, v28  }
0x3f: {  	v29 =	vsel vm6, $0x64, v29;
	v30 =	vsel vm6, $0x6C, v30;
	v31 =	vsel vm6, $0x74, v31  }
0x40: {  	v32 =	vsel vm6, $0x7C, v32;
	v12 =	vsel vm5, $0x404, v11;
	v11 =	vor.u32 $0x50, v1  }
0x41: {  	v18 =	vsel vm5, $0x40C, v18;
	v19 =	vsel vm5, $0x414, v19;
	v20 =	vsel vm5, $0x41C, v20  }
0x42: {  	v21 =	vsel vm5, $0x424, v21;
	v22 =	vsel vm5, $0x42C, v22;
	v23 =	vsel vm5, $0x434, v23  }
0x43: {  	s0 =	rddreg [dreg:$0x0];
	v24 =	vsel vm5, $0x43C, v24;
	v25 =	vsel vm5, $0x444, v25;
	v26 =	vsel vm5, $0x44C, v26  }
0x44: {  	s3 =	rddreg [dreg:$0x1];
	v27 =	vsel vm5, $0x454, v27;
	v28 =	vsel vm5, $0x45C, v28;
	v29 =	vsel vm5, $0x464, v29  }
0x45: {  	s1 =	srdreg.scid;
	s2 =	rddreg [dreg:$0x2];
	v30 =	vsel vm5, $0x46C, v30;
	v31 =	vsel vm5, $0x474, v31;
	v32 =	vsel vm5, $0x47C, v32  }
0x46: {  	s5 =	stileid.u32;
	s28 =	simm.s32 $0x1;
	s29 =	simm.s32 $0xC800;
	v13 =	vsel vm4, $0x5, v12;
	v12 =	vor.u32 $0x58, v1;
	v18 =	vsel vm4, $0xD, v18  }
0x47: {  	s6 =	sand.u32 $0x1, s1;
	s4 =	sshll.u32 s5, $0x1;
	p0 =	seq.s32 s5, $0x0;
	v19 =	vsel vm4, $0x15, v19;
	v20 =	vsel vm4, $0x1D, v20;
	v21 =	vsel vm4, $0x25, v21  }
0x48: {  	s1 =	simm.s32 $0x27;
	s5 =	simm.s32 $0x0;
	s4 =	sor.u32 s6, s4;
	v22 =	vsel vm4, $0x2D, v22;
	v23 =	vsel vm4, $0x35, v23;
	v24 =	vsel vm4, $0x3D, v24  }
0x49: {  	s1 =	simm.s32 @!p0 $0x26;
	[smem:$0x7FF] =	sst s5;
	s7 =	smul.u32 $0x500, s4;
	v25 =	vsel vm4, $0x45, v25;
	v26 =	vsel vm4, $0x4D, v26;
	v27 =	vsel vm4, $0x55, v27  }
0x4a: {  	s6 =	ssub.s32 $0x2, s6;
	s8 =	sshll.u32 s1, $0x5;
	s9 =	smul.u32 $0xA00, s4;
	v28 =	vsel vm4, $0x5D, v28;
	v29 =	vsel vm4, $0x65, v29;
	v30 =	vsel vm4, $0x6D, v30  }
0x4b: {  	_ =	strace $0x80000047;
	s10 =	smul.u32 $0x5000, s4;
	s11 =	sor.u32 $0x20, s4;
	v31 =	vsel vm4, $0x75, v31;
	v32 =	vsel vm4, $0x7D, v32;
	v14 =	vsel vm3, $0x405, v13  }
0x4c: {  	s12 =	sshrl.u32 s6, $0x1;
	s20 =	sshll.u32 s1, $0x8;
	s13 =	smul.u32 $0xA00, s11;
	v13 =	vor.u32 $0x60, v1;
	v18 =	vsel vm3, $0x40D, v18;
	v19 =	vsel vm3, $0x415, v19  }
0x4d: {  	s8 =	sor.u32 s4, s8;
	s6 =	ssub.s32 s6, s12;
	s11 =	smul.u32 $0x5000, s11;
	v20 =	vsel vm3, $0x41D, v20;
	v21 =	vsel vm3, $0x425, v21;
	v22 =	vsel vm3, $0x42D, v22  }
0x4e: {  	[dreg:$0x9] =	wrdreg s20;
	s22 =	sor.u32 $0x80, s20;
	s20 =	simm.s32 $0x11800;
	v23 =	vsel vm3, $0x435, v23;
	v24 =	vsel vm3, $0x43D, v24;
	v25 =	vsel vm3, $0x445, v25  }
0x4f: {  	s12 =	simm.s32 $0x12C00;
	s3 =	sadd.s32 s7, s3;
	s31 =	smul.u32 $0x347, s8;
	v26 =	vsel vm3, $0x44D, v26;
	v27 =	vsel vm3, $0x455, v27;
	v28 =	vsel vm3, $0x45D, v28  }
0x50: {  	s15 =	sshrl.u32 s10, $0x3;
	s9 =	sadd.s32 s2, s9;
	[dreg:$0xa] =	wrdreg s22;
	v29 =	vsel vm3, $0x465, v29;
	v30 =	vsel vm3, $0x46D, v30;
	v31 =	vsel vm3, $0x475, v31  }
0x51: {  	s23 =	sadd.s32 $0xB8B000, s10;
	s10 =	simm.s32 $0x16400;
	s3 =	sadd.s32 $0x400, s3;
	v32 =	vsel vm3, $0x47D, v32;
	v15 =	vsel vm2, $0x6, v14;
	v14 =	vor.u32 $0x68, v1  }
0x52: {  	s16 =	sadd.s32 s2, s15;
	s18 =	sadd.s32 s2, s13;
	s19 =	sshrl.u32 s11, $0x3;
	v18 =	vsel vm2, $0xE, v18;
	v19 =	vsel vm2, $0x16, v19;
	v20 =	vsel vm2, $0x1E, v20  }
0x53: {  	[dreg:$0x5] =	wrdreg s9;
	s24 =	sadd.s32 $0x171680, s9;
	s25 =	sshrl.u32 s23, $0x3;
	v21 =	vsel vm2, $0x26, v21;
	v22 =	vsel vm2, $0x2E, v22;
	v23 =	vsel vm2, $0x36, v23  }
0x54: {  	s23 =	simm.s32 $0x16000;
	s11 =	simm.s32 $0x13C00;
	s9 =	simm.s32 $0x15400;
	v24 =	vsel vm2, $0x3E, v24;
	v25 =	vsel vm2, $0x46, v25;
	v26 =	vsel vm2, $0x4E, v26  }
0x55: {  	s13 =	simm.s32 $0x3;
	s14 =	sshrl.u32 s31, $0x13;
	[dreg:$0x4] =	wrdreg s3;
	v27 =	vsel vm2, $0x56, v27;
	v28 =	vsel vm2, $0x5E, v28;
	v29 =	vsel vm2, $0x66, v29  }
0x56: {  	s3 =	sadd.s32 $0x186A00, s16;
	[dreg:$0x7] =	wrdreg s18;
	s7 =	sshrl.u32 s31, $0x9;
	v30 =	vsel vm2, $0x6E, v30;
	v31 =	vsel vm2, $0x76, v31;
	v32 =	vsel vm2, $0x7E, v32  }
0x57: {  	[dreg:$0xb] =	wrdreg s24;
	s31 =	smax.u32 s6, $0x1;
	s14 =	smul.u32 $0x271, s14;
	v17 =	vsel vm1, $0x406, v15;
	v15 =	vor.u32 $0x70, v1;
	v18 =	vsel vm1, $0x40E, v18  }
0x58: {  	s16 =	simm.s32 $0x2;
	s6 =	simm.s32 $0x12400;
	s18 =	simm.s32 $0x14400;
	v19 =	vsel vm1, $0x416, v19;
	v20 =	vsel vm1, $0x41E, v20;
	v21 =	vsel vm1, $0x426, v21  }
0x59: {  	[dreg:$0x6] =	wrdreg s3;
	s21 =	sand.u32 $0xC00, s7;
	s17 =	ssub.s32 s8, s14;
	v22 =	vsel vm1, $0x42E, v22;
	v23 =	vsel vm1, $0x436, v23;
	v24 =	vsel vm1, $0x43E, v24  }
0x5a: {  	s8 =	sadd.s32 s2, s19;
	s19 =	simm.s32 $0x50;
	s3 =	sand.u32 $0xFFFF, s17;
	v25 =	vsel vm1, $0x446, v25;
	v26 =	vsel vm1, $0x44E, v26;
	v27 =	vsel vm1, $0x456, v27  }
0x5b: {  	[dreg:$0xf] =	wrdreg s31;
	s8 =	sadd.s32 $0x186A00, s8;
	s3 =	smul.u32 $0x5000, s3;
	v28 =	vsel vm1, $0x45E, v28;
	v29 =	vsel vm1, $0x466, v29;
	v30 =	vsel vm1, $0x46E, v30  }
0x5c: {  	s14 =	simm.s32 $0x4;
	s17 =	simm.s32 $0x13400;
	[dreg:$0x8] =	wrdreg s8;
	v31 =	vsel vm1, $0x476, v31;
	v32 =	vsel vm1, $0x47E, v32;
	v17 =	vsel vm0, $0x7, v17  }
0x5d: {  	s8 =	simm.s32 $0x14C00;
	s1 =	sor.u32 s21, s3;
	s3 =	sadd.s32 s2, s25;
	v18 =	vsel vm0, $0xF, v18;
	v19 =	vsel vm0, $0x17, v19;
	v20 =	vsel vm0, $0x1F, v20  }
0x5e: {  	v21 =	vsel vm0, $0x27, v21;
	v22 =	vsel vm0, $0x2F, v22;
	v23 =	vsel vm0, $0x37, v23;
	s26 =	sadd.s32 $0xC35000, s1;
	s1 =	sshrl.u32 s1, $0x3;
	s3 =	sadd.s32 $0x186A80, s3  }
0x5f: {  	v24 =	vsel vm0, $0x3F, v24;
	v25 =	vsel vm0, $0x47, v25;
	v26 =	vsel vm0, $0x4F, v26;
	s7 =	sshrl.u32 s26, $0x3;
	[dreg:$0xc] =	wrdreg s3;
	s1 =	sadd.s32 s2, s1  }
0x60: {  	s25 =	simm.s32 $0x11C00;
	v27 =	vsel vm0, $0x57, v27;
	v28 =	vsel vm0, $0x5F, v28;
	v29 =	vsel vm0, $0x67, v29;
	[dreg:$0xd] =	wrdreg s1;
	s30 =	sadd.s32 s2, s7  }
0x61: {  	v30 =	vsel vm0, $0x6F, v30;
	v31 =	vsel vm0, $0x77, v31;
	v32 =	vsel vm0, $0x7F, v32;
	s3 =	simm.s32 $0x0;
	s7 =	simm.s32 $0x15C00;
	[dreg:$0xe] =	wrdreg s30  }
.LBB2_1:
0x62: {  	[dreg:$0x10] =	wrdreg s3  }
0x63: {  	s1 =	rddreg [dreg:$0x4];
	s22 =	simm.s32 $0x5  }
0x64: {  	[tilespmem:s5], [sflag:$0x5] =	stream.linear.gather [hbm4b:s1+s5], $0x2800, $0x38;
	[tilespmem:$0x16800] =	vst v63  }
0x65: {  	_ =	swait.ge [sflag:s22], $0x2800  }
0x66: {  	[sflag:s22] =	ssyncset.done $0x0  }
0x67: {  	s24 =	simm.s32 $0x2800;
	[sflag:s22] =	ssyncadd.s32 $0xFFFFD800  }
0x68: {  	[tilespmem:s24], [sflag:$0x1] =	stream.indirect.gather [hbm4b:s0+s19], $0x80, s5, s19, $0xb8;
	[tilespmem:$0x16800] =	vst v63  }
0x69: {  	s26 =	simm.s32 $0x80;
	s31 =	simm.s32 $0x5000  }
0x6a: {  	[tilespmem:s31], [sflag:$0x1] =	stream.indirect.gather [hbm4b:s0+s19], $0x80, s26, s19, $0xb8;
	[tilespmem:$0x16800] =	vst v63  }
0x6b: {  	s3 =	simm.s32 $0x100;
	s15 =	simm.s32 $0x7800  }
0x6c: {  	[tilespmem:s15], [sflag:$0x2] =	stream.indirect.gather [hbm4b:s0+s19], $0x80, s3, s19, $0xb8;
	[tilespmem:$0x16800] =	vst v63  }
0x6d: {  	s21 =	simm.s32 $0x180;
	s22 =	simm.s32 $0xA000  }
0x6e: {  	[tilespmem:s22], [sflag:$0x2] =	stream.indirect.gather [hbm4b:s0+s19], $0x80, s21, s19, $0xb8;
	[tilespmem:$0x16800] =	vst v63  }
0x6f: {  	_ =	swait.ge [sflag:s28], $0x2800  }
0x70: {  	v33 =	vmov s5;
	s24 =	simm.s32 $0x1;
	[sflag:s28] =	ssyncset.done $0x0  }
0x71: {  	v34 =	vshll.u32 v33, $0x8;
	v33 =	vshll.u32 v33, $0x7;
	v35 =	vmov s24;
	[sflag:s28] =	ssyncadd.s32 $0xFFFFD800  }
0x72: {  	v34 =	vand.u32 $0x7800, v34;
	v36 =	vshll.u32 v35, $0x8;
	v35 =	vshll.u32 v35, $0x7;
	_ =	swait.ge [sflag:s28], $0x2800  }
0x73: {  	v33 =	vand.u32 $0x300, v33;
	v36 =	vand.u32 $0x7800, v36;
	v35 =	vand.u32 $0x380, v35;
	[sflag:s28] =	ssyncset.done $0x0  }
0x74: {  	v33 =	vor.u32 v33, v34;
	s26 =	simm.s32 $0x2880;
	v38 =	vor.u32 v35, v36;
	[sflag:s28] =	ssyncadd.s32 $0xFFFFD800  }
0x75: {  	v37 =	vor.u32 v0, v33;
	v47 =	vor.u32 v17, v38;
	v46 =	vld [tilespmem:s26+$0x0]  }
0x76: {  	v49 =	vor.u32 v1, v37;
	v48 =	vld [tilespmem:s26+$0xFFFFFF80];
	_ =	sdelay $0x3  }
0x77: {  	[tilespmem:v47+s29+$0x0] =	vst.idx.msk $0xffff, v46  }
0x78: {  	v50 =	vor.u32 v18, v38;
	[tilespmem:v49+s29+$0x0] =	vst.idx.msk $0xffff, v48;
	v33 =	vld [tilespmem:s26+$0x10]  }
0x79: {  	v51 =	vor.u32 v2, v37;
	v35 =	vld [tilespmem:s26+$0xFFFFFF90];
	_ =	sdelay $0x3  }
0x7a: {  	[tilespmem:v50+s29+$0x0] =	vst.idx.msk $0xffff, v33  }
0x7b: {  	v52 =	vor.u32 v19, v38;
	[tilespmem:v51+s29+$0x0] =	vst.idx.msk $0xffff, v35;
	v33 =	vld [tilespmem:s26+$0x20]  }
0x7c: {  	v53 =	vor.u32 v3, v37;
	v35 =	vld [tilespmem:s26+$0xFFFFFFA0];
	_ =	sdelay $0x3  }
0x7d: {  	[tilespmem:v52+s29+$0x0] =	vst.idx.msk $0xffff, v33  }
0x7e: {  	v54 =	vor.u32 v20, v38;
	[tilespmem:v53+s29+$0x0] =	vst.idx.msk $0xffff, v35;
	v33 =	vld [tilespmem:s26+$0x30]  }
0x7f: {  	v55 =	vor.u32 v4, v37;
	v35 =	vld [tilespmem:s26+$0xFFFFFFB0];
	_ =	sdelay $0x3  }
0x80: {  	[tilespmem:v54+s29+$0x0] =	vst.idx.msk $0xffff, v33  }
0x81: {  	v56 =	vor.u32 v21, v38;
	[tilespmem:v55+s29+$0x0] =	vst.idx.msk $0xffff, v35;
	v33 =	vld [tilespmem:s26+$0x40]  }
0x82: {  	v57 =	vor.u32 v5, v37;
	s31 =	simm.s32 $0x2;
	v35 =	vld [tilespmem:s26+$0xFFFFFFC0]  }
0x83: {  	v39 =	vmov s31  }
0x84: {  	v40 =	vshll.u32 v39, $0x8;
	s15 =	simm.s32 $0x3  }
0x85: {  	v39 =	vshll.u32 v39, $0x7;
	v40 =	vand.u32 $0x7800, v40;
	v41 =	vmov s15  }
0x86: {  	v39 =	vand.u32 $0x300, v39;
	v42 =	vshll.u32 v41, $0x8;
	v41 =	vshll.u32 v41, $0x7;
	[tilespmem:v56+s29+$0x0] =	vst.idx.msk $0xffff, v33  }
0x87: {  	v61 =	vor.u32 v22, v38;
	v58 =	vand.u32 $0x7800, v42;
	v59 =	vand.u32 $0x380, v41;
	[tilespmem:v57+s29+$0x0] =	vst.idx.msk $0xffff, v35;
	v60 =	vld [tilespmem:s26+$0x50]  }
0x88: {  	v63 =	vor.u32 v6, v37;
	v39 =	vor.u32 v39, v40;
	s21 =	simm.s32 $0x2980;
	v33 =	vor.u32 v59, v58;
	v62 =	vld [tilespmem:s26+$0xFFFFFFD0]  }
0x89: {  	v34 =	vor.u32 v0, v39;
	v48 =	vld [tilespmem:s21+$0x0];
	v49 =	vor.u32 v17, v33  }
0x8a: {  	v44 =	vor.u32 v1, v34;
	v43 =	vld [tilespmem:s21+$0xFFFFFF80];
	_ =	sdelay $0x1  }
0x8b: {  	[tilespmem:v61+s29+$0x0] =	vst.idx.msk $0xffff, v60  }
0x8c: {  	v50 =	vor.u32 v23, v38;
	[tilespmem:v63+s29+$0x0] =	vst.idx.msk $0xffff, v62;
	v35 =	vld [tilespmem:s26+$0x60]  }
0x8d: {  	v52 =	vor.u32 v7, v37;
	[tilespmem:v49+s29+$0x0] =	vst.idx.msk $0xffff, v48;
	v51 =	vld [tilespmem:s26+$0xFFFFFFE0]  }
0x8e: {  	[tilespmem:v44+s29+$0x0] =	vst.idx.msk $0xffff, v43;
	v54 =	vor.u32 v18, v33;
	v53 =	vld [tilespmem:s21+$0x10]  }
0x8f: {  	v43 =	vld [tilespmem:s21+$0xFFFFFF90];
	v55 =	vor.u32 v2, v34;
	_ =	sdelay $0x1  }
0x90: {  	[tilespmem:v50+s29+$0x0] =	vst.idx.msk $0xffff, v35  }
0x91: {  	v56 =	vor.u32 v24, v38;
	[tilespmem:v52+s29+$0x0] =	vst.idx.msk $0xffff, v51;
	v35 =	vld [tilespmem:s26+$0x70]  }
0x92: {  	v57 =	vor.u32 v8, v37;
	[tilespmem:v54+s29+$0x0] =	vst.idx.msk $0xffff, v53;
	v39 =	vld [tilespmem:s26+$0xFFFFFFF0]  }
0x93: {  	[tilespmem:v55+s29+$0x0] =	vst.idx.msk $0xffff, v43;
	v58 =	vor.u32 v19, v33;
	v41 =	vld [tilespmem:s21+$0x20]  }
0x94: {  	v43 =	vld [tilespmem:s21+$0xFFFFFFA0];
	v59 =	vor.u32 v3, v34;
	_ =	sdelay $0x1  }
0x95: {  	s22 =	simm.s32 $0x5080;
	[tilespmem:v56+s29+$0x0] =	vst.idx.msk $0xffff, v35  }
0x96: {  	v60 =	vor.u32 v25, v38;
	[tilespmem:v57+s29+$0x0] =	vst.idx.msk $0xffff, v39;
	v35 =	vld [tilespmem:s22+$0x0]  }
0x97: {  	v61 =	vor.u32 v9, v37;
	[tilespmem:v58+s29+$0x0] =	vst.idx.msk $0xffff, v41;
	v39 =	vld [tilespmem:s22+$0xFFFFFF80]  }
0x98: {  	[tilespmem:v59+s29+$0x0] =	vst.idx.msk $0xffff, v43;
	v62 =	vor.u32 v20, v33;
	v41 =	vld [tilespmem:s21+$0x30]  }
0x99: {  	v43 =	vld [tilespmem:s21+$0xFFFFFFB0];
	v63 =	vor.u32 v4, v34;
	_ =	sdelay $0x1  }
0x9a: {  	[tilespmem:v60+s29+$0x0] =	vst.idx.msk $0xffff, v35  }
0x9b: {  	v48 =	vor.u32 v26, v38;
	[tilespmem:v61+s29+$0x0] =	vst.idx.msk $0xffff, v39;
	v35 =	vld [tilespmem:s22+$0x10]  }
0x9c: {  	v49 =	vor.u32 v10, v37;
	[tilespmem:v62+s29+$0x0] =	vst.idx.msk $0xffff, v41;
	v39 =	vld [tilespmem:s22+$0xFFFFFF90]  }
0x9d: {  	[tilespmem:v63+s29+$0x0] =	vst.idx.msk $0xffff, v43;
	v50 =	vor.u32 v21, v33;
	v41 =	vld [tilespmem:s21+$0x40]  }
0x9e: {  	s15 =	simm.s32 $0x4;
	v45 =	vor.u32 v5, v34;
	v44 =	vld [tilespmem:s21+$0xFFFFFFC0]  }
0x9f: {  	v51 =	vmov s15  }
0xa0: {  	v55 =	vor.u32 v27, v38;
	v46 =	vshll.u32 v51, $0x8;
	v43 =	vshll.u32 v51, $0x7;
	s26 =	simm.s32 $0x5;
	[tilespmem:v48+s29+$0x0] =	vst.idx.msk $0xffff, v35  }
0xa1: {  	v46 =	vand.u32 $0x7800, v46;
	v52 =	vand.u32 $0x300, v43;
	v53 =	vmov s26;
	[tilespmem:v49+s29+$0x0] =	vst.idx.msk $0xffff, v39;
	v54 =	vld [tilespmem:s22+$0x20]  }
0xa2: {  	v36 =	vshll.u32 v53, $0x7;
	v56 =	vshll.u32 v53, $0x8;
	v58 =	vor.u32 v11, v37;
	[tilespmem:v50+s29+$0x0] =	vst.idx.msk $0xffff, v41;
	v57 =	vld [tilespmem:s22+$0xFFFFFFA0]  }
0xa3: {  	v36 =	vand.u32 $0x380, v36;
	[tilespmem:v45+s29+$0x0] =	vst.idx.msk $0xffff, v44;
	v43 =	vand.u32 $0x7800, v56;
	v60 =	vor.u32 v22, v33;
	v59 =	vld [tilespmem:s21+$0x50]  }
0xa4: {  	s24 =	simm.s32 $0x2A80;
	v47 =	vor.u32 v6, v34;
	v46 =	vor.u32 v52, v46;
	v61 =	vld [tilespmem:s21+$0xFFFFFFD0];
	v35 =	vor.u32 v36, v43  }
0xa5: {  	v62 =	vld [tilespmem:s24+$0x0];
	v36 =	vor.u32 v0, v46;
	v48 =	vor.u32 v17, v35  }
0xa6: {  	v49 =	vld [tilespmem:s24+$0xFFFFFF80];
	v50 =	vor.u32 v1, v36;
	[tilespmem:v55+s29+$0x0] =	vst.idx.msk $0xffff, v54  }
0xa7: {  	v63 =	vor.u32 v28, v38;
	[tilespmem:v58+s29+$0x0] =	vst.idx.msk $0xffff, v57;
	v39 =	vld [tilespmem:s22+$0x30]  }
0xa8: {  	v52 =	vor.u32 v12, v37;
	[tilespmem:v60+s29+$0x0] =	vst.idx.msk $0xffff, v59;
	v41 =	vld [tilespmem:s22+$0xFFFFFFB0]  }
0xa9: {  	[tilespmem:v47+s29+$0x0] =	vst.idx.msk $0xffff, v61;
	v54 =	vor.u32 v23, v33;
	v53 =	vld [tilespmem:s21+$0x60]  }
0xaa: {  	v56 =	vor.u32 v7, v34;
	[tilespmem:v48+s29+$0x0] =	vst.idx.msk $0xffff, v62;
	v55 =	vld [tilespmem:s21+$0xFFFFFFE0]  }
0xab: {  	[tilespmem:v50+s29+$0x0] =	vst.idx.msk $0xffff, v49;
	v58 =	vor.u32 v18, v35;
	v57 =	vld [tilespmem:s24+$0x10]  }
0xac: {  	v59 =	vor.u32 v2, v36;
	v49 =	vld [tilespmem:s24+$0xFFFFFF90];
	[tilespmem:v63+s29+$0x0] =	vst.idx.msk $0xffff, v39  }
0xad: {  	v60 =	vor.u32 v29, v38;
	[tilespmem:v52+s29+$0x0] =	vst.idx.msk $0xffff, v41;
	v39 =	vld [tilespmem:s22+$0x40]  }
0xae: {  	v61 =	vor.u32 v13, v37;
	[tilespmem:v54+s29+$0x0] =	vst.idx.msk $0xffff, v53;
	v41 =	vld [tilespmem:s22+$0xFFFFFFC0]  }
0xaf: {  	v62 =	vor.u32 v24, v33;
	[tilespmem:v56+s29+$0x0] =	vst.idx.msk $0xffff, v55;
	v43 =	vld [tilespmem:s21+$0x70]  }
0xb0: {  	[tilespmem:v58+s29+$0x0] =	vst.idx.msk $0xffff, v57;
	v45 =	vld [tilespmem:s21+$0xFFFFFFF0];
	v63 =	vor.u32 v8, v34  }
0xb1: {  	[tilespmem:v59+s29+$0x0] =	vst.idx.msk $0xffff, v49;
	v52 =	vor.u32 v19, v35;
	v47 =	vld [tilespmem:s24+$0x20]  }
0xb2: {  	v53 =	vor.u32 v3, v36;
	v49 =	vld [tilespmem:s24+$0xFFFFFFA0];
	[tilespmem:v60+s29+$0x0] =	vst.idx.msk $0xffff, v39  }
0xb3: {  	v54 =	vor.u32 v30, v38;
	[tilespmem:v61+s29+$0x0] =	vst.idx.msk $0xffff, v41;
	v39 =	vld [tilespmem:s22+$0x50]  }
0xb4: {  	s15 =	simm.s32 $0x5180;
	v55 =	vor.u32 v14, v37;
	[tilespmem:v62+s29+$0x0] =	vst.idx.msk $0xffff, v43;
	v41 =	vld [tilespmem:s22+$0xFFFFFFD0]  }
0xb5: {  	v56 =	vor.u32 v25, v33;
	[tilespmem:v63+s29+$0x0] =	vst.idx.msk $0xffff, v45;
	v43 =	vld [tilespmem:s15+$0x0]  }
0xb6: {  	v57 =	vor.u32 v9, v34;
	[tilespmem:v52+s29+$0x0] =	vst.idx.msk $0xffff, v47;
	v45 =	vld [tilespmem:s15+$0xFFFFFF80]  }
0xb7: {  	v58 =	vor.u32 v20, v35;
	[tilespmem:v53+s29+$0x0] =	vst.idx.msk $0xffff, v49;
	v47 =	vld [tilespmem:s24+$0x30]  }
0xb8: {  	v59 =	vor.u32 v4, v36;
	v49 =	vld [tilespmem:s24+$0xFFFFFFB0];
	[tilespmem:v54+s29+$0x0] =	vst.idx.msk $0xffff, v39  }
0xb9: {  	v60 =	vor.u32 v31, v38;
	[tilespmem:v55+s29+$0x0] =	vst.idx.msk $0xffff, v41;
	v39 =	vld [tilespmem:s22+$0x60]  }
0xba: {  	v61 =	vor.u32 v15, v37;
	[tilespmem:v56+s29+$0x0] =	vst.idx.msk $0xffff, v43;
	v42 =	vld [tilespmem:s22+$0xFFFFFFE0]  }
0xbb: {  	v52 =	vor.u32 v26, v33;
	[tilespmem:v57+s29+$0x0] =	vst.idx.msk $0xffff, v45;
	v51 =	vld [tilespmem:s15+$0x10]  }
0xbc: {  	[tilespmem:v58+s29+$0x0] =	vst.idx.msk $0xffff, v47;
	v41 =	vld [tilespmem:s15+$0xFFFFFF90];
	v43 =	vor.u32 v10, v34  }
0xbd: {  	s31 =	simm.s32 $0x6;
	v48 =	vor.u32 v21, v35;
	[tilespmem:v59+s29+$0x0] =	vst.idx.msk $0xffff, v49;
	v46 =	vld [tilespmem:s24+$0x40]  }
0xbe: {  	v62 =	vmov s31;
	v47 =	vor.u32 v5, v36;
	v45 =	vld [tilespmem:s24+$0xFFFFFFC0];
	[tilespmem:v60+s29+$0x0] =	vst.idx.msk $0xffff, v39  }
0xbf: {  	s30 =	simm.s32 $0x7;
	v40 =	vor.u32 v32, v38;
	v63 =	vshll.u32 v62, $0x8;
	v49 =	vshll.u32 v62, $0x7;
	[tilespmem:v61+s29+$0x0] =	vst.idx.msk $0xffff, v42;
	v39 =	vld [tilespmem:s22+$0x70]  }
0xc0: {  	s3 =	simm.s32 $0x8;
	s26 =	simm.s32 $0x2A80;
	v44 =	vor.u32 v16, v37;
	v38 =	vand.u32 $0x7800, v63;
	v49 =	vand.u32 $0x300, v49;
	[tilespmem:v52+s29+$0x0] =	vst.idx.msk $0xffff, v51;
	v42 =	vld [tilespmem:s22+$0xFFFFFFF0];
	s22 =	simm.s32 $0x5180  }
.LBB2_2:
0xc1: {  	p0 =	slt.u32 s3, $0x4E;
	v38 =	vor.u32 v49, v38;
	v49 =	vmov s30;
	[tilespmem:v43+s29+$0x0] =	vst.idx.msk $0xffff, v41;
	v41 =	vld [tilespmem:s15+$0x20];
	v43 =	vor.u32 v27, v33;
	v37 =	vmovc v34  }
0xc2: {  	v34 =	vmovc v36;
	v50 =	vshll.u32 v49, $0x8;
	v49 =	vshll.u32 v49, $0x7;
	[tilespmem:v48+s29+$0x0] =	vst.idx.msk $0xffff, v46;
	v46 =	vld [tilespmem:s15+$0xFFFFFFA0];
	v48 =	vor.u32 v11, v37  }
0xc3: {  	v36 =	vand.u32 $0x7800, v50;
	v49 =	vand.u32 $0x380, v49;
	[tilespmem:v47+s29+$0x0] =	vst.idx.msk $0xffff, v45;
	v45 =	vld [tilespmem:s24+$0x50];
	v47 =	vor.u32 v22, v35  }
0xc4: {  	v51 =	vor.u32 v6, v34;
	s24 =	sadd.s32 $0x100, s24;
	v50 =	vor.u32 v49, v36;
	v49 =	vld [tilespmem:s26+$0xFFFFFFD0];
	[tilespmem:v40+s29+$0x0] =	vst.idx.msk $0xffff, v39  }
0xc5: {  	v36 =	vor.u32 v0, v38;
	v38 =	vld [tilespmem:s24+$0x0];
	v39 =	vor.u32 v17, v50;
	[tilespmem:v44+s29+$0x0] =	vst.idx.msk $0xffff, v42  }
0xc6: {  	v42 =	vor.u32 v1, v36;
	v40 =	vld [tilespmem:s24+$0xFFFFFF80];
	[tilespmem:v43+s29+$0x0] =	vst.idx.msk $0xffff, v41  }
0xc7: {  	v43 =	vor.u32 v28, v33;
	[tilespmem:v48+s29+$0x0] =	vst.idx.msk $0xffff, v46;
	v41 =	vld [tilespmem:s15+$0x30]  }
0xc8: {  	[tilespmem:v47+s29+$0x0] =	vst.idx.msk $0xffff, v45;
	v44 =	vld [tilespmem:s15+$0xFFFFFFB0];
	v45 =	vor.u32 v12, v37  }
0xc9: {  	v47 =	vor.u32 v23, v35;
	[tilespmem:v51+s29+$0x0] =	vst.idx.msk $0xffff, v49;
	v46 =	vld [tilespmem:s26+$0x60]  }
0xca: {  	[tilespmem:v39+s29+$0x0] =	vst.idx.msk $0xffff, v38;
	v38 =	vld [tilespmem:s26+$0xFFFFFFE0];
	v39 =	vor.u32 v7, v34  }
0xcb: {  	[tilespmem:v42+s29+$0x0] =	vst.idx.msk $0xffff, v40;
	v40 =	vld [tilespmem:s24+$0x10];
	v42 =	vor.u32 v18, v50  }
0xcc: {  	v49 =	vor.u32 v2, v36;
	v48 =	vld [tilespmem:s24+$0xFFFFFF90];
	[tilespmem:v43+s29+$0x0] =	vst.idx.msk $0xffff, v41  }
0xcd: {  	v43 =	vor.u32 v29, v33;
	[tilespmem:v45+s29+$0x0] =	vst.idx.msk $0xffff, v44;
	v41 =	vld [tilespmem:s15+$0x40]  }
0xce: {  	v45 =	vor.u32 v13, v37;
	[tilespmem:v47+s29+$0x0] =	vst.idx.msk $0xffff, v46;
	v44 =	vld [tilespmem:s15+$0xFFFFFFC0]  }
0xcf: {  	[tilespmem:v39+s29+$0x0] =	vst.idx.msk $0xffff, v38;
	v38 =	vld [tilespmem:s26+$0x70];
	v39 =	vor.u32 v24, v35  }
0xd0: {  	[tilespmem:v42+s29+$0x0] =	vst.idx.msk $0xffff, v40;
	v40 =	vld [tilespmem:s26+$0xFFFFFFF0];
	v42 =	vor.u32 v8, v34;
	s26 =	smov.u32 s24  }
0xd1: {  	v47 =	vor.u32 v19, v50;
	[tilespmem:v49+s29+$0x0] =	vst.idx.msk $0xffff, v48;
	v46 =	vld [tilespmem:s24+$0x20]  }
0xd2: {  	v49 =	vor.u32 v3, v36;
	v48 =	vld [tilespmem:s24+$0xFFFFFFA0];
	[tilespmem:v43+s29+$0x0] =	vst.idx.msk $0xffff, v41  }
0xd3: {  	v43 =	vor.u32 v30, v33;
	[tilespmem:v45+s29+$0x0] =	vst.idx.msk $0xffff, v44;
	v41 =	vld [tilespmem:s15+$0x50]  }
0xd4: {  	s15 =	sadd.s32 $0x100, s15;
	[tilespmem:v39+s29+$0x0] =	vst.idx.msk $0xffff, v38;
	v38 =	vld [tilespmem:s22+$0xFFFFFFD0];
	v39 =	vor.u32 v14, v37  }
0xd5: {  	[tilespmem:v42+s29+$0x0] =	vst.idx.msk $0xffff, v40;
	v40 =	vld [tilespmem:s15+$0x0];
	v42 =	vor.u32 v25, v35  }
0xd6: {  	v45 =	vor.u32 v9, v34;
	[tilespmem:v47+s29+$0x0] =	vst.idx.msk $0xffff, v46;
	v44 =	vld [tilespmem:s15+$0xFFFFFF80]  }
0xd7: {  	v47 =	vor.u32 v20, v50;
	[tilespmem:v49+s29+$0x0] =	vst.idx.msk $0xffff, v48;
	v46 =	vld [tilespmem:s24+$0x30]  }
0xd8: {  	v49 =	vor.u32 v4, v36;
	v48 =	vld [tilespmem:s24+$0xFFFFFFB0];
	[tilespmem:v43+s29+$0x0] =	vst.idx.msk $0xffff, v41  }
0xd9: {  	[tilespmem:v39+s29+$0x0] =	vst.idx.msk $0xffff, v38;
	v38 =	vld [tilespmem:s22+$0x60];
	v39 =	vor.u32 v31, v33  }
0xda: {  	[tilespmem:v42+s29+$0x0] =	vst.idx.msk $0xffff, v40;
	v40 =	vld [tilespmem:s22+$0xFFFFFFE0];
	v42 =	vor.u32 v15, v37  }
0xdb: {  	v51 =	vor.u32 v26, v35;
	[tilespmem:v45+s29+$0x0] =	vst.idx.msk $0xffff, v44;
	v44 =	vld [tilespmem:s15+$0x10]  }
.Ltmp0:
0xdc: {  	v43 =	vor.u32 v10, v34;
	[tilespmem:v47+s29+$0x0] =	vst.idx.msk $0xffff, v46;
	v41 =	vld [tilespmem:s15+$0xFFFFFF90];
	(pc) =	sbr.rel @p0 .LBB2_2-.Ltmp0, $4  }
0xdd: {  	[tilespmem:v49+s29+$0x0] =	vst.idx.msk $0xffff, v48;
	v46 =	vld [tilespmem:s24+$0x40];
	v48 =	vor.u32 v21, v50  }
0xde: {  	v47 =	vor.u32 v5, v36;
	v49 =	vmov s3;
	v45 =	vld [tilespmem:s24+$0xFFFFFFC0];
	[tilespmem:v39+s29+$0x0] =	vst.idx.msk $0xffff, v38  }
0xdf: {  	v38 =	vshll.u32 v49, $0x8;
	v49 =	vshll.u32 v49, $0x7;
	[tilespmem:v42+s29+$0x0] =	vst.idx.msk $0xffff, v40;
	v39 =	vld [tilespmem:s22+$0x70];
	v40 =	vor.u32 v32, v33;
	v33 =	vmovc v35  }
0xe0: {  	s30 =	sadd.s32 $0x1, s3;
	s3 =	sadd.s32 $0x2, s3;
	v38 =	vand.u32 $0x7800, v38;
	v49 =	vand.u32 $0x300, v49;
	v35 =	vmovc v50;
	[tilespmem:v51+s29+$0x0] =	vst.idx.msk $0xffff, v44;
	v42 =	vld [tilespmem:s22+$0xFFFFFFF0];
	v44 =	vor.u32 v16, v37;
	s22 =	smov.u32 s15  }
0xe1: {  	v37 =	vmov s30  }
0xe2: {  	v50 =	vshll.u32 v37, $0x8;
	v37 =	vshll.u32 v37, $0x7  }
0xe3: {  	v50 =	vand.u32 $0x7800, v50;
	v37 =	vand.u32 $0x380, v37  }
0xe4: {  	v49 =	vor.u32 v49, v38;
	s1 =	sadd.s32 $0x100, s24;
	v38 =	vor.u32 v37, v50  }
0xe5: {  	v58 =	vld [tilespmem:s1+$0x0];
	v37 =	vor.u32 v0, v49;
	v50 =	vor.u32 v17, v38  }
0xe6: {  	v51 =	vld [tilespmem:s1+$0xFFFFFF80];
	v52 =	vor.u32 v1, v37;
	_ =	sdelay $0x3  }
0xe7: {  	[tilespmem:v50+s29+$0x0] =	vst.idx.msk $0xffff, v58  }
0xe8: {  	v59 =	vor.u32 v18, v38;
	[tilespmem:v52+s29+$0x0] =	vst.idx.msk $0xffff, v51;
	v49 =	vld [tilespmem:s1+$0x10]  }
0xe9: {  	v60 =	vor.u32 v2, v37;
	v51 =	vld [tilespmem:s1+$0xFFFFFF90];
	_ =	sdelay $0x3  }
0xea: {  	[tilespmem:v59+s29+$0x0] =	vst.idx.msk $0xffff, v49  }
0xeb: {  	v61 =	vor.u32 v19, v38;
	[tilespmem:v60+s29+$0x0] =	vst.idx.msk $0xffff, v51;
	v49 =	vld [tilespmem:s1+$0x20]  }
0xec: {  	v62 =	vor.u32 v3, v37;
	v51 =	vld [tilespmem:s1+$0xFFFFFFA0];
	_ =	sdelay $0x3  }
0xed: {  	[tilespmem:v61+s29+$0x0] =	vst.idx.msk $0xffff, v49  }
0xee: {  	v63 =	vor.u32 v20, v38;
	[tilespmem:v62+s29+$0x0] =	vst.idx.msk $0xffff, v51;
	v49 =	vld [tilespmem:s1+$0x30]  }
0xef: {  	v56 =	vor.u32 v4, v37;
	v51 =	vld [tilespmem:s1+$0xFFFFFFB0];
	_ =	sdelay $0x3  }
0xf0: {  	[tilespmem:v63+s29+$0x0] =	vst.idx.msk $0xffff, v49  }
0xf1: {  	v57 =	vor.u32 v21, v38;
	[tilespmem:v56+s29+$0x0] =	vst.idx.msk $0xffff, v51;
	v49 =	vld [tilespmem:s1+$0x40]  }
0xf2: {  	v58 =	vor.u32 v5, v37;
	v51 =	vld [tilespmem:s1+$0xFFFFFFC0];
	_ =	sdelay $0x1  }
0xf3: {  	[tilespmem:v48+s29+$0x0] =	vst.idx.msk $0xffff, v46  }
0xf4: {  	[tilespmem:v47+s29+$0x0] =	vst.idx.msk $0xffff, v45;
	v59 =	vld [tilespmem:s24+$0x50];
	v60 =	vor.u32 v22, v35  }
0xf5: {  	v47 =	vld [tilespmem:s26+$0xFFFFFFD0];
	v61 =	vor.u32 v6, v36;
	[tilespmem:v57+s29+$0x0] =	vst.idx.msk $0xffff, v49  }
0xf6: {  	v62 =	vor.u32 v22, v38;
	[tilespmem:v58+s29+$0x0] =	vst.idx.msk $0xffff, v51;
	v49 =	vld [tilespmem:s1+$0x50]  }
0xf7: {  	v63 =	vor.u32 v6, v37;
	v51 =	vld [tilespmem:s1+$0xFFFFFFD0];
	_ =	sdelay $0x1  }
0xf8: {  	[tilespmem:v60+s29+$0x0] =	vst.idx.msk $0xffff, v59  }
0xf9: {  	v45 =	vld [tilespmem:s26+$0x60];
	[tilespmem:v61+s29+$0x0] =	vst.idx.msk $0xffff, v47;
	v56 =	vor.u32 v23, v35  }
0xfa: {  	v47 =	vld [tilespmem:s26+$0xFFFFFFE0];
	v57 =	vor.u32 v7, v36;
	[tilespmem:v62+s29+$0x0] =	vst.idx.msk $0xffff, v49  }
0xfb: {  	v58 =	vor.u32 v23, v38;
	[tilespmem:v63+s29+$0x0] =	vst.idx.msk $0xffff, v51;
	v49 =	vld [tilespmem:s1+$0x60]  }
0xfc: {  	v59 =	vor.u32 v7, v37;
	v51 =	vld [tilespmem:s1+$0xFFFFFFE0];
	_ =	sdelay $0x1  }
0xfd: {  	[tilespmem:v56+s29+$0x0] =	vst.idx.msk $0xffff, v45  }
0xfe: {  	v60 =	vor.u32 v24, v35;
	v45 =	vld [tilespmem:s26+$0x70];
	[tilespmem:v57+s29+$0x0] =	vst.idx.msk $0xffff, v47  }
0xff: {  	v61 =	vor.u32 v8, v36;
	v47 =	vld [tilespmem:s26+$0xFFFFFFF0];
	[tilespmem:v58+s29+$0x0] =	vst.idx.msk $0xffff, v49  }
0x100: {  	v62 =	vor.u32 v24, v38;
	[tilespmem:v59+s29+$0x0] =	vst.idx.msk $0xffff, v51;
	v49 =	vld [tilespmem:s1+$0x70]  }
0x101: {  	v63 =	vor.u32 v8, v37;
	v51 =	vld [tilespmem:s1+$0xFFFFFFF0];
	_ =	sdelay $0x1  }
0x102: {  	s3 =	sadd.s32 $0x100, s15;
	[tilespmem:v60+s29+$0x0] =	vst.idx.msk $0xffff, v45  }
0x103: {  	v56 =	vor.u32 v25, v35;
	v45 =	vld [tilespmem:s3+$0x0];
	[tilespmem:v61+s29+$0x0] =	vst.idx.msk $0xffff, v47  }
0x104: {  	v57 =	vor.u32 v9, v36;
	s26 =	sadd.s32 $0x100, s3;
	v47 =	vld [tilespmem:s3+$0xFFFFFF80];
	[tilespmem:v62+s29+$0x0] =	vst.idx.msk $0xffff, v49  }
0x105: {  	v58 =	vor.u32 v25, v38;
	[tilespmem:v63+s29+$0x0] =	vst.idx.msk $0xffff, v51;
	v49 =	vld [tilespmem:s26+$0x0]  }
0x106: {  	v59 =	vor.u32 v9, v37;
	v51 =	vld [tilespmem:s26+$0xFFFFFF80]  }
0x107: {  	[tilespmem:v43+s29+$0x0] =	vst.idx.msk $0xffff, v41  }
0x108: {  	[tilespmem:v56+s29+$0x0] =	vst.idx.msk $0xffff, v45  }
0x109: {  	v61 =	vor.u32 v26, v35;
	v60 =	vld [tilespmem:s3+$0x10];
	[tilespmem:v57+s29+$0x0] =	vst.idx.msk $0xffff, v47  }
0x10a: {  	v62 =	vld [tilespmem:s3+$0xFFFFFF90];
	v63 =	vor.u32 v10, v36;
	[tilespmem:v58+s29+$0x0] =	vst.idx.msk $0xffff, v49  }
0x10b: {  	v53 =	vor.u32 v26, v38;
	[tilespmem:v59+s29+$0x0] =	vst.idx.msk $0xffff, v51;
	v52 =	vld [tilespmem:s26+$0x10]  }
0x10c: {  	[tilespmem:v40+s29+$0x0] =	vst.idx.msk $0xffff, v39;
	v55 =	vor.u32 v10, v37;
	v54 =	vld [tilespmem:s26+$0xFFFFFF90]  }
0x10d: {  	[tilespmem:v44+s29+$0x0] =	vst.idx.msk $0xffff, v42;
	v56 =	vld [tilespmem:s15+$0x20];
	v57 =	vor.u32 v27, v33  }
0x10e: {  	[tilespmem:v61+s29+$0x0] =	vst.idx.msk $0xffff, v60;
	v58 =	vld [tilespmem:s15+$0xFFFFFFA0];
	v59 =	vor.u32 v11, v34  }
0x10f: {  	v60 =	vor.u32 v27, v35;
	v41 =	vld [tilespmem:s3+$0x20];
	[tilespmem:v63+s29+$0x0] =	vst.idx.msk $0xffff, v62  }
0x110: {  	v61 =	vor.u32 v11, v36;
	v45 =	vld [tilespmem:s3+$0xFFFFFFA0];
	[tilespmem:v53+s29+$0x0] =	vst.idx.msk $0xffff, v52  }
0x111: {  	v63 =	vor.u32 v27, v38;
	[tilespmem:v55+s29+$0x0] =	vst.idx.msk $0xffff, v54;
	v62 =	vld [tilespmem:s26+$0x20]  }
0x112: {  	[tilespmem:v57+s29+$0x0] =	vst.idx.msk $0xffff, v56;
	v53 =	vor.u32 v11, v37;
	v52 =	vld [tilespmem:s26+$0xFFFFFFA0]  }
0x113: {  	[tilespmem:v59+s29+$0x0] =	vst.idx.msk $0xffff, v58;
	v54 =	vld [tilespmem:s15+$0x30];
	v55 =	vor.u32 v28, v33  }
0x114: {  	v57 =	vor.u32 v12, v34;
	[tilespmem:v60+s29+$0x0] =	vst.idx.msk $0xffff, v41;
	v56 =	vld [tilespmem:s15+$0xFFFFFFB0]  }
0x115: {  	v41 =	vld [tilespmem:s3+$0x30];
	[tilespmem:v61+s29+$0x0] =	vst.idx.msk $0xffff, v45;
	v58 =	vor.u32 v28, v35  }
0x116: {  	v59 =	vor.u32 v12, v36;
	v45 =	vld [tilespmem:s3+$0xFFFFFFB0];
	[tilespmem:v63+s29+$0x0] =	vst.idx.msk $0xffff, v62  }
0x117: {  	v60 =	vor.u32 v28, v38;
	[tilespmem:v53+s29+$0x0] =	vst.idx.msk $0xffff, v52;
	v39 =	vld [tilespmem:s26+$0x30]  }
0x118: {  	[tilespmem:v55+s29+$0x0] =	vst.idx.msk $0xffff, v54;
	v62 =	vor.u32 v12, v37;
	v61 =	vld [tilespmem:s26+$0xFFFFFFB0]  }
0x119: {  	[tilespmem:v57+s29+$0x0] =	vst.idx.msk $0xffff, v56;
	v63 =	vld [tilespmem:s15+$0x40];
	v52 =	vor.u32 v29, v33  }
0x11a: {  	[tilespmem:v58+s29+$0x0] =	vst.idx.msk $0xffff, v41;
	v49 =	vld [tilespmem:s15+$0xFFFFFFC0];
	v53 =	vor.u32 v13, v34  }
0x11b: {  	[tilespmem:v59+s29+$0x0] =	vst.idx.msk $0xffff, v45;
	v41 =	vld [tilespmem:s3+$0x40];
	v54 =	vor.u32 v29, v35  }
0x11c: {  	v55 =	vor.u32 v13, v36;
	v45 =	vld [tilespmem:s3+$0xFFFFFFC0];
	[tilespmem:v60+s29+$0x0] =	vst.idx.msk $0xffff, v39  }
0x11d: {  	v56 =	vor.u32 v29, v38;
	[tilespmem:v62+s29+$0x0] =	vst.idx.msk $0xffff, v61;
	v39 =	vld [tilespmem:s26+$0x40]  }
0x11e: {  	v57 =	vor.u32 v13, v37;
	[tilespmem:v52+s29+$0x0] =	vst.idx.msk $0xffff, v63;
	v42 =	vld [tilespmem:s26+$0xFFFFFFC0]  }
0x11f: {  	v58 =	vor.u32 v30, v33;
	[tilespmem:v53+s29+$0x0] =	vst.idx.msk $0xffff, v49;
	v47 =	vld [tilespmem:s15+$0x50]  }
0x120: {  	v59 =	vor.u32 v14, v34;
	[tilespmem:v54+s29+$0x0] =	vst.idx.msk $0xffff, v41;
	v49 =	vld [tilespmem:s22+$0xFFFFFFD0]  }
0x121: {  	[tilespmem:v55+s29+$0x0] =	vst.idx.msk $0xffff, v45;
	v41 =	vld [tilespmem:s3+$0x50];
	v60 =	vor.u32 v30, v35  }
0x122: {  	v45 =	vld [tilespmem:s3+$0xFFFFFFD0];
	v61 =	vor.u32 v14, v36;
	[tilespmem:v56+s29+$0x0] =	vst.idx.msk $0xffff, v39  }
0x123: {  	v62 =	vor.u32 v30, v38;
	[tilespmem:v57+s29+$0x0] =	vst.idx.msk $0xffff, v42;
	v39 =	vld [tilespmem:s26+$0x50]  }
0x124: {  	v63 =	vor.u32 v14, v37;
	[tilespmem:v58+s29+$0x0] =	vst.idx.msk $0xffff, v47;
	v42 =	vld [tilespmem:s26+$0xFFFFFFD0]  }
0x125: {  	v52 =	vor.u32 v31, v33;
	[tilespmem:v59+s29+$0x0] =	vst.idx.msk $0xffff, v49;
	v47 =	vld [tilespmem:s22+$0x60]  }
0x126: {  	v53 =	vor.u32 v15, v34;
	[tilespmem:v60+s29+$0x0] =	vst.idx.msk $0xffff, v41;
	v49 =	vld [tilespmem:s22+$0xFFFFFFE0]  }
0x127: {  	v54 =	vor.u32 v31, v35;
	[tilespmem:v61+s29+$0x0] =	vst.idx.msk $0xffff, v45;
	v41 =	vld [tilespmem:s3+$0x60]  }
0x128: {  	v55 =	vor.u32 v15, v36;
	v45 =	vld [tilespmem:s3+$0xFFFFFFE0];
	[tilespmem:v62+s29+$0x0] =	vst.idx.msk $0xffff, v39  }
0x129: {  	v56 =	vor.u32 v31, v38;
	[tilespmem:v63+s29+$0x0] =	vst.idx.msk $0xffff, v42;
	v39 =	vld [tilespmem:s26+$0x60]  }
0x12a: {  	v57 =	vor.u32 v15, v37;
	[tilespmem:v52+s29+$0x0] =	vst.idx.msk $0xffff, v47;
	v42 =	vld [tilespmem:s26+$0xFFFFFFE0]  }
0x12b: {  	v58 =	vor.u32 v32, v33;
	[tilespmem:v53+s29+$0x0] =	vst.idx.msk $0xffff, v49;
	v47 =	vld [tilespmem:s22+$0x70]  }
0x12c: {  	v60 =	vor.u32 v16, v34;
	[tilespmem:v54+s29+$0x0] =	vst.idx.msk $0xffff, v41;
	v59 =	vld [tilespmem:s22+$0xFFFFFFF0]  }
0x12d: {  	v61 =	vor.u32 v32, v35;
	[tilespmem:v55+s29+$0x0] =	vst.idx.msk $0xffff, v45;
	v41 =	vld [tilespmem:s3+$0x70]  }
0x12e: {  	v62 =	vld [tilespmem:s3+$0xFFFFFFF0];
	v63 =	vor.u32 v16, v36;
	[tilespmem:v56+s29+$0x0] =	vst.idx.msk $0xffff, v39  }
0x12f: {  	v38 =	vor.u32 v32, v38;
	[tilespmem:v57+s29+$0x0] =	vst.idx.msk $0xffff, v42;
	v39 =	vld [tilespmem:s26+$0x70]  }
0x130: {  	v37 =	vor.u32 v16, v37;
	[tilespmem:v58+s29+$0x0] =	vst.idx.msk $0xffff, v47;
	v40 =	vld [tilespmem:s26+$0xFFFFFFF0]  }
0x131: {  	[tilespmem:v60+s29+$0x0] =	vst.idx.msk $0xffff, v59  }
0x132: {  	[tilespmem:v61+s29+$0x0] =	vst.idx.msk $0xffff, v41  }
0x133: {  	[tilespmem:v63+s29+$0x0] =	vst.idx.msk $0xffff, v62  }
0x134: {  	[tilespmem:v38+s29+$0x0] =	vst.idx.msk $0xffff, v39  }
0x135: {  	[tilespmem:v37+s29+$0x0] =	vst.idx.msk $0xffff, v40  }
0x136: {  	s1 =	simm.s32 $0x0;
	s15 =	rddreg [dreg:$0x5]  }
0x137: {  	[hbm4b:s15+s1] =	stream.linear.scatter [tilespmem:s29], [sflag:$0x3], $0x400, $0x38;
	[tilespmem:$0x16800] =	vst v63  }
0x138: {  	s21 =	simm.s32 $0xD000;
	s31 =	sadd.s32 $0x100, s15  }
0x139: {  	[hbm4b:s31+s1] =	stream.linear.scatter [tilespmem:s21], [sflag:$0x3], $0x400, $0x38;
	[tilespmem:$0x16800] =	vst v63  }
0x13a: {  	s24 =	simm.s32 $0xD800;
	s22 =	sadd.s32 $0x200, s15  }
0x13b: {  	[hbm4b:s22+s1] =	stream.linear.scatter [tilespmem:s24], [sflag:$0x3], $0x400, $0x38;
	[tilespmem:$0x16800] =	vst v63  }
0x13c: {  	s26 =	sadd.s32 $0x300, s15;
	s31 =	simm.s32 $0xE000  }
0x13d: {  	[hbm4b:s26+s1] =	stream.linear.scatter [tilespmem:s31], [sflag:$0x3], $0x400, $0x38;
	[tilespmem:$0x16800] =	vst v63  }
0x13e: {  	s22 =	sadd.s32 $0x400, s15;
	s24 =	simm.s32 $0xE800  }
0x13f: {  	[hbm4b:s22+s1] =	stream.linear.scatter [tilespmem:s24], [sflag:$0x3], $0x400, $0x38;
	[tilespmem:$0x16800] =	vst v63  }
0x140: {  	s26 =	sadd.s32 $0x500, s15;
	s31 =	simm.s32 $0xF000  }
0x141: {  	[hbm4b:s26+s1] =	stream.linear.scatter [tilespmem:s31], [sflag:$0x3], $0x400, $0x38;
	[tilespmem:$0x16800] =	vst v63  }
0x142: {  	s22 =	sadd.s32 $0x600, s15;
	s24 =	simm.s32 $0xF800  }
0x143: {  	[hbm4b:s22+s1] =	stream.linear.scatter [tilespmem:s24], [sflag:$0x3], $0x400, $0x38;
	[tilespmem:$0x16800] =	vst v63  }
0x144: {  	s26 =	sadd.s32 $0x700, s15;
	s31 =	simm.s32 $0x10000  }
0x145: {  	[hbm4b:s26+s1] =	stream.linear.scatter [tilespmem:s31], [sflag:$0x3], $0x400, $0x38;
	[tilespmem:$0x16800] =	vst v63  }
0x146: {  	s22 =	sadd.s32 $0x800, s15;
	s24 =	simm.s32 $0x10800  }
0x147: {  	[hbm4b:s22+s1] =	stream.linear.scatter [tilespmem:s24], [sflag:$0x3], $0x400, $0x38;
	[tilespmem:$0x16800] =	vst v63  }
0x148: {  	s26 =	sadd.s32 $0x900, s15;
	s31 =	simm.s32 $0x11000  }
0x149: {  	[hbm4b:s26+s1] =	stream.linear.scatter [tilespmem:s31], [sflag:$0x3], $0x400, $0x38;
	[tilespmem:$0x16800] =	vst v63  }
0x14a: {  	s21 =	simm.s32 $0xCC00;
	s15 =	rddreg [dreg:$0x6]  }
0x14b: {  	[hbm4b:s15+s1] =	stream.linear.scatter [tilespmem:s21], [sflag:$0x3], $0x400, $0x38;
	[tilespmem:$0x16800] =	vst v63  }
0x14c: {  	s22 =	sadd.s32 $0x100, s15;
	s24 =	simm.s32 $0xD400  }
0x14d: {  	[hbm4b:s22+s1] =	stream.linear.scatter [tilespmem:s24], [sflag:$0x3], $0x400, $0x38;
	[tilespmem:$0x16800] =	vst v63  }
0x14e: {  	s26 =	sadd.s32 $0x200, s15;
	s31 =	simm.s32 $0xDC00  }
0x14f: {  	[hbm4b:s26+s1] =	stream.linear.scatter [tilespmem:s31], [sflag:$0x3], $0x400, $0x38;
	[tilespmem:$0x16800] =	vst v63  }
0x150: {  	s22 =	sadd.s32 $0x300, s15;
	s24 =	simm.s32 $0xE400  }
0x151: {  	[hbm4b:s22+s1] =	stream.linear.scatter [tilespmem:s24], [sflag:$0x3], $0x400, $0x38;
	[tilespmem:$0x16800] =	vst v63  }
0x152: {  	s26 =	sadd.s32 $0x400, s15;
	s31 =	simm.s32 $0xEC00  }
0x153: {  	[hbm4b:s26+s1] =	stream.linear.scatter [tilespmem:s31], [sflag:$0x3], $0x400, $0x38;
	[tilespmem:$0x16800] =	vst v63  }
0x154: {  	s22 =	sadd.s32 $0x500, s15;
	s24 =	simm.s32 $0xF400  }
0x155: {  	[hbm4b:s22+s1] =	stream.linear.scatter [tilespmem:s24], [sflag:$0x3], $0x400, $0x38;
	[tilespmem:$0x16800] =	vst v63  }
0x156: {  	s26 =	sadd.s32 $0x600, s15;
	s31 =	simm.s32 $0xFC00  }
0x157: {  	[hbm4b:s26+s1] =	stream.linear.scatter [tilespmem:s31], [sflag:$0x3], $0x400, $0x38;
	[tilespmem:$0x16800] =	vst v63  }
0x158: {  	s22 =	sadd.s32 $0x700, s15;
	s24 =	simm.s32 $0x10400  }
0x159: {  	[hbm4b:s22+s1] =	stream.linear.scatter [tilespmem:s24], [sflag:$0x3], $0x400, $0x38;
	[tilespmem:$0x16800] =	vst v63  }
0x15a: {  	s26 =	sadd.s32 $0x800, s15;
	s31 =	simm.s32 $0x10C00  }
0x15b: {  	[hbm4b:s26+s1] =	stream.linear.scatter [tilespmem:s31], [sflag:$0x3], $0x400, $0x38;
	[tilespmem:$0x16800] =	vst v63  }
0x15c: {  	s22 =	sadd.s32 $0x900, s15;
	s24 =	simm.s32 $0x11400  }
0x15d: {  	[hbm4b:s22+s1] =	stream.linear.scatter [tilespmem:s24], [sflag:$0x3], $0x400, $0x38;
	[tilespmem:$0x16800] =	vst v63  }
0x15e: {  	s26 =	simm.s32 $0x2800;
	s31 =	simm.s32 $0x200  }
0x15f: {  	[tilespmem:s26], [sflag:$0x1] =	stream.indirect.gather [hbm4b:s0+s19], $0x80, s31, s19, $0xb8;
	[tilespmem:$0x16800] =	vst v63  }
0x160: {  	s21 =	simm.s32 $0x5000;
	s22 =	simm.s32 $0x280  }
0x161: {  	[tilespmem:s21], [sflag:$0x1] =	stream.indirect.gather [hbm4b:s0+s19], $0x80, s22, s19, $0xb8;
	[tilespmem:$0x16800] =	vst v63  }
0x162: {  	_ =	swait.ge [sflag:s16], $0x2800  }
0x163: {  	v41 =	vmov s1;
	s24 =	simm.s32 $0x1;
	[sflag:s16] =	ssyncset.done $0x0  }
0x164: {  	v42 =	vshll.u32 v41, $0x8;
	v33 =	vshll.u32 v41, $0x7;
	v43 =	vmov s24;
	[sflag:s16] =	ssyncadd.s32 $0xFFFFD800  }
0x165: {  	v34 =	vand.u32 $0x7800, v42;
	v44 =	vshll.u32 v43, $0x8;
	v35 =	vshll.u32 v43, $0x7;
	_ =	swait.ge [sflag:s16], $0x2800  }
0x166: {  	v33 =	vand.u32 $0x300, v33;
	v36 =	vand.u32 $0x7800, v44;
	v35 =	vand.u32 $0x380, v35;
	[sflag:s16] =	ssyncset.done $0x0  }
0x167: {  	v33 =	vor.u32 v33, v34;
	s26 =	simm.s32 $0x7880;
	v38 =	vor.u32 v35, v36;
	[sflag:s16] =	ssyncadd.s32 $0xFFFFD800  }
0x168: {  	v37 =	vor.u32 v0, v33;
	v46 =	vor.u32 v17, v38;
	v45 =	vld [tilespmem:s26+$0x0]  }
0x169: {  	v48 =	vor.u32 v1, v37;
	v47 =	vld [tilespmem:s26+$0xFFFFFF80];
	_ =	sdelay $0x3  }
0x16a: {  	[tilespmem:v46+s20+$0x0] =	vst.idx.msk $0xffff, v45  }
0x16b: {  	v49 =	vor.u32 v18, v38;
	[tilespmem:v48+s20+$0x0] =	vst.idx.msk $0xffff, v47;
	v33 =	vld [tilespmem:s26+$0x10]  }
0x16c: {  	v50 =	vor.u32 v2, v37;
	v35 =	vld [tilespmem:s26+$0xFFFFFF90];
	_ =	sdelay $0x3  }
0x16d: {  	[tilespmem:v49+s20+$0x0] =	vst.idx.msk $0xffff, v33  }
0x16e: {  	v51 =	vor.u32 v19, v38;
	[tilespmem:v50+s20+$0x0] =	vst.idx.msk $0xffff, v35;
	v33 =	vld [tilespmem:s26+$0x20]  }
0x16f: {  	v52 =	vor.u32 v3, v37;
	v35 =	vld [tilespmem:s26+$0xFFFFFFA0];
	_ =	sdelay $0x3  }
0x170: {  	[tilespmem:v51+s20+$0x0] =	vst.idx.msk $0xffff, v33  }
0x171: {  	v53 =	vor.u32 v20, v38;
	[tilespmem:v52+s20+$0x0] =	vst.idx.msk $0xffff, v35;
	v33 =	vld [tilespmem:s26+$0x30]  }
0x172: {  	v54 =	vor.u32 v4, v37;
	v35 =	vld [tilespmem:s26+$0xFFFFFFB0];
	_ =	sdelay $0x3  }
0x173: {  	[tilespmem:v53+s20+$0x0] =	vst.idx.msk $0xffff, v33  }
0x174: {  	v55 =	vor.u32 v21, v38;
	[tilespmem:v54+s20+$0x0] =	vst.idx.msk $0xffff, v35;
	v33 =	vld [tilespmem:s26+$0x40]  }
0x175: {  	v56 =	vor.u32 v5, v37;
	s15 =	simm.s32 $0x3;
	v35 =	vld [tilespmem:s26+$0xFFFFFFC0]  }
0x176: {  	v59 =	vmov s15  }
0x177: {  	v60 =	vshll.u32 v59, $0x8;
	s31 =	simm.s32 $0x2  }
0x178: {  	v41 =	vshll.u32 v59, $0x7;
	v61 =	vand.u32 $0x7800, v60;
	v57 =	vmov s31  }
0x179: {  	v62 =	vand.u32 $0x380, v41;
	v58 =	vshll.u32 v57, $0x8;
	v39 =	vshll.u32 v57, $0x7;
	[tilespmem:v55+s20+$0x0] =	vst.idx.msk $0xffff, v33  }
0x17a: {  	v40 =	vand.u32 $0x7800, v58;
	v39 =	vand.u32 $0x300, v39;
	v48 =	vor.u32 v22, v38;
	[tilespmem:v56+s20+$0x0] =	vst.idx.msk $0xffff, v35;
	v63 =	vld [tilespmem:s26+$0x50]  }
0x17b: {  	s21 =	simm.s32 $0x7980;
	v39 =	vor.u32 v39, v40;
	v50 =	vor.u32 v6, v37;
	v33 =	vor.u32 v62, v61;
	v49 =	vld [tilespmem:s26+$0xFFFFFFD0]  }
0x17c: {  	v34 =	vor.u32 v0, v39;
	v51 =	vld [tilespmem:s21+$0x0];
	v52 =	vor.u32 v17, v33  }
0x17d: {  	v53 =	vld [tilespmem:s21+$0xFFFFFF80];
	v54 =	vor.u32 v1, v34;
	_ =	sdelay $0x1  }
0x17e: {  	[tilespmem:v48+s20+$0x0] =	vst.idx.msk $0xffff, v63  }
0x17f: {  	v55 =	vor.u32 v23, v38;
	[tilespmem:v50+s20+$0x0] =	vst.idx.msk $0xffff, v49;
	v35 =	vld [tilespmem:s26+$0x60]  }
0x180: {  	v57 =	vor.u32 v7, v37;
	[tilespmem:v52+s20+$0x0] =	vst.idx.msk $0xffff, v51;
	v56 =	vld [tilespmem:s26+$0xFFFFFFE0]  }
0x181: {  	[tilespmem:v54+s20+$0x0] =	vst.idx.msk $0xffff, v53;
	v59 =	vor.u32 v18, v33;
	v58 =	vld [tilespmem:s21+$0x10]  }
0x182: {  	v60 =	vor.u32 v2, v34;
	v43 =	vld [tilespmem:s21+$0xFFFFFF90];
	_ =	sdelay $0x1  }
0x183: {  	[tilespmem:v55+s20+$0x0] =	vst.idx.msk $0xffff, v35  }
0x184: {  	v61 =	vor.u32 v24, v38;
	[tilespmem:v57+s20+$0x0] =	vst.idx.msk $0xffff, v56;
	v35 =	vld [tilespmem:s26+$0x70]  }
0x185: {  	v62 =	vor.u32 v8, v37;
	[tilespmem:v59+s20+$0x0] =	vst.idx.msk $0xffff, v58;
	v39 =	vld [tilespmem:s26+$0xFFFFFFF0]  }
0x186: {  	[tilespmem:v60+s20+$0x0] =	vst.idx.msk $0xffff, v43;
	v63 =	vor.u32 v19, v33;
	v41 =	vld [tilespmem:s21+$0x20]  }
0x187: {  	v43 =	vld [tilespmem:s21+$0xFFFFFFA0];
	v48 =	vor.u32 v3, v34;
	_ =	sdelay $0x1  }
0x188: {  	s22 =	simm.s32 $0xA080;
	[tilespmem:v61+s20+$0x0] =	vst.idx.msk $0xffff, v35  }
0x189: {  	v49 =	vor.u32 v25, v38;
	[tilespmem:v62+s20+$0x0] =	vst.idx.msk $0xffff, v39;
	v35 =	vld [tilespmem:s22+$0x0]  }
0x18a: {  	v50 =	vor.u32 v9, v37;
	[tilespmem:v63+s20+$0x0] =	vst.idx.msk $0xffff, v41;
	v39 =	vld [tilespmem:s22+$0xFFFFFF80]  }
0x18b: {  	v51 =	vor.u32 v20, v33;
	[tilespmem:v48+s20+$0x0] =	vst.idx.msk $0xffff, v43;
	v41 =	vld [tilespmem:s21+$0x30]  }
0x18c: {  	v52 =	vor.u32 v4, v34;
	v43 =	vld [tilespmem:s21+$0xFFFFFFB0];
	_ =	sdelay $0x1  }
0x18d: {  	[tilespmem:v49+s20+$0x0] =	vst.idx.msk $0xffff, v35  }
0x18e: {  	v53 =	vor.u32 v26, v38;
	[tilespmem:v50+s20+$0x0] =	vst.idx.msk $0xffff, v39;
	v35 =	vld [tilespmem:s22+$0x10]  }
0x18f: {  	v54 =	vor.u32 v10, v37;
	[tilespmem:v51+s20+$0x0] =	vst.idx.msk $0xffff, v41;
	v39 =	vld [tilespmem:s22+$0xFFFFFF90]  }
0x190: {  	v55 =	vor.u32 v21, v33;
	[tilespmem:v52+s20+$0x0] =	vst.idx.msk $0xffff, v43;
	v41 =	vld [tilespmem:s21+$0x40]  }
0x191: {  	s24 =	simm.s32 $0x4;
	v57 =	vor.u32 v5, v34;
	s26 =	simm.s32 $0x5;
	v44 =	vld [tilespmem:s21+$0xFFFFFFC0]  }
0x192: {  	v56 =	vmov s24;
	v60 =	vmov s26  }
0x193: {  	v58 =	vshll.u32 v56, $0x8;
	v36 =	vshll.u32 v60, $0x7;
	[tilespmem:v53+s20+$0x0] =	vst.idx.msk $0xffff, v35  }
0x194: {  	v46 =	vand.u32 $0x7800, v58;
	v36 =	vand.u32 $0x380, v36;
	v61 =	vor.u32 v27, v38;
	[tilespmem:v54+s20+$0x0] =	vst.idx.msk $0xffff, v39;
	v39 =	vld [tilespmem:s22+$0x20]  }
0x195: {  	v43 =	vshll.u32 v56, $0x7;
	v52 =	vor.u32 v11, v37;
	v62 =	vshll.u32 v60, $0x8;
	[tilespmem:v55+s20+$0x0] =	vst.idx.msk $0xffff, v41;
	v63 =	vld [tilespmem:s22+$0xFFFFFFA0]  }
0x196: {  	v59 =	vand.u32 $0x300, v43;
	v43 =	vand.u32 $0x7800, v62;
	[tilespmem:v57+s20+$0x0] =	vst.idx.msk $0xffff, v44;
	v54 =	vor.u32 v22, v33;
	v53 =	vld [tilespmem:s21+$0x50]  }
0x197: {  	s24 =	simm.s32 $0x7A80;
	v56 =	vor.u32 v6, v34;
	v46 =	vor.u32 v59, v46;
	v35 =	vor.u32 v36, v43;
	v55 =	vld [tilespmem:s21+$0xFFFFFFD0]  }
0x198: {  	v57 =	vld [tilespmem:s24+$0x0];
	v36 =	vor.u32 v0, v46;
	v58 =	vor.u32 v17, v35  }
0x199: {  	v59 =	vld [tilespmem:s24+$0xFFFFFF80];
	v60 =	vor.u32 v1, v36;
	[tilespmem:v61+s20+$0x0] =	vst.idx.msk $0xffff, v39  }
0x19a: {  	[tilespmem:v52+s20+$0x0] =	vst.idx.msk $0xffff, v63;
	v61 =	vor.u32 v28, v38;
	v39 =	vld [tilespmem:s22+$0x30]  }
0x19b: {  	v62 =	vor.u32 v12, v37;
	[tilespmem:v54+s20+$0x0] =	vst.idx.msk $0xffff, v53;
	v41 =	vld [tilespmem:s22+$0xFFFFFFB0]  }
0x19c: {  	[tilespmem:v56+s20+$0x0] =	vst.idx.msk $0xffff, v55;
	v52 =	vor.u32 v23, v33;
	v63 =	vld [tilespmem:s21+$0x60]  }
0x19d: {  	[tilespmem:v58+s20+$0x0] =	vst.idx.msk $0xffff, v57;
	v53 =	vld [tilespmem:s21+$0xFFFFFFE0];
	v54 =	vor.u32 v7, v34  }
0x19e: {  	v56 =	vor.u32 v18, v35;
	[tilespmem:v60+s20+$0x0] =	vst.idx.msk $0xffff, v59;
	v55 =	vld [tilespmem:s24+$0x10]  }
0x19f: {  	v57 =	vor.u32 v2, v36;
	v49 =	vld [tilespmem:s24+$0xFFFFFF90];
	[tilespmem:v61+s20+$0x0] =	vst.idx.msk $0xffff, v39  }
0x1a0: {  	v58 =	vor.u32 v29, v38;
	[tilespmem:v62+s20+$0x0] =	vst.idx.msk $0xffff, v41;
	v39 =	vld [tilespmem:s22+$0x40]  }
0x1a1: {  	v59 =	vor.u32 v13, v37;
	[tilespmem:v52+s20+$0x0] =	vst.idx.msk $0xffff, v63;
	v41 =	vld [tilespmem:s22+$0xFFFFFFC0]  }
0x1a2: {  	v60 =	vor.u32 v24, v33;
	[tilespmem:v54+s20+$0x0] =	vst.idx.msk $0xffff, v53;
	v43 =	vld [tilespmem:s21+$0x70]  }
0x1a3: {  	[tilespmem:v56+s20+$0x0] =	vst.idx.msk $0xffff, v55;
	v45 =	vld [tilespmem:s21+$0xFFFFFFF0];
	v61 =	vor.u32 v8, v34  }
0x1a4: {  	[tilespmem:v57+s20+$0x0] =	vst.idx.msk $0xffff, v49;
	v62 =	vor.u32 v19, v35;
	v47 =	vld [tilespmem:s24+$0x20]  }
0x1a5: {  	v63 =	vor.u32 v3, v36;
	v49 =	vld [tilespmem:s24+$0xFFFFFFA0];
	[tilespmem:v58+s20+$0x0] =	vst.idx.msk $0xffff, v39  }
0x1a6: {  	v52 =	vor.u32 v30, v38;
	[tilespmem:v59+s20+$0x0] =	vst.idx.msk $0xffff, v41;
	v39 =	vld [tilespmem:s22+$0x50]  }
0x1a7: {  	s15 =	simm.s32 $0xA180;
	v53 =	vor.u32 v14, v37;
	[tilespmem:v60+s20+$0x0] =	vst.idx.msk $0xffff, v43;
	v41 =	vld [tilespmem:s22+$0xFFFFFFD0]  }
0x1a8: {  	v54 =	vor.u32 v25, v33;
	[tilespmem:v61+s20+$0x0] =	vst.idx.msk $0xffff, v45;
	v43 =	vld [tilespmem:s15+$0x0]  }
0x1a9: {  	v55 =	vor.u32 v9, v34;
	[tilespmem:v62+s20+$0x0] =	vst.idx.msk $0xffff, v47;
	v45 =	vld [tilespmem:s15+$0xFFFFFF80]  }
0x1aa: {  	v56 =	vor.u32 v20, v35;
	[tilespmem:v63+s20+$0x0] =	vst.idx.msk $0xffff, v49;
	v47 =	vld [tilespmem:s24+$0x30]  }
0x1ab: {  	v57 =	vor.u32 v4, v36;
	v49 =	vld [tilespmem:s24+$0xFFFFFFB0];
	[tilespmem:v52+s20+$0x0] =	vst.idx.msk $0xffff, v39  }
0x1ac: {  	v58 =	vor.u32 v31, v38;
	[tilespmem:v53+s20+$0x0] =	vst.idx.msk $0xffff, v41;
	v39 =	vld [tilespmem:s22+$0x60]  }
0x1ad: {  	v59 =	vor.u32 v15, v37;
	[tilespmem:v54+s20+$0x0] =	vst.idx.msk $0xffff, v43;
	v42 =	vld [tilespmem:s22+$0xFFFFFFE0]  }
0x1ae: {  	v61 =	vor.u32 v26, v33;
	[tilespmem:v55+s20+$0x0] =	vst.idx.msk $0xffff, v45;
	v60 =	vld [tilespmem:s15+$0x10]  }
0x1af: {  	[tilespmem:v56+s20+$0x0] =	vst.idx.msk $0xffff, v47;
	v41 =	vld [tilespmem:s15+$0xFFFFFF90];
	v43 =	vor.u32 v10, v34  }
0x1b0: {  	s31 =	simm.s32 $0x6;
	v48 =	vor.u32 v21, v35;
	[tilespmem:v57+s20+$0x0] =	vst.idx.msk $0xffff, v49;
	v46 =	vld [tilespmem:s24+$0x40]  }
0x1b1: {  	v62 =	vmov s31;
	v47 =	vor.u32 v5, v36;
	v45 =	vld [tilespmem:s24+$0xFFFFFFC0];
	[tilespmem:v58+s20+$0x0] =	vst.idx.msk $0xffff, v39  }
0x1b2: {  	s30 =	simm.s32 $0x7;
	v40 =	vor.u32 v32, v38;
	v63 =	vshll.u32 v62, $0x8;
	v49 =	vshll.u32 v62, $0x7;
	[tilespmem:v59+s20+$0x0] =	vst.idx.msk $0xffff, v42;
	v39 =	vld [tilespmem:s22+$0x70]  }
0x1b3: {  	s3 =	simm.s32 $0x8;
	s26 =	simm.s32 $0x7A80;
	v44 =	vor.u32 v16, v37;
	v38 =	vand.u32 $0x7800, v63;
	v49 =	vand.u32 $0x300, v49;
	[tilespmem:v61+s20+$0x0] =	vst.idx.msk $0xffff, v60;
	v42 =	vld [tilespmem:s22+$0xFFFFFFF0];
	s22 =	simm.s32 $0xA180  }
.LBB2_4:
0x1b4: {  	p0 =	slt.u32 s3, $0x4E;
	v38 =	vor.u32 v49, v38;
	v49 =	vmov s30;
	[tilespmem:v43+s20+$0x0] =	vst.idx.msk $0xffff, v41;
	v41 =	vld [tilespmem:s15+$0x20];
	v43 =	vor.u32 v27, v33;
	v37 =	vmovc v34  }
0x1b5: {  	v34 =	vmovc v36;
	v50 =	vshll.u32 v49, $0x8;
	v49 =	vshll.u32 v49, $0x7;
	[tilespmem:v48+s20+$0x0] =	vst.idx.msk $0xffff, v46;
	v46 =	vld [tilespmem:s15+$0xFFFFFFA0];
	v48 =	vor.u32 v11, v37  }
0x1b6: {  	v36 =	vand.u32 $0x7800, v50;
	v49 =	vand.u32 $0x380, v49;
	[tilespmem:v47+s20+$0x0] =	vst.idx.msk $0xffff, v45;
	v45 =	vld [tilespmem:s24+$0x50];
	v47 =	vor.u32 v22, v35  }
0x1b7: {  	v51 =	vor.u32 v6, v34;
	s24 =	sadd.s32 $0x100, s24;
	v50 =	vor.u32 v49, v36;
	v49 =	vld [tilespmem:s26+$0xFFFFFFD0];
	[tilespmem:v40+s20+$0x0] =	vst.idx.msk $0xffff, v39  }
0x1b8: {  	v36 =	vor.u32 v0, v38;
	v38 =	vld [tilespmem:s24+$0x0];
	v39 =	vor.u32 v17, v50;
	[tilespmem:v44+s20+$0x0] =	vst.idx.msk $0xffff, v42  }
0x1b9: {  	v42 =	vor.u32 v1, v36;
	v40 =	vld [tilespmem:s24+$0xFFFFFF80];
	[tilespmem:v43+s20+$0x0] =	vst.idx.msk $0xffff, v41  }
0x1ba: {  	v43 =	vor.u32 v28, v33;
	[tilespmem:v48+s20+$0x0] =	vst.idx.msk $0xffff, v46;
	v41 =	vld [tilespmem:s15+$0x30]  }
0x1bb: {  	[tilespmem:v47+s20+$0x0] =	vst.idx.msk $0xffff, v45;
	v44 =	vld [tilespmem:s15+$0xFFFFFFB0];
	v45 =	vor.u32 v12, v37  }
0x1bc: {  	v47 =	vor.u32 v23, v35;
	[tilespmem:v51+s20+$0x0] =	vst.idx.msk $0xffff, v49;
	v46 =	vld [tilespmem:s26+$0x60]  }
0x1bd: {  	[tilespmem:v39+s20+$0x0] =	vst.idx.msk $0xffff, v38;
	v38 =	vld [tilespmem:s26+$0xFFFFFFE0];
	v39 =	vor.u32 v7, v34  }
0x1be: {  	[tilespmem:v42+s20+$0x0] =	vst.idx.msk $0xffff, v40;
	v40 =	vld [tilespmem:s24+$0x10];
	v42 =	vor.u32 v18, v50  }
0x1bf: {  	v49 =	vor.u32 v2, v36;
	v48 =	vld [tilespmem:s24+$0xFFFFFF90];
	[tilespmem:v43+s20+$0x0] =	vst.idx.msk $0xffff, v41  }
0x1c0: {  	v43 =	vor.u32 v29, v33;
	[tilespmem:v45+s20+$0x0] =	vst.idx.msk $0xffff, v44;
	v41 =	vld [tilespmem:s15+$0x40]  }
0x1c1: {  	v45 =	vor.u32 v13, v37;
	[tilespmem:v47+s20+$0x0] =	vst.idx.msk $0xffff, v46;
	v44 =	vld [tilespmem:s15+$0xFFFFFFC0]  }
0x1c2: {  	[tilespmem:v39+s20+$0x0] =	vst.idx.msk $0xffff, v38;
	v38 =	vld [tilespmem:s26+$0x70];
	v39 =	vor.u32 v24, v35  }
0x1c3: {  	[tilespmem:v42+s20+$0x0] =	vst.idx.msk $0xffff, v40;
	v40 =	vld [tilespmem:s26+$0xFFFFFFF0];
	v42 =	vor.u32 v8, v34;
	s26 =	smov.u32 s24  }
0x1c4: {  	v47 =	vor.u32 v19, v50;
	[tilespmem:v49+s20+$0x0] =	vst.idx.msk $0xffff, v48;
	v46 =	vld [tilespmem:s24+$0x20]  }
0x1c5: {  	v49 =	vor.u32 v3, v36;
	v48 =	vld [tilespmem:s24+$0xFFFFFFA0];
	[tilespmem:v43+s20+$0x0] =	vst.idx.msk $0xffff, v41  }
0x1c6: {  	v43 =	vor.u32 v30, v33;
	[tilespmem:v45+s20+$0x0] =	vst.idx.msk $0xffff, v44;
	v41 =	vld [tilespmem:s15+$0x50]  }
0x1c7: {  	s15 =	sadd.s32 $0x100, s15;
	[tilespmem:v39+s20+$0x0] =	vst.idx.msk $0xffff, v38;
	v38 =	vld [tilespmem:s22+$0xFFFFFFD0];
	v39 =	vor.u32 v14, v37  }
0x1c8: {  	[tilespmem:v42+s20+$0x0] =	vst.idx.msk $0xffff, v40;
	v40 =	vld [tilespmem:s15+$0x0];
	v42 =	vor.u32 v25, v35  }
0x1c9: {  	v45 =	vor.u32 v9, v34;
	[tilespmem:v47+s20+$0x0] =	vst.idx.msk $0xffff, v46;
	v44 =	vld [tilespmem:s15+$0xFFFFFF80]  }
0x1ca: {  	v47 =	vor.u32 v20, v50;
	[tilespmem:v49+s20+$0x0] =	vst.idx.msk $0xffff, v48;
	v46 =	vld [tilespmem:s24+$0x30]  }
0x1cb: {  	v49 =	vor.u32 v4, v36;
	v48 =	vld [tilespmem:s24+$0xFFFFFFB0];
	[tilespmem:v43+s20+$0x0] =	vst.idx.msk $0xffff, v41  }
0x1cc: {  	[tilespmem:v39+s20+$0x0] =	vst.idx.msk $0xffff, v38;
	v38 =	vld [tilespmem:s22+$0x60];
	v39 =	vor.u32 v31, v33  }
0x1cd: {  	[tilespmem:v42+s20+$0x0] =	vst.idx.msk $0xffff, v40;
	v40 =	vld [tilespmem:s22+$0xFFFFFFE0];
	v42 =	vor.u32 v15, v37  }
0x1ce: {  	v51 =	vor.u32 v26, v35;
	[tilespmem:v45+s20+$0x0] =	vst.idx.msk $0xffff, v44;
	v44 =	vld [tilespmem:s15+$0x10]  }
.Ltmp1:
0x1cf: {  	v43 =	vor.u32 v10, v34;
	[tilespmem:v47+s20+$0x0] =	vst.idx.msk $0xffff, v46;
	v41 =	vld [tilespmem:s15+$0xFFFFFF90];
	(pc) =	sbr.rel @p0 .LBB2_4-.Ltmp1, $4  }
0x1d0: {  	[tilespmem:v49+s20+$0x0] =	vst.idx.msk $0xffff, v48;
	v46 =	vld [tilespmem:s24+$0x40];
	v48 =	vor.u32 v21, v50  }
0x1d1: {  	v47 =	vor.u32 v5, v36;
	v49 =	vmov s3;
	v45 =	vld [tilespmem:s24+$0xFFFFFFC0];
	[tilespmem:v39+s20+$0x0] =	vst.idx.msk $0xffff, v38  }
0x1d2: {  	v38 =	vshll.u32 v49, $0x8;
	v49 =	vshll.u32 v49, $0x7;
	[tilespmem:v42+s20+$0x0] =	vst.idx.msk $0xffff, v40;
	v39 =	vld [tilespmem:s22+$0x70];
	v40 =	vor.u32 v32, v33;
	v33 =	vmovc v35  }
0x1d3: {  	s30 =	sadd.s32 $0x1, s3;
	s3 =	sadd.s32 $0x2, s3;
	v38 =	vand.u32 $0x7800, v38;
	v49 =	vand.u32 $0x300, v49;
	v35 =	vmovc v50;
	[tilespmem:v51+s20+$0x0] =	vst.idx.msk $0xffff, v44;
	v42 =	vld [tilespmem:s22+$0xFFFFFFF0];
	v44 =	vor.u32 v16, v37;
	s22 =	smov.u32 s15  }
0x1d4: {  	v37 =	vmov s30  }
0x1d5: {  	v50 =	vshll.u32 v37, $0x8;
	v37 =	vshll.u32 v37, $0x7  }
0x1d6: {  	v50 =	vand.u32 $0x7800, v50;
	v37 =	vand.u32 $0x380, v37  }
0x1d7: {  	v49 =	vor.u32 v49, v38;
	s1 =	sadd.s32 $0x100, s24;
	v38 =	vor.u32 v37, v50  }
0x1d8: {  	v58 =	vld [tilespmem:s1+$0x0];
	v37 =	vor.u32 v0, v49;
	v50 =	vor.u32 v17, v38  }
0x1d9: {  	v51 =	vld [tilespmem:s1+$0xFFFFFF80];
	v52 =	vor.u32 v1, v37;
	_ =	sdelay $0x3  }
0x1da: {  	[tilespmem:v50+s20+$0x0] =	vst.idx.msk $0xffff, v58  }
0x1db: {  	v59 =	vor.u32 v18, v38;
	[tilespmem:v52+s20+$0x0] =	vst.idx.msk $0xffff, v51;
	v49 =	vld [tilespmem:s1+$0x10]  }
0x1dc: {  	v60 =	vor.u32 v2, v37;
	v51 =	vld [tilespmem:s1+$0xFFFFFF90];
	_ =	sdelay $0x3  }
0x1dd: {  	[tilespmem:v59+s20+$0x0] =	vst.idx.msk $0xffff, v49  }
0x1de: {  	v61 =	vor.u32 v19, v38;
	[tilespmem:v60+s20+$0x0] =	vst.idx.msk $0xffff, v51;
	v49 =	vld [tilespmem:s1+$0x20]  }
0x1df: {  	v62 =	vor.u32 v3, v37;
	v51 =	vld [tilespmem:s1+$0xFFFFFFA0];
	_ =	sdelay $0x3  }
0x1e0: {  	[tilespmem:v61+s20+$0x0] =	vst.idx.msk $0xffff, v49  }
0x1e1: {  	v63 =	vor.u32 v20, v38;
	[tilespmem:v62+s20+$0x0] =	vst.idx.msk $0xffff, v51;
	v49 =	vld [tilespmem:s1+$0x30]  }
0x1e2: {  	v56 =	vor.u32 v4, v37;
	v51 =	vld [tilespmem:s1+$0xFFFFFFB0];
	_ =	sdelay $0x3  }
0x1e3: {  	[tilespmem:v63+s20+$0x0] =	vst.idx.msk $0xffff, v49  }
0x1e4: {  	v57 =	vor.u32 v21, v38;
	[tilespmem:v56+s20+$0x0] =	vst.idx.msk $0xffff, v51;
	v49 =	vld [tilespmem:s1+$0x40]  }
0x1e5: {  	v58 =	vor.u32 v5, v37;
	v51 =	vld [tilespmem:s1+$0xFFFFFFC0];
	_ =	sdelay $0x1  }
0x1e6: {  	[tilespmem:v48+s20+$0x0] =	vst.idx.msk $0xffff, v46  }
0x1e7: {  	v46 =	vld [tilespmem:s24+$0x50];
	[tilespmem:v47+s20+$0x0] =	vst.idx.msk $0xffff, v45;
	v59 =	vor.u32 v22, v35  }
0x1e8: {  	v47 =	vld [tilespmem:s26+$0xFFFFFFD0];
	v60 =	vor.u32 v6, v36;
	[tilespmem:v57+s20+$0x0] =	vst.idx.msk $0xffff, v49  }
0x1e9: {  	v61 =	vor.u32 v22, v38;
	[tilespmem:v58+s20+$0x0] =	vst.idx.msk $0xffff, v51;
	v49 =	vld [tilespmem:s1+$0x50]  }
0x1ea: {  	v62 =	vor.u32 v6, v37;
	v51 =	vld [tilespmem:s1+$0xFFFFFFD0];
	_ =	sdelay $0x1  }
0x1eb: {  	[tilespmem:v59+s20+$0x0] =	vst.idx.msk $0xffff, v46  }
0x1ec: {  	[tilespmem:v60+s20+$0x0] =	vst.idx.msk $0xffff, v47;
	v45 =	vld [tilespmem:s26+$0x60];
	v63 =	vor.u32 v23, v35  }
0x1ed: {  	v47 =	vld [tilespmem:s26+$0xFFFFFFE0];
	v56 =	vor.u32 v7, v36;
	[tilespmem:v61+s20+$0x0] =	vst.idx.msk $0xffff, v49  }
0x1ee: {  	v57 =	vor.u32 v23, v38;
	[tilespmem:v62+s20+$0x0] =	vst.idx.msk $0xffff, v51;
	v49 =	vld [tilespmem:s1+$0x60]  }
0x1ef: {  	v58 =	vor.u32 v7, v37;
	v51 =	vld [tilespmem:s1+$0xFFFFFFE0];
	_ =	sdelay $0x1  }
0x1f0: {  	[tilespmem:v63+s20+$0x0] =	vst.idx.msk $0xffff, v45  }
0x1f1: {  	v59 =	vor.u32 v24, v35;
	[tilespmem:v56+s20+$0x0] =	vst.idx.msk $0xffff, v47;
	v45 =	vld [tilespmem:s26+$0x70]  }
0x1f2: {  	v60 =	vor.u32 v8, v36;
	v47 =	vld [tilespmem:s26+$0xFFFFFFF0];
	[tilespmem:v57+s20+$0x0] =	vst.idx.msk $0xffff, v49  }
0x1f3: {  	v61 =	vor.u32 v24, v38;
	[tilespmem:v58+s20+$0x0] =	vst.idx.msk $0xffff, v51;
	v49 =	vld [tilespmem:s1+$0x70]  }
0x1f4: {  	v62 =	vor.u32 v8, v37;
	v51 =	vld [tilespmem:s1+$0xFFFFFFF0];
	_ =	sdelay $0x1  }
0x1f5: {  	s3 =	sadd.s32 $0x100, s15;
	[tilespmem:v59+s20+$0x0] =	vst.idx.msk $0xffff, v45  }
0x1f6: {  	v63 =	vor.u32 v25, v35;
	[tilespmem:v60+s20+$0x0] =	vst.idx.msk $0xffff, v47;
	v45 =	vld [tilespmem:s3+$0x0]  }
0x1f7: {  	s30 =	sadd.s32 $0x100, s3;
	v56 =	vor.u32 v9, v36;
	v47 =	vld [tilespmem:s3+$0xFFFFFF80];
	[tilespmem:v61+s20+$0x0] =	vst.idx.msk $0xffff, v49  }
0x1f8: {  	v57 =	vor.u32 v25, v38;
	[tilespmem:v62+s20+$0x0] =	vst.idx.msk $0xffff, v51;
	v49 =	vld [tilespmem:s30+$0x0]  }
0x1f9: {  	v58 =	vor.u32 v9, v37;
	v51 =	vld [tilespmem:s30+$0xFFFFFF80]  }
0x1fa: {  	[tilespmem:v43+s20+$0x0] =	vst.idx.msk $0xffff, v41  }
0x1fb: {  	[tilespmem:v63+s20+$0x0] =	vst.idx.msk $0xffff, v45  }
0x1fc: {  	v60 =	vor.u32 v26, v35;
	[tilespmem:v56+s20+$0x0] =	vst.idx.msk $0xffff, v47;
	v59 =	vld [tilespmem:s3+$0x10]  }
0x1fd: {  	v61 =	vld [tilespmem:s3+$0xFFFFFF90];
	v62 =	vor.u32 v10, v36;
	[tilespmem:v57+s20+$0x0] =	vst.idx.msk $0xffff, v49  }
0x1fe: {  	v52 =	vor.u32 v26, v38;
	[tilespmem:v58+s20+$0x0] =	vst.idx.msk $0xffff, v51;
	v63 =	vld [tilespmem:s30+$0x10]  }
0x1ff: {  	[tilespmem:v40+s20+$0x0] =	vst.idx.msk $0xffff, v39;
	v54 =	vor.u32 v10, v37;
	v53 =	vld [tilespmem:s30+$0xFFFFFF90]  }
0x200: {  	v55 =	vld [tilespmem:s15+$0x20];
	[tilespmem:v44+s20+$0x0] =	vst.idx.msk $0xffff, v42;
	v56 =	vor.u32 v27, v33  }
0x201: {  	[tilespmem:v60+s20+$0x0] =	vst.idx.msk $0xffff, v59;
	v57 =	vld [tilespmem:s15+$0xFFFFFFA0];
	v58 =	vor.u32 v11, v34  }
0x202: {  	v59 =	vor.u32 v27, v35;
	v41 =	vld [tilespmem:s3+$0x20];
	[tilespmem:v62+s20+$0x0] =	vst.idx.msk $0xffff, v61  }
0x203: {  	v60 =	vor.u32 v11, v36;
	v45 =	vld [tilespmem:s3+$0xFFFFFFA0];
	[tilespmem:v52+s20+$0x0] =	vst.idx.msk $0xffff, v63  }
0x204: {  	v62 =	vor.u32 v27, v38;
	[tilespmem:v54+s20+$0x0] =	vst.idx.msk $0xffff, v53;
	v61 =	vld [tilespmem:s30+$0x20]  }
0x205: {  	[tilespmem:v56+s20+$0x0] =	vst.idx.msk $0xffff, v55;
	v52 =	vor.u32 v11, v37;
	v63 =	vld [tilespmem:s30+$0xFFFFFFA0]  }
0x206: {  	[tilespmem:v58+s20+$0x0] =	vst.idx.msk $0xffff, v57;
	v53 =	vld [tilespmem:s15+$0x30];
	v54 =	vor.u32 v28, v33  }
0x207: {  	v56 =	vor.u32 v12, v34;
	[tilespmem:v59+s20+$0x0] =	vst.idx.msk $0xffff, v41;
	v55 =	vld [tilespmem:s15+$0xFFFFFFB0]  }
0x208: {  	v41 =	vld [tilespmem:s3+$0x30];
	[tilespmem:v60+s20+$0x0] =	vst.idx.msk $0xffff, v45;
	v57 =	vor.u32 v28, v35  }
0x209: {  	v58 =	vor.u32 v12, v36;
	v45 =	vld [tilespmem:s3+$0xFFFFFFB0];
	[tilespmem:v62+s20+$0x0] =	vst.idx.msk $0xffff, v61  }
0x20a: {  	v59 =	vor.u32 v28, v38;
	[tilespmem:v52+s20+$0x0] =	vst.idx.msk $0xffff, v63;
	v39 =	vld [tilespmem:s30+$0x30]  }
0x20b: {  	[tilespmem:v54+s20+$0x0] =	vst.idx.msk $0xffff, v53;
	v61 =	vor.u32 v12, v37;
	v60 =	vld [tilespmem:s30+$0xFFFFFFB0]  }
0x20c: {  	[tilespmem:v56+s20+$0x0] =	vst.idx.msk $0xffff, v55;
	v62 =	vld [tilespmem:s15+$0x40];
	v63 =	vor.u32 v29, v33  }
0x20d: {  	[tilespmem:v57+s20+$0x0] =	vst.idx.msk $0xffff, v41;
	v49 =	vld [tilespmem:s15+$0xFFFFFFC0];
	v52 =	vor.u32 v13, v34  }
0x20e: {  	[tilespmem:v58+s20+$0x0] =	vst.idx.msk $0xffff, v45;
	v41 =	vld [tilespmem:s3+$0x40];
	v53 =	vor.u32 v29, v35  }
0x20f: {  	v54 =	vor.u32 v13, v36;
	v45 =	vld [tilespmem:s3+$0xFFFFFFC0];
	[tilespmem:v59+s20+$0x0] =	vst.idx.msk $0xffff, v39  }
0x210: {  	v55 =	vor.u32 v29, v38;
	[tilespmem:v61+s20+$0x0] =	vst.idx.msk $0xffff, v60;
	v39 =	vld [tilespmem:s30+$0x40]  }
0x211: {  	v56 =	vor.u32 v13, v37;
	[tilespmem:v63+s20+$0x0] =	vst.idx.msk $0xffff, v62;
	v42 =	vld [tilespmem:s30+$0xFFFFFFC0]  }
0x212: {  	v57 =	vor.u32 v30, v33;
	[tilespmem:v52+s20+$0x0] =	vst.idx.msk $0xffff, v49;
	v47 =	vld [tilespmem:s15+$0x50]  }
0x213: {  	v58 =	vor.u32 v14, v34;
	[tilespmem:v53+s20+$0x0] =	vst.idx.msk $0xffff, v41;
	v49 =	vld [tilespmem:s22+$0xFFFFFFD0]  }
0x214: {  	[tilespmem:v54+s20+$0x0] =	vst.idx.msk $0xffff, v45;
	v41 =	vld [tilespmem:s3+$0x50];
	v59 =	vor.u32 v30, v35  }
0x215: {  	v45 =	vld [tilespmem:s3+$0xFFFFFFD0];
	v60 =	vor.u32 v14, v36;
	[tilespmem:v55+s20+$0x0] =	vst.idx.msk $0xffff, v39  }
0x216: {  	v61 =	vor.u32 v30, v38;
	[tilespmem:v56+s20+$0x0] =	vst.idx.msk $0xffff, v42;
	v39 =	vld [tilespmem:s30+$0x50]  }
0x217: {  	v62 =	vor.u32 v14, v37;
	[tilespmem:v57+s20+$0x0] =	vst.idx.msk $0xffff, v47;
	v42 =	vld [tilespmem:s30+$0xFFFFFFD0]  }
0x218: {  	v63 =	vor.u32 v31, v33;
	[tilespmem:v58+s20+$0x0] =	vst.idx.msk $0xffff, v49;
	v47 =	vld [tilespmem:s22+$0x60]  }
0x219: {  	v52 =	vor.u32 v15, v34;
	[tilespmem:v59+s20+$0x0] =	vst.idx.msk $0xffff, v41;
	v49 =	vld [tilespmem:s22+$0xFFFFFFE0]  }
0x21a: {  	v53 =	vor.u32 v31, v35;
	[tilespmem:v60+s20+$0x0] =	vst.idx.msk $0xffff, v45;
	v41 =	vld [tilespmem:s3+$0x60]  }
0x21b: {  	v54 =	vor.u32 v15, v36;
	v45 =	vld [tilespmem:s3+$0xFFFFFFE0];
	[tilespmem:v61+s20+$0x0] =	vst.idx.msk $0xffff, v39  }
0x21c: {  	v55 =	vor.u32 v31, v38;
	[tilespmem:v62+s20+$0x0] =	vst.idx.msk $0xffff, v42;
	v39 =	vld [tilespmem:s30+$0x60]  }
0x21d: {  	v56 =	vor.u32 v15, v37;
	[tilespmem:v63+s20+$0x0] =	vst.idx.msk $0xffff, v47;
	v42 =	vld [tilespmem:s30+$0xFFFFFFE0]  }
0x21e: {  	v57 =	vor.u32 v32, v33;
	[tilespmem:v52+s20+$0x0] =	vst.idx.msk $0xffff, v49;
	v47 =	vld [tilespmem:s22+$0x70]  }
0x21f: {  	v59 =	vor.u32 v16, v34;
	[tilespmem:v53+s20+$0x0] =	vst.idx.msk $0xffff, v41;
	v58 =	vld [tilespmem:s22+$0xFFFFFFF0]  }
0x220: {  	v60 =	vor.u32 v32, v35;
	[tilespmem:v54+s20+$0x0] =	vst.idx.msk $0xffff, v45;
	v41 =	vld [tilespmem:s3+$0x70]  }
0x221: {  	v61 =	vld [tilespmem:s3+$0xFFFFFFF0];
	v62 =	vor.u32 v16, v36;
	[tilespmem:v55+s20+$0x0] =	vst.idx.msk $0xffff, v39  }
0x222: {  	v38 =	vor.u32 v32, v38;
	[tilespmem:v56+s20+$0x0] =	vst.idx.msk $0xffff, v42;
	v39 =	vld [tilespmem:s30+$0x70]  }
0x223: {  	v37 =	vor.u32 v16, v37;
	[tilespmem:v57+s20+$0x0] =	vst.idx.msk $0xffff, v47;
	v63 =	vld [tilespmem:s30+$0xFFFFFFF0]  }
0x224: {  	[tilespmem:v59+s20+$0x0] =	vst.idx.msk $0xffff, v58  }
0x225: {  	[tilespmem:v60+s20+$0x0] =	vst.idx.msk $0xffff, v41  }
0x226: {  	[tilespmem:v62+s20+$0x0] =	vst.idx.msk $0xffff, v61  }
0x227: {  	[tilespmem:v38+s20+$0x0] =	vst.idx.msk $0xffff, v39  }
0x228: {  	[tilespmem:v37+s20+$0x0] =	vst.idx.msk $0xffff, v63  }
0x229: {  	s15 =	simm.s32 $0x0;
	s3 =	rddreg [dreg:$0x7]  }
0x22a: {  	[hbm4b:s3+s15] =	stream.linear.scatter [tilespmem:s20], [sflag:$0x4], $0x400, $0x38;
	[tilespmem:$0x16800] =	vst v63  }
0x22b: {  	s21 =	simm.s32 $0x12000;
	s31 =	sadd.s32 $0x100, s3  }
0x22c: {  	[hbm4b:s31+s15] =	stream.linear.scatter [tilespmem:s21], [sflag:$0x4], $0x400, $0x38;
	[tilespmem:$0x16800] =	vst v63  }
0x22d: {  	s22 =	simm.s32 $0x12800;
	s21 =	sadd.s32 $0x200, s3  }
0x22e: {  	[hbm4b:s21+s15] =	stream.linear.scatter [tilespmem:s22], [sflag:$0x4], $0x400, $0x38;
	[tilespmem:$0x16800] =	vst v63  }
0x22f: {  	s26 =	simm.s32 $0x13000;
	s24 =	sadd.s32 $0x300, s3  }
0x230: {  	[hbm4b:s24+s15] =	stream.linear.scatter [tilespmem:s26], [sflag:$0x4], $0x400, $0x38;
	[tilespmem:$0x16800] =	vst v63  }
0x231: {  	s30 =	sadd.s32 $0x400, s3;
	s31 =	simm.s32 $0x13800  }
0x232: {  	[hbm4b:s30+s15] =	stream.linear.scatter [tilespmem:s31], [sflag:$0x4], $0x400, $0x38;
	[tilespmem:$0x16800] =	vst v63  }
0x233: {  	s21 =	sadd.s32 $0x500, s3;
	s22 =	simm.s32 $0x14000  }
0x234: {  	[hbm4b:s21+s15] =	stream.linear.scatter [tilespmem:s22], [sflag:$0x4], $0x400, $0x38;
	[tilespmem:$0x16800] =	vst v63  }
0x235: {  	s24 =	sadd.s32 $0x600, s3;
	s26 =	simm.s32 $0x14800  }
0x236: {  	[hbm4b:s24+s15] =	stream.linear.scatter [tilespmem:s26], [sflag:$0x4], $0x400, $0x38;
	[tilespmem:$0x16800] =	vst v63  }
0x237: {  	s30 =	sadd.s32 $0x700, s3;
	s31 =	simm.s32 $0x15000  }
0x238: {  	[hbm4b:s30+s15] =	stream.linear.scatter [tilespmem:s31], [sflag:$0x4], $0x400, $0x38;
	[tilespmem:$0x16800] =	vst v63  }
0x239: {  	s21 =	sadd.s32 $0x800, s3;
	s22 =	simm.s32 $0x15800  }
0x23a: {  	[hbm4b:s21+s15] =	stream.linear.scatter [tilespmem:s22], [sflag:$0x4], $0x400, $0x38;
	[tilespmem:$0x16800] =	vst v63  }
0x23b: {  	s24 =	sadd.s32 $0x900, s3  }
0x23c: {  	[hbm4b:s24+s15] =	stream.linear.scatter [tilespmem:s23], [sflag:$0x4], $0x400, $0x38;
	[tilespmem:$0x16800] =	vst v63  }
0x23d: {  	s3 =	rddreg [dreg:$0x8]  }
0x23e: {  	[hbm4b:s3+s15] =	stream.linear.scatter [tilespmem:s25], [sflag:$0x4], $0x400, $0x38;
	[tilespmem:$0x16800] =	vst v63  }
0x23f: {  	s26 =	sadd.s32 $0x100, s3  }
0x240: {  	[hbm4b:s26+s15] =	stream.linear.scatter [tilespmem:s6], [sflag:$0x4], $0x400, $0x38;
	[tilespmem:$0x16800] =	vst v63  }
0x241: {  	s30 =	sadd.s32 $0x200, s3  }
0x242: {  	[hbm4b:s30+s15] =	stream.linear.scatter [tilespmem:s12], [sflag:$0x4], $0x400, $0x38;
	[tilespmem:$0x16800] =	vst v63  }
0x243: {  	s31 =	sadd.s32 $0x300, s3  }
0x244: {  	[hbm4b:s31+s15] =	stream.linear.scatter [tilespmem:s17], [sflag:$0x4], $0x400, $0x38;
	[tilespmem:$0x16800] =	vst v63  }
0x245: {  	s21 =	sadd.s32 $0x400, s3  }
0x246: {  	[hbm4b:s21+s15] =	stream.linear.scatter [tilespmem:s11], [sflag:$0x4], $0x400, $0x38;
	[tilespmem:$0x16800] =	vst v63  }
0x247: {  	s22 =	sadd.s32 $0x500, s3  }
0x248: {  	[hbm4b:s22+s15] =	stream.linear.scatter [tilespmem:s18], [sflag:$0x4], $0x400, $0x38;
	[tilespmem:$0x16800] =	vst v63  }
0x249: {  	s24 =	sadd.s32 $0x600, s3  }
0x24a: {  	[hbm4b:s24+s15] =	stream.linear.scatter [tilespmem:s8], [sflag:$0x4], $0x400, $0x38;
	[tilespmem:$0x16800] =	vst v63  }
0x24b: {  	s26 =	sadd.s32 $0x700, s3  }
0x24c: {  	[hbm4b:s26+s15] =	stream.linear.scatter [tilespmem:s9], [sflag:$0x4], $0x400, $0x38;
	[tilespmem:$0x16800] =	vst v63  }
0x24d: {  	s30 =	sadd.s32 $0x800, s3  }
0x24e: {  	[hbm4b:s30+s15] =	stream.linear.scatter [tilespmem:s7], [sflag:$0x4], $0x400, $0x38;
	[tilespmem:$0x16800] =	vst v63  }
0x24f: {  	s31 =	sadd.s32 $0x900, s3;
	s22 =	simm.s32 $0x0  }
0x250: {  	[hbm4b:s31+s15] =	stream.linear.scatter [tilespmem:s10], [sflag:$0x4], $0x400, $0x38;
	[tilespmem:$0x16800] =	vst v63  }
.LBB2_6:
0x251: {  	s1 =	sshll.u32 s22, $0x1  }
0x252: {  	s24 =	sadd.s32 $0x3, s1  }
0x253: {  	s1 =	sshll.u32 s24, $0x8  }
0x254: {  	s3 =	simm.s32 $0x7800;
	s1 =	sand.u32 $0x3FFFFF00, s1  }
0x255: {  	[tilespmem:s3], [sflag:$0x2] =	stream.indirect.gather [hbm4b:s0+s19], $0x80, s1, s19, $0xb8;
	[tilespmem:$0x16800] =	vst v63  }
0x256: {  	s26 =	simm.s32 $0xA000;
	s1 =	sor.u32 $0x80, s1  }
0x257: {  	[tilespmem:s26], [sflag:$0x2] =	stream.indirect.gather [hbm4b:s0+s19], $0x80, s1, s19, $0xb8;
	[tilespmem:$0x16800] =	vst v63  }
0x258: {  	_ =	swait.ge [sflag:s13], $0x2800  }
0x259: {  	[sflag:s13] =	ssyncset.done $0x0  }
0x25a: {  	[sflag:s13] =	ssyncadd.s32 $0xFFFFD800  }
0x25b: {  	_ =	swait.ge [sflag:s13], $0x2800  }
0x25c: {  	[sflag:s13] =	ssyncset.done $0x0  }
0x25d: {  	[sflag:s13] =	ssyncadd.s32 $0xFFFFD800  }
0x25e: {  	_ =	swait.ge [sflag:s28], $0x2800  }
0x25f: {  	v33 =	vmov s15;
	s21 =	simm.s32 $0x1;
	[sflag:s28] =	ssyncset.done $0x0  }
0x260: {  	v34 =	vshll.u32 v33, $0x8;
	v33 =	vshll.u32 v33, $0x7;
	v35 =	vmov s21;
	[sflag:s28] =	ssyncadd.s32 $0xFFFFD800  }
0x261: {  	v34 =	vand.u32 $0x7800, v34;
	v36 =	vshll.u32 v35, $0x8;
	v35 =	vshll.u32 v35, $0x7;
	_ =	swait.ge [sflag:s28], $0x2800  }
0x262: {  	v33 =	vand.u32 $0x300, v33;
	v36 =	vand.u32 $0x7800, v36;
	v35 =	vand.u32 $0x380, v35;
	[sflag:s28] =	ssyncset.done $0x0  }
0x263: {  	v33 =	vor.u32 v33, v34;
	s3 =	simm.s32 $0x2880;
	v38 =	vor.u32 v35, v36;
	[sflag:s28] =	ssyncadd.s32 $0xFFFFD800  }
0x264: {  	v37 =	vor.u32 v0, v33;
	v47 =	vor.u32 v17, v38;
	v46 =	vld [tilespmem:s3+$0x0]  }
0x265: {  	v49 =	vor.u32 v1, v37;
	v48 =	vld [tilespmem:s3+$0xFFFFFF80];
	_ =	sdelay $0x3  }
0x266: {  	[tilespmem:v47+s29+$0x0] =	vst.idx.msk $0xffff, v46  }
0x267: {  	v50 =	vor.u32 v18, v38;
	[tilespmem:v49+s29+$0x0] =	vst.idx.msk $0xffff, v48;
	v33 =	vld [tilespmem:s3+$0x10]  }
0x268: {  	v51 =	vor.u32 v2, v37;
	v35 =	vld [tilespmem:s3+$0xFFFFFF90];
	_ =	sdelay $0x3  }
0x269: {  	[tilespmem:v50+s29+$0x0] =	vst.idx.msk $0xffff, v33  }
0x26a: {  	v52 =	vor.u32 v19, v38;
	[tilespmem:v51+s29+$0x0] =	vst.idx.msk $0xffff, v35;
	v33 =	vld [tilespmem:s3+$0x20]  }
0x26b: {  	v53 =	vor.u32 v3, v37;
	v35 =	vld [tilespmem:s3+$0xFFFFFFA0];
	_ =	sdelay $0x3  }
0x26c: {  	[tilespmem:v52+s29+$0x0] =	vst.idx.msk $0xffff, v33  }
0x26d: {  	v54 =	vor.u32 v20, v38;
	[tilespmem:v53+s29+$0x0] =	vst.idx.msk $0xffff, v35;
	v33 =	vld [tilespmem:s3+$0x30]  }
0x26e: {  	v55 =	vor.u32 v4, v37;
	v35 =	vld [tilespmem:s3+$0xFFFFFFB0];
	_ =	sdelay $0x3  }
0x26f: {  	[tilespmem:v54+s29+$0x0] =	vst.idx.msk $0xffff, v33  }
0x270: {  	v56 =	vor.u32 v21, v38;
	[tilespmem:v55+s29+$0x0] =	vst.idx.msk $0xffff, v35;
	v33 =	vld [tilespmem:s3+$0x40]  }
0x271: {  	s21 =	simm.s32 $0x3;
	v57 =	vor.u32 v5, v37;
	v35 =	vld [tilespmem:s3+$0xFFFFFFC0]  }
0x272: {  	v41 =	vmov s21  }
0x273: {  	v42 =	vshll.u32 v41, $0x8;
	s26 =	simm.s32 $0x2  }
0x274: {  	v41 =	vshll.u32 v41, $0x7;
	v58 =	vand.u32 $0x7800, v42;
	v39 =	vmov s26  }
0x275: {  	v59 =	vand.u32 $0x380, v41;
	v40 =	vshll.u32 v39, $0x8;
	v39 =	vshll.u32 v39, $0x7;
	[tilespmem:v56+s29+$0x0] =	vst.idx.msk $0xffff, v33  }
0x276: {  	v61 =	vor.u32 v22, v38;
	v40 =	vand.u32 $0x7800, v40;
	v39 =	vand.u32 $0x300, v39;
	[tilespmem:v57+s29+$0x0] =	vst.idx.msk $0xffff, v35;
	v60 =	vld [tilespmem:s3+$0x50]  }
0x277: {  	v63 =	vor.u32 v6, v37;
	s1 =	simm.s32 $0x2980;
	v39 =	vor.u32 v39, v40;
	v33 =	vor.u32 v59, v58;
	v62 =	vld [tilespmem:s3+$0xFFFFFFD0]  }
0x278: {  	v34 =	vor.u32 v0, v39;
	v48 =	vld [tilespmem:s1+$0x0];
	v49 =	vor.u32 v17, v33  }
0x279: {  	v44 =	vor.u32 v1, v34;
	v43 =	vld [tilespmem:s1+$0xFFFFFF80];
	_ =	sdelay $0x1  }
0x27a: {  	[tilespmem:v61+s29+$0x0] =	vst.idx.msk $0xffff, v60  }
0x27b: {  	v50 =	vor.u32 v23, v38;
	[tilespmem:v63+s29+$0x0] =	vst.idx.msk $0xffff, v62;
	v35 =	vld [tilespmem:s3+$0x60]  }
0x27c: {  	v52 =	vor.u32 v7, v37;
	[tilespmem:v49+s29+$0x0] =	vst.idx.msk $0xffff, v48;
	v51 =	vld [tilespmem:s3+$0xFFFFFFE0]  }
0x27d: {  	[tilespmem:v44+s29+$0x0] =	vst.idx.msk $0xffff, v43;
	v54 =	vor.u32 v18, v33;
	v53 =	vld [tilespmem:s1+$0x10]  }
0x27e: {  	v43 =	vld [tilespmem:s1+$0xFFFFFF90];
	v55 =	vor.u32 v2, v34;
	_ =	sdelay $0x1  }
0x27f: {  	[tilespmem:v50+s29+$0x0] =	vst.idx.msk $0xffff, v35  }
0x280: {  	v56 =	vor.u32 v24, v38;
	[tilespmem:v52+s29+$0x0] =	vst.idx.msk $0xffff, v51;
	v35 =	vld [tilespmem:s3+$0x70]  }
0x281: {  	v57 =	vor.u32 v8, v37;
	[tilespmem:v54+s29+$0x0] =	vst.idx.msk $0xffff, v53;
	v39 =	vld [tilespmem:s3+$0xFFFFFFF0]  }
0x282: {  	[tilespmem:v55+s29+$0x0] =	vst.idx.msk $0xffff, v43;
	v58 =	vor.u32 v19, v33;
	v41 =	vld [tilespmem:s1+$0x20]  }
0x283: {  	v43 =	vld [tilespmem:s1+$0xFFFFFFA0];
	v59 =	vor.u32 v3, v34;
	_ =	sdelay $0x1  }
0x284: {  	s3 =	simm.s32 $0x5080;
	[tilespmem:v56+s29+$0x0] =	vst.idx.msk $0xffff, v35  }
0x285: {  	v60 =	vor.u32 v25, v38;
	[tilespmem:v57+s29+$0x0] =	vst.idx.msk $0xffff, v39;
	v35 =	vld [tilespmem:s3+$0x0]  }
0x286: {  	v61 =	vor.u32 v9, v37;
	[tilespmem:v58+s29+$0x0] =	vst.idx.msk $0xffff, v41;
	v39 =	vld [tilespmem:s3+$0xFFFFFF80]  }
0x287: {  	[tilespmem:v59+s29+$0x0] =	vst.idx.msk $0xffff, v43;
	v62 =	vor.u32 v20, v33;
	v41 =	vld [tilespmem:s1+$0x30]  }
0x288: {  	v43 =	vld [tilespmem:s1+$0xFFFFFFB0];
	v63 =	vor.u32 v4, v34;
	_ =	sdelay $0x1  }
0x289: {  	[tilespmem:v60+s29+$0x0] =	vst.idx.msk $0xffff, v35  }
0x28a: {  	v48 =	vor.u32 v26, v38;
	[tilespmem:v61+s29+$0x0] =	vst.idx.msk $0xffff, v39;
	v35 =	vld [tilespmem:s3+$0x10]  }
0x28b: {  	v49 =	vor.u32 v10, v37;
	[tilespmem:v62+s29+$0x0] =	vst.idx.msk $0xffff, v41;
	v39 =	vld [tilespmem:s3+$0xFFFFFF90]  }
0x28c: {  	[tilespmem:v63+s29+$0x0] =	vst.idx.msk $0xffff, v43;
	v50 =	vor.u32 v21, v33;
	v41 =	vld [tilespmem:s1+$0x40]  }
0x28d: {  	s21 =	simm.s32 $0x4;
	v45 =	vor.u32 v5, v34;
	v44 =	vld [tilespmem:s1+$0xFFFFFFC0]  }
0x28e: {  	s26 =	simm.s32 $0x5;
	v51 =	vmov s21  }
0x28f: {  	v55 =	vor.u32 v27, v38;
	v53 =	vmov s26;
	v46 =	vshll.u32 v51, $0x8;
	[tilespmem:v48+s29+$0x0] =	vst.idx.msk $0xffff, v35  }
0x290: {  	v43 =	vshll.u32 v51, $0x7;
	v36 =	vshll.u32 v53, $0x7;
	v46 =	vand.u32 $0x7800, v46;
	[tilespmem:v49+s29+$0x0] =	vst.idx.msk $0xffff, v39;
	v54 =	vld [tilespmem:s3+$0x20]  }
0x291: {  	v52 =	vand.u32 $0x300, v43;
	v56 =	vshll.u32 v53, $0x8;
	v58 =	vor.u32 v11, v37;
	[tilespmem:v50+s29+$0x0] =	vst.idx.msk $0xffff, v41;
	v57 =	vld [tilespmem:s3+$0xFFFFFFA0]  }
0x292: {  	v36 =	vand.u32 $0x380, v36;
	[tilespmem:v45+s29+$0x0] =	vst.idx.msk $0xffff, v44;
	v43 =	vand.u32 $0x7800, v56;
	v60 =	vor.u32 v22, v33;
	v59 =	vld [tilespmem:s1+$0x50]  }
0x293: {  	s31 =	simm.s32 $0x2A80;
	v47 =	vor.u32 v6, v34;
	v46 =	vor.u32 v52, v46;
	v61 =	vld [tilespmem:s1+$0xFFFFFFD0];
	v35 =	vor.u32 v36, v43  }
0x294: {  	v62 =	vld [tilespmem:s31+$0x0];
	v36 =	vor.u32 v0, v46;
	v48 =	vor.u32 v17, v35  }
0x295: {  	v49 =	vld [tilespmem:s31+$0xFFFFFF80];
	v50 =	vor.u32 v1, v36;
	[tilespmem:v55+s29+$0x0] =	vst.idx.msk $0xffff, v54  }
0x296: {  	v63 =	vor.u32 v28, v38;
	[tilespmem:v58+s29+$0x0] =	vst.idx.msk $0xffff, v57;
	v39 =	vld [tilespmem:s3+$0x30]  }
0x297: {  	v52 =	vor.u32 v12, v37;
	[tilespmem:v60+s29+$0x0] =	vst.idx.msk $0xffff, v59;
	v41 =	vld [tilespmem:s3+$0xFFFFFFB0]  }
0x298: {  	[tilespmem:v47+s29+$0x0] =	vst.idx.msk $0xffff, v61;
	v54 =	vor.u32 v23, v33;
	v53 =	vld [tilespmem:s1+$0x60]  }
0x299: {  	v56 =	vor.u32 v7, v34;
	[tilespmem:v48+s29+$0x0] =	vst.idx.msk $0xffff, v62;
	v55 =	vld [tilespmem:s1+$0xFFFFFFE0]  }
0x29a: {  	[tilespmem:v50+s29+$0x0] =	vst.idx.msk $0xffff, v49;
	v58 =	vor.u32 v18, v35;
	v57 =	vld [tilespmem:s31+$0x10]  }
0x29b: {  	v59 =	vor.u32 v2, v36;
	v49 =	vld [tilespmem:s31+$0xFFFFFF90];
	[tilespmem:v63+s29+$0x0] =	vst.idx.msk $0xffff, v39  }
0x29c: {  	v60 =	vor.u32 v29, v38;
	[tilespmem:v52+s29+$0x0] =	vst.idx.msk $0xffff, v41;
	v39 =	vld [tilespmem:s3+$0x40]  }
0x29d: {  	v61 =	vor.u32 v13, v37;
	[tilespmem:v54+s29+$0x0] =	vst.idx.msk $0xffff, v53;
	v41 =	vld [tilespmem:s3+$0xFFFFFFC0]  }
0x29e: {  	v62 =	vor.u32 v24, v33;
	[tilespmem:v56+s29+$0x0] =	vst.idx.msk $0xffff, v55;
	v43 =	vld [tilespmem:s1+$0x70]  }
0x29f: {  	[tilespmem:v58+s29+$0x0] =	vst.idx.msk $0xffff, v57;
	v45 =	vld [tilespmem:s1+$0xFFFFFFF0];
	v63 =	vor.u32 v8, v34  }
0x2a0: {  	[tilespmem:v59+s29+$0x0] =	vst.idx.msk $0xffff, v49;
	v52 =	vor.u32 v19, v35;
	v47 =	vld [tilespmem:s31+$0x20]  }
0x2a1: {  	v53 =	vor.u32 v3, v36;
	v49 =	vld [tilespmem:s31+$0xFFFFFFA0];
	[tilespmem:v60+s29+$0x0] =	vst.idx.msk $0xffff, v39  }
0x2a2: {  	v54 =	vor.u32 v30, v38;
	[tilespmem:v61+s29+$0x0] =	vst.idx.msk $0xffff, v41;
	v39 =	vld [tilespmem:s3+$0x50]  }
0x2a3: {  	s26 =	simm.s32 $0x5180;
	v55 =	vor.u32 v14, v37;
	[tilespmem:v62+s29+$0x0] =	vst.idx.msk $0xffff, v43;
	v41 =	vld [tilespmem:s3+$0xFFFFFFD0]  }
0x2a4: {  	v56 =	vor.u32 v25, v33;
	[tilespmem:v63+s29+$0x0] =	vst.idx.msk $0xffff, v45;
	v43 =	vld [tilespmem:s26+$0x0]  }
0x2a5: {  	v57 =	vor.u32 v9, v34;
	[tilespmem:v52+s29+$0x0] =	vst.idx.msk $0xffff, v47;
	v45 =	vld [tilespmem:s26+$0xFFFFFF80]  }
0x2a6: {  	v58 =	vor.u32 v20, v35;
	[tilespmem:v53+s29+$0x0] =	vst.idx.msk $0xffff, v49;
	v47 =	vld [tilespmem:s31+$0x30]  }
0x2a7: {  	v59 =	vor.u32 v4, v36;
	v49 =	vld [tilespmem:s31+$0xFFFFFFB0];
	[tilespmem:v54+s29+$0x0] =	vst.idx.msk $0xffff, v39  }
0x2a8: {  	v60 =	vor.u32 v31, v38;
	[tilespmem:v55+s29+$0x0] =	vst.idx.msk $0xffff, v41;
	v39 =	vld [tilespmem:s3+$0x60]  }
0x2a9: {  	v61 =	vor.u32 v15, v37;
	[tilespmem:v56+s29+$0x0] =	vst.idx.msk $0xffff, v43;
	v42 =	vld [tilespmem:s3+$0xFFFFFFE0]  }
0x2aa: {  	v52 =	vor.u32 v26, v33;
	[tilespmem:v57+s29+$0x0] =	vst.idx.msk $0xffff, v45;
	v51 =	vld [tilespmem:s26+$0x10]  }
0x2ab: {  	[tilespmem:v58+s29+$0x0] =	vst.idx.msk $0xffff, v47;
	v41 =	vld [tilespmem:s26+$0xFFFFFF90];
	v43 =	vor.u32 v10, v34  }
0x2ac: {  	s21 =	simm.s32 $0x6;
	v48 =	vor.u32 v21, v35;
	[tilespmem:v59+s29+$0x0] =	vst.idx.msk $0xffff, v49;
	v46 =	vld [tilespmem:s31+$0x40]  }
0x2ad: {  	v62 =	vmov s21;
	v47 =	vor.u32 v5, v36;
	v45 =	vld [tilespmem:s31+$0xFFFFFFC0];
	[tilespmem:v60+s29+$0x0] =	vst.idx.msk $0xffff, v39  }
0x2ae: {  	s30 =	simm.s32 $0x5180;
	v40 =	vor.u32 v32, v38;
	v63 =	vshll.u32 v62, $0x8;
	v49 =	vshll.u32 v62, $0x7;
	[tilespmem:v61+s29+$0x0] =	vst.idx.msk $0xffff, v42;
	v39 =	vld [tilespmem:s3+$0x70]  }
0x2af: {  	v44 =	vor.u32 v16, v37;
	s1 =	simm.s32 $0x8;
	s21 =	simm.s32 $0x7;
	v38 =	vand.u32 $0x7800, v63;
	v49 =	vand.u32 $0x300, v49;
	[tilespmem:v52+s29+$0x0] =	vst.idx.msk $0xffff, v51;
	v42 =	vld [tilespmem:s3+$0xFFFFFFF0];
	s3 =	simm.s32 $0x2A80  }
.LBB2_7:
0x2b0: {  	p0 =	slt.u32 s1, $0x4E;
	v38 =	vor.u32 v49, v38;
	v49 =	vmov s21;
	[tilespmem:v43+s29+$0x0] =	vst.idx.msk $0xffff, v41;
	v41 =	vld [tilespmem:s26+$0x20];
	v43 =	vor.u32 v27, v33;
	v37 =	vmovc v34  }
0x2b1: {  	v34 =	vmovc v36;
	v50 =	vshll.u32 v49, $0x8;
	v49 =	vshll.u32 v49, $0x7;
	[tilespmem:v48+s29+$0x0] =	vst.idx.msk $0xffff, v46;
	v46 =	vld [tilespmem:s26+$0xFFFFFFA0];
	v48 =	vor.u32 v11, v37  }
0x2b2: {  	v36 =	vand.u32 $0x7800, v50;
	v49 =	vand.u32 $0x380, v49;
	[tilespmem:v47+s29+$0x0] =	vst.idx.msk $0xffff, v45;
	v45 =	vld [tilespmem:s31+$0x50];
	v47 =	vor.u32 v22, v35  }
0x2b3: {  	v51 =	vor.u32 v6, v34;
	s31 =	sadd.s32 $0x100, s31;
	v50 =	vor.u32 v49, v36;
	v49 =	vld [tilespmem:s3+$0xFFFFFFD0];
	[tilespmem:v40+s29+$0x0] =	vst.idx.msk $0xffff, v39  }
0x2b4: {  	v36 =	vor.u32 v0, v38;
	v38 =	vld [tilespmem:s31+$0x0];
	v39 =	vor.u32 v17, v50;
	[tilespmem:v44+s29+$0x0] =	vst.idx.msk $0xffff, v42  }
0x2b5: {  	v42 =	vor.u32 v1, v36;
	v40 =	vld [tilespmem:s31+$0xFFFFFF80];
	[tilespmem:v43+s29+$0x0] =	vst.idx.msk $0xffff, v41  }
0x2b6: {  	v43 =	vor.u32 v28, v33;
	[tilespmem:v48+s29+$0x0] =	vst.idx.msk $0xffff, v46;
	v41 =	vld [tilespmem:s26+$0x30]  }
0x2b7: {  	[tilespmem:v47+s29+$0x0] =	vst.idx.msk $0xffff, v45;
	v44 =	vld [tilespmem:s26+$0xFFFFFFB0];
	v45 =	vor.u32 v12, v37  }
0x2b8: {  	v47 =	vor.u32 v23, v35;
	[tilespmem:v51+s29+$0x0] =	vst.idx.msk $0xffff, v49;
	v46 =	vld [tilespmem:s3+$0x60]  }
0x2b9: {  	[tilespmem:v39+s29+$0x0] =	vst.idx.msk $0xffff, v38;
	v38 =	vld [tilespmem:s3+$0xFFFFFFE0];
	v39 =	vor.u32 v7, v34  }
0x2ba: {  	[tilespmem:v42+s29+$0x0] =	vst.idx.msk $0xffff, v40;
	v40 =	vld [tilespmem:s31+$0x10];
	v42 =	vor.u32 v18, v50  }
0x2bb: {  	v49 =	vor.u32 v2, v36;
	v48 =	vld [tilespmem:s31+$0xFFFFFF90];
	[tilespmem:v43+s29+$0x0] =	vst.idx.msk $0xffff, v41  }
0x2bc: {  	v43 =	vor.u32 v29, v33;
	[tilespmem:v45+s29+$0x0] =	vst.idx.msk $0xffff, v44;
	v41 =	vld [tilespmem:s26+$0x40]  }
0x2bd: {  	v45 =	vor.u32 v13, v37;
	[tilespmem:v47+s29+$0x0] =	vst.idx.msk $0xffff, v46;
	v44 =	vld [tilespmem:s26+$0xFFFFFFC0]  }
0x2be: {  	[tilespmem:v39+s29+$0x0] =	vst.idx.msk $0xffff, v38;
	v38 =	vld [tilespmem:s3+$0x70];
	v39 =	vor.u32 v24, v35  }
0x2bf: {  	[tilespmem:v42+s29+$0x0] =	vst.idx.msk $0xffff, v40;
	v40 =	vld [tilespmem:s3+$0xFFFFFFF0];
	v42 =	vor.u32 v8, v34;
	s3 =	smov.u32 s31  }
0x2c0: {  	v47 =	vor.u32 v19, v50;
	[tilespmem:v49+s29+$0x0] =	vst.idx.msk $0xffff, v48;
	v46 =	vld [tilespmem:s31+$0x20]  }
0x2c1: {  	v49 =	vor.u32 v3, v36;
	v48 =	vld [tilespmem:s31+$0xFFFFFFA0];
	[tilespmem:v43+s29+$0x0] =	vst.idx.msk $0xffff, v41  }
0x2c2: {  	v43 =	vor.u32 v30, v33;
	[tilespmem:v45+s29+$0x0] =	vst.idx.msk $0xffff, v44;
	v41 =	vld [tilespmem:s26+$0x50]  }
0x2c3: {  	s26 =	sadd.s32 $0x100, s26;
	[tilespmem:v39+s29+$0x0] =	vst.idx.msk $0xffff, v38;
	v38 =	vld [tilespmem:s30+$0xFFFFFFD0];
	v39 =	vor.u32 v14, v37  }
0x2c4: {  	[tilespmem:v42+s29+$0x0] =	vst.idx.msk $0xffff, v40;
	v40 =	vld [tilespmem:s26+$0x0];
	v42 =	vor.u32 v25, v35  }
0x2c5: {  	v45 =	vor.u32 v9, v34;
	[tilespmem:v47+s29+$0x0] =	vst.idx.msk $0xffff, v46;
	v44 =	vld [tilespmem:s26+$0xFFFFFF80]  }
0x2c6: {  	v47 =	vor.u32 v20, v50;
	[tilespmem:v49+s29+$0x0] =	vst.idx.msk $0xffff, v48;
	v46 =	vld [tilespmem:s31+$0x30]  }
0x2c7: {  	v49 =	vor.u32 v4, v36;
	v48 =	vld [tilespmem:s31+$0xFFFFFFB0];
	[tilespmem:v43+s29+$0x0] =	vst.idx.msk $0xffff, v41  }
0x2c8: {  	[tilespmem:v39+s29+$0x0] =	vst.idx.msk $0xffff, v38;
	v38 =	vld [tilespmem:s30+$0x60];
	v39 =	vor.u32 v31, v33  }
0x2c9: {  	[tilespmem:v42+s29+$0x0] =	vst.idx.msk $0xffff, v40;
	v40 =	vld [tilespmem:s30+$0xFFFFFFE0];
	v42 =	vor.u32 v15, v37  }
0x2ca: {  	v51 =	vor.u32 v26, v35;
	[tilespmem:v45+s29+$0x0] =	vst.idx.msk $0xffff, v44;
	v44 =	vld [tilespmem:s26+$0x10]  }
.Ltmp2:
0x2cb: {  	v43 =	vor.u32 v10, v34;
	[tilespmem:v47+s29+$0x0] =	vst.idx.msk $0xffff, v46;
	v41 =	vld [tilespmem:s26+$0xFFFFFF90];
	(pc) =	sbr.rel @p0 .LBB2_7-.Ltmp2, $4  }
0x2cc: {  	[tilespmem:v49+s29+$0x0] =	vst.idx.msk $0xffff, v48;
	v46 =	vld [tilespmem:s31+$0x40];
	v48 =	vor.u32 v21, v50  }
0x2cd: {  	v47 =	vor.u32 v5, v36;
	v49 =	vmov s1;
	v45 =	vld [tilespmem:s31+$0xFFFFFFC0];
	[tilespmem:v39+s29+$0x0] =	vst.idx.msk $0xffff, v38  }
0x2ce: {  	v38 =	vshll.u32 v49, $0x8;
	v49 =	vshll.u32 v49, $0x7;
	[tilespmem:v42+s29+$0x0] =	vst.idx.msk $0xffff, v40;
	v39 =	vld [tilespmem:s30+$0x70];
	v40 =	vor.u32 v32, v33;
	v33 =	vmovc v35  }
0x2cf: {  	s21 =	sadd.s32 $0x1, s1;
	s1 =	sadd.s32 $0x2, s1;
	v38 =	vand.u32 $0x7800, v38;
	v49 =	vand.u32 $0x300, v49;
	v35 =	vmovc v50;
	[tilespmem:v51+s29+$0x0] =	vst.idx.msk $0xffff, v44;
	v42 =	vld [tilespmem:s30+$0xFFFFFFF0];
	v44 =	vor.u32 v16, v37;
	s30 =	smov.u32 s26  }
0x2d0: {  	v37 =	vmov s21  }
0x2d1: {  	v50 =	vshll.u32 v37, $0x8;
	v37 =	vshll.u32 v37, $0x7  }
0x2d2: {  	v50 =	vand.u32 $0x7800, v50;
	v37 =	vand.u32 $0x380, v37  }
0x2d3: {  	v49 =	vor.u32 v49, v38;
	s1 =	sadd.s32 $0x100, s31;
	v38 =	vor.u32 v37, v50  }
0x2d4: {  	v58 =	vld [tilespmem:s1+$0x0];
	v37 =	vor.u32 v0, v49;
	v50 =	vor.u32 v17, v38  }
0x2d5: {  	v51 =	vld [tilespmem:s1+$0xFFFFFF80];
	v52 =	vor.u32 v1, v37;
	_ =	sdelay $0x3  }
0x2d6: {  	[tilespmem:v50+s29+$0x0] =	vst.idx.msk $0xffff, v58  }
0x2d7: {  	v59 =	vor.u32 v18, v38;
	[tilespmem:v52+s29+$0x0] =	vst.idx.msk $0xffff, v51;
	v49 =	vld [tilespmem:s1+$0x10]  }
0x2d8: {  	v60 =	vor.u32 v2, v37;
	v51 =	vld [tilespmem:s1+$0xFFFFFF90];
	_ =	sdelay $0x3  }
0x2d9: {  	[tilespmem:v59+s29+$0x0] =	vst.idx.msk $0xffff, v49  }
0x2da: {  	v61 =	vor.u32 v19, v38;
	[tilespmem:v60+s29+$0x0] =	vst.idx.msk $0xffff, v51;
	v49 =	vld [tilespmem:s1+$0x20]  }
0x2db: {  	v62 =	vor.u32 v3, v37;
	v51 =	vld [tilespmem:s1+$0xFFFFFFA0];
	_ =	sdelay $0x3  }
0x2dc: {  	[tilespmem:v61+s29+$0x0] =	vst.idx.msk $0xffff, v49  }
0x2dd: {  	v63 =	vor.u32 v20, v38;
	[tilespmem:v62+s29+$0x0] =	vst.idx.msk $0xffff, v51;
	v49 =	vld [tilespmem:s1+$0x30]  }
0x2de: {  	v56 =	vor.u32 v4, v37;
	v51 =	vld [tilespmem:s1+$0xFFFFFFB0];
	_ =	sdelay $0x3  }
0x2df: {  	[tilespmem:v63+s29+$0x0] =	vst.idx.msk $0xffff, v49  }
0x2e0: {  	v57 =	vor.u32 v21, v38;
	[tilespmem:v56+s29+$0x0] =	vst.idx.msk $0xffff, v51;
	v49 =	vld [tilespmem:s1+$0x40]  }
0x2e1: {  	v58 =	vor.u32 v5, v37;
	v51 =	vld [tilespmem:s1+$0xFFFFFFC0];
	_ =	sdelay $0x1  }
0x2e2: {  	[tilespmem:v48+s29+$0x0] =	vst.idx.msk $0xffff, v46  }
0x2e3: {  	[tilespmem:v47+s29+$0x0] =	vst.idx.msk $0xffff, v45;
	v59 =	vld [tilespmem:s31+$0x50];
	v60 =	vor.u32 v22, v35  }
0x2e4: {  	v47 =	vld [tilespmem:s3+$0xFFFFFFD0];
	v61 =	vor.u32 v6, v36;
	[tilespmem:v57+s29+$0x0] =	vst.idx.msk $0xffff, v49  }
0x2e5: {  	v62 =	vor.u32 v22, v38;
	[tilespmem:v58+s29+$0x0] =	vst.idx.msk $0xffff, v51;
	v49 =	vld [tilespmem:s1+$0x50]  }
0x2e6: {  	v63 =	vor.u32 v6, v37;
	v51 =	vld [tilespmem:s1+$0xFFFFFFD0];
	_ =	sdelay $0x1  }
0x2e7: {  	[tilespmem:v60+s29+$0x0] =	vst.idx.msk $0xffff, v59  }
0x2e8: {  	v45 =	vld [tilespmem:s3+$0x60];
	[tilespmem:v61+s29+$0x0] =	vst.idx.msk $0xffff, v47;
	v56 =	vor.u32 v23, v35  }
0x2e9: {  	v47 =	vld [tilespmem:s3+$0xFFFFFFE0];
	v57 =	vor.u32 v7, v36;
	[tilespmem:v62+s29+$0x0] =	vst.idx.msk $0xffff, v49  }
0x2ea: {  	v58 =	vor.u32 v23, v38;
	[tilespmem:v63+s29+$0x0] =	vst.idx.msk $0xffff, v51;
	v49 =	vld [tilespmem:s1+$0x60]  }
0x2eb: {  	v59 =	vor.u32 v7, v37;
	v51 =	vld [tilespmem:s1+$0xFFFFFFE0];
	_ =	sdelay $0x1  }
0x2ec: {  	[tilespmem:v56+s29+$0x0] =	vst.idx.msk $0xffff, v45  }
0x2ed: {  	v60 =	vor.u32 v24, v35;
	v45 =	vld [tilespmem:s3+$0x70];
	[tilespmem:v57+s29+$0x0] =	vst.idx.msk $0xffff, v47  }
0x2ee: {  	v61 =	vor.u32 v8, v36;
	v47 =	vld [tilespmem:s3+$0xFFFFFFF0];
	[tilespmem:v58+s29+$0x0] =	vst.idx.msk $0xffff, v49  }
0x2ef: {  	v62 =	vor.u32 v24, v38;
	[tilespmem:v59+s29+$0x0] =	vst.idx.msk $0xffff, v51;
	v49 =	vld [tilespmem:s1+$0x70]  }
0x2f0: {  	v63 =	vor.u32 v8, v37;
	v51 =	vld [tilespmem:s1+$0xFFFFFFF0];
	_ =	sdelay $0x1  }
0x2f1: {  	[tilespmem:v60+s29+$0x0] =	vst.idx.msk $0xffff, v45;
	s3 =	sadd.s32 $0x100, s26  }
0x2f2: {  	v56 =	vor.u32 v25, v35;
	v45 =	vld [tilespmem:s3+$0x0];
	[tilespmem:v61+s29+$0x0] =	vst.idx.msk $0xffff, v47  }
0x2f3: {  	v57 =	vor.u32 v9, v36;
	v47 =	vld [tilespmem:s3+$0xFFFFFF80];
	s1 =	sadd.s32 $0x100, s3;
	[tilespmem:v62+s29+$0x0] =	vst.idx.msk $0xffff, v49  }
0x2f4: {  	v58 =	vor.u32 v25, v38;
	[tilespmem:v63+s29+$0x0] =	vst.idx.msk $0xffff, v51;
	v49 =	vld [tilespmem:s1+$0x0]  }
0x2f5: {  	v59 =	vor.u32 v9, v37;
	v51 =	vld [tilespmem:s1+$0xFFFFFF80]  }
0x2f6: {  	[tilespmem:v43+s29+$0x0] =	vst.idx.msk $0xffff, v41  }
0x2f7: {  	[tilespmem:v56+s29+$0x0] =	vst.idx.msk $0xffff, v45  }
0x2f8: {  	v61 =	vor.u32 v26, v35;
	v60 =	vld [tilespmem:s3+$0x10];
	[tilespmem:v57+s29+$0x0] =	vst.idx.msk $0xffff, v47  }
0x2f9: {  	v62 =	vld [tilespmem:s3+$0xFFFFFF90];
	v63 =	vor.u32 v10, v36;
	[tilespmem:v58+s29+$0x0] =	vst.idx.msk $0xffff, v49  }
0x2fa: {  	v53 =	vor.u32 v26, v38;
	[tilespmem:v59+s29+$0x0] =	vst.idx.msk $0xffff, v51;
	v52 =	vld [tilespmem:s1+$0x10]  }
0x2fb: {  	[tilespmem:v40+s29+$0x0] =	vst.idx.msk $0xffff, v39;
	v55 =	vor.u32 v10, v37;
	v54 =	vld [tilespmem:s1+$0xFFFFFF90]  }
0x2fc: {  	[tilespmem:v44+s29+$0x0] =	vst.idx.msk $0xffff, v42;
	v56 =	vld [tilespmem:s26+$0x20];
	v57 =	vor.u32 v27, v33  }
0x2fd: {  	[tilespmem:v61+s29+$0x0] =	vst.idx.msk $0xffff, v60;
	v58 =	vld [tilespmem:s26+$0xFFFFFFA0];
	v59 =	vor.u32 v11, v34  }
0x2fe: {  	v60 =	vor.u32 v27, v35;
	v41 =	vld [tilespmem:s3+$0x20];
	[tilespmem:v63+s29+$0x0] =	vst.idx.msk $0xffff, v62  }
0x2ff: {  	v61 =	vor.u32 v11, v36;
	v45 =	vld [tilespmem:s3+$0xFFFFFFA0];
	[tilespmem:v53+s29+$0x0] =	vst.idx.msk $0xffff, v52  }
0x300: {  	v63 =	vor.u32 v27, v38;
	[tilespmem:v55+s29+$0x0] =	vst.idx.msk $0xffff, v54;
	v62 =	vld [tilespmem:s1+$0x20]  }
0x301: {  	[tilespmem:v57+s29+$0x0] =	vst.idx.msk $0xffff, v56;
	v53 =	vor.u32 v11, v37;
	v52 =	vld [tilespmem:s1+$0xFFFFFFA0]  }
0x302: {  	[tilespmem:v59+s29+$0x0] =	vst.idx.msk $0xffff, v58;
	v54 =	vld [tilespmem:s26+$0x30];
	v55 =	vor.u32 v28, v33  }
0x303: {  	v57 =	vor.u32 v12, v34;
	[tilespmem:v60+s29+$0x0] =	vst.idx.msk $0xffff, v41;
	v56 =	vld [tilespmem:s26+$0xFFFFFFB0]  }
0x304: {  	v41 =	vld [tilespmem:s3+$0x30];
	[tilespmem:v61+s29+$0x0] =	vst.idx.msk $0xffff, v45;
	v58 =	vor.u32 v28, v35  }
0x305: {  	v59 =	vor.u32 v12, v36;
	v45 =	vld [tilespmem:s3+$0xFFFFFFB0];
	[tilespmem:v63+s29+$0x0] =	vst.idx.msk $0xffff, v62  }
0x306: {  	v60 =	vor.u32 v28, v38;
	[tilespmem:v53+s29+$0x0] =	vst.idx.msk $0xffff, v52;
	v39 =	vld [tilespmem:s1+$0x30]  }
0x307: {  	[tilespmem:v55+s29+$0x0] =	vst.idx.msk $0xffff, v54;
	v62 =	vor.u32 v12, v37;
	v61 =	vld [tilespmem:s1+$0xFFFFFFB0]  }
0x308: {  	[tilespmem:v57+s29+$0x0] =	vst.idx.msk $0xffff, v56;
	v63 =	vld [tilespmem:s26+$0x40];
	v52 =	vor.u32 v29, v33  }
0x309: {  	[tilespmem:v58+s29+$0x0] =	vst.idx.msk $0xffff, v41;
	v49 =	vld [tilespmem:s26+$0xFFFFFFC0];
	v53 =	vor.u32 v13, v34  }
0x30a: {  	[tilespmem:v59+s29+$0x0] =	vst.idx.msk $0xffff, v45;
	v41 =	vld [tilespmem:s3+$0x40];
	v54 =	vor.u32 v29, v35  }
0x30b: {  	v55 =	vor.u32 v13, v36;
	v45 =	vld [tilespmem:s3+$0xFFFFFFC0];
	[tilespmem:v60+s29+$0x0] =	vst.idx.msk $0xffff, v39  }
0x30c: {  	v56 =	vor.u32 v29, v38;
	[tilespmem:v62+s29+$0x0] =	vst.idx.msk $0xffff, v61;
	v39 =	vld [tilespmem:s1+$0x40]  }
0x30d: {  	v57 =	vor.u32 v13, v37;
	[tilespmem:v52+s29+$0x0] =	vst.idx.msk $0xffff, v63;
	v42 =	vld [tilespmem:s1+$0xFFFFFFC0]  }
0x30e: {  	v58 =	vor.u32 v30, v33;
	[tilespmem:v53+s29+$0x0] =	vst.idx.msk $0xffff, v49;
	v47 =	vld [tilespmem:s26+$0x50]  }
0x30f: {  	v59 =	vor.u32 v14, v34;
	[tilespmem:v54+s29+$0x0] =	vst.idx.msk $0xffff, v41;
	v49 =	vld [tilespmem:s30+$0xFFFFFFD0]  }
0x310: {  	[tilespmem:v55+s29+$0x0] =	vst.idx.msk $0xffff, v45;
	v41 =	vld [tilespmem:s3+$0x50];
	v60 =	vor.u32 v30, v35  }
0x311: {  	v45 =	vld [tilespmem:s3+$0xFFFFFFD0];
	v61 =	vor.u32 v14, v36;
	[tilespmem:v56+s29+$0x0] =	vst.idx.msk $0xffff, v39  }
0x312: {  	v62 =	vor.u32 v30, v38;
	[tilespmem:v57+s29+$0x0] =	vst.idx.msk $0xffff, v42;
	v39 =	vld [tilespmem:s1+$0x50]  }
0x313: {  	v63 =	vor.u32 v14, v37;
	[tilespmem:v58+s29+$0x0] =	vst.idx.msk $0xffff, v47;
	v42 =	vld [tilespmem:s1+$0xFFFFFFD0]  }
0x314: {  	v52 =	vor.u32 v31, v33;
	[tilespmem:v59+s29+$0x0] =	vst.idx.msk $0xffff, v49;
	v47 =	vld [tilespmem:s30+$0x60]  }
0x315: {  	v53 =	vor.u32 v15, v34;
	[tilespmem:v60+s29+$0x0] =	vst.idx.msk $0xffff, v41;
	v49 =	vld [tilespmem:s30+$0xFFFFFFE0]  }
0x316: {  	v54 =	vor.u32 v31, v35;
	[tilespmem:v61+s29+$0x0] =	vst.idx.msk $0xffff, v45;
	v41 =	vld [tilespmem:s3+$0x60]  }
0x317: {  	v55 =	vor.u32 v15, v36;
	s26 =	sshll.u32 s22, $0x6;
	v45 =	vld [tilespmem:s3+$0xFFFFFFE0];
	[tilespmem:v62+s29+$0x0] =	vst.idx.msk $0xffff, v39  }
0x318: {  	s21 =	sor.u32 s4, s26;
	v56 =	vor.u32 v31, v38;
	[tilespmem:v63+s29+$0x0] =	vst.idx.msk $0xffff, v42;
	v39 =	vld [tilespmem:s1+$0x60]  }
0x319: {  	s21 =	sadd.s32 $0x40, s21;
	v57 =	vor.u32 v15, v37;
	[tilespmem:v52+s29+$0x0] =	vst.idx.msk $0xffff, v47;
	v42 =	vld [tilespmem:s1+$0xFFFFFFE0]  }
0x31a: {  	s26 =	smulhi.u32 $0xD1B71759, s21;
	v58 =	vor.u32 v32, v33;
	[tilespmem:v53+s29+$0x0] =	vst.idx.msk $0xffff, v49;
	v47 =	vld [tilespmem:s30+$0x70]  }
0x31b: {  	v60 =	vor.u32 v16, v34;
	[tilespmem:v54+s29+$0x0] =	vst.idx.msk $0xffff, v41;
	v59 =	vld [tilespmem:s30+$0xFFFFFFF0]  }
0x31c: {  	v61 =	vor.u32 v32, v35;
	s26 =	sshrl.u32 s26, $0x9;
	[tilespmem:v55+s29+$0x0] =	vst.idx.msk $0xffff, v45;
	v41 =	vld [tilespmem:s3+$0x70]  }
0x31d: {  	v62 =	vld [tilespmem:s3+$0xFFFFFFF0];
	v63 =	vor.u32 v16, v36;
	s3 =	smul.u32 $0x271, s26;
	[tilespmem:v56+s29+$0x0] =	vst.idx.msk $0xffff, v39  }
0x31e: {  	v38 =	vor.u32 v32, v38;
	[tilespmem:v57+s29+$0x0] =	vst.idx.msk $0xffff, v42;
	v39 =	vld [tilespmem:s1+$0x70]  }
0x31f: {  	v37 =	vor.u32 v16, v37;
	s3 =	ssub.s32 s21, s3;
	[tilespmem:v58+s29+$0x0] =	vst.idx.msk $0xffff, v47;
	v40 =	vld [tilespmem:s1+$0xFFFFFFF0]  }
0x320: {  	[tilespmem:v60+s29+$0x0] =	vst.idx.msk $0xffff, v59;
	s1 =	smul.u32 $0x5000, s3  }
0x321: {  	s21 =	sshll.u32 s26, $0xA;
	[tilespmem:v61+s29+$0x0] =	vst.idx.msk $0xffff, v41  }
0x322: {  	[tilespmem:v63+s29+$0x0] =	vst.idx.msk $0xffff, v62;
	s1 =	sadd.s32 s21, s1  }
0x323: {  	s1 =	sshrl.u32 s1, $0x3;
	[tilespmem:v38+s29+$0x0] =	vst.idx.msk $0xffff, v39  }
0x324: {  	s3 =	simm.s32 $0x0;
	s1 =	sadd.s32 s2, s1;
	[tilespmem:v37+s29+$0x0] =	vst.idx.msk $0xffff, v40  }
0x325: {  	[hbm4b:s1+s3] =	stream.linear.scatter [tilespmem:s29], [sflag:$0x3], $0x400, $0x38;
	[tilespmem:$0x16800] =	vst v63  }
0x326: {  	s26 =	simm.s32 $0xD000;
	s21 =	sadd.s32 $0x100, s1  }
0x327: {  	[hbm4b:s21+s3] =	stream.linear.scatter [tilespmem:s26], [sflag:$0x3], $0x400, $0x38;
	[tilespmem:$0x16800] =	vst v63  }
0x328: {  	s21 =	sadd.s32 $0x200, s1;
	s26 =	simm.s32 $0xD800  }
0x329: {  	[hbm4b:s21+s3] =	stream.linear.scatter [tilespmem:s26], [sflag:$0x3], $0x400, $0x38;
	[tilespmem:$0x16800] =	vst v63  }
0x32a: {  	s21 =	sadd.s32 $0x300, s1;
	s26 =	simm.s32 $0xE000  }
0x32b: {  	[hbm4b:s21+s3] =	stream.linear.scatter [tilespmem:s26], [sflag:$0x3], $0x400, $0x38;
	[tilespmem:$0x16800] =	vst v63  }
0x32c: {  	s21 =	sadd.s32 $0x400, s1;
	s26 =	simm.s32 $0xE800  }
0x32d: {  	[hbm4b:s21+s3] =	stream.linear.scatter [tilespmem:s26], [sflag:$0x3], $0x400, $0x38;
	[tilespmem:$0x16800] =	vst v63  }
0x32e: {  	s21 =	sadd.s32 $0x500, s1;
	s26 =	simm.s32 $0xF000  }
0x32f: {  	[hbm4b:s21+s3] =	stream.linear.scatter [tilespmem:s26], [sflag:$0x3], $0x400, $0x38;
	[tilespmem:$0x16800] =	vst v63  }
0x330: {  	s21 =	sadd.s32 $0x600, s1;
	s26 =	simm.s32 $0xF800  }
0x331: {  	[hbm4b:s21+s3] =	stream.linear.scatter [tilespmem:s26], [sflag:$0x3], $0x400, $0x38;
	[tilespmem:$0x16800] =	vst v63  }
0x332: {  	s21 =	sadd.s32 $0x700, s1;
	s26 =	simm.s32 $0x10000  }
0x333: {  	[hbm4b:s21+s3] =	stream.linear.scatter [tilespmem:s26], [sflag:$0x3], $0x400, $0x38;
	[tilespmem:$0x16800] =	vst v63  }
0x334: {  	s21 =	sadd.s32 $0x800, s1;
	s26 =	simm.s32 $0x10800  }
0x335: {  	[hbm4b:s21+s3] =	stream.linear.scatter [tilespmem:s26], [sflag:$0x3], $0x400, $0x38;
	[tilespmem:$0x16800] =	vst v63  }
0x336: {  	s21 =	sadd.s32 $0x900, s1;
	s26 =	simm.s32 $0x11000  }
0x337: {  	[hbm4b:s21+s3] =	stream.linear.scatter [tilespmem:s26], [sflag:$0x3], $0x400, $0x38;
	[tilespmem:$0x16800] =	vst v63  }
0x338: {  	s1 =	sadd.s32 $0x186A00, s1;
	s26 =	simm.s32 $0xCC00  }
0x339: {  	[hbm4b:s1+s3] =	stream.linear.scatter [tilespmem:s26], [sflag:$0x3], $0x400, $0x38;
	[tilespmem:$0x16800] =	vst v63  }
0x33a: {  	s21 =	sadd.s32 $0x100, s1;
	s26 =	simm.s32 $0xD400  }
0x33b: {  	[hbm4b:s21+s3] =	stream.linear.scatter [tilespmem:s26], [sflag:$0x3], $0x400, $0x38;
	[tilespmem:$0x16800] =	vst v63  }
0x33c: {  	s21 =	sadd.s32 $0x200, s1;
	s26 =	simm.s32 $0xDC00  }
0x33d: {  	[hbm4b:s21+s3] =	stream.linear.scatter [tilespmem:s26], [sflag:$0x3], $0x400, $0x38;
	[tilespmem:$0x16800] =	vst v63  }
0x33e: {  	s21 =	sadd.s32 $0x300, s1;
	s26 =	simm.s32 $0xE400  }
0x33f: {  	[hbm4b:s21+s3] =	stream.linear.scatter [tilespmem:s26], [sflag:$0x3], $0x400, $0x38;
	[tilespmem:$0x16800] =	vst v63  }
0x340: {  	s21 =	sadd.s32 $0x400, s1;
	s26 =	simm.s32 $0xEC00  }
0x341: {  	[hbm4b:s21+s3] =	stream.linear.scatter [tilespmem:s26], [sflag:$0x3], $0x400, $0x38;
	[tilespmem:$0x16800] =	vst v63  }
0x342: {  	s21 =	sadd.s32 $0x500, s1;
	s26 =	simm.s32 $0xF400  }
0x343: {  	[hbm4b:s21+s3] =	stream.linear.scatter [tilespmem:s26], [sflag:$0x3], $0x400, $0x38;
	[tilespmem:$0x16800] =	vst v63  }
0x344: {  	s21 =	sadd.s32 $0x600, s1;
	s26 =	simm.s32 $0xFC00  }
0x345: {  	[hbm4b:s21+s3] =	stream.linear.scatter [tilespmem:s26], [sflag:$0x3], $0x400, $0x38;
	[tilespmem:$0x16800] =	vst v63  }
0x346: {  	s21 =	sadd.s32 $0x700, s1;
	s26 =	simm.s32 $0x10400  }
0x347: {  	[hbm4b:s21+s3] =	stream.linear.scatter [tilespmem:s26], [sflag:$0x3], $0x400, $0x38;
	[tilespmem:$0x16800] =	vst v63  }
0x348: {  	s21 =	sadd.s32 $0x800, s1;
	s26 =	simm.s32 $0x10C00  }
0x349: {  	[hbm4b:s21+s3] =	stream.linear.scatter [tilespmem:s26], [sflag:$0x3], $0x400, $0x38;
	[tilespmem:$0x16800] =	vst v63  }
0x34a: {  	s1 =	sadd.s32 $0x900, s1;
	s26 =	simm.s32 $0x11400;
	s21 =	sshll.u32 s22, $0xB  }
0x34b: {  	[hbm4b:s1+s3] =	stream.linear.scatter [tilespmem:s26], [sflag:$0x3], $0x400, $0x38;
	[tilespmem:$0x16800] =	vst v63  }
0x34c: {  	s1 =	sshra.s32 s21, $0x2  }
0x34d: {  	s26 =	simm.s32 $0x2800;
	s21 =	sadd.s32 $0x400, s1  }
0x34e: {  	[tilespmem:s26], [sflag:$0x1] =	stream.indirect.gather [hbm4b:s0+s19], $0x80, s21, s19, $0xb8;
	[tilespmem:$0x16800] =	vst v63  }
0x34f: {  	s1 =	sadd.s32 $0x480, s1;
	s26 =	simm.s32 $0x5000  }
0x350: {  	[tilespmem:s26], [sflag:$0x1] =	stream.indirect.gather [hbm4b:s0+s19], $0x80, s1, s19, $0xb8;
	[tilespmem:$0x16800] =	vst v63  }
0x351: {  	_ =	swait.ge [sflag:s14], $0x2800  }
0x352: {  	[sflag:s14] =	ssyncset.done $0x0  }
0x353: {  	[sflag:s14] =	ssyncadd.s32 $0xFFFFD800  }
0x354: {  	_ =	swait.ge [sflag:s14], $0x2800  }
0x355: {  	[sflag:s14] =	ssyncset.done $0x0  }
0x356: {  	[sflag:s14] =	ssyncadd.s32 $0xFFFFD800  }
0x357: {  	_ =	swait.ge [sflag:s16], $0x2800  }
0x358: {  	v41 =	vmov s3;
	s21 =	simm.s32 $0x1;
	[sflag:s16] =	ssyncset.done $0x0  }
0x359: {  	v42 =	vshll.u32 v41, $0x8;
	v33 =	vshll.u32 v41, $0x7;
	v43 =	vmov s21;
	[sflag:s16] =	ssyncadd.s32 $0xFFFFD800  }
0x35a: {  	v34 =	vand.u32 $0x7800, v42;
	v44 =	vshll.u32 v43, $0x8;
	v35 =	vshll.u32 v43, $0x7;
	_ =	swait.ge [sflag:s16], $0x2800  }
0x35b: {  	v33 =	vand.u32 $0x300, v33;
	v36 =	vand.u32 $0x7800, v44;
	v35 =	vand.u32 $0x380, v35;
	[sflag:s16] =	ssyncset.done $0x0  }
0x35c: {  	v33 =	vor.u32 v33, v34;
	s3 =	simm.s32 $0x7880;
	v38 =	vor.u32 v35, v36;
	[sflag:s16] =	ssyncadd.s32 $0xFFFFD800  }
0x35d: {  	v37 =	vor.u32 v0, v33;
	v46 =	vor.u32 v17, v38;
	v45 =	vld [tilespmem:s3+$0x0]  }
0x35e: {  	v48 =	vor.u32 v1, v37;
	v47 =	vld [tilespmem:s3+$0xFFFFFF80];
	_ =	sdelay $0x3  }
0x35f: {  	[tilespmem:v46+s20+$0x0] =	vst.idx.msk $0xffff, v45  }
0x360: {  	v49 =	vor.u32 v18, v38;
	[tilespmem:v48+s20+$0x0] =	vst.idx.msk $0xffff, v47;
	v33 =	vld [tilespmem:s3+$0x10]  }
0x361: {  	v50 =	vor.u32 v2, v37;
	v35 =	vld [tilespmem:s3+$0xFFFFFF90];
	_ =	sdelay $0x3  }
0x362: {  	[tilespmem:v49+s20+$0x0] =	vst.idx.msk $0xffff, v33  }
0x363: {  	v51 =	vor.u32 v19, v38;
	[tilespmem:v50+s20+$0x0] =	vst.idx.msk $0xffff, v35;
	v33 =	vld [tilespmem:s3+$0x20]  }
0x364: {  	v52 =	vor.u32 v3, v37;
	v35 =	vld [tilespmem:s3+$0xFFFFFFA0];
	_ =	sdelay $0x3  }
0x365: {  	[tilespmem:v51+s20+$0x0] =	vst.idx.msk $0xffff, v33  }
0x366: {  	v53 =	vor.u32 v20, v38;
	[tilespmem:v52+s20+$0x0] =	vst.idx.msk $0xffff, v35;
	v33 =	vld [tilespmem:s3+$0x30]  }
0x367: {  	v54 =	vor.u32 v4, v37;
	v35 =	vld [tilespmem:s3+$0xFFFFFFB0];
	_ =	sdelay $0x3  }
0x368: {  	[tilespmem:v53+s20+$0x0] =	vst.idx.msk $0xffff, v33  }
0x369: {  	v55 =	vor.u32 v21, v38;
	[tilespmem:v54+s20+$0x0] =	vst.idx.msk $0xffff, v35;
	v33 =	vld [tilespmem:s3+$0x40]  }
0x36a: {  	v56 =	vor.u32 v5, v37;
	v35 =	vld [tilespmem:s3+$0xFFFFFFC0]  }
0x36b: {  	s21 =	simm.s32 $0x3;
	s26 =	simm.s32 $0x2  }
0x36c: {  	v59 =	vmov s21;
	v57 =	vmov s26  }
0x36d: {  	v60 =	vshll.u32 v59, $0x8;
	v41 =	vshll.u32 v59, $0x7;
	v58 =	vshll.u32 v57, $0x8  }
0x36e: {  	v39 =	vshll.u32 v57, $0x7;
	v61 =	vand.u32 $0x7800, v60;
	v62 =	vand.u32 $0x380, v41;
	[tilespmem:v55+s20+$0x0] =	vst.idx.msk $0xffff, v33  }
0x36f: {  	v40 =	vand.u32 $0x7800, v58;
	v39 =	vand.u32 $0x300, v39;
	v48 =	vor.u32 v22, v38;
	[tilespmem:v56+s20+$0x0] =	vst.idx.msk $0xffff, v35;
	v63 =	vld [tilespmem:s3+$0x50]  }
0x370: {  	s1 =	simm.s32 $0x7980;
	v39 =	vor.u32 v39, v40;
	v50 =	vor.u32 v6, v37;
	v33 =	vor.u32 v62, v61;
	v49 =	vld [tilespmem:s3+$0xFFFFFFD0]  }
0x371: {  	v34 =	vor.u32 v0, v39;
	v51 =	vld [tilespmem:s1+$0x0];
	v52 =	vor.u32 v17, v33  }
0x372: {  	v53 =	vld [tilespmem:s1+$0xFFFFFF80];
	v54 =	vor.u32 v1, v34;
	_ =	sdelay $0x1  }
0x373: {  	[tilespmem:v48+s20+$0x0] =	vst.idx.msk $0xffff, v63  }
0x374: {  	v55 =	vor.u32 v23, v38;
	[tilespmem:v50+s20+$0x0] =	vst.idx.msk $0xffff, v49;
	v35 =	vld [tilespmem:s3+$0x60]  }
0x375: {  	v57 =	vor.u32 v7, v37;
	[tilespmem:v52+s20+$0x0] =	vst.idx.msk $0xffff, v51;
	v56 =	vld [tilespmem:s3+$0xFFFFFFE0]  }
0x376: {  	[tilespmem:v54+s20+$0x0] =	vst.idx.msk $0xffff, v53;
	v59 =	vor.u32 v18, v33;
	v58 =	vld [tilespmem:s1+$0x10]  }
0x377: {  	v60 =	vor.u32 v2, v34;
	v43 =	vld [tilespmem:s1+$0xFFFFFF90];
	_ =	sdelay $0x1  }
0x378: {  	[tilespmem:v55+s20+$0x0] =	vst.idx.msk $0xffff, v35  }
0x379: {  	v61 =	vor.u32 v24, v38;
	[tilespmem:v57+s20+$0x0] =	vst.idx.msk $0xffff, v56;
	v35 =	vld [tilespmem:s3+$0x70]  }
0x37a: {  	v62 =	vor.u32 v8, v37;
	[tilespmem:v59+s20+$0x0] =	vst.idx.msk $0xffff, v58;
	v39 =	vld [tilespmem:s3+$0xFFFFFFF0]  }
0x37b: {  	[tilespmem:v60+s20+$0x0] =	vst.idx.msk $0xffff, v43;
	v63 =	vor.u32 v19, v33;
	v41 =	vld [tilespmem:s1+$0x20]  }
0x37c: {  	v43 =	vld [tilespmem:s1+$0xFFFFFFA0];
	v48 =	vor.u32 v3, v34;
	_ =	sdelay $0x1  }
0x37d: {  	s3 =	simm.s32 $0xA080;
	[tilespmem:v61+s20+$0x0] =	vst.idx.msk $0xffff, v35  }
0x37e: {  	v49 =	vor.u32 v25, v38;
	[tilespmem:v62+s20+$0x0] =	vst.idx.msk $0xffff, v39;
	v35 =	vld [tilespmem:s3+$0x0]  }
0x37f: {  	v50 =	vor.u32 v9, v37;
	[tilespmem:v63+s20+$0x0] =	vst.idx.msk $0xffff, v41;
	v39 =	vld [tilespmem:s3+$0xFFFFFF80]  }
0x380: {  	v51 =	vor.u32 v20, v33;
	[tilespmem:v48+s20+$0x0] =	vst.idx.msk $0xffff, v43;
	v41 =	vld [tilespmem:s1+$0x30]  }
0x381: {  	v52 =	vor.u32 v4, v34;
	v43 =	vld [tilespmem:s1+$0xFFFFFFB0];
	_ =	sdelay $0x1  }
0x382: {  	[tilespmem:v49+s20+$0x0] =	vst.idx.msk $0xffff, v35  }
0x383: {  	v53 =	vor.u32 v26, v38;
	[tilespmem:v50+s20+$0x0] =	vst.idx.msk $0xffff, v39;
	v35 =	vld [tilespmem:s3+$0x10]  }
0x384: {  	v54 =	vor.u32 v10, v37;
	[tilespmem:v51+s20+$0x0] =	vst.idx.msk $0xffff, v41;
	v39 =	vld [tilespmem:s3+$0xFFFFFF90]  }
0x385: {  	s26 =	simm.s32 $0x4;
	v55 =	vor.u32 v21, v33;
	[tilespmem:v52+s20+$0x0] =	vst.idx.msk $0xffff, v43;
	v41 =	vld [tilespmem:s1+$0x40]  }
0x386: {  	v56 =	vmov s26;
	v57 =	vor.u32 v5, v34;
	s26 =	simm.s32 $0x5;
	v44 =	vld [tilespmem:s1+$0xFFFFFFC0]  }
0x387: {  	v60 =	vmov s26  }
0x388: {  	v58 =	vshll.u32 v56, $0x8;
	v36 =	vshll.u32 v60, $0x7;
	[tilespmem:v53+s20+$0x0] =	vst.idx.msk $0xffff, v35  }
0x389: {  	v46 =	vand.u32 $0x7800, v58;
	v36 =	vand.u32 $0x380, v36;
	v61 =	vor.u32 v27, v38;
	[tilespmem:v54+s20+$0x0] =	vst.idx.msk $0xffff, v39;
	v39 =	vld [tilespmem:s3+$0x20]  }
0x38a: {  	v43 =	vshll.u32 v56, $0x7;
	v52 =	vor.u32 v11, v37;
	v62 =	vshll.u32 v60, $0x8;
	[tilespmem:v55+s20+$0x0] =	vst.idx.msk $0xffff, v41;
	v63 =	vld [tilespmem:s3+$0xFFFFFFA0]  }
0x38b: {  	v59 =	vand.u32 $0x300, v43;
	v43 =	vand.u32 $0x7800, v62;
	[tilespmem:v57+s20+$0x0] =	vst.idx.msk $0xffff, v44;
	v54 =	vor.u32 v22, v33;
	v53 =	vld [tilespmem:s1+$0x50]  }
0x38c: {  	s31 =	simm.s32 $0x7A80;
	v56 =	vor.u32 v6, v34;
	v46 =	vor.u32 v59, v46;
	v35 =	vor.u32 v36, v43;
	v55 =	vld [tilespmem:s1+$0xFFFFFFD0]  }
0x38d: {  	v57 =	vld [tilespmem:s31+$0x0];
	v36 =	vor.u32 v0, v46;
	v58 =	vor.u32 v17, v35  }
0x38e: {  	v59 =	vld [tilespmem:s31+$0xFFFFFF80];
	v60 =	vor.u32 v1, v36;
	[tilespmem:v61+s20+$0x0] =	vst.idx.msk $0xffff, v39  }
0x38f: {  	[tilespmem:v52+s20+$0x0] =	vst.idx.msk $0xffff, v63;
	v61 =	vor.u32 v28, v38;
	v39 =	vld [tilespmem:s3+$0x30]  }
0x390: {  	v62 =	vor.u32 v12, v37;
	[tilespmem:v54+s20+$0x0] =	vst.idx.msk $0xffff, v53;
	v41 =	vld [tilespmem:s3+$0xFFFFFFB0]  }
0x391: {  	[tilespmem:v56+s20+$0x0] =	vst.idx.msk $0xffff, v55;
	v52 =	vor.u32 v23, v33;
	v63 =	vld [tilespmem:s1+$0x60]  }
0x392: {  	[tilespmem:v58+s20+$0x0] =	vst.idx.msk $0xffff, v57;
	v53 =	vld [tilespmem:s1+$0xFFFFFFE0];
	v54 =	vor.u32 v7, v34  }
0x393: {  	v56 =	vor.u32 v18, v35;
	[tilespmem:v60+s20+$0x0] =	vst.idx.msk $0xffff, v59;
	v55 =	vld [tilespmem:s31+$0x10]  }
0x394: {  	v57 =	vor.u32 v2, v36;
	v49 =	vld [tilespmem:s31+$0xFFFFFF90];
	[tilespmem:v61+s20+$0x0] =	vst.idx.msk $0xffff, v39  }
0x395: {  	v58 =	vor.u32 v29, v38;
	[tilespmem:v62+s20+$0x0] =	vst.idx.msk $0xffff, v41;
	v39 =	vld [tilespmem:s3+$0x40]  }
0x396: {  	v59 =	vor.u32 v13, v37;
	[tilespmem:v52+s20+$0x0] =	vst.idx.msk $0xffff, v63;
	v41 =	vld [tilespmem:s3+$0xFFFFFFC0]  }
0x397: {  	v60 =	vor.u32 v24, v33;
	[tilespmem:v54+s20+$0x0] =	vst.idx.msk $0xffff, v53;
	v43 =	vld [tilespmem:s1+$0x70]  }
0x398: {  	[tilespmem:v56+s20+$0x0] =	vst.idx.msk $0xffff, v55;
	v45 =	vld [tilespmem:s1+$0xFFFFFFF0];
	v61 =	vor.u32 v8, v34  }
0x399: {  	[tilespmem:v57+s20+$0x0] =	vst.idx.msk $0xffff, v49;
	v62 =	vor.u32 v19, v35;
	v47 =	vld [tilespmem:s31+$0x20]  }
0x39a: {  	v63 =	vor.u32 v3, v36;
	v49 =	vld [tilespmem:s31+$0xFFFFFFA0];
	[tilespmem:v58+s20+$0x0] =	vst.idx.msk $0xffff, v39  }
0x39b: {  	v52 =	vor.u32 v30, v38;
	[tilespmem:v59+s20+$0x0] =	vst.idx.msk $0xffff, v41;
	v39 =	vld [tilespmem:s3+$0x50]  }
0x39c: {  	s26 =	simm.s32 $0xA180;
	v53 =	vor.u32 v14, v37;
	[tilespmem:v60+s20+$0x0] =	vst.idx.msk $0xffff, v43;
	v41 =	vld [tilespmem:s3+$0xFFFFFFD0]  }
0x39d: {  	v54 =	vor.u32 v25, v33;
	[tilespmem:v61+s20+$0x0] =	vst.idx.msk $0xffff, v45;
	v43 =	vld [tilespmem:s26+$0x0]  }
0x39e: {  	v55 =	vor.u32 v9, v34;
	[tilespmem:v62+s20+$0x0] =	vst.idx.msk $0xffff, v47;
	v45 =	vld [tilespmem:s26+$0xFFFFFF80]  }
0x39f: {  	v56 =	vor.u32 v20, v35;
	[tilespmem:v63+s20+$0x0] =	vst.idx.msk $0xffff, v49;
	v47 =	vld [tilespmem:s31+$0x30]  }
0x3a0: {  	v57 =	vor.u32 v4, v36;
	v49 =	vld [tilespmem:s31+$0xFFFFFFB0];
	[tilespmem:v52+s20+$0x0] =	vst.idx.msk $0xffff, v39  }
0x3a1: {  	v58 =	vor.u32 v31, v38;
	[tilespmem:v53+s20+$0x0] =	vst.idx.msk $0xffff, v41;
	v39 =	vld [tilespmem:s3+$0x60]  }
0x3a2: {  	v59 =	vor.u32 v15, v37;
	[tilespmem:v54+s20+$0x0] =	vst.idx.msk $0xffff, v43;
	v42 =	vld [tilespmem:s3+$0xFFFFFFE0]  }
0x3a3: {  	v61 =	vor.u32 v26, v33;
	[tilespmem:v55+s20+$0x0] =	vst.idx.msk $0xffff, v45;
	v60 =	vld [tilespmem:s26+$0x10]  }
0x3a4: {  	[tilespmem:v56+s20+$0x0] =	vst.idx.msk $0xffff, v47;
	v41 =	vld [tilespmem:s26+$0xFFFFFF90];
	v43 =	vor.u32 v10, v34  }
0x3a5: {  	s21 =	simm.s32 $0x6;
	v48 =	vor.u32 v21, v35;
	[tilespmem:v57+s20+$0x0] =	vst.idx.msk $0xffff, v49;
	v46 =	vld [tilespmem:s31+$0x40]  }
0x3a6: {  	v62 =	vmov s21;
	v47 =	vor.u32 v5, v36;
	v45 =	vld [tilespmem:s31+$0xFFFFFFC0];
	[tilespmem:v58+s20+$0x0] =	vst.idx.msk $0xffff, v39  }
0x3a7: {  	s30 =	simm.s32 $0xA180;
	v40 =	vor.u32 v32, v38;
	v63 =	vshll.u32 v62, $0x8;
	v49 =	vshll.u32 v62, $0x7;
	[tilespmem:v59+s20+$0x0] =	vst.idx.msk $0xffff, v42;
	v39 =	vld [tilespmem:s3+$0x70]  }
0x3a8: {  	v44 =	vor.u32 v16, v37;
	s1 =	simm.s32 $0x8;
	s21 =	simm.s32 $0x7;
	v38 =	vand.u32 $0x7800, v63;
	v49 =	vand.u32 $0x300, v49;
	[tilespmem:v61+s20+$0x0] =	vst.idx.msk $0xffff, v60;
	v42 =	vld [tilespmem:s3+$0xFFFFFFF0];
	s3 =	simm.s32 $0x7A80  }
.LBB2_9:
0x3a9: {  	p0 =	slt.u32 s1, $0x4E;
	v38 =	vor.u32 v49, v38;
	v49 =	vmov s21;
	[tilespmem:v43+s20+$0x0] =	vst.idx.msk $0xffff, v41;
	v41 =	vld [tilespmem:s26+$0x20];
	v43 =	vor.u32 v27, v33;
	v37 =	vmovc v34  }
0x3aa: {  	v34 =	vmovc v36;
	v50 =	vshll.u32 v49, $0x8;
	v49 =	vshll.u32 v49, $0x7;
	[tilespmem:v48+s20+$0x0] =	vst.idx.msk $0xffff, v46;
	v46 =	vld [tilespmem:s26+$0xFFFFFFA0];
	v48 =	vor.u32 v11, v37  }
0x3ab: {  	v36 =	vand.u32 $0x7800, v50;
	v49 =	vand.u32 $0x380, v49;
	[tilespmem:v47+s20+$0x0] =	vst.idx.msk $0xffff, v45;
	v45 =	vld [tilespmem:s31+$0x50];
	v47 =	vor.u32 v22, v35  }
0x3ac: {  	v51 =	vor.u32 v6, v34;
	s31 =	sadd.s32 $0x100, s31;
	v50 =	vor.u32 v49, v36;
	v49 =	vld [tilespmem:s3+$0xFFFFFFD0];
	[tilespmem:v40+s20+$0x0] =	vst.idx.msk $0xffff, v39  }
0x3ad: {  	v36 =	vor.u32 v0, v38;
	v38 =	vld [tilespmem:s31+$0x0];
	v39 =	vor.u32 v17, v50;
	[tilespmem:v44+s20+$0x0] =	vst.idx.msk $0xffff, v42  }
0x3ae: {  	v42 =	vor.u32 v1, v36;
	v40 =	vld [tilespmem:s31+$0xFFFFFF80];
	[tilespmem:v43+s20+$0x0] =	vst.idx.msk $0xffff, v41  }
0x3af: {  	v43 =	vor.u32 v28, v33;
	[tilespmem:v48+s20+$0x0] =	vst.idx.msk $0xffff, v46;
	v41 =	vld [tilespmem:s26+$0x30]  }
0x3b0: {  	[tilespmem:v47+s20+$0x0] =	vst.idx.msk $0xffff, v45;
	v44 =	vld [tilespmem:s26+$0xFFFFFFB0];
	v45 =	vor.u32 v12, v37  }
0x3b1: {  	v47 =	vor.u32 v23, v35;
	[tilespmem:v51+s20+$0x0] =	vst.idx.msk $0xffff, v49;
	v46 =	vld [tilespmem:s3+$0x60]  }
0x3b2: {  	[tilespmem:v39+s20+$0x0] =	vst.idx.msk $0xffff, v38;
	v38 =	vld [tilespmem:s3+$0xFFFFFFE0];
	v39 =	vor.u32 v7, v34  }
0x3b3: {  	[tilespmem:v42+s20+$0x0] =	vst.idx.msk $0xffff, v40;
	v40 =	vld [tilespmem:s31+$0x10];
	v42 =	vor.u32 v18, v50  }
0x3b4: {  	v49 =	vor.u32 v2, v36;
	v48 =	vld [tilespmem:s31+$0xFFFFFF90];
	[tilespmem:v43+s20+$0x0] =	vst.idx.msk $0xffff, v41  }
0x3b5: {  	v43 =	vor.u32 v29, v33;
	[tilespmem:v45+s20+$0x0] =	vst.idx.msk $0xffff, v44;
	v41 =	vld [tilespmem:s26+$0x40]  }
0x3b6: {  	v45 =	vor.u32 v13, v37;
	[tilespmem:v47+s20+$0x0] =	vst.idx.msk $0xffff, v46;
	v44 =	vld [tilespmem:s26+$0xFFFFFFC0]  }
0x3b7: {  	[tilespmem:v39+s20+$0x0] =	vst.idx.msk $0xffff, v38;
	v38 =	vld [tilespmem:s3+$0x70];
	v39 =	vor.u32 v24, v35  }
0x3b8: {  	[tilespmem:v42+s20+$0x0] =	vst.idx.msk $0xffff, v40;
	v40 =	vld [tilespmem:s3+$0xFFFFFFF0];
	v42 =	vor.u32 v8, v34;
	s3 =	smov.u32 s31  }
0x3b9: {  	v47 =	vor.u32 v19, v50;
	[tilespmem:v49+s20+$0x0] =	vst.idx.msk $0xffff, v48;
	v46 =	vld [tilespmem:s31+$0x20]  }
0x3ba: {  	v49 =	vor.u32 v3, v36;
	v48 =	vld [tilespmem:s31+$0xFFFFFFA0];
	[tilespmem:v43+s20+$0x0] =	vst.idx.msk $0xffff, v41  }
0x3bb: {  	v43 =	vor.u32 v30, v33;
	[tilespmem:v45+s20+$0x0] =	vst.idx.msk $0xffff, v44;
	v41 =	vld [tilespmem:s26+$0x50]  }
0x3bc: {  	s26 =	sadd.s32 $0x100, s26;
	[tilespmem:v39+s20+$0x0] =	vst.idx.msk $0xffff, v38;
	v38 =	vld [tilespmem:s30+$0xFFFFFFD0];
	v39 =	vor.u32 v14, v37  }
0x3bd: {  	[tilespmem:v42+s20+$0x0] =	vst.idx.msk $0xffff, v40;
	v40 =	vld [tilespmem:s26+$0x0];
	v42 =	vor.u32 v25, v35  }
0x3be: {  	v45 =	vor.u32 v9, v34;
	[tilespmem:v47+s20+$0x0] =	vst.idx.msk $0xffff, v46;
	v44 =	vld [tilespmem:s26+$0xFFFFFF80]  }
0x3bf: {  	v47 =	vor.u32 v20, v50;
	[tilespmem:v49+s20+$0x0] =	vst.idx.msk $0xffff, v48;
	v46 =	vld [tilespmem:s31+$0x30]  }
0x3c0: {  	v49 =	vor.u32 v4, v36;
	v48 =	vld [tilespmem:s31+$0xFFFFFFB0];
	[tilespmem:v43+s20+$0x0] =	vst.idx.msk $0xffff, v41  }
0x3c1: {  	[tilespmem:v39+s20+$0x0] =	vst.idx.msk $0xffff, v38;
	v38 =	vld [tilespmem:s30+$0x60];
	v39 =	vor.u32 v31, v33  }
0x3c2: {  	[tilespmem:v42+s20+$0x0] =	vst.idx.msk $0xffff, v40;
	v40 =	vld [tilespmem:s30+$0xFFFFFFE0];
	v42 =	vor.u32 v15, v37  }
0x3c3: {  	v51 =	vor.u32 v26, v35;
	[tilespmem:v45+s20+$0x0] =	vst.idx.msk $0xffff, v44;
	v44 =	vld [tilespmem:s26+$0x10]  }
.Ltmp3:
0x3c4: {  	v43 =	vor.u32 v10, v34;
	[tilespmem:v47+s20+$0x0] =	vst.idx.msk $0xffff, v46;
	v41 =	vld [tilespmem:s26+$0xFFFFFF90];
	(pc) =	sbr.rel @p0 .LBB2_9-.Ltmp3, $4  }
0x3c5: {  	[tilespmem:v49+s20+$0x0] =	vst.idx.msk $0xffff, v48;
	v46 =	vld [tilespmem:s31+$0x40];
	v48 =	vor.u32 v21, v50  }
0x3c6: {  	v47 =	vor.u32 v5, v36;
	v49 =	vmov s1;
	v45 =	vld [tilespmem:s31+$0xFFFFFFC0];
	[tilespmem:v39+s20+$0x0] =	vst.idx.msk $0xffff, v38  }
0x3c7: {  	v38 =	vshll.u32 v49, $0x8;
	v49 =	vshll.u32 v49, $0x7;
	[tilespmem:v42+s20+$0x0] =	vst.idx.msk $0xffff, v40;
	v39 =	vld [tilespmem:s30+$0x70];
	v40 =	vor.u32 v32, v33;
	v33 =	vmovc v35  }
0x3c8: {  	s21 =	sadd.s32 $0x1, s1;
	s1 =	sadd.s32 $0x2, s1;
	v38 =	vand.u32 $0x7800, v38;
	v49 =	vand.u32 $0x300, v49;
	v35 =	vmovc v50;
	[tilespmem:v51+s20+$0x0] =	vst.idx.msk $0xffff, v44;
	v42 =	vld [tilespmem:s30+$0xFFFFFFF0];
	v44 =	vor.u32 v16, v37;
	s30 =	smov.u32 s26  }
0x3c9: {  	v37 =	vmov s21  }
0x3ca: {  	v50 =	vshll.u32 v37, $0x8;
	v37 =	vshll.u32 v37, $0x7  }
0x3cb: {  	v50 =	vand.u32 $0x7800, v50;
	v37 =	vand.u32 $0x380, v37  }
0x3cc: {  	v49 =	vor.u32 v49, v38;
	s1 =	sadd.s32 $0x100, s31;
	v38 =	vor.u32 v37, v50  }
0x3cd: {  	v57 =	vld [tilespmem:s1+$0x0];
	v37 =	vor.u32 v0, v49;
	v50 =	vor.u32 v17, v38  }
0x3ce: {  	v51 =	vld [tilespmem:s1+$0xFFFFFF80];
	v52 =	vor.u32 v1, v37;
	_ =	sdelay $0x3  }
0x3cf: {  	[tilespmem:v50+s20+$0x0] =	vst.idx.msk $0xffff, v57  }
0x3d0: {  	v58 =	vor.u32 v18, v38;
	[tilespmem:v52+s20+$0x0] =	vst.idx.msk $0xffff, v51;
	v49 =	vld [tilespmem:s1+$0x10]  }
0x3d1: {  	v59 =	vor.u32 v2, v37;
	v51 =	vld [tilespmem:s1+$0xFFFFFF90];
	_ =	sdelay $0x3  }
0x3d2: {  	[tilespmem:v58+s20+$0x0] =	vst.idx.msk $0xffff, v49  }
0x3d3: {  	v60 =	vor.u32 v19, v38;
	[tilespmem:v59+s20+$0x0] =	vst.idx.msk $0xffff, v51;
	v49 =	vld [tilespmem:s1+$0x20]  }
0x3d4: {  	v61 =	vor.u32 v3, v37;
	v51 =	vld [tilespmem:s1+$0xFFFFFFA0];
	_ =	sdelay $0x3  }
0x3d5: {  	[tilespmem:v60+s20+$0x0] =	vst.idx.msk $0xffff, v49  }
0x3d6: {  	v62 =	vor.u32 v20, v38;
	[tilespmem:v61+s20+$0x0] =	vst.idx.msk $0xffff, v51;
	v49 =	vld [tilespmem:s1+$0x30]  }
0x3d7: {  	v63 =	vor.u32 v4, v37;
	v51 =	vld [tilespmem:s1+$0xFFFFFFB0];
	_ =	sdelay $0x3  }
0x3d8: {  	[tilespmem:v62+s20+$0x0] =	vst.idx.msk $0xffff, v49  }
0x3d9: {  	v56 =	vor.u32 v21, v38;
	[tilespmem:v63+s20+$0x0] =	vst.idx.msk $0xffff, v51;
	v49 =	vld [tilespmem:s1+$0x40]  }
0x3da: {  	v57 =	vor.u32 v5, v37;
	v51 =	vld [tilespmem:s1+$0xFFFFFFC0];
	_ =	sdelay $0x1  }
0x3db: {  	[tilespmem:v48+s20+$0x0] =	vst.idx.msk $0xffff, v46  }
0x3dc: {  	v46 =	vld [tilespmem:s31+$0x50];
	[tilespmem:v47+s20+$0x0] =	vst.idx.msk $0xffff, v45;
	v58 =	vor.u32 v22, v35  }
0x3dd: {  	v47 =	vld [tilespmem:s3+$0xFFFFFFD0];
	v59 =	vor.u32 v6, v36;
	[tilespmem:v56+s20+$0x0] =	vst.idx.msk $0xffff, v49  }
0x3de: {  	v60 =	vor.u32 v22, v38;
	[tilespmem:v57+s20+$0x0] =	vst.idx.msk $0xffff, v51;
	v49 =	vld [tilespmem:s1+$0x50]  }
0x3df: {  	v61 =	vor.u32 v6, v37;
	v51 =	vld [tilespmem:s1+$0xFFFFFFD0];
	_ =	sdelay $0x1  }
0x3e0: {  	[tilespmem:v58+s20+$0x0] =	vst.idx.msk $0xffff, v46  }
0x3e1: {  	[tilespmem:v59+s20+$0x0] =	vst.idx.msk $0xffff, v47;
	v45 =	vld [tilespmem:s3+$0x60];
	v62 =	vor.u32 v23, v35  }
0x3e2: {  	v47 =	vld [tilespmem:s3+$0xFFFFFFE0];
	v63 =	vor.u32 v7, v36;
	[tilespmem:v60+s20+$0x0] =	vst.idx.msk $0xffff, v49  }
0x3e3: {  	v56 =	vor.u32 v23, v38;
	[tilespmem:v61+s20+$0x0] =	vst.idx.msk $0xffff, v51;
	v49 =	vld [tilespmem:s1+$0x60]  }
0x3e4: {  	v57 =	vor.u32 v7, v37;
	v51 =	vld [tilespmem:s1+$0xFFFFFFE0];
	_ =	sdelay $0x1  }
0x3e5: {  	[tilespmem:v62+s20+$0x0] =	vst.idx.msk $0xffff, v45  }
0x3e6: {  	v58 =	vor.u32 v24, v35;
	[tilespmem:v63+s20+$0x0] =	vst.idx.msk $0xffff, v47;
	v45 =	vld [tilespmem:s3+$0x70]  }
0x3e7: {  	v59 =	vor.u32 v8, v36;
	v47 =	vld [tilespmem:s3+$0xFFFFFFF0];
	[tilespmem:v56+s20+$0x0] =	vst.idx.msk $0xffff, v49  }
0x3e8: {  	v60 =	vor.u32 v24, v38;
	[tilespmem:v57+s20+$0x0] =	vst.idx.msk $0xffff, v51;
	v49 =	vld [tilespmem:s1+$0x70]  }
0x3e9: {  	v61 =	vor.u32 v8, v37;
	v51 =	vld [tilespmem:s1+$0xFFFFFFF0];
	_ =	sdelay $0x1  }
0x3ea: {  	s31 =	sadd.s32 $0x100, s26;
	[tilespmem:v58+s20+$0x0] =	vst.idx.msk $0xffff, v45  }
0x3eb: {  	v62 =	vor.u32 v25, v35;
	[tilespmem:v59+s20+$0x0] =	vst.idx.msk $0xffff, v47;
	v45 =	vld [tilespmem:s31+$0x0]  }
0x3ec: {  	v63 =	vor.u32 v9, v36;
	v47 =	vld [tilespmem:s31+$0xFFFFFF80];
	s1 =	sadd.s32 $0x100, s31;
	[tilespmem:v60+s20+$0x0] =	vst.idx.msk $0xffff, v49  }
0x3ed: {  	v56 =	vor.u32 v25, v38;
	[tilespmem:v61+s20+$0x0] =	vst.idx.msk $0xffff, v51;
	v49 =	vld [tilespmem:s1+$0x0]  }
0x3ee: {  	v57 =	vor.u32 v9, v37;
	v51 =	vld [tilespmem:s1+$0xFFFFFF80]  }
0x3ef: {  	[tilespmem:v43+s20+$0x0] =	vst.idx.msk $0xffff, v41  }
0x3f0: {  	[tilespmem:v62+s20+$0x0] =	vst.idx.msk $0xffff, v45  }
0x3f1: {  	v59 =	vor.u32 v26, v35;
	[tilespmem:v63+s20+$0x0] =	vst.idx.msk $0xffff, v47;
	v58 =	vld [tilespmem:s31+$0x10]  }
0x3f2: {  	v60 =	vld [tilespmem:s31+$0xFFFFFF90];
	v61 =	vor.u32 v10, v36;
	[tilespmem:v56+s20+$0x0] =	vst.idx.msk $0xffff, v49  }
0x3f3: {  	v63 =	vor.u32 v26, v38;
	[tilespmem:v57+s20+$0x0] =	vst.idx.msk $0xffff, v51;
	v62 =	vld [tilespmem:s1+$0x10]  }
0x3f4: {  	[tilespmem:v40+s20+$0x0] =	vst.idx.msk $0xffff, v39;
	v53 =	vor.u32 v10, v37;
	v52 =	vld [tilespmem:s1+$0xFFFFFF90]  }
0x3f5: {  	v54 =	vld [tilespmem:s26+$0x20];
	v55 =	vor.u32 v27, v33;
	[tilespmem:v44+s20+$0x0] =	vst.idx.msk $0xffff, v42  }
0x3f6: {  	[tilespmem:v59+s20+$0x0] =	vst.idx.msk $0xffff, v58;
	v56 =	vld [tilespmem:s26+$0xFFFFFFA0];
	v57 =	vor.u32 v11, v34  }
0x3f7: {  	v58 =	vor.u32 v27, v35;
	v41 =	vld [tilespmem:s31+$0x20];
	[tilespmem:v61+s20+$0x0] =	vst.idx.msk $0xffff, v60  }
0x3f8: {  	v59 =	vor.u32 v11, v36;
	v45 =	vld [tilespmem:s31+$0xFFFFFFA0];
	[tilespmem:v63+s20+$0x0] =	vst.idx.msk $0xffff, v62  }
0x3f9: {  	v61 =	vor.u32 v27, v38;
	[tilespmem:v53+s20+$0x0] =	vst.idx.msk $0xffff, v52;
	v60 =	vld [tilespmem:s1+$0x20]  }
0x3fa: {  	[tilespmem:v55+s20+$0x0] =	vst.idx.msk $0xffff, v54;
	v63 =	vor.u32 v11, v37;
	v62 =	vld [tilespmem:s1+$0xFFFFFFA0]  }
0x3fb: {  	[tilespmem:v57+s20+$0x0] =	vst.idx.msk $0xffff, v56;
	v52 =	vld [tilespmem:s26+$0x30];
	v53 =	vor.u32 v28, v33  }
0x3fc: {  	v55 =	vor.u32 v12, v34;
	[tilespmem:v58+s20+$0x0] =	vst.idx.msk $0xffff, v41;
	v54 =	vld [tilespmem:s26+$0xFFFFFFB0]  }
0x3fd: {  	v41 =	vld [tilespmem:s31+$0x30];
	[tilespmem:v59+s20+$0x0] =	vst.idx.msk $0xffff, v45;
	v56 =	vor.u32 v28, v35  }
0x3fe: {  	v57 =	vor.u32 v12, v36;
	v45 =	vld [tilespmem:s31+$0xFFFFFFB0];
	[tilespmem:v61+s20+$0x0] =	vst.idx.msk $0xffff, v60  }
0x3ff: {  	v58 =	vor.u32 v28, v38;
	[tilespmem:v63+s20+$0x0] =	vst.idx.msk $0xffff, v62;
	v39 =	vld [tilespmem:s1+$0x30]  }
0x400: {  	[tilespmem:v53+s20+$0x0] =	vst.idx.msk $0xffff, v52;
	v60 =	vor.u32 v12, v37;
	v59 =	vld [tilespmem:s1+$0xFFFFFFB0]  }
0x401: {  	[tilespmem:v55+s20+$0x0] =	vst.idx.msk $0xffff, v54;
	v61 =	vld [tilespmem:s26+$0x40];
	v62 =	vor.u32 v29, v33  }
0x402: {  	[tilespmem:v56+s20+$0x0] =	vst.idx.msk $0xffff, v41;
	v49 =	vld [tilespmem:s26+$0xFFFFFFC0];
	v63 =	vor.u32 v13, v34  }
0x403: {  	[tilespmem:v57+s20+$0x0] =	vst.idx.msk $0xffff, v45;
	v41 =	vld [tilespmem:s31+$0x40];
	v52 =	vor.u32 v29, v35  }
0x404: {  	v53 =	vor.u32 v13, v36;
	v45 =	vld [tilespmem:s31+$0xFFFFFFC0];
	[tilespmem:v58+s20+$0x0] =	vst.idx.msk $0xffff, v39  }
0x405: {  	v54 =	vor.u32 v29, v38;
	[tilespmem:v60+s20+$0x0] =	vst.idx.msk $0xffff, v59;
	v39 =	vld [tilespmem:s1+$0x40]  }
0x406: {  	v55 =	vor.u32 v13, v37;
	[tilespmem:v62+s20+$0x0] =	vst.idx.msk $0xffff, v61;
	v42 =	vld [tilespmem:s1+$0xFFFFFFC0]  }
0x407: {  	v56 =	vor.u32 v30, v33;
	[tilespmem:v63+s20+$0x0] =	vst.idx.msk $0xffff, v49;
	v47 =	vld [tilespmem:s26+$0x50]  }
0x408: {  	v57 =	vor.u32 v14, v34;
	[tilespmem:v52+s20+$0x0] =	vst.idx.msk $0xffff, v41;
	v49 =	vld [tilespmem:s30+$0xFFFFFFD0]  }
0x409: {  	[tilespmem:v53+s20+$0x0] =	vst.idx.msk $0xffff, v45;
	v41 =	vld [tilespmem:s31+$0x50];
	v58 =	vor.u32 v30, v35  }
0x40a: {  	v45 =	vld [tilespmem:s31+$0xFFFFFFD0];
	v59 =	vor.u32 v14, v36;
	[tilespmem:v54+s20+$0x0] =	vst.idx.msk $0xffff, v39  }
0x40b: {  	v60 =	vor.u32 v30, v38;
	[tilespmem:v55+s20+$0x0] =	vst.idx.msk $0xffff, v42;
	v39 =	vld [tilespmem:s1+$0x50]  }
0x40c: {  	v61 =	vor.u32 v14, v37;
	[tilespmem:v56+s20+$0x0] =	vst.idx.msk $0xffff, v47;
	v42 =	vld [tilespmem:s1+$0xFFFFFFD0]  }
0x40d: {  	v62 =	vor.u32 v31, v33;
	[tilespmem:v57+s20+$0x0] =	vst.idx.msk $0xffff, v49;
	v47 =	vld [tilespmem:s30+$0x60]  }
0x40e: {  	v63 =	vor.u32 v15, v34;
	[tilespmem:v58+s20+$0x0] =	vst.idx.msk $0xffff, v41;
	v49 =	vld [tilespmem:s30+$0xFFFFFFE0]  }
0x40f: {  	v52 =	vor.u32 v31, v35;
	[tilespmem:v59+s20+$0x0] =	vst.idx.msk $0xffff, v45;
	v41 =	vld [tilespmem:s31+$0x60]  }
0x410: {  	v53 =	vor.u32 v15, v36;
	v45 =	vld [tilespmem:s31+$0xFFFFFFE0];
	[tilespmem:v60+s20+$0x0] =	vst.idx.msk $0xffff, v39  }
0x411: {  	s24 =	sshll.u32 s24, $0x5;
	v54 =	vor.u32 v31, v38;
	[tilespmem:v61+s20+$0x0] =	vst.idx.msk $0xffff, v42;
	v39 =	vld [tilespmem:s1+$0x60]  }
0x412: {  	s21 =	sor.u32 s4, s24;
	v55 =	vor.u32 v15, v37;
	[tilespmem:v62+s20+$0x0] =	vst.idx.msk $0xffff, v47;
	v42 =	vld [tilespmem:s1+$0xFFFFFFE0]  }
0x413: {  	s26 =	smulhi.u32 $0x68DB8BAD, s21;
	v56 =	vor.u32 v32, v33;
	[tilespmem:v63+s20+$0x0] =	vst.idx.msk $0xffff, v49;
	v47 =	vld [tilespmem:s30+$0x70]  }
0x414: {  	v58 =	vor.u32 v16, v34;
	[tilespmem:v52+s20+$0x0] =	vst.idx.msk $0xffff, v41;
	v57 =	vld [tilespmem:s30+$0xFFFFFFF0]  }
0x415: {  	s24 =	sshrl.u32 s26, $0x8;
	v59 =	vor.u32 v32, v35;
	[tilespmem:v53+s20+$0x0] =	vst.idx.msk $0xffff, v45;
	v41 =	vld [tilespmem:s31+$0x70]  }
0x416: {  	v60 =	vld [tilespmem:s31+$0xFFFFFFF0];
	v61 =	vor.u32 v16, v36;
	s31 =	smul.u32 $0x271, s24;
	[tilespmem:v54+s20+$0x0] =	vst.idx.msk $0xffff, v39  }
0x417: {  	v38 =	vor.u32 v32, v38;
	[tilespmem:v55+s20+$0x0] =	vst.idx.msk $0xffff, v42;
	v39 =	vld [tilespmem:s1+$0x70]  }
0x418: {  	v63 =	vor.u32 v16, v37;
	s3 =	ssub.s32 s21, s31;
	[tilespmem:v56+s20+$0x0] =	vst.idx.msk $0xffff, v47;
	v62 =	vld [tilespmem:s1+$0xFFFFFFF0]  }
0x419: {  	[tilespmem:v58+s20+$0x0] =	vst.idx.msk $0xffff, v57;
	s1 =	smul.u32 $0x5000, s3  }
0x41a: {  	s21 =	sshll.u32 s24, $0xA;
	[tilespmem:v59+s20+$0x0] =	vst.idx.msk $0xffff, v41  }
0x41b: {  	[tilespmem:v61+s20+$0x0] =	vst.idx.msk $0xffff, v60;
	s1 =	sadd.s32 s21, s1  }
0x41c: {  	s1 =	sshrl.u32 s1, $0x3;
	[tilespmem:v38+s20+$0x0] =	vst.idx.msk $0xffff, v39  }
0x41d: {  	s1 =	sadd.s32 s2, s1;
	[tilespmem:v63+s20+$0x0] =	vst.idx.msk $0xffff, v62  }
0x41e: {  	[hbm4b:s1+s5] =	stream.linear.scatter [tilespmem:s20], [sflag:$0x4], $0x400, $0x38;
	[tilespmem:$0x16800] =	vst v63  }
0x41f: {  	s26 =	simm.s32 $0x12000;
	s24 =	sadd.s32 $0x100, s1  }
0x420: {  	[hbm4b:s24+s5] =	stream.linear.scatter [tilespmem:s26], [sflag:$0x4], $0x400, $0x38;
	[tilespmem:$0x16800] =	vst v63  }
0x421: {  	s31 =	simm.s32 $0x12800;
	s30 =	sadd.s32 $0x200, s1  }
0x422: {  	[hbm4b:s30+s5] =	stream.linear.scatter [tilespmem:s31], [sflag:$0x4], $0x400, $0x38;
	[tilespmem:$0x16800] =	vst v63  }
0x423: {  	s24 =	sadd.s32 $0x300, s1;
	s26 =	simm.s32 $0x13000  }
0x424: {  	[hbm4b:s24+s5] =	stream.linear.scatter [tilespmem:s26], [sflag:$0x4], $0x400, $0x38;
	[tilespmem:$0x16800] =	vst v63  }
0x425: {  	s30 =	sadd.s32 $0x400, s1;
	s31 =	simm.s32 $0x13800  }
0x426: {  	[hbm4b:s30+s5] =	stream.linear.scatter [tilespmem:s31], [sflag:$0x4], $0x400, $0x38;
	[tilespmem:$0x16800] =	vst v63  }
0x427: {  	s24 =	sadd.s32 $0x500, s1;
	s26 =	simm.s32 $0x14000  }
0x428: {  	[hbm4b:s24+s5] =	stream.linear.scatter [tilespmem:s26], [sflag:$0x4], $0x400, $0x38;
	[tilespmem:$0x16800] =	vst v63  }
0x429: {  	s30 =	sadd.s32 $0x600, s1;
	s31 =	simm.s32 $0x14800  }
0x42a: {  	[hbm4b:s30+s5] =	stream.linear.scatter [tilespmem:s31], [sflag:$0x4], $0x400, $0x38;
	[tilespmem:$0x16800] =	vst v63  }
0x42b: {  	s24 =	sadd.s32 $0x700, s1;
	s26 =	simm.s32 $0x15000  }
0x42c: {  	[hbm4b:s24+s5] =	stream.linear.scatter [tilespmem:s26], [sflag:$0x4], $0x400, $0x38;
	[tilespmem:$0x16800] =	vst v63  }
0x42d: {  	s30 =	sadd.s32 $0x800, s1;
	s31 =	simm.s32 $0x15800  }
0x42e: {  	[hbm4b:s30+s5] =	stream.linear.scatter [tilespmem:s31], [sflag:$0x4], $0x400, $0x38;
	[tilespmem:$0x16800] =	vst v63  }
0x42f: {  	s24 =	sadd.s32 $0x900, s1  }
0x430: {  	[hbm4b:s24+s5] =	stream.linear.scatter [tilespmem:s23], [sflag:$0x4], $0x400, $0x38;
	[tilespmem:$0x16800] =	vst v63  }
0x431: {  	s1 =	sadd.s32 $0x186A00, s1  }
0x432: {  	[hbm4b:s1+s5] =	stream.linear.scatter [tilespmem:s25], [sflag:$0x4], $0x400, $0x38;
	[tilespmem:$0x16800] =	vst v63  }
0x433: {  	s26 =	sadd.s32 $0x100, s1  }
0x434: {  	[hbm4b:s26+s5] =	stream.linear.scatter [tilespmem:s6], [sflag:$0x4], $0x400, $0x38;
	[tilespmem:$0x16800] =	vst v63  }
0x435: {  	s30 =	sadd.s32 $0x200, s1  }
0x436: {  	[hbm4b:s30+s5] =	stream.linear.scatter [tilespmem:s12], [sflag:$0x4], $0x400, $0x38;
	[tilespmem:$0x16800] =	vst v63  }
0x437: {  	s31 =	sadd.s32 $0x300, s1  }
0x438: {  	[hbm4b:s31+s5] =	stream.linear.scatter [tilespmem:s17], [sflag:$0x4], $0x400, $0x38;
	[tilespmem:$0x16800] =	vst v63  }
0x439: {  	s21 =	sadd.s32 $0x400, s1  }
0x43a: {  	[hbm4b:s21+s5] =	stream.linear.scatter [tilespmem:s11], [sflag:$0x4], $0x400, $0x38;
	[tilespmem:$0x16800] =	vst v63  }
0x43b: {  	s24 =	sadd.s32 $0x500, s1  }
0x43c: {  	[hbm4b:s24+s5] =	stream.linear.scatter [tilespmem:s18], [sflag:$0x4], $0x400, $0x38;
	[tilespmem:$0x16800] =	vst v63  }
0x43d: {  	s22 =	sadd.s32 $0x1, s22;
	s26 =	sadd.s32 $0x600, s1  }
0x43e: {  	[hbm4b:s26+s5] =	stream.linear.scatter [tilespmem:s8], [sflag:$0x4], $0x400, $0x38;
	[tilespmem:$0x16800] =	vst v63  }
0x43f: {  	p0 =	sne.s32 s22, $0x12;
	s30 =	sadd.s32 $0x700, s1  }
0x440: {  	[hbm4b:s30+s5] =	stream.linear.scatter [tilespmem:s9], [sflag:$0x4], $0x400, $0x38;
	[tilespmem:$0x16800] =	vst v63  }
.Ltmp4:
0x441: {  	_ = 	snop;
	(pc) =	sbr.rel @p0 .LBB2_6-.Ltmp4, $4  }
0x442: {  	s31 =	sadd.s32 $0x800, s1  }
0x443: {  	[hbm4b:s31+s5] =	stream.linear.scatter [tilespmem:s7], [sflag:$0x4], $0x400, $0x38;
	[tilespmem:$0x16800] =	vst v63  }
0x444: {  	s1 =	sadd.s32 $0x900, s1  }
0x445: {  	[hbm4b:s1+s5] =	stream.linear.scatter [tilespmem:s10], [sflag:$0x4], $0x400, $0x38;
	[tilespmem:$0x16800] =	vst v63  }
0x446: {  	s1 =	rddreg [dreg:$0x9];
	s3 =	simm.s32 $0x7800  }
0x447: {  	[tilespmem:s3], [sflag:$0x2] =	stream.indirect.gather [hbm4b:s0+s19], $0x80, s1, s19, $0xb8;
	[tilespmem:$0x16800] =	vst v63  }
0x448: {  	s22 =	rddreg [dreg:$0xa];
	s24 =	simm.s32 $0xA000  }
0x449: {  	[tilespmem:s24], [sflag:$0x2] =	stream.indirect.gather [hbm4b:s0+s19], $0x80, s22, s19, $0xb8;
	[tilespmem:$0x16800] =	vst v63  }
0x44a: {  	_ =	swait.ge [sflag:s13], $0x2800  }
0x44b: {  	[sflag:s13] =	ssyncset.done $0x0  }
0x44c: {  	[sflag:s13] =	ssyncadd.s32 $0xFFFFD800  }
0x44d: {  	_ =	swait.ge [sflag:s13], $0x2800  }
0x44e: {  	[sflag:s13] =	ssyncset.done $0x0  }
0x44f: {  	[sflag:s13] =	ssyncadd.s32 $0xFFFFD800  }
0x450: {  	s26 =	simm.s32 $0x0;
	_ =	swait.ge [sflag:s28], $0x2800  }
0x451: {  	s30 =	simm.s32 $0x1;
	v33 =	vmov s26;
	[sflag:s28] =	ssyncset.done $0x0  }
0x452: {  	v35 =	vmov s30;
	v34 =	vshll.u32 v33, $0x8;
	v33 =	vshll.u32 v33, $0x7;
	[sflag:s28] =	ssyncadd.s32 $0xFFFFD800  }
0x453: {  	v36 =	vshll.u32 v35, $0x8;
	v35 =	vshll.u32 v35, $0x7;
	v34 =	vand.u32 $0x7800, v34;
	_ =	swait.ge [sflag:s28], $0x2800  }
0x454: {  	v33 =	vand.u32 $0x300, v33;
	v36 =	vand.u32 $0x7800, v36;
	v35 =	vand.u32 $0x380, v35;
	[sflag:s28] =	ssyncset.done $0x0  }
0x455: {  	s31 =	simm.s32 $0x2880;
	v33 =	vor.u32 v33, v34;
	v38 =	vor.u32 v35, v36;
	[sflag:s28] =	ssyncadd.s32 $0xFFFFD800  }
0x456: {  	v37 =	vor.u32 v0, v33;
	v47 =	vor.u32 v17, v38;
	v46 =	vld [tilespmem:s31+$0x0]  }
0x457: {  	v49 =	vor.u32 v1, v37;
	v48 =	vld [tilespmem:s31+$0xFFFFFF80];
	_ =	sdelay $0x3  }
0x458: {  	[tilespmem:v47+s29+$0x0] =	vst.idx.msk $0xffff, v46  }
0x459: {  	v50 =	vor.u32 v18, v38;
	[tilespmem:v49+s29+$0x0] =	vst.idx.msk $0xffff, v48;
	v33 =	vld [tilespmem:s31+$0x10]  }
0x45a: {  	v51 =	vor.u32 v2, v37;
	v35 =	vld [tilespmem:s31+$0xFFFFFF90];
	_ =	sdelay $0x3  }
0x45b: {  	[tilespmem:v50+s29+$0x0] =	vst.idx.msk $0xffff, v33  }
0x45c: {  	v52 =	vor.u32 v19, v38;
	[tilespmem:v51+s29+$0x0] =	vst.idx.msk $0xffff, v35;
	v33 =	vld [tilespmem:s31+$0x20]  }
0x45d: {  	v53 =	vor.u32 v3, v37;
	v35 =	vld [tilespmem:s31+$0xFFFFFFA0];
	_ =	sdelay $0x3  }
0x45e: {  	[tilespmem:v52+s29+$0x0] =	vst.idx.msk $0xffff, v33  }
0x45f: {  	v54 =	vor.u32 v20, v38;
	[tilespmem:v53+s29+$0x0] =	vst.idx.msk $0xffff, v35;
	v33 =	vld [tilespmem:s31+$0x30]  }
0x460: {  	v55 =	vor.u32 v4, v37;
	v35 =	vld [tilespmem:s31+$0xFFFFFFB0];
	_ =	sdelay $0x3  }
0x461: {  	[tilespmem:v54+s29+$0x0] =	vst.idx.msk $0xffff, v33  }
0x462: {  	v56 =	vor.u32 v21, v38;
	[tilespmem:v55+s29+$0x0] =	vst.idx.msk $0xffff, v35;
	v33 =	vld [tilespmem:s31+$0x40]  }
0x463: {  	v57 =	vor.u32 v5, v37;
	v35 =	vld [tilespmem:s31+$0xFFFFFFC0]  }
0x464: {  	s15 =	simm.s32 $0x2;
	s21 =	simm.s32 $0x3  }
0x465: {  	v39 =	vmov s15;
	v41 =	vmov s21  }
0x466: {  	v40 =	vshll.u32 v39, $0x8;
	v39 =	vshll.u32 v39, $0x7;
	v42 =	vshll.u32 v41, $0x8  }
0x467: {  	v41 =	vshll.u32 v41, $0x7;
	v40 =	vand.u32 $0x7800, v40;
	v39 =	vand.u32 $0x300, v39;
	[tilespmem:v56+s29+$0x0] =	vst.idx.msk $0xffff, v33  }
0x468: {  	v58 =	vand.u32 $0x7800, v42;
	v59 =	vand.u32 $0x380, v41;
	v61 =	vor.u32 v22, v38;
	[tilespmem:v57+s29+$0x0] =	vst.idx.msk $0xffff, v35;
	v60 =	vld [tilespmem:s31+$0x50]  }
0x469: {  	s22 =	simm.s32 $0x2980;
	v39 =	vor.u32 v39, v40;
	v63 =	vor.u32 v6, v37;
	v33 =	vor.u32 v59, v58;
	v62 =	vld [tilespmem:s31+$0xFFFFFFD0]  }
0x46a: {  	v34 =	vor.u32 v0, v39;
	v48 =	vld [tilespmem:s22+$0x0];
	v49 =	vor.u32 v17, v33  }
0x46b: {  	v44 =	vor.u32 v1, v34;
	v43 =	vld [tilespmem:s22+$0xFFFFFF80];
	_ =	sdelay $0x1  }
0x46c: {  	[tilespmem:v61+s29+$0x0] =	vst.idx.msk $0xffff, v60  }
0x46d: {  	v50 =	vor.u32 v23, v38;
	[tilespmem:v63+s29+$0x0] =	vst.idx.msk $0xffff, v62;
	v35 =	vld [tilespmem:s31+$0x60]  }
0x46e: {  	v52 =	vor.u32 v7, v37;
	[tilespmem:v49+s29+$0x0] =	vst.idx.msk $0xffff, v48;
	v51 =	vld [tilespmem:s31+$0xFFFFFFE0]  }
0x46f: {  	[tilespmem:v44+s29+$0x0] =	vst.idx.msk $0xffff, v43;
	v54 =	vor.u32 v18, v33;
	v53 =	vld [tilespmem:s22+$0x10]  }
0x470: {  	v43 =	vld [tilespmem:s22+$0xFFFFFF90];
	v55 =	vor.u32 v2, v34;
	_ =	sdelay $0x1  }
0x471: {  	[tilespmem:v50+s29+$0x0] =	vst.idx.msk $0xffff, v35  }
0x472: {  	v56 =	vor.u32 v24, v38;
	[tilespmem:v52+s29+$0x0] =	vst.idx.msk $0xffff, v51;
	v35 =	vld [tilespmem:s31+$0x70]  }
0x473: {  	v57 =	vor.u32 v8, v37;
	[tilespmem:v54+s29+$0x0] =	vst.idx.msk $0xffff, v53;
	v39 =	vld [tilespmem:s31+$0xFFFFFFF0]  }
0x474: {  	[tilespmem:v55+s29+$0x0] =	vst.idx.msk $0xffff, v43;
	v58 =	vor.u32 v19, v33;
	v41 =	vld [tilespmem:s22+$0x20]  }
0x475: {  	v43 =	vld [tilespmem:s22+$0xFFFFFFA0];
	v59 =	vor.u32 v3, v34;
	_ =	sdelay $0x1  }
0x476: {  	s26 =	simm.s32 $0x5080;
	[tilespmem:v56+s29+$0x0] =	vst.idx.msk $0xffff, v35  }
0x477: {  	v60 =	vor.u32 v25, v38;
	[tilespmem:v57+s29+$0x0] =	vst.idx.msk $0xffff, v39;
	v35 =	vld [tilespmem:s26+$0x0]  }
0x478: {  	v61 =	vor.u32 v9, v37;
	[tilespmem:v58+s29+$0x0] =	vst.idx.msk $0xffff, v41;
	v39 =	vld [tilespmem:s26+$0xFFFFFF80]  }
0x479: {  	[tilespmem:v59+s29+$0x0] =	vst.idx.msk $0xffff, v43;
	v62 =	vor.u32 v20, v33;
	v41 =	vld [tilespmem:s22+$0x30]  }
0x47a: {  	v43 =	vld [tilespmem:s22+$0xFFFFFFB0];
	v63 =	vor.u32 v4, v34;
	_ =	sdelay $0x1  }
0x47b: {  	[tilespmem:v60+s29+$0x0] =	vst.idx.msk $0xffff, v35  }
0x47c: {  	v48 =	vor.u32 v26, v38;
	[tilespmem:v61+s29+$0x0] =	vst.idx.msk $0xffff, v39;
	v35 =	vld [tilespmem:s26+$0x10]  }
0x47d: {  	v49 =	vor.u32 v10, v37;
	[tilespmem:v62+s29+$0x0] =	vst.idx.msk $0xffff, v41;
	v39 =	vld [tilespmem:s26+$0xFFFFFF90]  }
0x47e: {  	[tilespmem:v63+s29+$0x0] =	vst.idx.msk $0xffff, v43;
	v50 =	vor.u32 v21, v33;
	v41 =	vld [tilespmem:s22+$0x40]  }
0x47f: {  	s15 =	simm.s32 $0x4;
	v45 =	vor.u32 v5, v34;
	v44 =	vld [tilespmem:s22+$0xFFFFFFC0]  }
0x480: {  	s30 =	simm.s32 $0x5;
	v51 =	vmov s15  }
0x481: {  	v55 =	vor.u32 v27, v38;
	v53 =	vmov s30;
	v46 =	vshll.u32 v51, $0x8;
	[tilespmem:v48+s29+$0x0] =	vst.idx.msk $0xffff, v35  }
0x482: {  	v43 =	vshll.u32 v51, $0x7;
	v36 =	vshll.u32 v53, $0x7;
	v46 =	vand.u32 $0x7800, v46;
	[tilespmem:v49+s29+$0x0] =	vst.idx.msk $0xffff, v39;
	v54 =	vld [tilespmem:s26+$0x20]  }
0x483: {  	v52 =	vand.u32 $0x300, v43;
	v56 =	vshll.u32 v53, $0x8;
	v58 =	vor.u32 v11, v37;
	[tilespmem:v50+s29+$0x0] =	vst.idx.msk $0xffff, v41;
	v57 =	vld [tilespmem:s26+$0xFFFFFFA0]  }
0x484: {  	v36 =	vand.u32 $0x380, v36;
	[tilespmem:v45+s29+$0x0] =	vst.idx.msk $0xffff, v44;
	v43 =	vand.u32 $0x7800, v56;
	v60 =	vor.u32 v22, v33;
	v59 =	vld [tilespmem:s22+$0x50]  }
0x485: {  	s24 =	simm.s32 $0x2A80;
	v47 =	vor.u32 v6, v34;
	v46 =	vor.u32 v52, v46;
	v61 =	vld [tilespmem:s22+$0xFFFFFFD0];
	v35 =	vor.u32 v36, v43  }
0x486: {  	v62 =	vld [tilespmem:s24+$0x0];
	v36 =	vor.u32 v0, v46;
	v48 =	vor.u32 v17, v35  }
0x487: {  	v49 =	vld [tilespmem:s24+$0xFFFFFF80];
	v50 =	vor.u32 v1, v36;
	[tilespmem:v55+s29+$0x0] =	vst.idx.msk $0xffff, v54  }
0x488: {  	v63 =	vor.u32 v28, v38;
	[tilespmem:v58+s29+$0x0] =	vst.idx.msk $0xffff, v57;
	v39 =	vld [tilespmem:s26+$0x30]  }
0x489: {  	v52 =	vor.u32 v12, v37;
	[tilespmem:v60+s29+$0x0] =	vst.idx.msk $0xffff, v59;
	v41 =	vld [tilespmem:s26+$0xFFFFFFB0]  }
0x48a: {  	[tilespmem:v47+s29+$0x0] =	vst.idx.msk $0xffff, v61;
	v54 =	vor.u32 v23, v33;
	v53 =	vld [tilespmem:s22+$0x60]  }
0x48b: {  	v56 =	vor.u32 v7, v34;
	[tilespmem:v48+s29+$0x0] =	vst.idx.msk $0xffff, v62;
	v55 =	vld [tilespmem:s22+$0xFFFFFFE0]  }
0x48c: {  	[tilespmem:v50+s29+$0x0] =	vst.idx.msk $0xffff, v49;
	v58 =	vor.u32 v18, v35;
	v57 =	vld [tilespmem:s24+$0x10]  }
0x48d: {  	v59 =	vor.u32 v2, v36;
	v49 =	vld [tilespmem:s24+$0xFFFFFF90];
	[tilespmem:v63+s29+$0x0] =	vst.idx.msk $0xffff, v39  }
0x48e: {  	v60 =	vor.u32 v29, v38;
	[tilespmem:v52+s29+$0x0] =	vst.idx.msk $0xffff, v41;
	v39 =	vld [tilespmem:s26+$0x40]  }
0x48f: {  	v61 =	vor.u32 v13, v37;
	[tilespmem:v54+s29+$0x0] =	vst.idx.msk $0xffff, v53;
	v41 =	vld [tilespmem:s26+$0xFFFFFFC0]  }
0x490: {  	v62 =	vor.u32 v24, v33;
	[tilespmem:v56+s29+$0x0] =	vst.idx.msk $0xffff, v55;
	v43 =	vld [tilespmem:s22+$0x70]  }
0x491: {  	[tilespmem:v58+s29+$0x0] =	vst.idx.msk $0xffff, v57;
	v45 =	vld [tilespmem:s22+$0xFFFFFFF0];
	v63 =	vor.u32 v8, v34  }
0x492: {  	[tilespmem:v59+s29+$0x0] =	vst.idx.msk $0xffff, v49;
	v52 =	vor.u32 v19, v35;
	v47 =	vld [tilespmem:s24+$0x20]  }
0x493: {  	v53 =	vor.u32 v3, v36;
	v49 =	vld [tilespmem:s24+$0xFFFFFFA0];
	[tilespmem:v60+s29+$0x0] =	vst.idx.msk $0xffff, v39  }
0x494: {  	v54 =	vor.u32 v30, v38;
	[tilespmem:v61+s29+$0x0] =	vst.idx.msk $0xffff, v41;
	v39 =	vld [tilespmem:s26+$0x50]  }
0x495: {  	s15 =	simm.s32 $0x5180;
	v55 =	vor.u32 v14, v37;
	[tilespmem:v62+s29+$0x0] =	vst.idx.msk $0xffff, v43;
	v41 =	vld [tilespmem:s26+$0xFFFFFFD0]  }
0x496: {  	v56 =	vor.u32 v25, v33;
	[tilespmem:v63+s29+$0x0] =	vst.idx.msk $0xffff, v45;
	v43 =	vld [tilespmem:s15+$0x0]  }
0x497: {  	v57 =	vor.u32 v9, v34;
	[tilespmem:v52+s29+$0x0] =	vst.idx.msk $0xffff, v47;
	v45 =	vld [tilespmem:s15+$0xFFFFFF80]  }
0x498: {  	v58 =	vor.u32 v20, v35;
	[tilespmem:v53+s29+$0x0] =	vst.idx.msk $0xffff, v49;
	v47 =	vld [tilespmem:s24+$0x30]  }
0x499: {  	v59 =	vor.u32 v4, v36;
	v49 =	vld [tilespmem:s24+$0xFFFFFFB0];
	[tilespmem:v54+s29+$0x0] =	vst.idx.msk $0xffff, v39  }
0x49a: {  	v60 =	vor.u32 v31, v38;
	[tilespmem:v55+s29+$0x0] =	vst.idx.msk $0xffff, v41;
	v39 =	vld [tilespmem:s26+$0x60]  }
0x49b: {  	v61 =	vor.u32 v15, v37;
	[tilespmem:v56+s29+$0x0] =	vst.idx.msk $0xffff, v43;
	v42 =	vld [tilespmem:s26+$0xFFFFFFE0]  }
0x49c: {  	v52 =	vor.u32 v26, v33;
	[tilespmem:v57+s29+$0x0] =	vst.idx.msk $0xffff, v45;
	v51 =	vld [tilespmem:s15+$0x10]  }
0x49d: {  	[tilespmem:v58+s29+$0x0] =	vst.idx.msk $0xffff, v47;
	v41 =	vld [tilespmem:s15+$0xFFFFFF90];
	v43 =	vor.u32 v10, v34  }
0x49e: {  	s31 =	simm.s32 $0x6;
	v48 =	vor.u32 v21, v35;
	[tilespmem:v59+s29+$0x0] =	vst.idx.msk $0xffff, v49;
	v46 =	vld [tilespmem:s24+$0x40]  }
0x49f: {  	v62 =	vmov s31;
	v47 =	vor.u32 v5, v36;
	v45 =	vld [tilespmem:s24+$0xFFFFFFC0];
	[tilespmem:v60+s29+$0x0] =	vst.idx.msk $0xffff, v39  }
0x4a0: {  	s21 =	simm.s32 $0x7;
	v40 =	vor.u32 v32, v38;
	v63 =	vshll.u32 v62, $0x8;
	v49 =	vshll.u32 v62, $0x7;
	[tilespmem:v61+s29+$0x0] =	vst.idx.msk $0xffff, v42;
	v39 =	vld [tilespmem:s26+$0x70]  }
0x4a1: {  	s1 =	simm.s32 $0x8;
	s3 =	simm.s32 $0x2A80;
	v44 =	vor.u32 v16, v37;
	s22 =	simm.s32 $0x5180;
	v38 =	vand.u32 $0x7800, v63;
	v49 =	vand.u32 $0x300, v49;
	[tilespmem:v52+s29+$0x0] =	vst.idx.msk $0xffff, v51;
	v42 =	vld [tilespmem:s26+$0xFFFFFFF0]  }
.LBB2_12:
0x4a2: {  	p0 =	slt.u32 s1, $0x4E;
	v38 =	vor.u32 v49, v38;
	v49 =	vmov s21;
	[tilespmem:v43+s29+$0x0] =	vst.idx.msk $0xffff, v41;
	v41 =	vld [tilespmem:s15+$0x20];
	v43 =	vor.u32 v27, v33;
	v37 =	vmovc v34  }
0x4a3: {  	v34 =	vmovc v36;
	v50 =	vshll.u32 v49, $0x8;
	v49 =	vshll.u32 v49, $0x7;
	[tilespmem:v48+s29+$0x0] =	vst.idx.msk $0xffff, v46;
	v46 =	vld [tilespmem:s15+$0xFFFFFFA0];
	v48 =	vor.u32 v11, v37  }
0x4a4: {  	v36 =	vand.u32 $0x7800, v50;
	v49 =	vand.u32 $0x380, v49;
	[tilespmem:v47+s29+$0x0] =	vst.idx.msk $0xffff, v45;
	v45 =	vld [tilespmem:s24+$0x50];
	v47 =	vor.u32 v22, v35  }
0x4a5: {  	v51 =	vor.u32 v6, v34;
	s24 =	sadd.s32 $0x100, s24;
	v50 =	vor.u32 v49, v36;
	v49 =	vld [tilespmem:s3+$0xFFFFFFD0];
	[tilespmem:v40+s29+$0x0] =	vst.idx.msk $0xffff, v39  }
0x4a6: {  	v36 =	vor.u32 v0, v38;
	v38 =	vld [tilespmem:s24+$0x0];
	v39 =	vor.u32 v17, v50;
	[tilespmem:v44+s29+$0x0] =	vst.idx.msk $0xffff, v42  }
0x4a7: {  	v42 =	vor.u32 v1, v36;
	v40 =	vld [tilespmem:s24+$0xFFFFFF80];
	[tilespmem:v43+s29+$0x0] =	vst.idx.msk $0xffff, v41  }
0x4a8: {  	v43 =	vor.u32 v28, v33;
	[tilespmem:v48+s29+$0x0] =	vst.idx.msk $0xffff, v46;
	v41 =	vld [tilespmem:s15+$0x30]  }
0x4a9: {  	[tilespmem:v47+s29+$0x0] =	vst.idx.msk $0xffff, v45;
	v44 =	vld [tilespmem:s15+$0xFFFFFFB0];
	v45 =	vor.u32 v12, v37  }
0x4aa: {  	v47 =	vor.u32 v23, v35;
	[tilespmem:v51+s29+$0x0] =	vst.idx.msk $0xffff, v49;
	v46 =	vld [tilespmem:s3+$0x60]  }
0x4ab: {  	[tilespmem:v39+s29+$0x0] =	vst.idx.msk $0xffff, v38;
	v38 =	vld [tilespmem:s3+$0xFFFFFFE0];
	v39 =	vor.u32 v7, v34  }
0x4ac: {  	[tilespmem:v42+s29+$0x0] =	vst.idx.msk $0xffff, v40;
	v40 =	vld [tilespmem:s24+$0x10];
	v42 =	vor.u32 v18, v50  }
0x4ad: {  	v49 =	vor.u32 v2, v36;
	v48 =	vld [tilespmem:s24+$0xFFFFFF90];
	[tilespmem:v43+s29+$0x0] =	vst.idx.msk $0xffff, v41  }
0x4ae: {  	v43 =	vor.u32 v29, v33;
	[tilespmem:v45+s29+$0x0] =	vst.idx.msk $0xffff, v44;
	v41 =	vld [tilespmem:s15+$0x40]  }
0x4af: {  	v45 =	vor.u32 v13, v37;
	[tilespmem:v47+s29+$0x0] =	vst.idx.msk $0xffff, v46;
	v44 =	vld [tilespmem:s15+$0xFFFFFFC0]  }
0x4b0: {  	[tilespmem:v39+s29+$0x0] =	vst.idx.msk $0xffff, v38;
	v38 =	vld [tilespmem:s3+$0x70];
	v39 =	vor.u32 v24, v35  }
0x4b1: {  	[tilespmem:v42+s29+$0x0] =	vst.idx.msk $0xffff, v40;
	v40 =	vld [tilespmem:s3+$0xFFFFFFF0];
	v42 =	vor.u32 v8, v34;
	s3 =	smov.u32 s24  }
0x4b2: {  	v47 =	vor.u32 v19, v50;
	[tilespmem:v49+s29+$0x0] =	vst.idx.msk $0xffff, v48;
	v46 =	vld [tilespmem:s24+$0x20]  }
0x4b3: {  	v49 =	vor.u32 v3, v36;
	v48 =	vld [tilespmem:s24+$0xFFFFFFA0];
	[tilespmem:v43+s29+$0x0] =	vst.idx.msk $0xffff, v41  }
0x4b4: {  	v43 =	vor.u32 v30, v33;
	[tilespmem:v45+s29+$0x0] =	vst.idx.msk $0xffff, v44;
	v41 =	vld [tilespmem:s15+$0x50]  }
0x4b5: {  	s15 =	sadd.s32 $0x100, s15;
	[tilespmem:v39+s29+$0x0] =	vst.idx.msk $0xffff, v38;
	v38 =	vld [tilespmem:s22+$0xFFFFFFD0];
	v39 =	vor.u32 v14, v37  }
0x4b6: {  	[tilespmem:v42+s29+$0x0] =	vst.idx.msk $0xffff, v40;
	v40 =	vld [tilespmem:s15+$0x0];
	v42 =	vor.u32 v25, v35  }
0x4b7: {  	v45 =	vor.u32 v9, v34;
	[tilespmem:v47+s29+$0x0] =	vst.idx.msk $0xffff, v46;
	v44 =	vld [tilespmem:s15+$0xFFFFFF80]  }
0x4b8: {  	v47 =	vor.u32 v20, v50;
	[tilespmem:v49+s29+$0x0] =	vst.idx.msk $0xffff, v48;
	v46 =	vld [tilespmem:s24+$0x30]  }
0x4b9: {  	v49 =	vor.u32 v4, v36;
	v48 =	vld [tilespmem:s24+$0xFFFFFFB0];
	[tilespmem:v43+s29+$0x0] =	vst.idx.msk $0xffff, v41  }
0x4ba: {  	[tilespmem:v39+s29+$0x0] =	vst.idx.msk $0xffff, v38;
	v38 =	vld [tilespmem:s22+$0x60];
	v39 =	vor.u32 v31, v33  }
0x4bb: {  	[tilespmem:v42+s29+$0x0] =	vst.idx.msk $0xffff, v40;
	v40 =	vld [tilespmem:s22+$0xFFFFFFE0];
	v42 =	vor.u32 v15, v37  }
0x4bc: {  	v51 =	vor.u32 v26, v35;
	[tilespmem:v45+s29+$0x0] =	vst.idx.msk $0xffff, v44;
	v44 =	vld [tilespmem:s15+$0x10]  }
.Ltmp5:
0x4bd: {  	v43 =	vor.u32 v10, v34;
	[tilespmem:v47+s29+$0x0] =	vst.idx.msk $0xffff, v46;
	v41 =	vld [tilespmem:s15+$0xFFFFFF90];
	(pc) =	sbr.rel @p0 .LBB2_12-.Ltmp5, $4  }
0x4be: {  	[tilespmem:v49+s29+$0x0] =	vst.idx.msk $0xffff, v48;
	v46 =	vld [tilespmem:s24+$0x40];
	v48 =	vor.u32 v21, v50  }
0x4bf: {  	v47 =	vor.u32 v5, v36;
	v49 =	vmov s1;
	v45 =	vld [tilespmem:s24+$0xFFFFFFC0];
	[tilespmem:v39+s29+$0x0] =	vst.idx.msk $0xffff, v38  }
0x4c0: {  	v38 =	vshll.u32 v49, $0x8;
	v49 =	vshll.u32 v49, $0x7;
	[tilespmem:v42+s29+$0x0] =	vst.idx.msk $0xffff, v40;
	v39 =	vld [tilespmem:s22+$0x70];
	v40 =	vor.u32 v32, v33;
	v33 =	vmovc v35  }
0x4c1: {  	s21 =	sadd.s32 $0x1, s1;
	s1 =	sadd.s32 $0x2, s1;
	v38 =	vand.u32 $0x7800, v38;
	v49 =	vand.u32 $0x300, v49;
	v35 =	vmovc v50;
	[tilespmem:v51+s29+$0x0] =	vst.idx.msk $0xffff, v44;
	v42 =	vld [tilespmem:s22+$0xFFFFFFF0];
	v44 =	vor.u32 v16, v37;
	s22 =	smov.u32 s15  }
0x4c2: {  	v37 =	vmov s21  }
0x4c3: {  	v50 =	vshll.u32 v37, $0x8;
	v37 =	vshll.u32 v37, $0x7  }
0x4c4: {  	v50 =	vand.u32 $0x7800, v50;
	v37 =	vand.u32 $0x380, v37  }
0x4c5: {  	v49 =	vor.u32 v49, v38;
	s1 =	sadd.s32 $0x100, s24;
	v38 =	vor.u32 v37, v50  }
0x4c6: {  	v58 =	vld [tilespmem:s1+$0x0];
	v37 =	vor.u32 v0, v49;
	v50 =	vor.u32 v17, v38  }
0x4c7: {  	v51 =	vld [tilespmem:s1+$0xFFFFFF80];
	v52 =	vor.u32 v1, v37;
	_ =	sdelay $0x3  }
0x4c8: {  	[tilespmem:v50+s29+$0x0] =	vst.idx.msk $0xffff, v58  }
0x4c9: {  	v59 =	vor.u32 v18, v38;
	[tilespmem:v52+s29+$0x0] =	vst.idx.msk $0xffff, v51;
	v49 =	vld [tilespmem:s1+$0x10]  }
0x4ca: {  	v60 =	vor.u32 v2, v37;
	v51 =	vld [tilespmem:s1+$0xFFFFFF90];
	_ =	sdelay $0x3  }
0x4cb: {  	[tilespmem:v59+s29+$0x0] =	vst.idx.msk $0xffff, v49  }
0x4cc: {  	v61 =	vor.u32 v19, v38;
	[tilespmem:v60+s29+$0x0] =	vst.idx.msk $0xffff, v51;
	v49 =	vld [tilespmem:s1+$0x20]  }
0x4cd: {  	v62 =	vor.u32 v3, v37;
	v51 =	vld [tilespmem:s1+$0xFFFFFFA0];
	_ =	sdelay $0x3  }
0x4ce: {  	[tilespmem:v61+s29+$0x0] =	vst.idx.msk $0xffff, v49  }
0x4cf: {  	v63 =	vor.u32 v20, v38;
	[tilespmem:v62+s29+$0x0] =	vst.idx.msk $0xffff, v51;
	v49 =	vld [tilespmem:s1+$0x30]  }
0x4d0: {  	v56 =	vor.u32 v4, v37;
	v51 =	vld [tilespmem:s1+$0xFFFFFFB0];
	_ =	sdelay $0x3  }
0x4d1: {  	[tilespmem:v63+s29+$0x0] =	vst.idx.msk $0xffff, v49  }
0x4d2: {  	v57 =	vor.u32 v21, v38;
	[tilespmem:v56+s29+$0x0] =	vst.idx.msk $0xffff, v51;
	v49 =	vld [tilespmem:s1+$0x40]  }
0x4d3: {  	v58 =	vor.u32 v5, v37;
	v51 =	vld [tilespmem:s1+$0xFFFFFFC0];
	_ =	sdelay $0x1  }
0x4d4: {  	[tilespmem:v48+s29+$0x0] =	vst.idx.msk $0xffff, v46  }
0x4d5: {  	[tilespmem:v47+s29+$0x0] =	vst.idx.msk $0xffff, v45;
	v59 =	vld [tilespmem:s24+$0x50];
	v60 =	vor.u32 v22, v35  }
0x4d6: {  	v47 =	vld [tilespmem:s3+$0xFFFFFFD0];
	v61 =	vor.u32 v6, v36;
	[tilespmem:v57+s29+$0x0] =	vst.idx.msk $0xffff, v49  }
0x4d7: {  	v62 =	vor.u32 v22, v38;
	[tilespmem:v58+s29+$0x0] =	vst.idx.msk $0xffff, v51;
	v49 =	vld [tilespmem:s1+$0x50]  }
0x4d8: {  	v63 =	vor.u32 v6, v37;
	v51 =	vld [tilespmem:s1+$0xFFFFFFD0];
	_ =	sdelay $0x1  }
0x4d9: {  	[tilespmem:v60+s29+$0x0] =	vst.idx.msk $0xffff, v59  }
0x4da: {  	v45 =	vld [tilespmem:s3+$0x60];
	[tilespmem:v61+s29+$0x0] =	vst.idx.msk $0xffff, v47;
	v56 =	vor.u32 v23, v35  }
0x4db: {  	v47 =	vld [tilespmem:s3+$0xFFFFFFE0];
	v57 =	vor.u32 v7, v36;
	[tilespmem:v62+s29+$0x0] =	vst.idx.msk $0xffff, v49  }
0x4dc: {  	v58 =	vor.u32 v23, v38;
	[tilespmem:v63+s29+$0x0] =	vst.idx.msk $0xffff, v51;
	v49 =	vld [tilespmem:s1+$0x60]  }
0x4dd: {  	v59 =	vor.u32 v7, v37;
	v51 =	vld [tilespmem:s1+$0xFFFFFFE0];
	_ =	sdelay $0x1  }
0x4de: {  	[tilespmem:v56+s29+$0x0] =	vst.idx.msk $0xffff, v45  }
0x4df: {  	v60 =	vor.u32 v24, v35;
	v45 =	vld [tilespmem:s3+$0x70];
	[tilespmem:v57+s29+$0x0] =	vst.idx.msk $0xffff, v47  }
0x4e0: {  	v61 =	vor.u32 v8, v36;
	v47 =	vld [tilespmem:s3+$0xFFFFFFF0];
	[tilespmem:v58+s29+$0x0] =	vst.idx.msk $0xffff, v49  }
0x4e1: {  	v62 =	vor.u32 v24, v38;
	[tilespmem:v59+s29+$0x0] =	vst.idx.msk $0xffff, v51;
	v49 =	vld [tilespmem:s1+$0x70]  }
0x4e2: {  	v63 =	vor.u32 v8, v37;
	v51 =	vld [tilespmem:s1+$0xFFFFFFF0];
	_ =	sdelay $0x1  }
0x4e3: {  	[tilespmem:v60+s29+$0x0] =	vst.idx.msk $0xffff, v45;
	s1 =	sadd.s32 $0x100, s15  }
0x4e4: {  	v56 =	vor.u32 v25, v35;
	[tilespmem:v61+s29+$0x0] =	vst.idx.msk $0xffff, v47;
	v45 =	vld [tilespmem:s1+$0x0]  }
0x4e5: {  	v57 =	vor.u32 v9, v36;
	v47 =	vld [tilespmem:s1+$0xFFFFFF80];
	s21 =	sadd.s32 $0x100, s1;
	[tilespmem:v62+s29+$0x0] =	vst.idx.msk $0xffff, v49  }
0x4e6: {  	v58 =	vor.u32 v25, v38;
	[tilespmem:v63+s29+$0x0] =	vst.idx.msk $0xffff, v51;
	v49 =	vld [tilespmem:s21+$0x0]  }
0x4e7: {  	v59 =	vor.u32 v9, v37;
	v51 =	vld [tilespmem:s21+$0xFFFFFF80]  }
0x4e8: {  	[tilespmem:v43+s29+$0x0] =	vst.idx.msk $0xffff, v41  }
0x4e9: {  	[tilespmem:v56+s29+$0x0] =	vst.idx.msk $0xffff, v45  }
0x4ea: {  	v61 =	vor.u32 v26, v35;
	[tilespmem:v57+s29+$0x0] =	vst.idx.msk $0xffff, v47;
	v60 =	vld [tilespmem:s1+$0x10]  }
0x4eb: {  	v63 =	vor.u32 v10, v36;
	v62 =	vld [tilespmem:s1+$0xFFFFFF90];
	[tilespmem:v58+s29+$0x0] =	vst.idx.msk $0xffff, v49  }
0x4ec: {  	v53 =	vor.u32 v26, v38;
	[tilespmem:v59+s29+$0x0] =	vst.idx.msk $0xffff, v51;
	v52 =	vld [tilespmem:s21+$0x10]  }
0x4ed: {  	[tilespmem:v40+s29+$0x0] =	vst.idx.msk $0xffff, v39;
	v55 =	vor.u32 v10, v37;
	v54 =	vld [tilespmem:s21+$0xFFFFFF90]  }
0x4ee: {  	[tilespmem:v44+s29+$0x0] =	vst.idx.msk $0xffff, v42;
	v56 =	vld [tilespmem:s15+$0x20];
	v57 =	vor.u32 v27, v33  }
0x4ef: {  	v58 =	vld [tilespmem:s15+$0xFFFFFFA0];
	v59 =	vor.u32 v11, v34;
	[tilespmem:v61+s29+$0x0] =	vst.idx.msk $0xffff, v60  }
0x4f0: {  	[tilespmem:v63+s29+$0x0] =	vst.idx.msk $0xffff, v62;
	v60 =	vor.u32 v27, v35;
	v41 =	vld [tilespmem:s1+$0x20]  }
0x4f1: {  	v61 =	vor.u32 v11, v36;
	v45 =	vld [tilespmem:s1+$0xFFFFFFA0];
	[tilespmem:v53+s29+$0x0] =	vst.idx.msk $0xffff, v52  }
0x4f2: {  	v63 =	vor.u32 v27, v38;
	[tilespmem:v55+s29+$0x0] =	vst.idx.msk $0xffff, v54;
	v62 =	vld [tilespmem:s21+$0x20]  }
0x4f3: {  	[tilespmem:v57+s29+$0x0] =	vst.idx.msk $0xffff, v56;
	v53 =	vor.u32 v11, v37;
	v52 =	vld [tilespmem:s21+$0xFFFFFFA0]  }
0x4f4: {  	[tilespmem:v59+s29+$0x0] =	vst.idx.msk $0xffff, v58;
	v54 =	vld [tilespmem:s15+$0x30];
	v55 =	vor.u32 v28, v33  }
0x4f5: {  	v57 =	vor.u32 v12, v34;
	v56 =	vld [tilespmem:s15+$0xFFFFFFB0];
	[tilespmem:v60+s29+$0x0] =	vst.idx.msk $0xffff, v41  }
0x4f6: {  	v58 =	vor.u32 v28, v35;
	[tilespmem:v61+s29+$0x0] =	vst.idx.msk $0xffff, v45;
	v41 =	vld [tilespmem:s1+$0x30]  }
0x4f7: {  	v59 =	vor.u32 v12, v36;
	v45 =	vld [tilespmem:s1+$0xFFFFFFB0];
	[tilespmem:v63+s29+$0x0] =	vst.idx.msk $0xffff, v62  }
0x4f8: {  	v60 =	vor.u32 v28, v38;
	[tilespmem:v53+s29+$0x0] =	vst.idx.msk $0xffff, v52;
	v39 =	vld [tilespmem:s21+$0x30]  }
0x4f9: {  	[tilespmem:v55+s29+$0x0] =	vst.idx.msk $0xffff, v54;
	v62 =	vor.u32 v12, v37;
	v61 =	vld [tilespmem:s21+$0xFFFFFFB0]  }
0x4fa: {  	[tilespmem:v57+s29+$0x0] =	vst.idx.msk $0xffff, v56;
	v63 =	vld [tilespmem:s15+$0x40];
	v52 =	vor.u32 v29, v33  }
0x4fb: {  	v49 =	vld [tilespmem:s15+$0xFFFFFFC0];
	v53 =	vor.u32 v13, v34;
	[tilespmem:v58+s29+$0x0] =	vst.idx.msk $0xffff, v41  }
0x4fc: {  	v54 =	vor.u32 v29, v35;
	[tilespmem:v59+s29+$0x0] =	vst.idx.msk $0xffff, v45;
	v41 =	vld [tilespmem:s1+$0x40]  }
0x4fd: {  	v55 =	vor.u32 v13, v36;
	v45 =	vld [tilespmem:s1+$0xFFFFFFC0];
	[tilespmem:v60+s29+$0x0] =	vst.idx.msk $0xffff, v39  }
0x4fe: {  	v56 =	vor.u32 v29, v38;
	[tilespmem:v62+s29+$0x0] =	vst.idx.msk $0xffff, v61;
	v39 =	vld [tilespmem:s21+$0x40]  }
0x4ff: {  	v57 =	vor.u32 v13, v37;
	[tilespmem:v52+s29+$0x0] =	vst.idx.msk $0xffff, v63;
	v42 =	vld [tilespmem:s21+$0xFFFFFFC0]  }
0x500: {  	v58 =	vor.u32 v30, v33;
	[tilespmem:v53+s29+$0x0] =	vst.idx.msk $0xffff, v49;
	v47 =	vld [tilespmem:s15+$0x50]  }
0x501: {  	v59 =	vor.u32 v14, v34;
	v49 =	vld [tilespmem:s22+$0xFFFFFFD0];
	[tilespmem:v54+s29+$0x0] =	vst.idx.msk $0xffff, v41  }
0x502: {  	v60 =	vor.u32 v30, v35;
	[tilespmem:v55+s29+$0x0] =	vst.idx.msk $0xffff, v45;
	v41 =	vld [tilespmem:s1+$0x50]  }
0x503: {  	v61 =	vor.u32 v14, v36;
	v45 =	vld [tilespmem:s1+$0xFFFFFFD0];
	[tilespmem:v56+s29+$0x0] =	vst.idx.msk $0xffff, v39  }
0x504: {  	v62 =	vor.u32 v30, v38;
	[tilespmem:v57+s29+$0x0] =	vst.idx.msk $0xffff, v42;
	v39 =	vld [tilespmem:s21+$0x50]  }
0x505: {  	v63 =	vor.u32 v14, v37;
	[tilespmem:v58+s29+$0x0] =	vst.idx.msk $0xffff, v47;
	v42 =	vld [tilespmem:s21+$0xFFFFFFD0]  }
0x506: {  	v52 =	vor.u32 v31, v33;
	[tilespmem:v59+s29+$0x0] =	vst.idx.msk $0xffff, v49;
	v47 =	vld [tilespmem:s22+$0x60]  }
0x507: {  	v53 =	vor.u32 v15, v34;
	v49 =	vld [tilespmem:s22+$0xFFFFFFE0];
	[tilespmem:v60+s29+$0x0] =	vst.idx.msk $0xffff, v41  }
0x508: {  	v54 =	vor.u32 v31, v35;
	[tilespmem:v61+s29+$0x0] =	vst.idx.msk $0xffff, v45;
	v41 =	vld [tilespmem:s1+$0x60]  }
0x509: {  	v55 =	vor.u32 v15, v36;
	v45 =	vld [tilespmem:s1+$0xFFFFFFE0];
	[tilespmem:v62+s29+$0x0] =	vst.idx.msk $0xffff, v39  }
0x50a: {  	v56 =	vor.u32 v31, v38;
	[tilespmem:v63+s29+$0x0] =	vst.idx.msk $0xffff, v42;
	v39 =	vld [tilespmem:s21+$0x60]  }
0x50b: {  	v57 =	vor.u32 v15, v37;
	[tilespmem:v52+s29+$0x0] =	vst.idx.msk $0xffff, v47;
	v42 =	vld [tilespmem:s21+$0xFFFFFFE0]  }
0x50c: {  	v58 =	vor.u32 v32, v33;
	[tilespmem:v53+s29+$0x0] =	vst.idx.msk $0xffff, v49;
	v47 =	vld [tilespmem:s22+$0x70]  }
0x50d: {  	v60 =	vor.u32 v16, v34;
	v59 =	vld [tilespmem:s22+$0xFFFFFFF0];
	[tilespmem:v54+s29+$0x0] =	vst.idx.msk $0xffff, v41  }
0x50e: {  	v61 =	vor.u32 v32, v35;
	[tilespmem:v55+s29+$0x0] =	vst.idx.msk $0xffff, v45;
	v41 =	vld [tilespmem:s1+$0x70]  }
0x50f: {  	v63 =	vor.u32 v16, v36;
	v62 =	vld [tilespmem:s1+$0xFFFFFFF0];
	[tilespmem:v56+s29+$0x0] =	vst.idx.msk $0xffff, v39  }
0x510: {  	v38 =	vor.u32 v32, v38;
	[tilespmem:v57+s29+$0x0] =	vst.idx.msk $0xffff, v42;
	v39 =	vld [tilespmem:s21+$0x70]  }
0x511: {  	v37 =	vor.u32 v16, v37;
	[tilespmem:v58+s29+$0x0] =	vst.idx.msk $0xffff, v47;
	v40 =	vld [tilespmem:s21+$0xFFFFFFF0]  }
0x512: {  	[tilespmem:v60+s29+$0x0] =	vst.idx.msk $0xffff, v59  }
0x513: {  	[tilespmem:v61+s29+$0x0] =	vst.idx.msk $0xffff, v41  }
0x514: {  	[tilespmem:v63+s29+$0x0] =	vst.idx.msk $0xffff, v62  }
0x515: {  	[tilespmem:v38+s29+$0x0] =	vst.idx.msk $0xffff, v39  }
0x516: {  	[tilespmem:v37+s29+$0x0] =	vst.idx.msk $0xffff, v40  }
0x517: {  	s1 =	simm.s32 $0x0;
	s15 =	rddreg [dreg:$0xb]  }
0x518: {  	[hbm4b:s15+s1] =	stream.linear.scatter [tilespmem:s29], [sflag:$0x3], $0x400, $0x38;
	[tilespmem:$0x16800] =	vst v63  }
0x519: {  	s26 =	simm.s32 $0xD000;
	s24 =	sadd.s32 $0x100, s15  }
0x51a: {  	[hbm4b:s24+s1] =	stream.linear.scatter [tilespmem:s26], [sflag:$0x3], $0x400, $0x38;
	[tilespmem:$0x16800] =	vst v63  }
0x51b: {  	s31 =	simm.s32 $0xD800;
	s30 =	sadd.s32 $0x200, s15  }
0x51c: {  	[hbm4b:s30+s1] =	stream.linear.scatter [tilespmem:s31], [sflag:$0x3], $0x400, $0x38;
	[tilespmem:$0x16800] =	vst v63  }
0x51d: {  	s22 =	simm.s32 $0xE000;
	s21 =	sadd.s32 $0x300, s15  }
0x51e: {  	[hbm4b:s21+s1] =	stream.linear.scatter [tilespmem:s22], [sflag:$0x3], $0x400, $0x38;
	[tilespmem:$0x16800] =	vst v63  }
0x51f: {  	s24 =	sadd.s32 $0x400, s15;
	s26 =	simm.s32 $0xE800  }
0x520: {  	[hbm4b:s24+s1] =	stream.linear.scatter [tilespmem:s26], [sflag:$0x3], $0x400, $0x38;
	[tilespmem:$0x16800] =	vst v63  }
0x521: {  	s30 =	sadd.s32 $0x500, s15;
	s31 =	simm.s32 $0xF000  }
0x522: {  	[hbm4b:s30+s1] =	stream.linear.scatter [tilespmem:s31], [sflag:$0x3], $0x400, $0x38;
	[tilespmem:$0x16800] =	vst v63  }
0x523: {  	s21 =	sadd.s32 $0x600, s15;
	s22 =	simm.s32 $0xF800  }
0x524: {  	[hbm4b:s21+s1] =	stream.linear.scatter [tilespmem:s22], [sflag:$0x3], $0x400, $0x38;
	[tilespmem:$0x16800] =	vst v63  }
0x525: {  	s24 =	sadd.s32 $0x700, s15;
	s26 =	simm.s32 $0x10000  }
0x526: {  	[hbm4b:s24+s1] =	stream.linear.scatter [tilespmem:s26], [sflag:$0x3], $0x400, $0x38;
	[tilespmem:$0x16800] =	vst v63  }
0x527: {  	s30 =	sadd.s32 $0x800, s15;
	s31 =	simm.s32 $0x10800  }
0x528: {  	[hbm4b:s30+s1] =	stream.linear.scatter [tilespmem:s31], [sflag:$0x3], $0x400, $0x38;
	[tilespmem:$0x16800] =	vst v63  }
0x529: {  	s15 =	sadd.s32 $0x900, s15;
	s21 =	simm.s32 $0x11000  }
0x52a: {  	[hbm4b:s15+s1] =	stream.linear.scatter [tilespmem:s21], [sflag:$0x3], $0x400, $0x38;
	[tilespmem:$0x16800] =	vst v63  }
0x52b: {  	s22 =	simm.s32 $0xCC00;
	s15 =	rddreg [dreg:$0xc]  }
0x52c: {  	[hbm4b:s15+s1] =	stream.linear.scatter [tilespmem:s22], [sflag:$0x3], $0x400, $0x38;
	[tilespmem:$0x16800] =	vst v63  }
0x52d: {  	s26 =	simm.s32 $0xD400;
	s24 =	sadd.s32 $0x100, s15  }
0x52e: {  	[hbm4b:s24+s1] =	stream.linear.scatter [tilespmem:s26], [sflag:$0x3], $0x400, $0x38;
	[tilespmem:$0x16800] =	vst v63  }
0x52f: {  	s31 =	simm.s32 $0xDC00;
	s30 =	sadd.s32 $0x200, s15  }
0x530: {  	[hbm4b:s30+s1] =	stream.linear.scatter [tilespmem:s31], [sflag:$0x3], $0x400, $0x38;
	[tilespmem:$0x16800] =	vst v63  }
0x531: {  	s21 =	sadd.s32 $0x300, s15;
	s22 =	simm.s32 $0xE400  }
0x532: {  	[hbm4b:s21+s1] =	stream.linear.scatter [tilespmem:s22], [sflag:$0x3], $0x400, $0x38;
	[tilespmem:$0x16800] =	vst v63  }
0x533: {  	s24 =	sadd.s32 $0x400, s15;
	s26 =	simm.s32 $0xEC00  }
0x534: {  	[hbm4b:s24+s1] =	stream.linear.scatter [tilespmem:s26], [sflag:$0x3], $0x400, $0x38;
	[tilespmem:$0x16800] =	vst v63  }
0x535: {  	s30 =	sadd.s32 $0x500, s15;
	s31 =	simm.s32 $0xF400  }
0x536: {  	[hbm4b:s30+s1] =	stream.linear.scatter [tilespmem:s31], [sflag:$0x3], $0x400, $0x38;
	[tilespmem:$0x16800] =	vst v63  }
0x537: {  	s21 =	sadd.s32 $0x600, s15;
	s22 =	simm.s32 $0xFC00  }
0x538: {  	[hbm4b:s21+s1] =	stream.linear.scatter [tilespmem:s22], [sflag:$0x3], $0x400, $0x38;
	[tilespmem:$0x16800] =	vst v63  }
0x539: {  	s24 =	sadd.s32 $0x700, s15;
	s26 =	simm.s32 $0x10400  }
0x53a: {  	[hbm4b:s24+s1] =	stream.linear.scatter [tilespmem:s26], [sflag:$0x3], $0x400, $0x38;
	[tilespmem:$0x16800] =	vst v63  }
0x53b: {  	s30 =	sadd.s32 $0x800, s15;
	s31 =	simm.s32 $0x10C00  }
0x53c: {  	[hbm4b:s30+s1] =	stream.linear.scatter [tilespmem:s31], [sflag:$0x3], $0x400, $0x38;
	[tilespmem:$0x16800] =	vst v63  }
0x53d: {  	s22 =	sadd.s32 $0x900, s15;
	s24 =	simm.s32 $0x11400  }
0x53e: {  	[hbm4b:s22+s1] =	stream.linear.scatter [tilespmem:s24], [sflag:$0x3], $0x400, $0x38;
	[tilespmem:$0x16800] =	vst v63  }
0x53f: {  	_ =	swait.ge [sflag:s14], $0x2800  }
0x540: {  	[sflag:s14] =	ssyncset.done $0x0  }
0x541: {  	[sflag:s14] =	ssyncadd.s32 $0xFFFFD800  }
0x542: {  	_ =	swait.ge [sflag:s14], $0x2800  }
0x543: {  	[sflag:s14] =	ssyncset.done $0x0  }
0x544: {  	[sflag:s14] =	ssyncadd.s32 $0xFFFFD800  }
0x545: {  	_ =	swait.ge [sflag:s16], $0x2800  }
0x546: {  	v41 =	vmov s1;
	s26 =	simm.s32 $0x1;
	[sflag:s16] =	ssyncset.done $0x0  }
0x547: {  	v42 =	vshll.u32 v41, $0x8;
	v33 =	vshll.u32 v41, $0x7;
	v43 =	vmov s26;
	[sflag:s16] =	ssyncadd.s32 $0xFFFFD800  }
0x548: {  	v34 =	vand.u32 $0x7800, v42;
	v44 =	vshll.u32 v43, $0x8;
	v35 =	vshll.u32 v43, $0x7;
	_ =	swait.ge [sflag:s16], $0x2800  }
0x549: {  	v33 =	vand.u32 $0x300, v33;
	v36 =	vand.u32 $0x7800, v44;
	v35 =	vand.u32 $0x380, v35;
	[sflag:s16] =	ssyncset.done $0x0  }
0x54a: {  	v33 =	vor.u32 v33, v34;
	s30 =	simm.s32 $0x7880;
	v38 =	vor.u32 v35, v36;
	[sflag:s16] =	ssyncadd.s32 $0xFFFFD800  }
0x54b: {  	v37 =	vor.u32 v0, v33;
	v46 =	vor.u32 v17, v38;
	v45 =	vld [tilespmem:s30+$0x0]  }
0x54c: {  	v48 =	vor.u32 v1, v37;
	v47 =	vld [tilespmem:s30+$0xFFFFFF80];
	_ =	sdelay $0x3  }
0x54d: {  	[tilespmem:v46+s20+$0x0] =	vst.idx.msk $0xffff, v45  }
0x54e: {  	v49 =	vor.u32 v18, v38;
	[tilespmem:v48+s20+$0x0] =	vst.idx.msk $0xffff, v47;
	v33 =	vld [tilespmem:s30+$0x10]  }
0x54f: {  	v50 =	vor.u32 v2, v37;
	v35 =	vld [tilespmem:s30+$0xFFFFFF90];
	_ =	sdelay $0x3  }
0x550: {  	[tilespmem:v49+s20+$0x0] =	vst.idx.msk $0xffff, v33  }
0x551: {  	v51 =	vor.u32 v19, v38;
	[tilespmem:v50+s20+$0x0] =	vst.idx.msk $0xffff, v35;
	v33 =	vld [tilespmem:s30+$0x20]  }
0x552: {  	v52 =	vor.u32 v3, v37;
	v35 =	vld [tilespmem:s30+$0xFFFFFFA0];
	_ =	sdelay $0x3  }
0x553: {  	[tilespmem:v51+s20+$0x0] =	vst.idx.msk $0xffff, v33  }
0x554: {  	v53 =	vor.u32 v20, v38;
	[tilespmem:v52+s20+$0x0] =	vst.idx.msk $0xffff, v35;
	v33 =	vld [tilespmem:s30+$0x30]  }
0x555: {  	v54 =	vor.u32 v4, v37;
	v35 =	vld [tilespmem:s30+$0xFFFFFFB0];
	_ =	sdelay $0x3  }
0x556: {  	[tilespmem:v53+s20+$0x0] =	vst.idx.msk $0xffff, v33  }
0x557: {  	v55 =	vor.u32 v21, v38;
	[tilespmem:v54+s20+$0x0] =	vst.idx.msk $0xffff, v35;
	v33 =	vld [tilespmem:s30+$0x40]  }
0x558: {  	v56 =	vor.u32 v5, v37;
	s15 =	simm.s32 $0x3;
	v35 =	vld [tilespmem:s30+$0xFFFFFFC0]  }
0x559: {  	v59 =	vmov s15  }
0x55a: {  	v60 =	vshll.u32 v59, $0x8;
	s31 =	simm.s32 $0x2  }
0x55b: {  	v41 =	vshll.u32 v59, $0x7;
	v61 =	vand.u32 $0x7800, v60;
	v57 =	vmov s31  }
0x55c: {  	v62 =	vand.u32 $0x380, v41;
	v58 =	vshll.u32 v57, $0x8;
	v39 =	vshll.u32 v57, $0x7;
	[tilespmem:v55+s20+$0x0] =	vst.idx.msk $0xffff, v33  }
0x55d: {  	v40 =	vand.u32 $0x7800, v58;
	v39 =	vand.u32 $0x300, v39;
	v48 =	vor.u32 v22, v38;
	[tilespmem:v56+s20+$0x0] =	vst.idx.msk $0xffff, v35;
	v63 =	vld [tilespmem:s30+$0x50]  }
0x55e: {  	s21 =	simm.s32 $0x7980;
	v39 =	vor.u32 v39, v40;
	v50 =	vor.u32 v6, v37;
	v33 =	vor.u32 v62, v61;
	v49 =	vld [tilespmem:s30+$0xFFFFFFD0]  }
0x55f: {  	v34 =	vor.u32 v0, v39;
	v51 =	vld [tilespmem:s21+$0x0];
	v52 =	vor.u32 v17, v33  }
0x560: {  	v53 =	vld [tilespmem:s21+$0xFFFFFF80];
	v54 =	vor.u32 v1, v34;
	_ =	sdelay $0x1  }
0x561: {  	[tilespmem:v48+s20+$0x0] =	vst.idx.msk $0xffff, v63  }
0x562: {  	v55 =	vor.u32 v23, v38;
	[tilespmem:v50+s20+$0x0] =	vst.idx.msk $0xffff, v49;
	v35 =	vld [tilespmem:s30+$0x60]  }
0x563: {  	v57 =	vor.u32 v7, v37;
	[tilespmem:v52+s20+$0x0] =	vst.idx.msk $0xffff, v51;
	v56 =	vld [tilespmem:s30+$0xFFFFFFE0]  }
0x564: {  	[tilespmem:v54+s20+$0x0] =	vst.idx.msk $0xffff, v53;
	v59 =	vor.u32 v18, v33;
	v58 =	vld [tilespmem:s21+$0x10]  }
0x565: {  	v60 =	vor.u32 v2, v34;
	v43 =	vld [tilespmem:s21+$0xFFFFFF90];
	_ =	sdelay $0x1  }
0x566: {  	[tilespmem:v55+s20+$0x0] =	vst.idx.msk $0xffff, v35  }
0x567: {  	v61 =	vor.u32 v24, v38;
	[tilespmem:v57+s20+$0x0] =	vst.idx.msk $0xffff, v56;
	v35 =	vld [tilespmem:s30+$0x70]  }
0x568: {  	v62 =	vor.u32 v8, v37;
	[tilespmem:v59+s20+$0x0] =	vst.idx.msk $0xffff, v58;
	v39 =	vld [tilespmem:s30+$0xFFFFFFF0]  }
0x569: {  	[tilespmem:v60+s20+$0x0] =	vst.idx.msk $0xffff, v43;
	v63 =	vor.u32 v19, v33;
	v41 =	vld [tilespmem:s21+$0x20]  }
0x56a: {  	v43 =	vld [tilespmem:s21+$0xFFFFFFA0];
	v48 =	vor.u32 v3, v34;
	_ =	sdelay $0x1  }
0x56b: {  	s22 =	simm.s32 $0xA080;
	[tilespmem:v61+s20+$0x0] =	vst.idx.msk $0xffff, v35  }
0x56c: {  	v49 =	vor.u32 v25, v38;
	[tilespmem:v62+s20+$0x0] =	vst.idx.msk $0xffff, v39;
	v35 =	vld [tilespmem:s22+$0x0]  }
0x56d: {  	v50 =	vor.u32 v9, v37;
	[tilespmem:v63+s20+$0x0] =	vst.idx.msk $0xffff, v41;
	v39 =	vld [tilespmem:s22+$0xFFFFFF80]  }
0x56e: {  	v51 =	vor.u32 v20, v33;
	[tilespmem:v48+s20+$0x0] =	vst.idx.msk $0xffff, v43;
	v41 =	vld [tilespmem:s21+$0x30]  }
0x56f: {  	v52 =	vor.u32 v4, v34;
	v43 =	vld [tilespmem:s21+$0xFFFFFFB0];
	_ =	sdelay $0x1  }
0x570: {  	[tilespmem:v49+s20+$0x0] =	vst.idx.msk $0xffff, v35  }
0x571: {  	v53 =	vor.u32 v26, v38;
	[tilespmem:v50+s20+$0x0] =	vst.idx.msk $0xffff, v39;
	v35 =	vld [tilespmem:s22+$0x10]  }
0x572: {  	v54 =	vor.u32 v10, v37;
	[tilespmem:v51+s20+$0x0] =	vst.idx.msk $0xffff, v41;
	v39 =	vld [tilespmem:s22+$0xFFFFFF90]  }
0x573: {  	v55 =	vor.u32 v21, v33;
	[tilespmem:v52+s20+$0x0] =	vst.idx.msk $0xffff, v43;
	v41 =	vld [tilespmem:s21+$0x40]  }
0x574: {  	s26 =	simm.s32 $0x4;
	v57 =	vor.u32 v5, v34;
	s30 =	simm.s32 $0x5;
	v44 =	vld [tilespmem:s21+$0xFFFFFFC0]  }
0x575: {  	v56 =	vmov s26;
	v60 =	vmov s30  }
0x576: {  	v58 =	vshll.u32 v56, $0x8;
	v36 =	vshll.u32 v60, $0x7;
	[tilespmem:v53+s20+$0x0] =	vst.idx.msk $0xffff, v35  }
0x577: {  	v46 =	vand.u32 $0x7800, v58;
	v36 =	vand.u32 $0x380, v36;
	v61 =	vor.u32 v27, v38;
	[tilespmem:v54+s20+$0x0] =	vst.idx.msk $0xffff, v39;
	v39 =	vld [tilespmem:s22+$0x20]  }
0x578: {  	v43 =	vshll.u32 v56, $0x7;
	v52 =	vor.u32 v11, v37;
	v62 =	vshll.u32 v60, $0x8;
	[tilespmem:v55+s20+$0x0] =	vst.idx.msk $0xffff, v41;
	v63 =	vld [tilespmem:s22+$0xFFFFFFA0]  }
0x579: {  	v59 =	vand.u32 $0x300, v43;
	v43 =	vand.u32 $0x7800, v62;
	[tilespmem:v57+s20+$0x0] =	vst.idx.msk $0xffff, v44;
	v54 =	vor.u32 v22, v33;
	v53 =	vld [tilespmem:s21+$0x50]  }
0x57a: {  	s24 =	simm.s32 $0x7A80;
	v56 =	vor.u32 v6, v34;
	v46 =	vor.u32 v59, v46;
	v35 =	vor.u32 v36, v43;
	v55 =	vld [tilespmem:s21+$0xFFFFFFD0]  }
0x57b: {  	v57 =	vld [tilespmem:s24+$0x0];
	v36 =	vor.u32 v0, v46;
	v58 =	vor.u32 v17, v35  }
0x57c: {  	v59 =	vld [tilespmem:s24+$0xFFFFFF80];
	v60 =	vor.u32 v1, v36;
	[tilespmem:v61+s20+$0x0] =	vst.idx.msk $0xffff, v39  }
0x57d: {  	[tilespmem:v52+s20+$0x0] =	vst.idx.msk $0xffff, v63;
	v61 =	vor.u32 v28, v38;
	v39 =	vld [tilespmem:s22+$0x30]  }
0x57e: {  	v62 =	vor.u32 v12, v37;
	[tilespmem:v54+s20+$0x0] =	vst.idx.msk $0xffff, v53;
	v41 =	vld [tilespmem:s22+$0xFFFFFFB0]  }
0x57f: {  	[tilespmem:v56+s20+$0x0] =	vst.idx.msk $0xffff, v55;
	v52 =	vor.u32 v23, v33;
	v63 =	vld [tilespmem:s21+$0x60]  }
0x580: {  	[tilespmem:v58+s20+$0x0] =	vst.idx.msk $0xffff, v57;
	v53 =	vld [tilespmem:s21+$0xFFFFFFE0];
	v54 =	vor.u32 v7, v34  }
0x581: {  	v56 =	vor.u32 v18, v35;
	[tilespmem:v60+s20+$0x0] =	vst.idx.msk $0xffff, v59;
	v55 =	vld [tilespmem:s24+$0x10]  }
0x582: {  	v57 =	vor.u32 v2, v36;
	v49 =	vld [tilespmem:s24+$0xFFFFFF90];
	[tilespmem:v61+s20+$0x0] =	vst.idx.msk $0xffff, v39  }
0x583: {  	v58 =	vor.u32 v29, v38;
	[tilespmem:v62+s20+$0x0] =	vst.idx.msk $0xffff, v41;
	v39 =	vld [tilespmem:s22+$0x40]  }
0x584: {  	v59 =	vor.u32 v13, v37;
	[tilespmem:v52+s20+$0x0] =	vst.idx.msk $0xffff, v63;
	v41 =	vld [tilespmem:s22+$0xFFFFFFC0]  }
0x585: {  	v60 =	vor.u32 v24, v33;
	[tilespmem:v54+s20+$0x0] =	vst.idx.msk $0xffff, v53;
	v43 =	vld [tilespmem:s21+$0x70]  }
0x586: {  	[tilespmem:v56+s20+$0x0] =	vst.idx.msk $0xffff, v55;
	v45 =	vld [tilespmem:s21+$0xFFFFFFF0];
	v61 =	vor.u32 v8, v34  }
0x587: {  	[tilespmem:v57+s20+$0x0] =	vst.idx.msk $0xffff, v49;
	v62 =	vor.u32 v19, v35;
	v47 =	vld [tilespmem:s24+$0x20]  }
0x588: {  	v63 =	vor.u32 v3, v36;
	v49 =	vld [tilespmem:s24+$0xFFFFFFA0];
	[tilespmem:v58+s20+$0x0] =	vst.idx.msk $0xffff, v39  }
0x589: {  	v52 =	vor.u32 v30, v38;
	[tilespmem:v59+s20+$0x0] =	vst.idx.msk $0xffff, v41;
	v39 =	vld [tilespmem:s22+$0x50]  }
0x58a: {  	s15 =	simm.s32 $0xA180;
	v53 =	vor.u32 v14, v37;
	[tilespmem:v60+s20+$0x0] =	vst.idx.msk $0xffff, v43;
	v41 =	vld [tilespmem:s22+$0xFFFFFFD0]  }
0x58b: {  	v54 =	vor.u32 v25, v33;
	[tilespmem:v61+s20+$0x0] =	vst.idx.msk $0xffff, v45;
	v43 =	vld [tilespmem:s15+$0x0]  }
0x58c: {  	v55 =	vor.u32 v9, v34;
	[tilespmem:v62+s20+$0x0] =	vst.idx.msk $0xffff, v47;
	v45 =	vld [tilespmem:s15+$0xFFFFFF80]  }
0x58d: {  	v56 =	vor.u32 v20, v35;
	[tilespmem:v63+s20+$0x0] =	vst.idx.msk $0xffff, v49;
	v47 =	vld [tilespmem:s24+$0x30]  }
0x58e: {  	v57 =	vor.u32 v4, v36;
	v49 =	vld [tilespmem:s24+$0xFFFFFFB0];
	[tilespmem:v52+s20+$0x0] =	vst.idx.msk $0xffff, v39  }
0x58f: {  	v58 =	vor.u32 v31, v38;
	[tilespmem:v53+s20+$0x0] =	vst.idx.msk $0xffff, v41;
	v39 =	vld [tilespmem:s22+$0x60]  }
0x590: {  	v59 =	vor.u32 v15, v37;
	[tilespmem:v54+s20+$0x0] =	vst.idx.msk $0xffff, v43;
	v42 =	vld [tilespmem:s22+$0xFFFFFFE0]  }
0x591: {  	v61 =	vor.u32 v26, v33;
	[tilespmem:v55+s20+$0x0] =	vst.idx.msk $0xffff, v45;
	v60 =	vld [tilespmem:s15+$0x10]  }
0x592: {  	[tilespmem:v56+s20+$0x0] =	vst.idx.msk $0xffff, v47;
	v41 =	vld [tilespmem:s15+$0xFFFFFF90];
	v43 =	vor.u32 v10, v34  }
0x593: {  	s31 =	simm.s32 $0x6;
	v48 =	vor.u32 v21, v35;
	[tilespmem:v57+s20+$0x0] =	vst.idx.msk $0xffff, v49;
	v46 =	vld [tilespmem:s24+$0x40]  }
0x594: {  	v62 =	vmov s31;
	v47 =	vor.u32 v5, v36;
	v45 =	vld [tilespmem:s24+$0xFFFFFFC0];
	[tilespmem:v58+s20+$0x0] =	vst.idx.msk $0xffff, v39  }
0x595: {  	s3 =	simm.s32 $0x7A80;
	v40 =	vor.u32 v32, v38;
	v63 =	vshll.u32 v62, $0x8;
	v49 =	vshll.u32 v62, $0x7;
	[tilespmem:v59+s20+$0x0] =	vst.idx.msk $0xffff, v42;
	v39 =	vld [tilespmem:s22+$0x70]  }
0x596: {  	s1 =	simm.s32 $0x8;
	v44 =	vor.u32 v16, v37;
	s21 =	simm.s32 $0x7;
	v38 =	vand.u32 $0x7800, v63;
	v49 =	vand.u32 $0x300, v49;
	[tilespmem:v61+s20+$0x0] =	vst.idx.msk $0xffff, v60;
	v42 =	vld [tilespmem:s22+$0xFFFFFFF0];
	s22 =	simm.s32 $0xA180  }
.LBB2_14:
0x597: {  	p0 =	slt.u32 s1, $0x4E;
	v38 =	vor.u32 v49, v38;
	v49 =	vmov s21;
	[tilespmem:v43+s20+$0x0] =	vst.idx.msk $0xffff, v41;
	v41 =	vld [tilespmem:s15+$0x20];
	v43 =	vor.u32 v27, v33;
	v37 =	vmovc v34  }
0x598: {  	v34 =	vmovc v36;
	v50 =	vshll.u32 v49, $0x8;
	v49 =	vshll.u32 v49, $0x7;
	[tilespmem:v48+s20+$0x0] =	vst.idx.msk $0xffff, v46;
	v46 =	vld [tilespmem:s15+$0xFFFFFFA0];
	v48 =	vor.u32 v11, v37  }
0x599: {  	v36 =	vand.u32 $0x7800, v50;
	v49 =	vand.u32 $0x380, v49;
	[tilespmem:v47+s20+$0x0] =	vst.idx.msk $0xffff, v45;
	v45 =	vld [tilespmem:s24+$0x50];
	v47 =	vor.u32 v22, v35  }
0x59a: {  	v51 =	vor.u32 v6, v34;
	s24 =	sadd.s32 $0x100, s24;
	v50 =	vor.u32 v49, v36;
	v49 =	vld [tilespmem:s3+$0xFFFFFFD0];
	[tilespmem:v40+s20+$0x0] =	vst.idx.msk $0xffff, v39  }
0x59b: {  	v36 =	vor.u32 v0, v38;
	v38 =	vld [tilespmem:s24+$0x0];
	v39 =	vor.u32 v17, v50;
	[tilespmem:v44+s20+$0x0] =	vst.idx.msk $0xffff, v42  }
0x59c: {  	v42 =	vor.u32 v1, v36;
	v40 =	vld [tilespmem:s24+$0xFFFFFF80];
	[tilespmem:v43+s20+$0x0] =	vst.idx.msk $0xffff, v41  }
0x59d: {  	v43 =	vor.u32 v28, v33;
	[tilespmem:v48+s20+$0x0] =	vst.idx.msk $0xffff, v46;
	v41 =	vld [tilespmem:s15+$0x30]  }
0x59e: {  	[tilespmem:v47+s20+$0x0] =	vst.idx.msk $0xffff, v45;
	v44 =	vld [tilespmem:s15+$0xFFFFFFB0];
	v45 =	vor.u32 v12, v37  }
0x59f: {  	v47 =	vor.u32 v23, v35;
	[tilespmem:v51+s20+$0x0] =	vst.idx.msk $0xffff, v49;
	v46 =	vld [tilespmem:s3+$0x60]  }
0x5a0: {  	[tilespmem:v39+s20+$0x0] =	vst.idx.msk $0xffff, v38;
	v38 =	vld [tilespmem:s3+$0xFFFFFFE0];
	v39 =	vor.u32 v7, v34  }
0x5a1: {  	[tilespmem:v42+s20+$0x0] =	vst.idx.msk $0xffff, v40;
	v40 =	vld [tilespmem:s24+$0x10];
	v42 =	vor.u32 v18, v50  }
0x5a2: {  	v49 =	vor.u32 v2, v36;
	v48 =	vld [tilespmem:s24+$0xFFFFFF90];
	[tilespmem:v43+s20+$0x0] =	vst.idx.msk $0xffff, v41  }
0x5a3: {  	v43 =	vor.u32 v29, v33;
	[tilespmem:v45+s20+$0x0] =	vst.idx.msk $0xffff, v44;
	v41 =	vld [tilespmem:s15+$0x40]  }
0x5a4: {  	v45 =	vor.u32 v13, v37;
	[tilespmem:v47+s20+$0x0] =	vst.idx.msk $0xffff, v46;
	v44 =	vld [tilespmem:s15+$0xFFFFFFC0]  }
0x5a5: {  	[tilespmem:v39+s20+$0x0] =	vst.idx.msk $0xffff, v38;
	v38 =	vld [tilespmem:s3+$0x70];
	v39 =	vor.u32 v24, v35  }
0x5a6: {  	[tilespmem:v42+s20+$0x0] =	vst.idx.msk $0xffff, v40;
	v40 =	vld [tilespmem:s3+$0xFFFFFFF0];
	v42 =	vor.u32 v8, v34;
	s3 =	smov.u32 s24  }
0x5a7: {  	v47 =	vor.u32 v19, v50;
	[tilespmem:v49+s20+$0x0] =	vst.idx.msk $0xffff, v48;
	v46 =	vld [tilespmem:s24+$0x20]  }
0x5a8: {  	v49 =	vor.u32 v3, v36;
	v48 =	vld [tilespmem:s24+$0xFFFFFFA0];
	[tilespmem:v43+s20+$0x0] =	vst.idx.msk $0xffff, v41  }
0x5a9: {  	v43 =	vor.u32 v30, v33;
	[tilespmem:v45+s20+$0x0] =	vst.idx.msk $0xffff, v44;
	v41 =	vld [tilespmem:s15+$0x50]  }
0x5aa: {  	s15 =	sadd.s32 $0x100, s15;
	[tilespmem:v39+s20+$0x0] =	vst.idx.msk $0xffff, v38;
	v38 =	vld [tilespmem:s22+$0xFFFFFFD0];
	v39 =	vor.u32 v14, v37  }
0x5ab: {  	[tilespmem:v42+s20+$0x0] =	vst.idx.msk $0xffff, v40;
	v40 =	vld [tilespmem:s15+$0x0];
	v42 =	vor.u32 v25, v35  }
0x5ac: {  	v45 =	vor.u32 v9, v34;
	[tilespmem:v47+s20+$0x0] =	vst.idx.msk $0xffff, v46;
	v44 =	vld [tilespmem:s15+$0xFFFFFF80]  }
0x5ad: {  	v47 =	vor.u32 v20, v50;
	[tilespmem:v49+s20+$0x0] =	vst.idx.msk $0xffff, v48;
	v46 =	vld [tilespmem:s24+$0x30]  }
0x5ae: {  	v49 =	vor.u32 v4, v36;
	v48 =	vld [tilespmem:s24+$0xFFFFFFB0];
	[tilespmem:v43+s20+$0x0] =	vst.idx.msk $0xffff, v41  }
0x5af: {  	[tilespmem:v39+s20+$0x0] =	vst.idx.msk $0xffff, v38;
	v38 =	vld [tilespmem:s22+$0x60];
	v39 =	vor.u32 v31, v33  }
0x5b0: {  	[tilespmem:v42+s20+$0x0] =	vst.idx.msk $0xffff, v40;
	v40 =	vld [tilespmem:s22+$0xFFFFFFE0];
	v42 =	vor.u32 v15, v37  }
0x5b1: {  	v51 =	vor.u32 v26, v35;
	[tilespmem:v45+s20+$0x0] =	vst.idx.msk $0xffff, v44;
	v44 =	vld [tilespmem:s15+$0x10]  }
.Ltmp6:
0x5b2: {  	v43 =	vor.u32 v10, v34;
	[tilespmem:v47+s20+$0x0] =	vst.idx.msk $0xffff, v46;
	v41 =	vld [tilespmem:s15+$0xFFFFFF90];
	(pc) =	sbr.rel @p0 .LBB2_14-.Ltmp6, $4  }
0x5b3: {  	[tilespmem:v49+s20+$0x0] =	vst.idx.msk $0xffff, v48;
	v46 =	vld [tilespmem:s24+$0x40];
	v48 =	vor.u32 v21, v50  }
0x5b4: {  	v47 =	vor.u32 v5, v36;
	v49 =	vmov s1;
	v45 =	vld [tilespmem:s24+$0xFFFFFFC0];
	[tilespmem:v39+s20+$0x0] =	vst.idx.msk $0xffff, v38  }
0x5b5: {  	v38 =	vshll.u32 v49, $0x8;
	v49 =	vshll.u32 v49, $0x7;
	[tilespmem:v42+s20+$0x0] =	vst.idx.msk $0xffff, v40;
	v39 =	vld [tilespmem:s22+$0x70];
	v40 =	vor.u32 v32, v33;
	v33 =	vmovc v35  }
0x5b6: {  	s21 =	sadd.s32 $0x1, s1;
	s1 =	sadd.s32 $0x2, s1;
	v38 =	vand.u32 $0x7800, v38;
	v49 =	vand.u32 $0x300, v49;
	v35 =	vmovc v50;
	[tilespmem:v51+s20+$0x0] =	vst.idx.msk $0xffff, v44;
	v42 =	vld [tilespmem:s22+$0xFFFFFFF0];
	v44 =	vor.u32 v16, v37;
	s22 =	smov.u32 s15  }
0x5b7: {  	v37 =	vmov s21  }
0x5b8: {  	v50 =	vshll.u32 v37, $0x8;
	v37 =	vshll.u32 v37, $0x7  }
0x5b9: {  	v50 =	vand.u32 $0x7800, v50;
	v37 =	vand.u32 $0x380, v37  }
0x5ba: {  	v49 =	vor.u32 v49, v38;
	s1 =	sadd.s32 $0x100, s24;
	v38 =	vor.u32 v37, v50  }
0x5bb: {  	v58 =	vld [tilespmem:s1+$0x0];
	v37 =	vor.u32 v0, v49;
	v50 =	vor.u32 v17, v38  }
0x5bc: {  	v51 =	vld [tilespmem:s1+$0xFFFFFF80];
	v52 =	vor.u32 v1, v37;
	_ =	sdelay $0x3  }
0x5bd: {  	[tilespmem:v50+s20+$0x0] =	vst.idx.msk $0xffff, v58  }
0x5be: {  	v59 =	vor.u32 v18, v38;
	[tilespmem:v52+s20+$0x0] =	vst.idx.msk $0xffff, v51;
	v49 =	vld [tilespmem:s1+$0x10]  }
0x5bf: {  	v60 =	vor.u32 v2, v37;
	v51 =	vld [tilespmem:s1+$0xFFFFFF90];
	_ =	sdelay $0x3  }
0x5c0: {  	[tilespmem:v59+s20+$0x0] =	vst.idx.msk $0xffff, v49  }
0x5c1: {  	v61 =	vor.u32 v19, v38;
	[tilespmem:v60+s20+$0x0] =	vst.idx.msk $0xffff, v51;
	v49 =	vld [tilespmem:s1+$0x20]  }
0x5c2: {  	v62 =	vor.u32 v3, v37;
	v51 =	vld [tilespmem:s1+$0xFFFFFFA0];
	_ =	sdelay $0x3  }
0x5c3: {  	[tilespmem:v61+s20+$0x0] =	vst.idx.msk $0xffff, v49  }
0x5c4: {  	v63 =	vor.u32 v20, v38;
	[tilespmem:v62+s20+$0x0] =	vst.idx.msk $0xffff, v51;
	v49 =	vld [tilespmem:s1+$0x30]  }
0x5c5: {  	v56 =	vor.u32 v4, v37;
	v51 =	vld [tilespmem:s1+$0xFFFFFFB0];
	_ =	sdelay $0x3  }
0x5c6: {  	[tilespmem:v63+s20+$0x0] =	vst.idx.msk $0xffff, v49  }
0x5c7: {  	v57 =	vor.u32 v21, v38;
	[tilespmem:v56+s20+$0x0] =	vst.idx.msk $0xffff, v51;
	v49 =	vld [tilespmem:s1+$0x40]  }
0x5c8: {  	v58 =	vor.u32 v5, v37;
	v51 =	vld [tilespmem:s1+$0xFFFFFFC0];
	_ =	sdelay $0x1  }
0x5c9: {  	[tilespmem:v48+s20+$0x0] =	vst.idx.msk $0xffff, v46  }
0x5ca: {  	v46 =	vld [tilespmem:s24+$0x50];
	[tilespmem:v47+s20+$0x0] =	vst.idx.msk $0xffff, v45;
	v59 =	vor.u32 v22, v35  }
0x5cb: {  	v47 =	vld [tilespmem:s3+$0xFFFFFFD0];
	v60 =	vor.u32 v6, v36;
	[tilespmem:v57+s20+$0x0] =	vst.idx.msk $0xffff, v49  }
0x5cc: {  	v61 =	vor.u32 v22, v38;
	[tilespmem:v58+s20+$0x0] =	vst.idx.msk $0xffff, v51;
	v49 =	vld [tilespmem:s1+$0x50]  }
0x5cd: {  	v62 =	vor.u32 v6, v37;
	v51 =	vld [tilespmem:s1+$0xFFFFFFD0];
	_ =	sdelay $0x1  }
0x5ce: {  	[tilespmem:v59+s20+$0x0] =	vst.idx.msk $0xffff, v46  }
0x5cf: {  	[tilespmem:v60+s20+$0x0] =	vst.idx.msk $0xffff, v47;
	v45 =	vld [tilespmem:s3+$0x60];
	v63 =	vor.u32 v23, v35  }
0x5d0: {  	v47 =	vld [tilespmem:s3+$0xFFFFFFE0];
	v56 =	vor.u32 v7, v36;
	[tilespmem:v61+s20+$0x0] =	vst.idx.msk $0xffff, v49  }
0x5d1: {  	v57 =	vor.u32 v23, v38;
	[tilespmem:v62+s20+$0x0] =	vst.idx.msk $0xffff, v51;
	v49 =	vld [tilespmem:s1+$0x60]  }
0x5d2: {  	v58 =	vor.u32 v7, v37;
	v51 =	vld [tilespmem:s1+$0xFFFFFFE0];
	_ =	sdelay $0x1  }
0x5d3: {  	[tilespmem:v63+s20+$0x0] =	vst.idx.msk $0xffff, v45  }
0x5d4: {  	v59 =	vor.u32 v24, v35;
	[tilespmem:v56+s20+$0x0] =	vst.idx.msk $0xffff, v47;
	v45 =	vld [tilespmem:s3+$0x70]  }
0x5d5: {  	v60 =	vor.u32 v8, v36;
	v47 =	vld [tilespmem:s3+$0xFFFFFFF0];
	[tilespmem:v57+s20+$0x0] =	vst.idx.msk $0xffff, v49  }
0x5d6: {  	v61 =	vor.u32 v24, v38;
	[tilespmem:v58+s20+$0x0] =	vst.idx.msk $0xffff, v51;
	v49 =	vld [tilespmem:s1+$0x70]  }
0x5d7: {  	v62 =	vor.u32 v8, v37;
	v51 =	vld [tilespmem:s1+$0xFFFFFFF0];
	_ =	sdelay $0x1  }
0x5d8: {  	s24 =	sadd.s32 $0x100, s15;
	[tilespmem:v59+s20+$0x0] =	vst.idx.msk $0xffff, v45  }
0x5d9: {  	v63 =	vor.u32 v25, v35;
	[tilespmem:v60+s20+$0x0] =	vst.idx.msk $0xffff, v47;
	v45 =	vld [tilespmem:s24+$0x0]  }
0x5da: {  	s26 =	sadd.s32 $0x100, s24;
	v56 =	vor.u32 v9, v36;
	v47 =	vld [tilespmem:s24+$0xFFFFFF80];
	[tilespmem:v61+s20+$0x0] =	vst.idx.msk $0xffff, v49  }
0x5db: {  	v57 =	vor.u32 v25, v38;
	[tilespmem:v62+s20+$0x0] =	vst.idx.msk $0xffff, v51;
	v49 =	vld [tilespmem:s26+$0x0]  }
0x5dc: {  	v58 =	vor.u32 v9, v37;
	v51 =	vld [tilespmem:s26+$0xFFFFFF80]  }
0x5dd: {  	[tilespmem:v43+s20+$0x0] =	vst.idx.msk $0xffff, v41  }
0x5de: {  	[tilespmem:v63+s20+$0x0] =	vst.idx.msk $0xffff, v45  }
0x5df: {  	v60 =	vor.u32 v26, v35;
	[tilespmem:v56+s20+$0x0] =	vst.idx.msk $0xffff, v47;
	v59 =	vld [tilespmem:s24+$0x10]  }
0x5e0: {  	v61 =	vld [tilespmem:s24+$0xFFFFFF90];
	v62 =	vor.u32 v10, v36;
	[tilespmem:v57+s20+$0x0] =	vst.idx.msk $0xffff, v49  }
0x5e1: {  	v52 =	vor.u32 v26, v38;
	[tilespmem:v58+s20+$0x0] =	vst.idx.msk $0xffff, v51;
	v63 =	vld [tilespmem:s26+$0x10]  }
0x5e2: {  	[tilespmem:v40+s20+$0x0] =	vst.idx.msk $0xffff, v39;
	v54 =	vor.u32 v10, v37;
	v53 =	vld [tilespmem:s26+$0xFFFFFF90]  }
0x5e3: {  	v55 =	vld [tilespmem:s15+$0x20];
	[tilespmem:v44+s20+$0x0] =	vst.idx.msk $0xffff, v42;
	v56 =	vor.u32 v27, v33  }
0x5e4: {  	[tilespmem:v60+s20+$0x0] =	vst.idx.msk $0xffff, v59;
	v57 =	vld [tilespmem:s15+$0xFFFFFFA0];
	v58 =	vor.u32 v11, v34  }
0x5e5: {  	v59 =	vor.u32 v27, v35;
	v41 =	vld [tilespmem:s24+$0x20];
	[tilespmem:v62+s20+$0x0] =	vst.idx.msk $0xffff, v61  }
0x5e6: {  	v60 =	vor.u32 v11, v36;
	v45 =	vld [tilespmem:s24+$0xFFFFFFA0];
	[tilespmem:v52+s20+$0x0] =	vst.idx.msk $0xffff, v63  }
0x5e7: {  	v62 =	vor.u32 v27, v38;
	[tilespmem:v54+s20+$0x0] =	vst.idx.msk $0xffff, v53;
	v61 =	vld [tilespmem:s26+$0x20]  }
0x5e8: {  	[tilespmem:v56+s20+$0x0] =	vst.idx.msk $0xffff, v55;
	v52 =	vor.u32 v11, v37;
	v63 =	vld [tilespmem:s26+$0xFFFFFFA0]  }
0x5e9: {  	[tilespmem:v58+s20+$0x0] =	vst.idx.msk $0xffff, v57;
	v53 =	vld [tilespmem:s15+$0x30];
	v54 =	vor.u32 v28, v33  }
0x5ea: {  	v56 =	vor.u32 v12, v34;
	[tilespmem:v59+s20+$0x0] =	vst.idx.msk $0xffff, v41;
	v55 =	vld [tilespmem:s15+$0xFFFFFFB0]  }
0x5eb: {  	v41 =	vld [tilespmem:s24+$0x30];
	[tilespmem:v60+s20+$0x0] =	vst.idx.msk $0xffff, v45;
	v57 =	vor.u32 v28, v35  }
0x5ec: {  	v58 =	vor.u32 v12, v36;
	v45 =	vld [tilespmem:s24+$0xFFFFFFB0];
	[tilespmem:v62+s20+$0x0] =	vst.idx.msk $0xffff, v61  }
0x5ed: {  	v59 =	vor.u32 v28, v38;
	[tilespmem:v52+s20+$0x0] =	vst.idx.msk $0xffff, v63;
	v39 =	vld [tilespmem:s26+$0x30]  }
0x5ee: {  	[tilespmem:v54+s20+$0x0] =	vst.idx.msk $0xffff, v53;
	v61 =	vor.u32 v12, v37;
	v60 =	vld [tilespmem:s26+$0xFFFFFFB0]  }
0x5ef: {  	[tilespmem:v56+s20+$0x0] =	vst.idx.msk $0xffff, v55;
	v62 =	vld [tilespmem:s15+$0x40];
	v63 =	vor.u32 v29, v33  }
0x5f0: {  	[tilespmem:v57+s20+$0x0] =	vst.idx.msk $0xffff, v41;
	v49 =	vld [tilespmem:s15+$0xFFFFFFC0];
	v52 =	vor.u32 v13, v34  }
0x5f1: {  	[tilespmem:v58+s20+$0x0] =	vst.idx.msk $0xffff, v45;
	v41 =	vld [tilespmem:s24+$0x40];
	v53 =	vor.u32 v29, v35  }
0x5f2: {  	v54 =	vor.u32 v13, v36;
	v45 =	vld [tilespmem:s24+$0xFFFFFFC0];
	[tilespmem:v59+s20+$0x0] =	vst.idx.msk $0xffff, v39  }
0x5f3: {  	v55 =	vor.u32 v29, v38;
	[tilespmem:v61+s20+$0x0] =	vst.idx.msk $0xffff, v60;
	v39 =	vld [tilespmem:s26+$0x40]  }
0x5f4: {  	v56 =	vor.u32 v13, v37;
	[tilespmem:v63+s20+$0x0] =	vst.idx.msk $0xffff, v62;
	v42 =	vld [tilespmem:s26+$0xFFFFFFC0]  }
0x5f5: {  	v57 =	vor.u32 v30, v33;
	[tilespmem:v52+s20+$0x0] =	vst.idx.msk $0xffff, v49;
	v47 =	vld [tilespmem:s15+$0x50]  }
0x5f6: {  	v58 =	vor.u32 v14, v34;
	[tilespmem:v53+s20+$0x0] =	vst.idx.msk $0xffff, v41;
	v49 =	vld [tilespmem:s22+$0xFFFFFFD0]  }
0x5f7: {  	[tilespmem:v54+s20+$0x0] =	vst.idx.msk $0xffff, v45;
	v41 =	vld [tilespmem:s24+$0x50];
	v59 =	vor.u32 v30, v35  }
0x5f8: {  	v45 =	vld [tilespmem:s24+$0xFFFFFFD0];
	v60 =	vor.u32 v14, v36;
	[tilespmem:v55+s20+$0x0] =	vst.idx.msk $0xffff, v39  }
0x5f9: {  	v61 =	vor.u32 v30, v38;
	[tilespmem:v56+s20+$0x0] =	vst.idx.msk $0xffff, v42;
	v39 =	vld [tilespmem:s26+$0x50]  }
0x5fa: {  	v62 =	vor.u32 v14, v37;
	[tilespmem:v57+s20+$0x0] =	vst.idx.msk $0xffff, v47;
	v42 =	vld [tilespmem:s26+$0xFFFFFFD0]  }
0x5fb: {  	v63 =	vor.u32 v31, v33;
	[tilespmem:v58+s20+$0x0] =	vst.idx.msk $0xffff, v49;
	v47 =	vld [tilespmem:s22+$0x60]  }
0x5fc: {  	v52 =	vor.u32 v15, v34;
	[tilespmem:v59+s20+$0x0] =	vst.idx.msk $0xffff, v41;
	v49 =	vld [tilespmem:s22+$0xFFFFFFE0]  }
0x5fd: {  	v53 =	vor.u32 v31, v35;
	[tilespmem:v60+s20+$0x0] =	vst.idx.msk $0xffff, v45;
	v41 =	vld [tilespmem:s24+$0x60]  }
0x5fe: {  	v54 =	vor.u32 v15, v36;
	v45 =	vld [tilespmem:s24+$0xFFFFFFE0];
	[tilespmem:v61+s20+$0x0] =	vst.idx.msk $0xffff, v39  }
0x5ff: {  	v55 =	vor.u32 v31, v38;
	[tilespmem:v62+s20+$0x0] =	vst.idx.msk $0xffff, v42;
	v39 =	vld [tilespmem:s26+$0x60]  }
0x600: {  	v56 =	vor.u32 v15, v37;
	[tilespmem:v63+s20+$0x0] =	vst.idx.msk $0xffff, v47;
	v42 =	vld [tilespmem:s26+$0xFFFFFFE0]  }
0x601: {  	v57 =	vor.u32 v32, v33;
	[tilespmem:v52+s20+$0x0] =	vst.idx.msk $0xffff, v49;
	v47 =	vld [tilespmem:s22+$0x70]  }
0x602: {  	v59 =	vor.u32 v16, v34;
	[tilespmem:v53+s20+$0x0] =	vst.idx.msk $0xffff, v41;
	v58 =	vld [tilespmem:s22+$0xFFFFFFF0]  }
0x603: {  	v60 =	vor.u32 v32, v35;
	[tilespmem:v54+s20+$0x0] =	vst.idx.msk $0xffff, v45;
	v41 =	vld [tilespmem:s24+$0x70]  }
0x604: {  	v61 =	vld [tilespmem:s24+$0xFFFFFFF0];
	v62 =	vor.u32 v16, v36;
	[tilespmem:v55+s20+$0x0] =	vst.idx.msk $0xffff, v39  }
0x605: {  	v38 =	vor.u32 v32, v38;
	[tilespmem:v56+s20+$0x0] =	vst.idx.msk $0xffff, v42;
	v39 =	vld [tilespmem:s26+$0x70]  }
0x606: {  	v37 =	vor.u32 v16, v37;
	[tilespmem:v57+s20+$0x0] =	vst.idx.msk $0xffff, v47;
	v63 =	vld [tilespmem:s26+$0xFFFFFFF0]  }
0x607: {  	[tilespmem:v59+s20+$0x0] =	vst.idx.msk $0xffff, v58  }
0x608: {  	[tilespmem:v60+s20+$0x0] =	vst.idx.msk $0xffff, v41  }
0x609: {  	[tilespmem:v62+s20+$0x0] =	vst.idx.msk $0xffff, v61  }
0x60a: {  	[tilespmem:v38+s20+$0x0] =	vst.idx.msk $0xffff, v39  }
0x60b: {  	[tilespmem:v37+s20+$0x0] =	vst.idx.msk $0xffff, v63  }
0x60c: {  	s3 =	rddreg [dreg:$0xd]  }
0x60d: {  	[hbm4b:s3+s5] =	stream.linear.scatter [tilespmem:s20], [sflag:$0x4], $0x400, $0x38;
	[tilespmem:$0x16800] =	vst v63  }
0x60e: {  	s31 =	simm.s32 $0x12000;
	s30 =	sadd.s32 $0x100, s3  }
0x60f: {  	[hbm4b:s30+s5] =	stream.linear.scatter [tilespmem:s31], [sflag:$0x4], $0x400, $0x38;
	[tilespmem:$0x16800] =	vst v63  }
0x610: {  	s22 =	simm.s32 $0x12800;
	s21 =	sadd.s32 $0x200, s3  }
0x611: {  	[hbm4b:s21+s5] =	stream.linear.scatter [tilespmem:s22], [sflag:$0x4], $0x400, $0x38;
	[tilespmem:$0x16800] =	vst v63  }
0x612: {  	s26 =	simm.s32 $0x13000;
	s24 =	sadd.s32 $0x300, s3  }
0x613: {  	[hbm4b:s24+s5] =	stream.linear.scatter [tilespmem:s26], [sflag:$0x4], $0x400, $0x38;
	[tilespmem:$0x16800] =	vst v63  }
0x614: {  	s30 =	sadd.s32 $0x400, s3;
	s31 =	simm.s32 $0x13800  }
0x615: {  	[hbm4b:s30+s5] =	stream.linear.scatter [tilespmem:s31], [sflag:$0x4], $0x400, $0x38;
	[tilespmem:$0x16800] =	vst v63  }
0x616: {  	s21 =	sadd.s32 $0x500, s3;
	s22 =	simm.s32 $0x14000  }
0x617: {  	[hbm4b:s21+s5] =	stream.linear.scatter [tilespmem:s22], [sflag:$0x4], $0x400, $0x38;
	[tilespmem:$0x16800] =	vst v63  }
0x618: {  	s24 =	sadd.s32 $0x600, s3;
	s26 =	simm.s32 $0x14800  }
0x619: {  	[hbm4b:s24+s5] =	stream.linear.scatter [tilespmem:s26], [sflag:$0x4], $0x400, $0x38;
	[tilespmem:$0x16800] =	vst v63  }
0x61a: {  	s30 =	sadd.s32 $0x700, s3;
	s31 =	simm.s32 $0x15000  }
0x61b: {  	[hbm4b:s30+s5] =	stream.linear.scatter [tilespmem:s31], [sflag:$0x4], $0x400, $0x38;
	[tilespmem:$0x16800] =	vst v63  }
0x61c: {  	s15 =	sadd.s32 $0x800, s3;
	s21 =	simm.s32 $0x15800  }
0x61d: {  	[hbm4b:s15+s5] =	stream.linear.scatter [tilespmem:s21], [sflag:$0x4], $0x400, $0x38;
	[tilespmem:$0x16800] =	vst v63  }
0x61e: {  	s22 =	sadd.s32 $0x900, s3  }
0x61f: {  	[hbm4b:s22+s5] =	stream.linear.scatter [tilespmem:s23], [sflag:$0x4], $0x400, $0x38;
	[tilespmem:$0x16800] =	vst v63  }
0x620: {  	s3 =	rddreg [dreg:$0xe]  }
0x621: {  	[hbm4b:s3+s5] =	stream.linear.scatter [tilespmem:s25], [sflag:$0x4], $0x400, $0x38;
	[tilespmem:$0x16800] =	vst v63  }
0x622: {  	s24 =	sadd.s32 $0x100, s3  }
0x623: {  	[hbm4b:s24+s5] =	stream.linear.scatter [tilespmem:s6], [sflag:$0x4], $0x400, $0x38;
	[tilespmem:$0x16800] =	vst v63  }
0x624: {  	s26 =	sadd.s32 $0x200, s3  }
0x625: {  	[hbm4b:s26+s5] =	stream.linear.scatter [tilespmem:s12], [sflag:$0x4], $0x400, $0x38;
	[tilespmem:$0x16800] =	vst v63  }
0x626: {  	s30 =	sadd.s32 $0x300, s3  }
0x627: {  	[hbm4b:s30+s5] =	stream.linear.scatter [tilespmem:s17], [sflag:$0x4], $0x400, $0x38;
	[tilespmem:$0x16800] =	vst v63  }
0x628: {  	s31 =	sadd.s32 $0x400, s3  }
0x629: {  	[hbm4b:s31+s5] =	stream.linear.scatter [tilespmem:s11], [sflag:$0x4], $0x400, $0x38;
	[tilespmem:$0x16800] =	vst v63  }
0x62a: {  	s15 =	sadd.s32 $0x500, s3  }
0x62b: {  	[hbm4b:s15+s5] =	stream.linear.scatter [tilespmem:s18], [sflag:$0x4], $0x400, $0x38;
	[tilespmem:$0x16800] =	vst v63  }
0x62c: {  	s21 =	sadd.s32 $0x600, s3  }
0x62d: {  	[hbm4b:s21+s5] =	stream.linear.scatter [tilespmem:s8], [sflag:$0x4], $0x400, $0x38;
	[tilespmem:$0x16800] =	vst v63  }
0x62e: {  	s22 =	sadd.s32 $0x700, s3  }
0x62f: {  	[hbm4b:s22+s5] =	stream.linear.scatter [tilespmem:s9], [sflag:$0x4], $0x400, $0x38;
	[tilespmem:$0x16800] =	vst v63  }
0x630: {  	s24 =	sadd.s32 $0x800, s3  }
0x631: {  	[hbm4b:s24+s5] =	stream.linear.scatter [tilespmem:s7], [sflag:$0x4], $0x400, $0x38;
	[tilespmem:$0x16800] =	vst v63  }
0x632: {  	s26 =	sadd.s32 $0x900, s3  }
0x633: {  	[hbm4b:s26+s5] =	stream.linear.scatter [tilespmem:s10], [sflag:$0x4], $0x400, $0x38;
	[tilespmem:$0x16800] =	vst v63  }
0x634: {  	_ =	swait.ge [sflag:s13], $0x2800  }
0x635: {  	[sflag:s13] =	ssyncset.done $0x0  }
0x636: {  	[sflag:s13] =	ssyncadd.s32 $0xFFFFD800  }
0x637: {  	_ =	swait.ge [sflag:s13], $0x2800  }
0x638: {  	[sflag:s13] =	ssyncset.done $0x0  }
0x639: {  	[sflag:s13] =	ssyncadd.s32 $0xFFFFD800  }
0x63a: {  	_ =	swait.ge [sflag:s14], $0x2800  }
0x63b: {  	[sflag:s14] =	ssyncset.done $0x0  }
0x63c: {  	[sflag:s14] =	ssyncadd.s32 $0xFFFFD800  }
0x63d: {  	_ =	swait.ge [sflag:s14], $0x2800  }
0x63e: {  	s30 =	rddreg [dreg:$0x10]  }
0x63f: {  	s31 =	rddreg [dreg:$0xf];
	s3 =	sadd.s32 $0x1, s30  }
0x640: {  	p0 =	sne.s32 s3, s31  }
.Ltmp7:
0x641: {  	_ = 	snop;
	(pc) =	sbr.rel @p0 .LBB2_1-.Ltmp7, $3  }
0x642: {  	_ =	sdelay $0x1  }
0x643: {  	[sflag:s14] =	ssyncset.done $0x0  }
0x644: {  	[sflag:s14] =	ssyncadd.s32 $0xFFFFD800  }
0x645: {  	_ =	sfence.sel $0x180000  }
0x646: {  	[bflag:$0x0] =	sbarrier.arrive $0xFFFF  }
0x647: {  	_ =	strace $0x90000047  }
0x648: {  	s0 =	stileid.u32;
	[bflag:$0x2] =	sbarrier.arrive $0xFFFF  }
0x649: {  	p0 =	sne.s32 s0, $0x0;
	s0 =	rddreg [dreg:$0x3]  }
0x64a: {  	s0 =	sadd.s32 @!p0 $0x100000, s0  }
0x64b: {  	[sflag:s0] =	ssyncadd.tile.s32 @!p0 $0x1;
	_ =	shalt  }
.Lfunc_end2:
_tile_overlayer_lowered:
.L_overlay_start_2:
0x64c: {  	(tag) =	ssettag $0x2  }
0x64d: {  	s0 =	rddreg [dreg:$0x0];
	s2 =	stileid.u32  }
0x64e: {  	s1 =	rddreg [dreg:$0x1];
	p0 =	sne.s32 s2, $0x0  }
0x64f: {  	s3 =	rddreg [dreg:$0x2];
	[bflag:$0x3] =	sbarrier.arrive $0xFFFF;
	s2 =	simm.s32 @!p0 $0x1C05  }
0x650: {  	[timem:s3], [sflag:s2] =	dma.local @!p0 [hbm:s0], s1  }
0x651: {  	s0 =	simm.s32 @!p0 $0x5  }
0x652: {  	_ =	swait.ge @!p0 [sflag:s0], s1  }
0x653: {  	s1 =	ssub.s32 @!p0 $0x0, s1;
	[sflag:s0] =	ssyncset.done @!p0 $0x0  }
0x654: {  	[sflag:s0] =	ssyncadd.s32 @!p0 s1  }
0x655: {  	[bflag:$0x3] =	sbarrier.arrive $0xFFFF  }
0x656: {  	_ =	shalt  }

</sc_bundles>
